<compile_context>
chip_gen: v7x
topology: tpu7x:2x2x1
jax: 0.10.2.dev20260603
libtpu: 0.0.44.dev20260713+nightly
codegen_flags: <defaults>
</compile_context>

<pallas_src>
import functools

import jax
import jax.numpy as jnp
from jax import lax
from jax.experimental import pallas as pl
from jax.experimental.pallas import tpu as pltpu
from jax.experimental.pallas import tpu_sc as plsc

B = 16384
IB = 1024
NBITS = 10
RS = 1 << NBITS
NC = 2
NS = 16
NW = NC * NS
CHUNK = B // NW
NG = CHUNK // 16
IDXW = 128
NJ = CHUNK // IDXW
SL = RS // NS

_mesh = plsc.VectorSubcoreMesh(core_axis_name="c", subcore_axis_name="s")


@functools.partial(
    pl.kernel,
    mesh=_mesh,
    compiler_params=pltpu.CompilerParams(needs_layout_passes=False),
    out_type=(
        jax.ShapeDtypeStruct((NC * RS,), jnp.int32),
        jax.ShapeDtypeStruct((B,), jnp.int32),
    ),
    scratch_types=[
        pltpu.VMEM((16,), jnp.int32),
        pltpu.VMEM((CHUNK,), jnp.int32),
        pltpu.VMEM((NBITS * CHUNK,), jnp.int32),
        pltpu.VMEM((NBITS * CHUNK,), jnp.int32),
        pltpu.VMEM((CHUNK,), jnp.int32),
        pltpu.VMEM((CHUNK,), jnp.int32),
        pltpu.VMEM((CHUNK,), jnp.int32),
        pltpu.VMEM((8 * RS,), jnp.int32),
        pltpu.VMEM((RS,), jnp.int32),
        pltpu.VMEM((NS, SL), jnp.int32),
        pltpu.VMEM((SL,), jnp.int32),
        pltpu.VMEM_SHARED((NS * RS,), jnp.int32),
        pltpu.SemaphoreType.DMA,
        pltpu.SemaphoreType.DMA,
    ],
)
def _phase1(a_hbm, b_hbm, av_hbm, bv_hbm, map_hbm,
            wt_hbm, addr_hbm,
            map_v, ramp, idxb, colsf, av, bv, addrs, tbl, loc, mrg, msl,
            shared, gsem, lsem):
    c = lax.axis_index("c")
    s = lax.axis_index("s")
    wid = s * NC + c
    base = wid * CHUNK

    pltpu.sync_copy(map_hbm, map_v.at[pl.ds(0, NBITS)])
    av_cp = pltpu.async_copy(av_hbm.at[pl.ds(base, CHUNK)], av, lsem)
    bv_cp = pltpu.async_copy(bv_hbm.at[pl.ds(base, CHUNK)], bv, lsem)

    lanes = lax.iota(jnp.int32, 16)
    mv = map_v[...]
    gs = [jnp.max(jnp.where(lanes == k, mv, -1)) for k in range(NBITS)]

    def bramp(i, _):
        for u in range(4):
            iv = base + i * 64 + u * 16 + lanes
            ramp[pl.ds(i * 64 + u * 16, 16)] = (iv >> 3) * 8192 + (iv & 7) * 128
        return 0

    lax.fori_loop(0, NG // 4, bramp, 0)

    for k in range(NBITS):
        g = gs[k]
        col = jnp.where(g < IB, g, g - IB)
        coff = (col >> 7) * 1024 + (col & 127)

        def bidx(i, _):
            for u in range(4):
                o = i * 64 + u * 16
                idxb[pl.ds(k * CHUNK + o, 16)] = ramp[pl.ds(o, 16)] + coff
            return 0

        lax.fori_loop(0, NG // 4, bidx, 0)

        for j in range(NJ):
            off = k * CHUNK + j * IDXW
            idx_ref = idxb.at[pl.ds(off, IDXW)]
            dst = colsf.at[pl.ds(off, IDXW)]

            @pl.when(g < IB)
            def _():
                pltpu.async_copy(a_hbm.at[idx_ref], dst, gsem)

            @pl.when(g >= IB)
            def _():
                pltpu.async_copy(b_hbm.at[idx_ref], dst, gsem)

    neg1 = jnp.full((16,), -1, jnp.int32)

    def init_body(i, _):
        for u in range(8):
            tbl[pl.ds(i * 128 + u * 16, 16)] = neg1
        return 0

    lax.fori_loop(0, 8 * RS // 128, init_body, 0)

    pltpu.make_async_copy(
        a_hbm.at[pl.ds(0, NBITS * CHUNK)], colsf, gsem).wait()
    av_cp.wait()
    bv_cp.wait()

    tsel = jnp.minimum(lanes, 15 - lanes) * RS
    low8 = lanes < 8

    def grp(g, _):
        ad = jnp.zeros((16,), jnp.int32)
        for k in range(NBITS):
            ad = ad + colsf[pl.ds(k * CHUNK + g * 16, 16)] * (1 << k)
        addrs[pl.ds(g * 16, 16)] = ad
        t = jnp.where(av[pl.ds(g * 16, 16)] < bv[pl.ds(g * 16, 16)], 1, 0)
        w = 2 * (base + g * 16 + lanes) + t
        keep = jnp.logical_not((ad == lax.rev(ad, (0,))) & low8)
        plsc.store_scatter(tbl, [tsel + ad], w, mask=keep)
        return 0

    lax.fori_loop(0, NG, grp, 0)

    addr_cp = pltpu.async_copy(addrs, addr_hbm.at[pl.ds(base, CHUNK)], gsem)

    def merge_lanes(cc, _):
        m = tbl[pl.ds(cc * 16, 16)]
        for l in range(1, 8):
            m = jnp.maximum(m, tbl[pl.ds(l * RS + cc * 16, 16)])
        loc[pl.ds(cc * 16, 16)] = m
        return 0

    lax.fori_loop(0, RS // 16, merge_lanes, 0)

    pltpu.sync_copy(loc, shared.at[pl.ds(s * RS, RS)])
    plsc.subcore_barrier()
    slice_cps = [
        pltpu.async_copy(shared.at[pl.ds(t * RS + s * SL, SL)], mrg.at[t],
                         lsem)
        for t in range(NS)
    ]
    for cp in slice_cps:
        cp.wait()

    for u in range(SL // 16):
        m = mrg[0, pl.ds(u * 16, 16)]
        for t in range(1, NS):
            m = jnp.maximum(m, mrg[t, pl.ds(u * 16, 16)])
        msl[pl.ds(u * 16, 16)] = m

    pltpu.sync_copy(msl, wt_hbm.at[pl.ds(c * RS + s * SL, SL)])
    addr_cp.wait()


@functools.partial(
    pl.kernel,
    mesh=_mesh,
    compiler_params=pltpu.CompilerParams(needs_layout_passes=False),
    out_type=jax.ShapeDtypeStruct((B,), jnp.float32),
    scratch_types=[
        pltpu.VMEM((NC * RS,), jnp.int32),
        pltpu.VMEM((CHUNK,), jnp.int32),
        pltpu.VMEM((CHUNK,), jnp.float32),
        pltpu.SemaphoreType.DMA,
    ],
)
def _phase2(wt_hbm, addr_hbm, out_hbm, wt, addrs, outs, lsem):
    c = lax.axis_index("c")
    s = lax.axis_index("s")
    base = (s * NC + c) * CHUNK

    wt_cp = pltpu.async_copy(wt_hbm, wt, lsem)
    pltpu.sync_copy(addr_hbm.at[pl.ds(base, CHUNK)], addrs)
    wt_cp.wait()

    def ogrp(g, _):
        ad = addrs[pl.ds(g * 16, 16)]
        wv = jnp.maximum(plsc.load_gather(wt, [ad]),
                         plsc.load_gather(wt, [RS + ad]))
        outs[pl.ds(g * 16, 16)] = (wv & 1).astype(jnp.float32)
        return 0

    lax.fori_loop(0, NG, ogrp, 0)

    pltpu.sync_copy(outs, out_hbm.at[pl.ds(base, CHUNK)])


def _flat_tiled_view(x):
    return x.reshape(B // 8, 8, IB // 128, 128).transpose(0, 2, 1, 3).reshape(-1)


def kernel(a, b, a_val, b_val, mapping, memory):
    del memory
    wt, addrs = _phase1(_flat_tiled_view(a), _flat_tiled_view(b),
                        a_val.astype(jnp.int32), b_val.astype(jnp.int32),
                        mapping.astype(jnp.int32))
    return _phase2(wt, addrs)

# --- scband reference (transcript-rebuilt; emitter-appended) ---
"""Pipeline reference for scband-comparison-attention-30202210025968 (READ-ONLY COPY).

The authoritative reference and input builder live on the scoring server;
editing this copy changes nothing except your own understanding.
"""

import jax, jax.numpy as jnp
import numpy as np

B = 16384
INPUT_BITS = 1024
N_BITS_PER_NEURON = 10  # min(2*input_bits, 10)
RAM_SIZE = 2 ** N_BITS_PER_NEURON


def setup_inputs(seed: int = 0) -> dict:
    key = jax.random.key(seed)
    k1, k2, k3, k4, k5 = jax.random.split(key, 5)
    # binary encodings of the two operands (a < b comparison)
    a = jax.random.randint(k1, (B, INPUT_BITS), 0, 2, dtype=jnp.int32)
    b = jax.random.randint(k2, (B, INPUT_BITS), 0, 2, dtype=jnp.int32)
    # integer values used as supervision in train_comparison
    a_val = jax.random.randint(k3, (B,), 0, 1000000, dtype=jnp.int64) if jax.config.jax_enable_x64 else jax.random.randint(k3, (B,), 0, 1000000, dtype=jnp.int32)
    b_val = jax.random.randint(k4, (B,), 0, 1000000, dtype=jnp.int64) if jax.config.jax_enable_x64 else jax.random.randint(k4, (B,), 0, 1000000, dtype=jnp.int32)
    # RAMLayer internal state: random bit->neuron mapping (rng-seeded in the torch module)
    mapping = jax.random.permutation(k5, 2 * INPUT_BITS)[:N_BITS_PER_NEURON].astype(jnp.int32)
    # RAM contents for the single comparator neuron (float so it can carry grads)
    memory = jnp.zeros((1, RAM_SIZE), dtype=jnp.float32)
    return {"a": a, "b": b, "a_val": a_val, "b_val": b_val, "mapping": mapping, "memory": memory}


def reference(a, b, a_val, b_val, mapping, memory):
    # Batched version of train_comparison followed by is_less_than.
    # inp = cat([a, b]) per example -> [B, 2*input_bits]
    inp = jnp.concatenate([a, b], axis=1)
    # RAMLayer: each neuron reads n_bits_per_neuron randomly-mapped bits (gather)
    bits = jnp.take(inp, mapping, axis=1)  # [B, 10]
    powers = (2 ** jnp.arange(N_BITS_PER_NEURON)).astype(jnp.int32)
    addr = jnp.sum(bits * powers, axis=1)  # [B] RAM addresses in [0, 1024)
    # train_comparison / commit: scatter-overwrite target bit into RAM cell
    target = (a_val < b_val).astype(jnp.float32)  # [B]
    new_memory = memory.at[0, addr].set(target)  # scatter write (last write wins)
    # is_less_than: gather learned comparison result back out of RAM
    out = new_memory[0, addr]  # [B]
    return out

if __name__ == "__main__":
    import jax
    _d = setup_inputs()
    print(jax.jit(kernel)(*tuple(_d.values())))

</pallas_src>

<mosaic_0001>
#map = affine_map<(d0, d1) -> (0)>
module attributes {stable_mosaic.version = 14 : i64} {
  func.func @_phase1(%arg0: i32, %arg1: i32, %arg2: memref<16777216xi32, #tpu.memory_space<hbm>>, %arg3: memref<16777216xi32, #tpu.memory_space<hbm>>, %arg4: memref<16384xi32, #tpu.memory_space<hbm>>, %arg5: memref<16384xi32, #tpu.memory_space<hbm>>, %arg6: memref<10xi32, #tpu.memory_space<hbm>>, %arg7: memref<2048xi32, #tpu.memory_space<hbm>>, %arg8: memref<16384xi32, #tpu.memory_space<hbm>>, %arg9: memref<16xi32, #tpu.memory_space<vmem>>, %arg10: memref<512xi32, #tpu.memory_space<vmem>>, %arg11: memref<5120xi32, #tpu.memory_space<vmem>>, %arg12: memref<5120xi32, #tpu.memory_space<vmem>>, %arg13: memref<512xi32, #tpu.memory_space<vmem>>, %arg14: memref<512xi32, #tpu.memory_space<vmem>>, %arg15: memref<512xi32, #tpu.memory_space<vmem>>, %arg16: memref<8192xi32, #tpu.memory_space<vmem>>, %arg17: memref<1024xi32, #tpu.memory_space<vmem>>, %arg18: memref<16x64xi32, #tpu.memory_space<vmem>>, %arg19: memref<64xi32, #tpu.memory_space<vmem>>, %arg20: memref<16384xi32, #tpu.memory_space<vmem_shared>>, %arg21: memref<!tpu.dma_semaphore, #tpu.memory_space<semaphore_mem>>, %arg22: memref<!tpu.dma_semaphore, #tpu.memory_space<semaphore_mem>>) attributes {dimension_semantics = [#tpu.dimension_semantics<core_parallel>, #tpu.dimension_semantics<subcore_parallel>], iteration_bounds = array<i64: 2, 16>, scalar_prefetch = 0 : i64, scratch_operands = 14 : i64, tpu.core_type = #tpu.core_type<sc_vector_subcore>, window_params = [{transform_indices = #map}, {transform_indices = #map}, {transform_indices = #map}, {transform_indices = #map}, {transform_indices = #map}, {transform_indices = #map}, {transform_indices = #map}]} {
    %mul3A = arith.constant 2 : i32
    %mul3A_0 = arith.muli %arg1, %mul3A : i32
    %add3A = arith.addi %mul3A_0, %arg0 : i32
    %mul3A_1 = arith.constant 512 : i32
    %mul3A_2 = arith.muli %add3A, %mul3A_1 : i32
    "tpu.region"() ({
      %run_scoped3A = tpu.sem_alloc : memref<!tpu.dma_semaphore, #tpu.memory_space<semaphore_mem>>
      %dma_start3A_1455 = arith.constant 0 : i32
      %dma_start3A_1456 = tpu.memref_slice %arg9[%dma_start3A_1455] : memref<16xi32, #tpu.memory_space<vmem>> -> memref<10xi32, #tpu.memory_space<vmem>>
      %dma_start3A_1457 = arith.constant 0 : i32
      %dma_start3A_1458 = tpu.memref_slice %arg9[%dma_start3A_1457] : memref<16xi32, #tpu.memory_space<vmem>> -> memref<10xi32, #tpu.memory_space<vmem>>
      tpu.enqueue_dma source(%arg6 : memref<10xi32, #tpu.memory_space<hbm>>) target(%dma_start3A_1458 : memref<10xi32, #tpu.memory_space<vmem>>) target_semaphore(%run_scoped3A : memref<!tpu.dma_semaphore, #tpu.memory_space<semaphore_mem>>)
      %dma_wait3A_1459 = arith.constant 0 : i32
      %dma_wait3A_1460 = tpu.memref_slice %arg9[%dma_wait3A_1459] : memref<16xi32, #tpu.memory_space<vmem>> -> memref<10xi32, #tpu.memory_space<vmem>>
      %dma_wait3A_1461 = arith.constant 0 : i32
      %dma_wait3A_1462 = tpu.memref_slice %arg9[%dma_wait3A_1461] : memref<16xi32, #tpu.memory_space<vmem>> -> memref<10xi32, #tpu.memory_space<vmem>>
      tpu.wait_dma2 semaphore(%run_scoped3A : memref<!tpu.dma_semaphore, #tpu.memory_space<semaphore_mem>>) src(%arg6 : memref<10xi32, #tpu.memory_space<hbm>>) dst(%dma_wait3A_1462 : memref<10xi32, #tpu.memory_space<vmem>>)
      tpu.yield
    }) : () -> ()
    %dma_start3A = tpu.memref_slice %arg4[%mul3A_2] : memref<16384xi32, #tpu.memory_space<hbm>> -> memref<512xi32, #tpu.memory_space<hbm>>
    %dma_start3A_3 = tpu.memref_slice %arg4[%mul3A_2] : memref<16384xi32, #tpu.memory_space<hbm>> -> memref<512xi32, #tpu.memory_space<hbm>>
    tpu.enqueue_dma source(%dma_start3A_3 : memref<512xi32, #tpu.memory_space<hbm>>) target(%arg13 : memref<512xi32, #tpu.memory_space<vmem>>) target_semaphore(%arg22 : memref<!tpu.dma_semaphore, #tpu.memory_space<semaphore_mem>>)
    %dma_start3A_4 = tpu.memref_slice %arg5[%mul3A_2] : memref<16384xi32, #tpu.memory_space<hbm>> -> memref<512xi32, #tpu.memory_space<hbm>>
    %dma_start3A_5 = tpu.memref_slice %arg5[%mul3A_2] : memref<16384xi32, #tpu.memory_space<hbm>> -> memref<512xi32, #tpu.memory_space<hbm>>
    tpu.enqueue_dma source(%dma_start3A_5 : memref<512xi32, #tpu.memory_space<hbm>>) target(%arg14 : memref<512xi32, #tpu.memory_space<vmem>>) target_semaphore(%arg22 : memref<!tpu.dma_semaphore, #tpu.memory_space<semaphore_mem>>)
    %iota3A = tpu.iota {dimensions = array<i32: 0>} : vector<16xi32>
    %get3A = arith.constant 0 : index
    %get3A_6 = tpu.vector_load %arg9[%get3A] {strides = array<i32>} : memref<16xi32, #tpu.memory_space<vmem>>, vector<16xi32>,
    %eq3A = arith.constant 0 : i32
    %eq3A_7 = vector.broadcast %eq3A : i32 to vector<16xi32>
    %eq3A_8 = arith.cmpi eq, %iota3A, %eq3A_7 : vector<16xi32>
    %jit3A = arith.constant -1 : i32
    %broadcast_in_dim3A = vector.broadcast %jit3A : i32 to vector<16xi32>
    %select_n3A = arith.select %eq3A_8, %get3A_6, %broadcast_in_dim3A : vector<16xi1>, vector<16xi32>
    %reduce_max3A = arith.constant true
    %reduce_max3A_9 = vector.broadcast %reduce_max3A : i1 to vector<16xi1>
    %reduce_max3A_10 = arith.constant -2147483648 : i32
    %reduce_max3A_11 = vector.broadcast %reduce_max3A_10 : i32 to vector<16xi32>
    %reduce_max3A_12 = arith.xori %select_n3A, %reduce_max3A_11 : vector<16xi32>
    %reduce_max3A_13 = tpu.scan <max>, %reduce_max3A_12 masked %reduce_max3A_9 : vector<16xi32>, vector<16xi1> -> vector<16xi32>
    %reduce_max3A_14 = arith.xori %reduce_max3A_13, %reduce_max3A_11 : vector<16xi32>
    %reduce_max3A_15 = vector.extract %reduce_max3A_14[15] : i32 from vector<16xi32>
    %eq3A_16 = arith.constant 1 : i32
    %eq3A_17 = vector.broadcast %eq3A_16 : i32 to vector<16xi32>
    %eq3A_18 = arith.cmpi eq, %iota3A, %eq3A_17 : vector<16xi32>
    %jit3A_19 = arith.constant -1 : i32
    %broadcast_in_dim3A_20 = vector.broadcast %jit3A_19 : i32 to vector<16xi32>
    %select_n3A_21 = arith.select %eq3A_18, %get3A_6, %broadcast_in_dim3A_20 : vector<16xi1>, vector<16xi32>
    %reduce_max3A_22 = arith.constant true
    %reduce_max3A_23 = vector.broadcast %reduce_max3A_22 : i1 to vector<16xi1>
    %reduce_max3A_24 = arith.constant -2147483648 : i32
    %reduce_max3A_25 = vector.broadcast %reduce_max3A_24 : i32 to vector<16xi32>
    %reduce_max3A_26 = arith.xori %select_n3A_21, %reduce_max3A_25 : vector<16xi32>
    %reduce_max3A_27 = tpu.scan <max>, %reduce_max3A_26 masked %reduce_max3A_23 : vector<16xi32>, vector<16xi1> -> vector<16xi32>
    %reduce_max3A_28 = arith.xori %reduce_max3A_27, %reduce_max3A_25 : vector<16xi32>
    %reduce_max3A_29 = vector.extract %reduce_max3A_28[15] : i32 from vector<16xi32>
    %eq3A_30 = arith.constant 2 : i32
    %eq3A_31 = vector.broadcast %eq3A_30 : i32 to vector<16xi32>
    %eq3A_32 = arith.cmpi eq, %iota3A, %eq3A_31 : vector<16xi32>
    %jit3A_33 = arith.constant -1 : i32
    %broadcast_in_dim3A_34 = vector.broadcast %jit3A_33 : i32 to vector<16xi32>
    %select_n3A_35 = arith.select %eq3A_32, %get3A_6, %broadcast_in_dim3A_34 : vector<16xi1>, vector<16xi32>
    %reduce_max3A_36 = arith.constant true
    %reduce_max3A_37 = vector.broadcast %reduce_max3A_36 : i1 to vector<16xi1>
    %reduce_max3A_38 = arith.constant -2147483648 : i32
    %reduce_max3A_39 = vector.broadcast %reduce_max3A_38 : i32 to vector<16xi32>
    %reduce_max3A_40 = arith.xori %select_n3A_35, %reduce_max3A_39 : vector<16xi32>
    %reduce_max3A_41 = tpu.scan <max>, %reduce_max3A_40 masked %reduce_max3A_37 : vector<16xi32>, vector<16xi1> -> vector<16xi32>
    %reduce_max3A_42 = arith.xori %reduce_max3A_41, %reduce_max3A_39 : vector<16xi32>
    %reduce_max3A_43 = vector.extract %reduce_max3A_42[15] : i32 from vector<16xi32>
    %eq3A_44 = arith.constant 3 : i32
    %eq3A_45 = vector.broadcast %eq3A_44 : i32 to vector<16xi32>
    %eq3A_46 = arith.cmpi eq, %iota3A, %eq3A_45 : vector<16xi32>
    %jit3A_47 = arith.constant -1 : i32
    %broadcast_in_dim3A_48 = vector.broadcast %jit3A_47 : i32 to vector<16xi32>
    %select_n3A_49 = arith.select %eq3A_46, %get3A_6, %broadcast_in_dim3A_48 : vector<16xi1>, vector<16xi32>
    %reduce_max3A_50 = arith.constant true
    %reduce_max3A_51 = vector.broadcast %reduce_max3A_50 : i1 to vector<16xi1>
    %reduce_max3A_52 = arith.constant -2147483648 : i32
    %reduce_max3A_53 = vector.broadcast %reduce_max3A_52 : i32 to vector<16xi32>
    %reduce_max3A_54 = arith.xori %select_n3A_49, %reduce_max3A_53 : vector<16xi32>
    %reduce_max3A_55 = tpu.scan <max>, %reduce_max3A_54 masked %reduce_max3A_51 : vector<16xi32>, vector<16xi1> -> vector<16xi32>
    %reduce_max3A_56 = arith.xori %reduce_max3A_55, %reduce_max3A_53 : vector<16xi32>
    %reduce_max3A_57 = vector.extract %reduce_max3A_56[15] : i32 from vector<16xi32>
    %eq3A_58 = arith.constant 4 : i32
    %eq3A_59 = vector.broadcast %eq3A_58 : i32 to vector<16xi32>
    %eq3A_60 = arith.cmpi eq, %iota3A, %eq3A_59 : vector<16xi32>
    %jit3A_61 = arith.constant -1 : i32
    %broadcast_in_dim3A_62 = vector.broadcast %jit3A_61 : i32 to vector<16xi32>
    %select_n3A_63 = arith.select %eq3A_60, %get3A_6, %broadcast_in_dim3A_62 : vector<16xi1>, vector<16xi32>
    %reduce_max3A_64 = arith.constant true
    %reduce_max3A_65 = vector.broadcast %reduce_max3A_64 : i1 to vector<16xi1>
    %reduce_max3A_66 = arith.constant -2147483648 : i32
    %reduce_max3A_67 = vector.broadcast %reduce_max3A_66 : i32 to vector<16xi32>
    %reduce_max3A_68 = arith.xori %select_n3A_63, %reduce_max3A_67 : vector<16xi32>
    %reduce_max3A_69 = tpu.scan <max>, %reduce_max3A_68 masked %reduce_max3A_65 : vector<16xi32>, vector<16xi1> -> vector<16xi32>
    %reduce_max3A_70 = arith.xori %reduce_max3A_69, %reduce_max3A_67 : vector<16xi32>
    %reduce_max3A_71 = vector.extract %reduce_max3A_70[15] : i32 from vector<16xi32>
    %eq3A_72 = arith.constant 5 : i32
    %eq3A_73 = vector.broadcast %eq3A_72 : i32 to vector<16xi32>
    %eq3A_74 = arith.cmpi eq, %iota3A, %eq3A_73 : vector<16xi32>
    %jit3A_75 = arith.constant -1 : i32
    %broadcast_in_dim3A_76 = vector.broadcast %jit3A_75 : i32 to vector<16xi32>
    %select_n3A_77 = arith.select %eq3A_74, %get3A_6, %broadcast_in_dim3A_76 : vector<16xi1>, vector<16xi32>
    %reduce_max3A_78 = arith.constant true
    %reduce_max3A_79 = vector.broadcast %reduce_max3A_78 : i1 to vector<16xi1>
    %reduce_max3A_80 = arith.constant -2147483648 : i32
    %reduce_max3A_81 = vector.broadcast %reduce_max3A_80 : i32 to vector<16xi32>
    %reduce_max3A_82 = arith.xori %select_n3A_77, %reduce_max3A_81 : vector<16xi32>
    %reduce_max3A_83 = tpu.scan <max>, %reduce_max3A_82 masked %reduce_max3A_79 : vector<16xi32>, vector<16xi1> -> vector<16xi32>
    %reduce_max3A_84 = arith.xori %reduce_max3A_83, %reduce_max3A_81 : vector<16xi32>
    %reduce_max3A_85 = vector.extract %reduce_max3A_84[15] : i32 from vector<16xi32>
    %eq3A_86 = arith.constant 6 : i32
    %eq3A_87 = vector.broadcast %eq3A_86 : i32 to vector<16xi32>
    %eq3A_88 = arith.cmpi eq, %iota3A, %eq3A_87 : vector<16xi32>
    %jit3A_89 = arith.constant -1 : i32
    %broadcast_in_dim3A_90 = vector.broadcast %jit3A_89 : i32 to vector<16xi32>
    %select_n3A_91 = arith.select %eq3A_88, %get3A_6, %broadcast_in_dim3A_90 : vector<16xi1>, vector<16xi32>
    %reduce_max3A_92 = arith.constant true
    %reduce_max3A_93 = vector.broadcast %reduce_max3A_92 : i1 to vector<16xi1>
    %reduce_max3A_94 = arith.constant -2147483648 : i32
    %reduce_max3A_95 = vector.broadcast %reduce_max3A_94 : i32 to vector<16xi32>
    %reduce_max3A_96 = arith.xori %select_n3A_91, %reduce_max3A_95 : vector<16xi32>
    %reduce_max3A_97 = tpu.scan <max>, %reduce_max3A_96 masked %reduce_max3A_93 : vector<16xi32>, vector<16xi1> -> vector<16xi32>
    %reduce_max3A_98 = arith.xori %reduce_max3A_97, %reduce_max3A_95 : vector<16xi32>
    %reduce_max3A_99 = vector.extract %reduce_max3A_98[15] : i32 from vector<16xi32>
    %eq3A_100 = arith.constant 7 : i32
    %eq3A_101 = vector.broadcast %eq3A_100 : i32 to vector<16xi32>
    %eq3A_102 = arith.cmpi eq, %iota3A, %eq3A_101 : vector<16xi32>
    %jit3A_103 = arith.constant -1 : i32
    %broadcast_in_dim3A_104 = vector.broadcast %jit3A_103 : i32 to vector<16xi32>
    %select_n3A_105 = arith.select %eq3A_102, %get3A_6, %broadcast_in_dim3A_104 : vector<16xi1>, vector<16xi32>
    %reduce_max3A_106 = arith.constant true
    %reduce_max3A_107 = vector.broadcast %reduce_max3A_106 : i1 to vector<16xi1>
    %reduce_max3A_108 = arith.constant -2147483648 : i32
    %reduce_max3A_109 = vector.broadcast %reduce_max3A_108 : i32 to vector<16xi32>
    %reduce_max3A_110 = arith.xori %select_n3A_105, %reduce_max3A_109 : vector<16xi32>
    %reduce_max3A_111 = tpu.scan <max>, %reduce_max3A_110 masked %reduce_max3A_107 : vector<16xi32>, vector<16xi1> -> vector<16xi32>
    %reduce_max3A_112 = arith.xori %reduce_max3A_111, %reduce_max3A_109 : vector<16xi32>
    %reduce_max3A_113 = vector.extract %reduce_max3A_112[15] : i32 from vector<16xi32>
    %eq3A_114 = arith.constant 8 : i32
    %eq3A_115 = vector.broadcast %eq3A_114 : i32 to vector<16xi32>
    %eq3A_116 = arith.cmpi eq, %iota3A, %eq3A_115 : vector<16xi32>
    %jit3A_117 = arith.constant -1 : i32
    %broadcast_in_dim3A_118 = vector.broadcast %jit3A_117 : i32 to vector<16xi32>
    %select_n3A_119 = arith.select %eq3A_116, %get3A_6, %broadcast_in_dim3A_118 : vector<16xi1>, vector<16xi32>
    %reduce_max3A_120 = arith.constant true
    %reduce_max3A_121 = vector.broadcast %reduce_max3A_120 : i1 to vector<16xi1>
    %reduce_max3A_122 = arith.constant -2147483648 : i32
    %reduce_max3A_123 = vector.broadcast %reduce_max3A_122 : i32 to vector<16xi32>
    %reduce_max3A_124 = arith.xori %select_n3A_119, %reduce_max3A_123 : vector<16xi32>
    %reduce_max3A_125 = tpu.scan <max>, %reduce_max3A_124 masked %reduce_max3A_121 : vector<16xi32>, vector<16xi1> -> vector<16xi32>
    %reduce_max3A_126 = arith.xori %reduce_max3A_125, %reduce_max3A_123 : vector<16xi32>
    %reduce_max3A_127 = vector.extract %reduce_max3A_126[15] : i32 from vector<16xi32>
    %eq3A_128 = arith.constant 9 : i32
    %eq3A_129 = vector.broadcast %eq3A_128 : i32 to vector<16xi32>
    %eq3A_130 = arith.cmpi eq, %iota3A, %eq3A_129 : vector<16xi32>
    %jit3A_131 = arith.constant -1 : i32
    %broadcast_in_dim3A_132 = vector.broadcast %jit3A_131 : i32 to vector<16xi32>
    %select_n3A_133 = arith.select %eq3A_130, %get3A_6, %broadcast_in_dim3A_132 : vector<16xi1>, vector<16xi32>
    %reduce_max3A_134 = arith.constant true
    %reduce_max3A_135 = vector.broadcast %reduce_max3A_134 : i1 to vector<16xi1>
    %reduce_max3A_136 = arith.constant -2147483648 : i32
    %reduce_max3A_137 = vector.broadcast %reduce_max3A_136 : i32 to vector<16xi32>
    %reduce_max3A_138 = arith.xori %select_n3A_133, %reduce_max3A_137 : vector<16xi32>
    %reduce_max3A_139 = tpu.scan <max>, %reduce_max3A_138 masked %reduce_max3A_135 : vector<16xi32>, vector<16xi1> -> vector<16xi32>
    %reduce_max3A_140 = arith.xori %reduce_max3A_139, %reduce_max3A_137 : vector<16xi32>
    %reduce_max3A_141 = vector.extract %reduce_max3A_140[15] : i32 from vector<16xi32>
    %scan3A = arith.constant 0 : i32
    %scan3A_142 = arith.constant 0 : i32
    %scan3A_143 = arith.constant 8 : i32
    %scan3A_144 = arith.addi %scan3A_142, %scan3A_143 : i32
    %scan3A_145 = arith.constant 1 : i32
    %scan3A_146 = scf.for %scan3A_1455 = %scan3A_142 to %scan3A_144 step %scan3A_145 iter_args(%scan3A_1456 = %scan3A) -> (i32)  : i32 {
      %mul3A_1457 = arith.constant 64 : i32
      %mul3A_1458 = arith.muli %scan3A_1455, %mul3A_1457 : i32
      %add3A_1459 = arith.addi %mul3A_2, %mul3A_1458 : i32
      %add3A_1460 = arith.constant 0 : i32
      %add3A_1461 = arith.addi %add3A_1459, %add3A_1460 : i32
      %add3A_1462 = vector.broadcast %add3A_1461 : i32 to vector<16xi32>
      %add3A_1463 = arith.addi %add3A_1462, %iota3A : vector<16xi32>
      %shift_right_arithmetic3A_1464 = arith.constant 3 : i32
      %shift_right_arithmetic3A_1465 = vector.broadcast %shift_right_arithmetic3A_1464 : i32 to vector<16xi32>
      %shift_right_arithmetic3A_1466 = arith.shrsi %add3A_1463, %shift_right_arithmetic3A_1465 : vector<16xi32>
      %mul3A_1467 = arith.constant 8192 : i32
      %mul3A_1468 = vector.broadcast %mul3A_1467 : i32 to vector<16xi32>
      %mul3A_1469 = arith.muli %shift_right_arithmetic3A_1466, %mul3A_1468 : vector<16xi32>
      %and3A_1470 = arith.constant 7 : i32
      %and3A_1471 = vector.broadcast %and3A_1470 : i32 to vector<16xi32>
      %and3A_1472 = arith.andi %add3A_1463, %and3A_1471 : vector<16xi32>
      %mul3A_1473 = arith.constant 128 : i32
      %mul3A_1474 = vector.broadcast %mul3A_1473 : i32 to vector<16xi32>
      %mul3A_1475 = arith.muli %and3A_1472, %mul3A_1474 : vector<16xi32>
      %add3A_1476 = arith.addi %mul3A_1469, %mul3A_1475 : vector<16xi32>
      %mul3A_1477 = arith.constant 64 : i32
      %mul3A_1478 = arith.muli %scan3A_1455, %mul3A_1477 : i32
      %add3A_1479 = arith.constant 0 : i32
      %add3A_1480 = arith.addi %mul3A_1478, %add3A_1479 : i32
      %swap3A_1481 = arith.index_cast %add3A_1480 : i32 to index
      %swap3A_1482 = tpu.vector_load %arg10[%swap3A_1481] {strides = array<i32>} : memref<512xi32, #tpu.memory_space<vmem>>, vector<16xi32>,
      tpu.vector_store %arg10[%swap3A_1481], %add3A_1476 {strides = array<i32>} : memref<512xi32, #tpu.memory_space<vmem>>, vector<16xi32>,
      %mul3A_1483 = arith.constant 64 : i32
      %mul3A_1484 = arith.muli %scan3A_1455, %mul3A_1483 : i32
      %add3A_1485 = arith.addi %mul3A_2, %mul3A_1484 : i32
      %add3A_1486 = arith.constant 16 : i32
      %add3A_1487 = arith.addi %add3A_1485, %add3A_1486 : i32
      %add3A_1488 = vector.broadcast %add3A_1487 : i32 to vector<16xi32>
      %add3A_1489 = arith.addi %add3A_1488, %iota3A : vector<16xi32>
      %shift_right_arithmetic3A_1490 = arith.constant 3 : i32
      %shift_right_arithmetic3A_1491 = vector.broadcast %shift_right_arithmetic3A_1490 : i32 to vector<16xi32>
      %shift_right_arithmetic3A_1492 = arith.shrsi %add3A_1489, %shift_right_arithmetic3A_1491 : vector<16xi32>
      %mul3A_1493 = arith.constant 8192 : i32
      %mul3A_1494 = vector.broadcast %mul3A_1493 : i32 to vector<16xi32>
      %mul3A_1495 = arith.muli %shift_right_arithmetic3A_1492, %mul3A_1494 : vector<16xi32>
      %and3A_1496 = arith.constant 7 : i32
      %and3A_1497 = vector.broadcast %and3A_1496 : i32 to vector<16xi32>
      %and3A_1498 = arith.andi %add3A_1489, %and3A_1497 : vector<16xi32>
      %mul3A_1499 = arith.constant 128 : i32
      %mul3A_1500 = vector.broadcast %mul3A_1499 : i32 to vector<16xi32>
      %mul3A_1501 = arith.muli %and3A_1498, %mul3A_1500 : vector<16xi32>
      %add3A_1502 = arith.addi %mul3A_1495, %mul3A_1501 : vector<16xi32>
      %mul3A_1503 = arith.constant 64 : i32
      %mul3A_1504 = arith.muli %scan3A_1455, %mul3A_1503 : i32
      %add3A_1505 = arith.constant 16 : i32
      %add3A_1506 = arith.addi %mul3A_1504, %add3A_1505 : i32
      %swap3A_1507 = arith.index_cast %add3A_1506 : i32 to index
      %swap3A_1508 = tpu.vector_load %arg10[%swap3A_1507] {strides = array<i32>} : memref<512xi32, #tpu.memory_space<vmem>>, vector<16xi32>,
      tpu.vector_store %arg10[%swap3A_1507], %add3A_1502 {strides = array<i32>} : memref<512xi32, #tpu.memory_space<vmem>>, vector<16xi32>,
      %mul3A_1509 = arith.constant 64 : i32
      %mul3A_1510 = arith.muli %scan3A_1455, %mul3A_1509 : i32
      %add3A_1511 = arith.addi %mul3A_2, %mul3A_1510 : i32
      %add3A_1512 = arith.constant 32 : i32
      %add3A_1513 = arith.addi %add3A_1511, %add3A_1512 : i32
      %add3A_1514 = vector.broadcast %add3A_1513 : i32 to vector<16xi32>
      %add3A_1515 = arith.addi %add3A_1514, %iota3A : vector<16xi32>
      %shift_right_arithmetic3A_1516 = arith.constant 3 : i32
      %shift_right_arithmetic3A_1517 = vector.broadcast %shift_right_arithmetic3A_1516 : i32 to vector<16xi32>
      %shift_right_arithmetic3A_1518 = arith.shrsi %add3A_1515, %shift_right_arithmetic3A_1517 : vector<16xi32>
      %mul3A_1519 = arith.constant 8192 : i32
      %mul3A_1520 = vector.broadcast %mul3A_1519 : i32 to vector<16xi32>
      %mul3A_1521 = arith.muli %shift_right_arithmetic3A_1518, %mul3A_1520 : vector<16xi32>
      %and3A_1522 = arith.constant 7 : i32
      %and3A_1523 = vector.broadcast %and3A_1522 : i32 to vector<16xi32>
      %and3A_1524 = arith.andi %add3A_1515, %and3A_1523 : vector<16xi32>
      %mul3A_1525 = arith.constant 128 : i32
      %mul3A_1526 = vector.broadcast %mul3A_1525 : i32 to vector<16xi32>
      %mul3A_1527 = arith.muli %and3A_1524, %mul3A_1526 : vector<16xi32>
      %add3A_1528 = arith.addi %mul3A_1521, %mul3A_1527 : vector<16xi32>
      %mul3A_1529 = arith.constant 64 : i32
      %mul3A_1530 = arith.muli %scan3A_1455, %mul3A_1529 : i32
      %add3A_1531 = arith.constant 32 : i32
      %add3A_1532 = arith.addi %mul3A_1530, %add3A_1531 : i32
      %swap3A_1533 = arith.index_cast %add3A_1532 : i32 to index
      %swap3A_1534 = tpu.vector_load %arg10[%swap3A_1533] {strides = array<i32>} : memref<512xi32, #tpu.memory_space<vmem>>, vector<16xi32>,
      tpu.vector_store %arg10[%swap3A_1533], %add3A_1528 {strides = array<i32>} : memref<512xi32, #tpu.memory_space<vmem>>, vector<16xi32>,
      %mul3A_1535 = arith.constant 64 : i32
      %mul3A_1536 = arith.muli %scan3A_1455, %mul3A_1535 : i32
      %add3A_1537 = arith.addi %mul3A_2, %mul3A_1536 : i32
      %add3A_1538 = arith.constant 48 : i32
      %add3A_1539 = arith.addi %add3A_1537, %add3A_1538 : i32
      %add3A_1540 = vector.broadcast %add3A_1539 : i32 to vector<16xi32>
      %add3A_1541 = arith.addi %add3A_1540, %iota3A : vector<16xi32>
      %shift_right_arithmetic3A_1542 = arith.constant 3 : i32
      %shift_right_arithmetic3A_1543 = vector.broadcast %shift_right_arithmetic3A_1542 : i32 to vector<16xi32>
      %shift_right_arithmetic3A_1544 = arith.shrsi %add3A_1541, %shift_right_arithmetic3A_1543 : vector<16xi32>
      %mul3A_1545 = arith.constant 8192 : i32
      %mul3A_1546 = vector.broadcast %mul3A_1545 : i32 to vector<16xi32>
      %mul3A_1547 = arith.muli %shift_right_arithmetic3A_1544, %mul3A_1546 : vector<16xi32>
      %and3A_1548 = arith.constant 7 : i32
      %and3A_1549 = vector.broadcast %and3A_1548 : i32 to vector<16xi32>
      %and3A_1550 = arith.andi %add3A_1541, %and3A_1549 : vector<16xi32>
      %mul3A_1551 = arith.constant 128 : i32
      %mul3A_1552 = vector.broadcast %mul3A_1551 : i32 to vector<16xi32>
      %mul3A_1553 = arith.muli %and3A_1550, %mul3A_1552 : vector<16xi32>
      %add3A_1554 = arith.addi %mul3A_1547, %mul3A_1553 : vector<16xi32>
      %mul3A_1555 = arith.constant 64 : i32
      %mul3A_1556 = arith.muli %scan3A_1455, %mul3A_1555 : i32
      %add3A_1557 = arith.constant 48 : i32
      %add3A_1558 = arith.addi %mul3A_1556, %add3A_1557 : i32
      %swap3A_1559 = arith.index_cast %add3A_1558 : i32 to index
      %swap3A_1560 = tpu.vector_load %arg10[%swap3A_1559] {strides = array<i32>} : memref<512xi32, #tpu.memory_space<vmem>>, vector<16xi32>,
      tpu.vector_store %arg10[%swap3A_1559], %add3A_1554 {strides = array<i32>} : memref<512xi32, #tpu.memory_space<vmem>>, vector<16xi32>,
      %scan3A_1561 = arith.constant 0 : i32
      scf.yield %scan3A_1561 : i32
    }
    %scan3A_147 = arith.constant 8 : i32
    %lt3A = arith.constant 1024 : i32
    %lt3A_148 = arith.cmpi slt, %reduce_max3A_15, %lt3A : i32
    %sub3A = arith.constant 1024 : i32
    %sub3A_149 = arith.subi %reduce_max3A_15, %sub3A : i32
    %select_n3A_150 = arith.select %lt3A_148, %reduce_max3A_15, %sub3A_149 : i32
    %shift_right_arithmetic3A = arith.constant 7 : i32
    %shift_right_arithmetic3A_151 = arith.shrsi %select_n3A_150, %shift_right_arithmetic3A : i32
    %mul3A_152 = arith.constant 1024 : i32
    %mul3A_153 = arith.muli %shift_right_arithmetic3A_151, %mul3A_152 : i32
    %and3A = arith.constant 127 : i32
    %and3A_154 = arith.andi %select_n3A_150, %and3A : i32
    %add3A_155 = arith.addi %mul3A_153, %and3A_154 : i32
    %scan3A_156 = arith.constant 0 : i32
    %scan3A_157 = arith.constant 0 : i32
    %scan3A_158 = arith.constant 8 : i32
    %scan3A_159 = arith.addi %scan3A_157, %scan3A_158 : i32
    %scan3A_160 = arith.constant 1 : i32
    %scan3A_161 = scf.for %scan3A_1455 = %scan3A_157 to %scan3A_159 step %scan3A_160 iter_args(%scan3A_1456 = %scan3A_156) -> (i32)  : i32 {
      %mul3A_1457 = arith.constant 64 : i32
      %mul3A_1458 = arith.muli %scan3A_1455, %mul3A_1457 : i32
      %add3A_1459 = arith.constant 0 : i32
      %add3A_1460 = arith.addi %mul3A_1458, %add3A_1459 : i32
      %get3A_1461 = arith.index_cast %add3A_1460 : i32 to index
      %get3A_1462 = tpu.vector_load %arg10[%get3A_1461] {strides = array<i32>} : memref<512xi32, #tpu.memory_space<vmem>>, vector<16xi32>,
      %add3A_1463 = vector.broadcast %add3A_155 : i32 to vector<16xi32>
      %add3A_1464 = arith.addi %get3A_1462, %add3A_1463 : vector<16xi32>
      %add3A_1465 = arith.constant 0 : i32
      %add3A_1466 = arith.addi %add3A_1465, %add3A_1460 : i32
      %swap3A_1467 = arith.index_cast %add3A_1466 : i32 to index
      %swap3A_1468 = tpu.vector_load %arg11[%swap3A_1467] {strides = array<i32>} : memref<5120xi32, #tpu.memory_space<vmem>>, vector<16xi32>,
      tpu.vector_store %arg11[%swap3A_1467], %add3A_1464 {strides = array<i32>} : memref<5120xi32, #tpu.memory_space<vmem>>, vector<16xi32>,
      %mul3A_1469 = arith.constant 64 : i32
      %mul3A_1470 = arith.muli %scan3A_1455, %mul3A_1469 : i32
      %add3A_1471 = arith.constant 16 : i32
      %add3A_1472 = arith.addi %mul3A_1470, %add3A_1471 : i32
      %get3A_1473 = arith.index_cast %add3A_1472 : i32 to index
      %get3A_1474 = tpu.vector_load %arg10[%get3A_1473] {strides = array<i32>} : memref<512xi32, #tpu.memory_space<vmem>>, vector<16xi32>,
      %add3A_1475 = vector.broadcast %add3A_155 : i32 to vector<16xi32>
      %add3A_1476 = arith.addi %get3A_1474, %add3A_1475 : vector<16xi32>
      %add3A_1477 = arith.constant 0 : i32
      %add3A_1478 = arith.addi %add3A_1477, %add3A_1472 : i32
      %swap3A_1479 = arith.index_cast %add3A_1478 : i32 to index
      %swap3A_1480 = tpu.vector_load %arg11[%swap3A_1479] {strides = array<i32>} : memref<5120xi32, #tpu.memory_space<vmem>>, vector<16xi32>,
      tpu.vector_store %arg11[%swap3A_1479], %add3A_1476 {strides = array<i32>} : memref<5120xi32, #tpu.memory_space<vmem>>, vector<16xi32>,
      %mul3A_1481 = arith.constant 64 : i32
      %mul3A_1482 = arith.muli %scan3A_1455, %mul3A_1481 : i32
      %add3A_1483 = arith.constant 32 : i32
      %add3A_1484 = arith.addi %mul3A_1482, %add3A_1483 : i32
      %get3A_1485 = arith.index_cast %add3A_1484 : i32 to index
      %get3A_1486 = tpu.vector_load %arg10[%get3A_1485] {strides = array<i32>} : memref<512xi32, #tpu.memory_space<vmem>>, vector<16xi32>,
      %add3A_1487 = vector.broadcast %add3A_155 : i32 to vector<16xi32>
      %add3A_1488 = arith.addi %get3A_1486, %add3A_1487 : vector<16xi32>
      %add3A_1489 = arith.constant 0 : i32
      %add3A_1490 = arith.addi %add3A_1489, %add3A_1484 : i32
      %swap3A_1491 = arith.index_cast %add3A_1490 : i32 to index
      %swap3A_1492 = tpu.vector_load %arg11[%swap3A_1491] {strides = array<i32>} : memref<5120xi32, #tpu.memory_space<vmem>>, vector<16xi32>,
      tpu.vector_store %arg11[%swap3A_1491], %add3A_1488 {strides = array<i32>} : memref<5120xi32, #tpu.memory_space<vmem>>, vector<16xi32>,
      %mul3A_1493 = arith.constant 64 : i32
      %mul3A_1494 = arith.muli %scan3A_1455, %mul3A_1493 : i32
      %add3A_1495 = arith.constant 48 : i32
      %add3A_1496 = arith.addi %mul3A_1494, %add3A_1495 : i32
      %get3A_1497 = arith.index_cast %add3A_1496 : i32 to index
      %get3A_1498 = tpu.vector_load %arg10[%get3A_1497] {strides = array<i32>} : memref<512xi32, #tpu.memory_space<vmem>>, vector<16xi32>,
      %add3A_1499 = vector.broadcast %add3A_155 : i32 to vector<16xi32>
      %add3A_1500 = arith.addi %get3A_1498, %add3A_1499 : vector<16xi32>
      %add3A_1501 = arith.constant 0 : i32
      %add3A_1502 = arith.addi %add3A_1501, %add3A_1496 : i32
      %swap3A_1503 = arith.index_cast %add3A_1502 : i32 to index
      %swap3A_1504 = tpu.vector_load %arg11[%swap3A_1503] {strides = array<i32>} : memref<5120xi32, #tpu.memory_space<vmem>>, vector<16xi32>,
      tpu.vector_store %arg11[%swap3A_1503], %add3A_1500 {strides = array<i32>} : memref<5120xi32, #tpu.memory_space<vmem>>, vector<16xi32>,
      %scan3A_1505 = arith.constant 0 : i32
      scf.yield %scan3A_1505 : i32
    }
    %scan3A_162 = arith.constant 8 : i32
    %lt3A_163 = arith.constant 1024 : i32
    %lt3A_164 = arith.cmpi slt, %reduce_max3A_15, %lt3A_163 : i32
    %convert_element_type3A = arith.extui %lt3A_164 : i1 to i32
    %cond3A = arith.constant 0 : i32
    %cond3A_165 = arith.cmpi ne, %convert_element_type3A, %cond3A : i32
    scf.if %cond3A_165 {
      %dma_start3A_1455 = arith.constant 0 : i32
      %dma_start3A_1456 = tpu.memref_slice %arg12[%dma_start3A_1455] : memref<5120xi32, #tpu.memory_space<vmem>> -> memref<128xi32, #tpu.memory_space<vmem>>
      %dma_start3A_1457 = arith.constant 0 : i32
      %dma_start3A_1458 = tpu.memref_slice %arg11[%dma_start3A_1457] : memref<5120xi32, #tpu.memory_space<vmem>> -> memref<128xi32, #tpu.memory_space<vmem>>
      %dma_start3A_1459 = arith.constant 0 : i32
      %dma_start3A_1460 = tpu.memref_slice %arg2[%dma_start3A_1459] : memref<16777216xi32, #tpu.memory_space<hbm>> -> memref<16777216xi32, #tpu.memory_space<hbm>>
      tpu.enqueue_indirect_dma source(%dma_start3A_1460 : memref<16777216xi32, #tpu.memory_space<hbm>>) target(%dma_start3A_1456 : memref<128xi32, #tpu.memory_space<vmem>>) offsets(%dma_start3A_1458 : memref<128xi32, #tpu.memory_space<vmem>>) semaphore(%arg21 : memref<!tpu.dma_semaphore, #tpu.memory_space<semaphore_mem>>)
    } else {
    }
    %ge3A = arith.constant 1024 : i32
    %ge3A_166 = arith.cmpi sge, %reduce_max3A_15, %ge3A : i32
    %convert_element_type3A_167 = arith.extui %ge3A_166 : i1 to i32
    %cond3A_168 = arith.constant 0 : i32
    %cond3A_169 = arith.cmpi ne, %convert_element_type3A_167, %cond3A_168 : i32
    scf.if %cond3A_169 {
      %dma_start3A_1455 = arith.constant 0 : i32
      %dma_start3A_1456 = tpu.memref_slice %arg12[%dma_start3A_1455] : memref<5120xi32, #tpu.memory_space<vmem>> -> memref<128xi32, #tpu.memory_space<vmem>>
      %dma_start3A_1457 = arith.constant 0 : i32
      %dma_start3A_1458 = tpu.memref_slice %arg11[%dma_start3A_1457] : memref<5120xi32, #tpu.memory_space<vmem>> -> memref<128xi32, #tpu.memory_space<vmem>>
      %dma_start3A_1459 = arith.constant 0 : i32
      %dma_start3A_1460 = tpu.memref_slice %arg3[%dma_start3A_1459] : memref<16777216xi32, #tpu.memory_space<hbm>> -> memref<16777216xi32, #tpu.memory_space<hbm>>
      tpu.enqueue_indirect_dma source(%dma_start3A_1460 : memref<16777216xi32, #tpu.memory_space<hbm>>) target(%dma_start3A_1456 : memref<128xi32, #tpu.memory_space<vmem>>) offsets(%dma_start3A_1458 : memref<128xi32, #tpu.memory_space<vmem>>) semaphore(%arg21 : memref<!tpu.dma_semaphore, #tpu.memory_space<semaphore_mem>>)
    } else {
    }
    %lt3A_170 = arith.constant 1024 : i32
    %lt3A_171 = arith.cmpi slt, %reduce_max3A_15, %lt3A_170 : i32
    %convert_element_type3A_172 = arith.extui %lt3A_171 : i1 to i32
    %cond3A_173 = arith.constant 0 : i32
    %cond3A_174 = arith.cmpi ne, %convert_element_type3A_172, %cond3A_173 : i32
    scf.if %cond3A_174 {
      %dma_start3A_1455 = arith.constant 128 : i32
      %dma_start3A_1456 = tpu.memref_slice %arg12[%dma_start3A_1455] : memref<5120xi32, #tpu.memory_space<vmem>> -> memref<128xi32, #tpu.memory_space<vmem>>
      %dma_start3A_1457 = arith.constant 128 : i32
      %dma_start3A_1458 = tpu.memref_slice %arg11[%dma_start3A_1457] : memref<5120xi32, #tpu.memory_space<vmem>> -> memref<128xi32, #tpu.memory_space<vmem>>
      %dma_start3A_1459 = arith.constant 0 : i32
      %dma_start3A_1460 = tpu.memref_slice %arg2[%dma_start3A_1459] : memref<16777216xi32, #tpu.memory_space<hbm>> -> memref<16777216xi32, #tpu.memory_space<hbm>>
      tpu.enqueue_indirect_dma source(%dma_start3A_1460 : memref<16777216xi32, #tpu.memory_space<hbm>>) target(%dma_start3A_1456 : memref<128xi32, #tpu.memory_space<vmem>>) offsets(%dma_start3A_1458 : memref<128xi32, #tpu.memory_space<vmem>>) semaphore(%arg21 : memref<!tpu.dma_semaphore, #tpu.memory_space<semaphore_mem>>)
    } else {
    }
    %ge3A_175 = arith.constant 1024 : i32
    %ge3A_176 = arith.cmpi sge, %reduce_max3A_15, %ge3A_175 : i32
    %convert_element_type3A_177 = arith.extui %ge3A_176 : i1 to i32
    %cond3A_178 = arith.constant 0 : i32
    %cond3A_179 = arith.cmpi ne, %convert_element_type3A_177, %cond3A_178 : i32
    scf.if %cond3A_179 {
      %dma_start3A_1455 = arith.constant 128 : i32
      %dma_start3A_1456 = tpu.memref_slice %arg12[%dma_start3A_1455] : memref<5120xi32, #tpu.memory_space<vmem>> -> memref<128xi32, #tpu.memory_space<vmem>>
      %dma_start3A_1457 = arith.constant 128 : i32
      %dma_start3A_1458 = tpu.memref_slice %arg11[%dma_start3A_1457] : memref<5120xi32, #tpu.memory_space<vmem>> -> memref<128xi32, #tpu.memory_space<vmem>>
      %dma_start3A_1459 = arith.constant 0 : i32
      %dma_start3A_1460 = tpu.memref_slice %arg3[%dma_start3A_1459] : memref<16777216xi32, #tpu.memory_space<hbm>> -> memref<16777216xi32, #tpu.memory_space<hbm>>
      tpu.enqueue_indirect_dma source(%dma_start3A_1460 : memref<16777216xi32, #tpu.memory_space<hbm>>) target(%dma_start3A_1456 : memref<128xi32, #tpu.memory_space<vmem>>) offsets(%dma_start3A_1458 : memref<128xi32, #tpu.memory_space<vmem>>) semaphore(%arg21 : memref<!tpu.dma_semaphore, #tpu.memory_space<semaphore_mem>>)
    } else {
    }
    %lt3A_180 = arith.constant 1024 : i32
    %lt3A_181 = arith.cmpi slt, %reduce_max3A_15, %lt3A_180 : i32
    %convert_element_type3A_182 = arith.extui %lt3A_181 : i1 to i32
    %cond3A_183 = arith.constant 0 : i32
    %cond3A_184 = arith.cmpi ne, %convert_element_type3A_182, %cond3A_183 : i32
    scf.if %cond3A_184 {
      %dma_start3A_1455 = arith.constant 256 : i32
      %dma_start3A_1456 = tpu.memref_slice %arg12[%dma_start3A_1455] : memref<5120xi32, #tpu.memory_space<vmem>> -> memref<128xi32, #tpu.memory_space<vmem>>
      %dma_start3A_1457 = arith.constant 256 : i32
      %dma_start3A_1458 = tpu.memref_slice %arg11[%dma_start3A_1457] : memref<5120xi32, #tpu.memory_space<vmem>> -> memref<128xi32, #tpu.memory_space<vmem>>
      %dma_start3A_1459 = arith.constant 0 : i32
      %dma_start3A_1460 = tpu.memref_slice %arg2[%dma_start3A_1459] : memref<16777216xi32, #tpu.memory_space<hbm>> -> memref<16777216xi32, #tpu.memory_space<hbm>>
      tpu.enqueue_indirect_dma source(%dma_start3A_1460 : memref<16777216xi32, #tpu.memory_space<hbm>>) target(%dma_start3A_1456 : memref<128xi32, #tpu.memory_space<vmem>>) offsets(%dma_start3A_1458 : memref<128xi32, #tpu.memory_space<vmem>>) semaphore(%arg21 : memref<!tpu.dma_semaphore, #tpu.memory_space<semaphore_mem>>)
    } else {
    }
    %ge3A_185 = arith.constant 1024 : i32
    %ge3A_186 = arith.cmpi sge, %reduce_max3A_15, %ge3A_185 : i32
    %convert_element_type3A_187 = arith.extui %ge3A_186 : i1 to i32
    %cond3A_188 = arith.constant 0 : i32
    %cond3A_189 = arith.cmpi ne, %convert_element_type3A_187, %cond3A_188 : i32
    scf.if %cond3A_189 {
      %dma_start3A_1455 = arith.constant 256 : i32
      %dma_start3A_1456 = tpu.memref_slice %arg12[%dma_start3A_1455] : memref<5120xi32, #tpu.memory_space<vmem>> -> memref<128xi32, #tpu.memory_space<vmem>>
      %dma_start3A_1457 = arith.constant 256 : i32
      %dma_start3A_1458 = tpu.memref_slice %arg11[%dma_start3A_1457] : memref<5120xi32, #tpu.memory_space<vmem>> -> memref<128xi32, #tpu.memory_space<vmem>>
      %dma_start3A_1459 = arith.constant 0 : i32
      %dma_start3A_1460 = tpu.memref_slice %arg3[%dma_start3A_1459] : memref<16777216xi32, #tpu.memory_space<hbm>> -> memref<16777216xi32, #tpu.memory_space<hbm>>
      tpu.enqueue_indirect_dma source(%dma_start3A_1460 : memref<16777216xi32, #tpu.memory_space<hbm>>) target(%dma_start3A_1456 : memref<128xi32, #tpu.memory_space<vmem>>) offsets(%dma_start3A_1458 : memref<128xi32, #tpu.memory_space<vmem>>) semaphore(%arg21 : memref<!tpu.dma_semaphore, #tpu.memory_space<semaphore_mem>>)
    } else {
    }
    %lt3A_190 = arith.constant 1024 : i32
    %lt3A_191 = arith.cmpi slt, %reduce_max3A_15, %lt3A_190 : i32
    %convert_element_type3A_192 = arith.extui %lt3A_191 : i1 to i32
    %cond3A_193 = arith.constant 0 : i32
    %cond3A_194 = arith.cmpi ne, %convert_element_type3A_192, %cond3A_193 : i32
    scf.if %cond3A_194 {
      %dma_start3A_1455 = arith.constant 384 : i32
      %dma_start3A_1456 = tpu.memref_slice %arg12[%dma_start3A_1455] : memref<5120xi32, #tpu.memory_space<vmem>> -> memref<128xi32, #tpu.memory_space<vmem>>
      %dma_start3A_1457 = arith.constant 384 : i32
      %dma_start3A_1458 = tpu.memref_slice %arg11[%dma_start3A_1457] : memref<5120xi32, #tpu.memory_space<vmem>> -> memref<128xi32, #tpu.memory_space<vmem>>
      %dma_start3A_1459 = arith.constant 0 : i32
      %dma_start3A_1460 = tpu.memref_slice %arg2[%dma_start3A_1459] : memref<16777216xi32, #tpu.memory_space<hbm>> -> memref<16777216xi32, #tpu.memory_space<hbm>>
      tpu.enqueue_indirect_dma source(%dma_start3A_1460 : memref<16777216xi32, #tpu.memory_space<hbm>>) target(%dma_start3A_1456 : memref<128xi32, #tpu.memory_space<vmem>>) offsets(%dma_start3A_1458 : memref<128xi32, #tpu.memory_space<vmem>>) semaphore(%arg21 : memref<!tpu.dma_semaphore, #tpu.memory_space<semaphore_mem>>)
    } else {
    }
    %ge3A_195 = arith.constant 1024 : i32
    %ge3A_196 = arith.cmpi sge, %reduce_max3A_15, %ge3A_195 : i32
    %convert_element_type3A_197 = arith.extui %ge3A_196 : i1 to i32
    %cond3A_198 = arith.constant 0 : i32
    %cond3A_199 = arith.cmpi ne, %convert_element_type3A_197, %cond3A_198 : i32
    scf.if %cond3A_199 {
      %dma_start3A_1455 = arith.constant 384 : i32
      %dma_start3A_1456 = tpu.memref_slice %arg12[%dma_start3A_1455] : memref<5120xi32, #tpu.memory_space<vmem>> -> memref<128xi32, #tpu.memory_space<vmem>>
      %dma_start3A_1457 = arith.constant 384 : i32
      %dma_start3A_1458 = tpu.memref_slice %arg11[%dma_start3A_1457] : memref<5120xi32, #tpu.memory_space<vmem>> -> memref<128xi32, #tpu.memory_space<vmem>>
      %dma_start3A_1459 = arith.constant 0 : i32
      %dma_start3A_1460 = tpu.memref_slice %arg3[%dma_start3A_1459] : memref<16777216xi32, #tpu.memory_space<hbm>> -> memref<16777216xi32, #tpu.memory_space<hbm>>
      tpu.enqueue_indirect_dma source(%dma_start3A_1460 : memref<16777216xi32, #tpu.memory_space<hbm>>) target(%dma_start3A_1456 : memref<128xi32, #tpu.memory_space<vmem>>) offsets(%dma_start3A_1458 : memref<128xi32, #tpu.memory_space<vmem>>) semaphore(%arg21 : memref<!tpu.dma_semaphore, #tpu.memory_space<semaphore_mem>>)
    } else {
    }
    %lt3A_200 = arith.constant 1024 : i32
    %lt3A_201 = arith.cmpi slt, %reduce_max3A_29, %lt3A_200 : i32
    %sub3A_202 = arith.constant 1024 : i32
    %sub3A_203 = arith.subi %reduce_max3A_29, %sub3A_202 : i32
    %select_n3A_204 = arith.select %lt3A_201, %reduce_max3A_29, %sub3A_203 : i32
    %shift_right_arithmetic3A_205 = arith.constant 7 : i32
    %shift_right_arithmetic3A_206 = arith.shrsi %select_n3A_204, %shift_right_arithmetic3A_205 : i32
    %mul3A_207 = arith.constant 1024 : i32
    %mul3A_208 = arith.muli %shift_right_arithmetic3A_206, %mul3A_207 : i32
    %and3A_209 = arith.constant 127 : i32
    %and3A_210 = arith.andi %select_n3A_204, %and3A_209 : i32
    %add3A_211 = arith.addi %mul3A_208, %and3A_210 : i32
    %scan3A_212 = arith.constant 0 : i32
    %scan3A_213 = arith.constant 0 : i32
    %scan3A_214 = arith.constant 8 : i32
    %scan3A_215 = arith.addi %scan3A_213, %scan3A_214 : i32
    %scan3A_216 = arith.constant 1 : i32
    %scan3A_217 = scf.for %scan3A_1455 = %scan3A_213 to %scan3A_215 step %scan3A_216 iter_args(%scan3A_1456 = %scan3A_212) -> (i32)  : i32 {
      %mul3A_1457 = arith.constant 64 : i32
      %mul3A_1458 = arith.muli %scan3A_1455, %mul3A_1457 : i32
      %add3A_1459 = arith.constant 0 : i32
      %add3A_1460 = arith.addi %mul3A_1458, %add3A_1459 : i32
      %get3A_1461 = arith.index_cast %add3A_1460 : i32 to index
      %get3A_1462 = tpu.vector_load %arg10[%get3A_1461] {strides = array<i32>} : memref<512xi32, #tpu.memory_space<vmem>>, vector<16xi32>,
      %add3A_1463 = vector.broadcast %add3A_211 : i32 to vector<16xi32>
      %add3A_1464 = arith.addi %get3A_1462, %add3A_1463 : vector<16xi32>
      %add3A_1465 = arith.constant 512 : i32
      %add3A_1466 = arith.addi %add3A_1465, %add3A_1460 : i32
      %swap3A_1467 = arith.index_cast %add3A_1466 : i32 to index
      %swap3A_1468 = tpu.vector_load %arg11[%swap3A_1467] {strides = array<i32>} : memref<5120xi32, #tpu.memory_space<vmem>>, vector<16xi32>,
      tpu.vector_store %arg11[%swap3A_1467], %add3A_1464 {strides = array<i32>} : memref<5120xi32, #tpu.memory_space<vmem>>, vector<16xi32>,
      %mul3A_1469 = arith.constant 64 : i32
      %mul3A_1470 = arith.muli %scan3A_1455, %mul3A_1469 : i32
      %add3A_1471 = arith.constant 16 : i32
      %add3A_1472 = arith.addi %mul3A_1470, %add3A_1471 : i32
      %get3A_1473 = arith.index_cast %add3A_1472 : i32 to index
      %get3A_1474 = tpu.vector_load %arg10[%get3A_1473] {strides = array<i32>} : memref<512xi32, #tpu.memory_space<vmem>>, vector<16xi32>,
      %add3A_1475 = vector.broadcast %add3A_211 : i32 to vector<16xi32>
      %add3A_1476 = arith.addi %get3A_1474, %add3A_1475 : vector<16xi32>
      %add3A_1477 = arith.constant 512 : i32
      %add3A_1478 = arith.addi %add3A_1477, %add3A_1472 : i32
      %swap3A_1479 = arith.index_cast %add3A_1478 : i32 to index
      %swap3A_1480 = tpu.vector_load %arg11[%swap3A_1479] {strides = array<i32>} : memref<5120xi32, #tpu.memory_space<vmem>>, vector<16xi32>,
      tpu.vector_store %arg11[%swap3A_1479], %add3A_1476 {strides = array<i32>} : memref<5120xi32, #tpu.memory_space<vmem>>, vector<16xi32>,
      %mul3A_1481 = arith.constant 64 : i32
      %mul3A_1482 = arith.muli %scan3A_1455, %mul3A_1481 : i32
      %add3A_1483 = arith.constant 32 : i32
      %add3A_1484 = arith.addi %mul3A_1482, %add3A_1483 : i32
      %get3A_1485 = arith.index_cast %add3A_1484 : i32 to index
      %get3A_1486 = tpu.vector_load %arg10[%get3A_1485] {strides = array<i32>} : memref<512xi32, #tpu.memory_space<vmem>>, vector<16xi32>,
      %add3A_1487 = vector.broadcast %add3A_211 : i32 to vector<16xi32>
      %add3A_1488 = arith.addi %get3A_1486, %add3A_1487 : vector<16xi32>
      %add3A_1489 = arith.constant 512 : i32
      %add3A_1490 = arith.addi %add3A_1489, %add3A_1484 : i32
      %swap3A_1491 = arith.index_cast %add3A_1490 : i32 to index
      %swap3A_1492 = tpu.vector_load %arg11[%swap3A_1491] {strides = array<i32>} : memref<5120xi32, #tpu.memory_space<vmem>>, vector<16xi32>,
      tpu.vector_store %arg11[%swap3A_1491], %add3A_1488 {strides = array<i32>} : memref<5120xi32, #tpu.memory_space<vmem>>, vector<16xi32>,
      %mul3A_1493 = arith.constant 64 : i32
      %mul3A_1494 = arith.muli %scan3A_1455, %mul3A_1493 : i32
      %add3A_1495 = arith.constant 48 : i32
      %add3A_1496 = arith.addi %mul3A_1494, %add3A_1495 : i32
      %get3A_1497 = arith.index_cast %add3A_1496 : i32 to index
      %get3A_1498 = tpu.vector_load %arg10[%get3A_1497] {strides = array<i32>} : memref<512xi32, #tpu.memory_space<vmem>>, vector<16xi32>,
      %add3A_1499 = vector.broadcast %add3A_211 : i32 to vector<16xi32>
      %add3A_1500 = arith.addi %get3A_1498, %add3A_1499 : vector<16xi32>
      %add3A_1501 = arith.constant 512 : i32
      %add3A_1502 = arith.addi %add3A_1501, %add3A_1496 : i32
      %swap3A_1503 = arith.index_cast %add3A_1502 : i32 to index
      %swap3A_1504 = tpu.vector_load %arg11[%swap3A_1503] {strides = array<i32>} : memref<5120xi32, #tpu.memory_space<vmem>>, vector<16xi32>,
      tpu.vector_store %arg11[%swap3A_1503], %add3A_1500 {strides = array<i32>} : memref<5120xi32, #tpu.memory_space<vmem>>, vector<16xi32>,
      %scan3A_1505 = arith.constant 0 : i32
      scf.yield %scan3A_1505 : i32
    }
    %scan3A_218 = arith.constant 8 : i32
    %lt3A_219 = arith.constant 1024 : i32
    %lt3A_220 = arith.cmpi slt, %reduce_max3A_29, %lt3A_219 : i32
    %convert_element_type3A_221 = arith.extui %lt3A_220 : i1 to i32
    %cond3A_222 = arith.constant 0 : i32
    %cond3A_223 = arith.cmpi ne, %convert_element_type3A_221, %cond3A_222 : i32
    scf.if %cond3A_223 {
      %dma_start3A_1455 = arith.constant 512 : i32
      %dma_start3A_1456 = tpu.memref_slice %arg12[%dma_start3A_1455] : memref<5120xi32, #tpu.memory_space<vmem>> -> memref<128xi32, #tpu.memory_space<vmem>>
      %dma_start3A_1457 = arith.constant 512 : i32
      %dma_start3A_1458 = tpu.memref_slice %arg11[%dma_start3A_1457] : memref<5120xi32, #tpu.memory_space<vmem>> -> memref<128xi32, #tpu.memory_space<vmem>>
      %dma_start3A_1459 = arith.constant 0 : i32
      %dma_start3A_1460 = tpu.memref_slice %arg2[%dma_start3A_1459] : memref<16777216xi32, #tpu.memory_space<hbm>> -> memref<16777216xi32, #tpu.memory_space<hbm>>
      tpu.enqueue_indirect_dma source(%dma_start3A_1460 : memref<16777216xi32, #tpu.memory_space<hbm>>) target(%dma_start3A_1456 : memref<128xi32, #tpu.memory_space<vmem>>) offsets(%dma_start3A_1458 : memref<128xi32, #tpu.memory_space<vmem>>) semaphore(%arg21 : memref<!tpu.dma_semaphore, #tpu.memory_space<semaphore_mem>>)
    } else {
    }
    %ge3A_224 = arith.constant 1024 : i32
    %ge3A_225 = arith.cmpi sge, %reduce_max3A_29, %ge3A_224 : i32
    %convert_element_type3A_226 = arith.extui %ge3A_225 : i1 to i32
    %cond3A_227 = arith.constant 0 : i32
    %cond3A_228 = arith.cmpi ne, %convert_element_type3A_226, %cond3A_227 : i32
    scf.if %cond3A_228 {
      %dma_start3A_1455 = arith.constant 512 : i32
      %dma_start3A_1456 = tpu.memref_slice %arg12[%dma_start3A_1455] : memref<5120xi32, #tpu.memory_space<vmem>> -> memref<128xi32, #tpu.memory_space<vmem>>
      %dma_start3A_1457 = arith.constant 512 : i32
      %dma_start3A_1458 = tpu.memref_slice %arg11[%dma_start3A_1457] : memref<5120xi32, #tpu.memory_space<vmem>> -> memref<128xi32, #tpu.memory_space<vmem>>
      %dma_start3A_1459 = arith.constant 0 : i32
      %dma_start3A_1460 = tpu.memref_slice %arg3[%dma_start3A_1459] : memref<16777216xi32, #tpu.memory_space<hbm>> -> memref<16777216xi32, #tpu.memory_space<hbm>>
      tpu.enqueue_indirect_dma source(%dma_start3A_1460 : memref<16777216xi32, #tpu.memory_space<hbm>>) target(%dma_start3A_1456 : memref<128xi32, #tpu.memory_space<vmem>>) offsets(%dma_start3A_1458 : memref<128xi32, #tpu.memory_space<vmem>>) semaphore(%arg21 : memref<!tpu.dma_semaphore, #tpu.memory_space<semaphore_mem>>)
    } else {
    }
    %lt3A_229 = arith.constant 1024 : i32
    %lt3A_230 = arith.cmpi slt, %reduce_max3A_29, %lt3A_229 : i32
    %convert_element_type3A_231 = arith.extui %lt3A_230 : i1 to i32
    %cond3A_232 = arith.constant 0 : i32
    %cond3A_233 = arith.cmpi ne, %convert_element_type3A_231, %cond3A_232 : i32
    scf.if %cond3A_233 {
      %dma_start3A_1455 = arith.constant 640 : i32
      %dma_start3A_1456 = tpu.memref_slice %arg12[%dma_start3A_1455] : memref<5120xi32, #tpu.memory_space<vmem>> -> memref<128xi32, #tpu.memory_space<vmem>>
      %dma_start3A_1457 = arith.constant 640 : i32
      %dma_start3A_1458 = tpu.memref_slice %arg11[%dma_start3A_1457] : memref<5120xi32, #tpu.memory_space<vmem>> -> memref<128xi32, #tpu.memory_space<vmem>>
      %dma_start3A_1459 = arith.constant 0 : i32
      %dma_start3A_1460 = tpu.memref_slice %arg2[%dma_start3A_1459] : memref<16777216xi32, #tpu.memory_space<hbm>> -> memref<16777216xi32, #tpu.memory_space<hbm>>
      tpu.enqueue_indirect_dma source(%dma_start3A_1460 : memref<16777216xi32, #tpu.memory_space<hbm>>) target(%dma_start3A_1456 : memref<128xi32, #tpu.memory_space<vmem>>) offsets(%dma_start3A_1458 : memref<128xi32, #tpu.memory_space<vmem>>) semaphore(%arg21 : memref<!tpu.dma_semaphore, #tpu.memory_space<semaphore_mem>>)
    } else {
    }
    %ge3A_234 = arith.constant 1024 : i32
    %ge3A_235 = arith.cmpi sge, %reduce_max3A_29, %ge3A_234 : i32
    %convert_element_type3A_236 = arith.extui %ge3A_235 : i1 to i32
    %cond3A_237 = arith.constant 0 : i32
    %cond3A_238 = arith.cmpi ne, %convert_element_type3A_236, %cond3A_237 : i32
    scf.if %cond3A_238 {
      %dma_start3A_1455 = arith.constant 640 : i32
      %dma_start3A_1456 = tpu.memref_slice %arg12[%dma_start3A_1455] : memref<5120xi32, #tpu.memory_space<vmem>> -> memref<128xi32, #tpu.memory_space<vmem>>
      %dma_start3A_1457 = arith.constant 640 : i32
      %dma_start3A_1458 = tpu.memref_slice %arg11[%dma_start3A_1457] : memref<5120xi32, #tpu.memory_space<vmem>> -> memref<128xi32, #tpu.memory_space<vmem>>
      %dma_start3A_1459 = arith.constant 0 : i32
      %dma_start3A_1460 = tpu.memref_slice %arg3[%dma_start3A_1459] : memref<16777216xi32, #tpu.memory_space<hbm>> -> memref<16777216xi32, #tpu.memory_space<hbm>>
      tpu.enqueue_indirect_dma source(%dma_start3A_1460 : memref<16777216xi32, #tpu.memory_space<hbm>>) target(%dma_start3A_1456 : memref<128xi32, #tpu.memory_space<vmem>>) offsets(%dma_start3A_1458 : memref<128xi32, #tpu.memory_space<vmem>>) semaphore(%arg21 : memref<!tpu.dma_semaphore, #tpu.memory_space<semaphore_mem>>)
    } else {
    }
    %lt3A_239 = arith.constant 1024 : i32
    %lt3A_240 = arith.cmpi slt, %reduce_max3A_29, %lt3A_239 : i32
    %convert_element_type3A_241 = arith.extui %lt3A_240 : i1 to i32
    %cond3A_242 = arith.constant 0 : i32
    %cond3A_243 = arith.cmpi ne, %convert_element_type3A_241, %cond3A_242 : i32
    scf.if %cond3A_243 {
      %dma_start3A_1455 = arith.constant 768 : i32
      %dma_start3A_1456 = tpu.memref_slice %arg12[%dma_start3A_1455] : memref<5120xi32, #tpu.memory_space<vmem>> -> memref<128xi32, #tpu.memory_space<vmem>>
      %dma_start3A_1457 = arith.constant 768 : i32
      %dma_start3A_1458 = tpu.memref_slice %arg11[%dma_start3A_1457] : memref<5120xi32, #tpu.memory_space<vmem>> -> memref<128xi32, #tpu.memory_space<vmem>>
      %dma_start3A_1459 = arith.constant 0 : i32
      %dma_start3A_1460 = tpu.memref_slice %arg2[%dma_start3A_1459] : memref<16777216xi32, #tpu.memory_space<hbm>> -> memref<16777216xi32, #tpu.memory_space<hbm>>
      tpu.enqueue_indirect_dma source(%dma_start3A_1460 : memref<16777216xi32, #tpu.memory_space<hbm>>) target(%dma_start3A_1456 : memref<128xi32, #tpu.memory_space<vmem>>) offsets(%dma_start3A_1458 : memref<128xi32, #tpu.memory_space<vmem>>) semaphore(%arg21 : memref<!tpu.dma_semaphore, #tpu.memory_space<semaphore_mem>>)
    } else {
    }
    %ge3A_244 = arith.constant 1024 : i32
    %ge3A_245 = arith.cmpi sge, %reduce_max3A_29, %ge3A_244 : i32
    %convert_element_type3A_246 = arith.extui %ge3A_245 : i1 to i32
    %cond3A_247 = arith.constant 0 : i32
    %cond3A_248 = arith.cmpi ne, %convert_element_type3A_246, %cond3A_247 : i32
    scf.if %cond3A_248 {
      %dma_start3A_1455 = arith.constant 768 : i32
      %dma_start3A_1456 = tpu.memref_slice %arg12[%dma_start3A_1455] : memref<5120xi32, #tpu.memory_space<vmem>> -> memref<128xi32, #tpu.memory_space<vmem>>
      %dma_start3A_1457 = arith.constant 768 : i32
      %dma_start3A_1458 = tpu.memref_slice %arg11[%dma_start3A_1457] : memref<5120xi32, #tpu.memory_space<vmem>> -> memref<128xi32, #tpu.memory_space<vmem>>
      %dma_start3A_1459 = arith.constant 0 : i32
      %dma_start3A_1460 = tpu.memref_slice %arg3[%dma_start3A_1459] : memref<16777216xi32, #tpu.memory_space<hbm>> -> memref<16777216xi32, #tpu.memory_space<hbm>>
      tpu.enqueue_indirect_dma source(%dma_start3A_1460 : memref<16777216xi32, #tpu.memory_space<hbm>>) target(%dma_start3A_1456 : memref<128xi32, #tpu.memory_space<vmem>>) offsets(%dma_start3A_1458 : memref<128xi32, #tpu.memory_space<vmem>>) semaphore(%arg21 : memref<!tpu.dma_semaphore, #tpu.memory_space<semaphore_mem>>)
    } else {
    }
    %lt3A_249 = arith.constant 1024 : i32
    %lt3A_250 = arith.cmpi slt, %reduce_max3A_29, %lt3A_249 : i32
    %convert_element_type3A_251 = arith.extui %lt3A_250 : i1 to i32
    %cond3A_252 = arith.constant 0 : i32
    %cond3A_253 = arith.cmpi ne, %convert_element_type3A_251, %cond3A_252 : i32
    scf.if %cond3A_253 {
      %dma_start3A_1455 = arith.constant 896 : i32
      %dma_start3A_1456 = tpu.memref_slice %arg12[%dma_start3A_1455] : memref<5120xi32, #tpu.memory_space<vmem>> -> memref<128xi32, #tpu.memory_space<vmem>>
      %dma_start3A_1457 = arith.constant 896 : i32
      %dma_start3A_1458 = tpu.memref_slice %arg11[%dma_start3A_1457] : memref<5120xi32, #tpu.memory_space<vmem>> -> memref<128xi32, #tpu.memory_space<vmem>>
      %dma_start3A_1459 = arith.constant 0 : i32
      %dma_start3A_1460 = tpu.memref_slice %arg2[%dma_start3A_1459] : memref<16777216xi32, #tpu.memory_space<hbm>> -> memref<16777216xi32, #tpu.memory_space<hbm>>
      tpu.enqueue_indirect_dma source(%dma_start3A_1460 : memref<16777216xi32, #tpu.memory_space<hbm>>) target(%dma_start3A_1456 : memref<128xi32, #tpu.memory_space<vmem>>) offsets(%dma_start3A_1458 : memref<128xi32, #tpu.memory_space<vmem>>) semaphore(%arg21 : memref<!tpu.dma_semaphore, #tpu.memory_space<semaphore_mem>>)
    } else {
    }
    %ge3A_254 = arith.constant 1024 : i32
    %ge3A_255 = arith.cmpi sge, %reduce_max3A_29, %ge3A_254 : i32
    %convert_element_type3A_256 = arith.extui %ge3A_255 : i1 to i32
    %cond3A_257 = arith.constant 0 : i32
    %cond3A_258 = arith.cmpi ne, %convert_element_type3A_256, %cond3A_257 : i32
    scf.if %cond3A_258 {
      %dma_start3A_1455 = arith.constant 896 : i32
      %dma_start3A_1456 = tpu.memref_slice %arg12[%dma_start3A_1455] : memref<5120xi32, #tpu.memory_space<vmem>> -> memref<128xi32, #tpu.memory_space<vmem>>
      %dma_start3A_1457 = arith.constant 896 : i32
      %dma_start3A_1458 = tpu.memref_slice %arg11[%dma_start3A_1457] : memref<5120xi32, #tpu.memory_space<vmem>> -> memref<128xi32, #tpu.memory_space<vmem>>
      %dma_start3A_1459 = arith.constant 0 : i32
      %dma_start3A_1460 = tpu.memref_slice %arg3[%dma_start3A_1459] : memref<16777216xi32, #tpu.memory_space<hbm>> -> memref<16777216xi32, #tpu.memory_space<hbm>>
      tpu.enqueue_indirect_dma source(%dma_start3A_1460 : memref<16777216xi32, #tpu.memory_space<hbm>>) target(%dma_start3A_1456 : memref<128xi32, #tpu.memory_space<vmem>>) offsets(%dma_start3A_1458 : memref<128xi32, #tpu.memory_space<vmem>>) semaphore(%arg21 : memref<!tpu.dma_semaphore, #tpu.memory_space<semaphore_mem>>)
    } else {
    }
    %lt3A_259 = arith.constant 1024 : i32
    %lt3A_260 = arith.cmpi slt, %reduce_max3A_43, %lt3A_259 : i32
    %sub3A_261 = arith.constant 1024 : i32
    %sub3A_262 = arith.subi %reduce_max3A_43, %sub3A_261 : i32
    %select_n3A_263 = arith.select %lt3A_260, %reduce_max3A_43, %sub3A_262 : i32
    %shift_right_arithmetic3A_264 = arith.constant 7 : i32
    %shift_right_arithmetic3A_265 = arith.shrsi %select_n3A_263, %shift_right_arithmetic3A_264 : i32
    %mul3A_266 = arith.constant 1024 : i32
    %mul3A_267 = arith.muli %shift_right_arithmetic3A_265, %mul3A_266 : i32
    %and3A_268 = arith.constant 127 : i32
    %and3A_269 = arith.andi %select_n3A_263, %and3A_268 : i32
    %add3A_270 = arith.addi %mul3A_267, %and3A_269 : i32
    %scan3A_271 = arith.constant 0 : i32
    %scan3A_272 = arith.constant 0 : i32
    %scan3A_273 = arith.constant 8 : i32
    %scan3A_274 = arith.addi %scan3A_272, %scan3A_273 : i32
    %scan3A_275 = arith.constant 1 : i32
    %scan3A_276 = scf.for %scan3A_1455 = %scan3A_272 to %scan3A_274 step %scan3A_275 iter_args(%scan3A_1456 = %scan3A_271) -> (i32)  : i32 {
      %mul3A_1457 = arith.constant 64 : i32
      %mul3A_1458 = arith.muli %scan3A_1455, %mul3A_1457 : i32
      %add3A_1459 = arith.constant 0 : i32
      %add3A_1460 = arith.addi %mul3A_1458, %add3A_1459 : i32
      %get3A_1461 = arith.index_cast %add3A_1460 : i32 to index
      %get3A_1462 = tpu.vector_load %arg10[%get3A_1461] {strides = array<i32>} : memref<512xi32, #tpu.memory_space<vmem>>, vector<16xi32>,
      %add3A_1463 = vector.broadcast %add3A_270 : i32 to vector<16xi32>
      %add3A_1464 = arith.addi %get3A_1462, %add3A_1463 : vector<16xi32>
      %add3A_1465 = arith.constant 1024 : i32
      %add3A_1466 = arith.addi %add3A_1465, %add3A_1460 : i32
      %swap3A_1467 = arith.index_cast %add3A_1466 : i32 to index
      %swap3A_1468 = tpu.vector_load %arg11[%swap3A_1467] {strides = array<i32>} : memref<5120xi32, #tpu.memory_space<vmem>>, vector<16xi32>,
      tpu.vector_store %arg11[%swap3A_1467], %add3A_1464 {strides = array<i32>} : memref<5120xi32, #tpu.memory_space<vmem>>, vector<16xi32>,
      %mul3A_1469 = arith.constant 64 : i32
      %mul3A_1470 = arith.muli %scan3A_1455, %mul3A_1469 : i32
      %add3A_1471 = arith.constant 16 : i32
      %add3A_1472 = arith.addi %mul3A_1470, %add3A_1471 : i32
      %get3A_1473 = arith.index_cast %add3A_1472 : i32 to index
      %get3A_1474 = tpu.vector_load %arg10[%get3A_1473] {strides = array<i32>} : memref<512xi32, #tpu.memory_space<vmem>>, vector<16xi32>,
      %add3A_1475 = vector.broadcast %add3A_270 : i32 to vector<16xi32>
      %add3A_1476 = arith.addi %get3A_1474, %add3A_1475 : vector<16xi32>
      %add3A_1477 = arith.constant 1024 : i32
      %add3A_1478 = arith.addi %add3A_1477, %add3A_1472 : i32
      %swap3A_1479 = arith.index_cast %add3A_1478 : i32 to index
      %swap3A_1480 = tpu.vector_load %arg11[%swap3A_1479] {strides = array<i32>} : memref<5120xi32, #tpu.memory_space<vmem>>, vector<16xi32>,
      tpu.vector_store %arg11[%swap3A_1479], %add3A_1476 {strides = array<i32>} : memref<5120xi32, #tpu.memory_space<vmem>>, vector<16xi32>,
      %mul3A_1481 = arith.constant 64 : i32
      %mul3A_1482 = arith.muli %scan3A_1455, %mul3A_1481 : i32
      %add3A_1483 = arith.constant 32 : i32
      %add3A_1484 = arith.addi %mul3A_1482, %add3A_1483 : i32
      %get3A_1485 = arith.index_cast %add3A_1484 : i32 to index
      %get3A_1486 = tpu.vector_load %arg10[%get3A_1485] {strides = array<i32>} : memref<512xi32, #tpu.memory_space<vmem>>, vector<16xi32>,
      %add3A_1487 = vector.broadcast %add3A_270 : i32 to vector<16xi32>
      %add3A_1488 = arith.addi %get3A_1486, %add3A_1487 : vector<16xi32>
      %add3A_1489 = arith.constant 1024 : i32
      %add3A_1490 = arith.addi %add3A_1489, %add3A_1484 : i32
      %swap3A_1491 = arith.index_cast %add3A_1490 : i32 to index
      %swap3A_1492 = tpu.vector_load %arg11[%swap3A_1491] {strides = array<i32>} : memref<5120xi32, #tpu.memory_space<vmem>>, vector<16xi32>,
      tpu.vector_store %arg11[%swap3A_1491], %add3A_1488 {strides = array<i32>} : memref<5120xi32, #tpu.memory_space<vmem>>, vector<16xi32>,
      %mul3A_1493 = arith.constant 64 : i32
      %mul3A_1494 = arith.muli %scan3A_1455, %mul3A_1493 : i32
      %add3A_1495 = arith.constant 48 : i32
      %add3A_1496 = arith.addi %mul3A_1494, %add3A_1495 : i32
      %get3A_1497 = arith.index_cast %add3A_1496 : i32 to index
      %get3A_1498 = tpu.vector_load %arg10[%get3A_1497] {strides = array<i32>} : memref<512xi32, #tpu.memory_space<vmem>>, vector<16xi32>,
      %add3A_1499 = vector.broadcast %add3A_270 : i32 to vector<16xi32>
      %add3A_1500 = arith.addi %get3A_1498, %add3A_1499 : vector<16xi32>
      %add3A_1501 = arith.constant 1024 : i32
      %add3A_1502 = arith.addi %add3A_1501, %add3A_1496 : i32
      %swap3A_1503 = arith.index_cast %add3A_1502 : i32 to index
      %swap3A_1504 = tpu.vector_load %arg11[%swap3A_1503] {strides = array<i32>} : memref<5120xi32, #tpu.memory_space<vmem>>, vector<16xi32>,
      tpu.vector_store %arg11[%swap3A_1503], %add3A_1500 {strides = array<i32>} : memref<5120xi32, #tpu.memory_space<vmem>>, vector<16xi32>,
      %scan3A_1505 = arith.constant 0 : i32
      scf.yield %scan3A_1505 : i32
    }
    %scan3A_277 = arith.constant 8 : i32
    %lt3A_278 = arith.constant 1024 : i32
    %lt3A_279 = arith.cmpi slt, %reduce_max3A_43, %lt3A_278 : i32
    %convert_element_type3A_280 = arith.extui %lt3A_279 : i1 to i32
    %cond3A_281 = arith.constant 0 : i32
    %cond3A_282 = arith.cmpi ne, %convert_element_type3A_280, %cond3A_281 : i32
    scf.if %cond3A_282 {
      %dma_start3A_1455 = arith.constant 1024 : i32
      %dma_start3A_1456 = tpu.memref_slice %arg12[%dma_start3A_1455] : memref<5120xi32, #tpu.memory_space<vmem>> -> memref<128xi32, #tpu.memory_space<vmem>>
      %dma_start3A_1457 = arith.constant 1024 : i32
      %dma_start3A_1458 = tpu.memref_slice %arg11[%dma_start3A_1457] : memref<5120xi32, #tpu.memory_space<vmem>> -> memref<128xi32, #tpu.memory_space<vmem>>
      %dma_start3A_1459 = arith.constant 0 : i32
      %dma_start3A_1460 = tpu.memref_slice %arg2[%dma_start3A_1459] : memref<16777216xi32, #tpu.memory_space<hbm>> -> memref<16777216xi32, #tpu.memory_space<hbm>>
      tpu.enqueue_indirect_dma source(%dma_start3A_1460 : memref<16777216xi32, #tpu.memory_space<hbm>>) target(%dma_start3A_1456 : memref<128xi32, #tpu.memory_space<vmem>>) offsets(%dma_start3A_1458 : memref<128xi32, #tpu.memory_space<vmem>>) semaphore(%arg21 : memref<!tpu.dma_semaphore, #tpu.memory_space<semaphore_mem>>)
    } else {
    }
    %ge3A_283 = arith.constant 1024 : i32
    %ge3A_284 = arith.cmpi sge, %reduce_max3A_43, %ge3A_283 : i32
    %convert_element_type3A_285 = arith.extui %ge3A_284 : i1 to i32
    %cond3A_286 = arith.constant 0 : i32
    %cond3A_287 = arith.cmpi ne, %convert_element_type3A_285, %cond3A_286 : i32
    scf.if %cond3A_287 {
      %dma_start3A_1455 = arith.constant 1024 : i32
      %dma_start3A_1456 = tpu.memref_slice %arg12[%dma_start3A_1455] : memref<5120xi32, #tpu.memory_space<vmem>> -> memref<128xi32, #tpu.memory_space<vmem>>
      %dma_start3A_1457 = arith.constant 1024 : i32
      %dma_start3A_1458 = tpu.memref_slice %arg11[%dma_start3A_1457] : memref<5120xi32, #tpu.memory_space<vmem>> -> memref<128xi32, #tpu.memory_space<vmem>>
      %dma_start3A_1459 = arith.constant 0 : i32
      %dma_start3A_1460 = tpu.memref_slice %arg3[%dma_start3A_1459] : memref<16777216xi32, #tpu.memory_space<hbm>> -> memref<16777216xi32, #tpu.memory_space<hbm>>
      tpu.enqueue_indirect_dma source(%dma_start3A_1460 : memref<16777216xi32, #tpu.memory_space<hbm>>) target(%dma_start3A_1456 : memref<128xi32, #tpu.memory_space<vmem>>) offsets(%dma_start3A_1458 : memref<128xi32, #tpu.memory_space<vmem>>) semaphore(%arg21 : memref<!tpu.dma_semaphore, #tpu.memory_space<semaphore_mem>>)
    } else {
    }
    %lt3A_288 = arith.constant 1024 : i32
    %lt3A_289 = arith.cmpi slt, %reduce_max3A_43, %lt3A_288 : i32
    %convert_element_type3A_290 = arith.extui %lt3A_289 : i1 to i32
    %cond3A_291 = arith.constant 0 : i32
    %cond3A_292 = arith.cmpi ne, %convert_element_type3A_290, %cond3A_291 : i32
    scf.if %cond3A_292 {
      %dma_start3A_1455 = arith.constant 1152 : i32
      %dma_start3A_1456 = tpu.memref_slice %arg12[%dma_start3A_1455] : memref<5120xi32, #tpu.memory_space<vmem>> -> memref<128xi32, #tpu.memory_space<vmem>>
      %dma_start3A_1457 = arith.constant 1152 : i32
      %dma_start3A_1458 = tpu.memref_slice %arg11[%dma_start3A_1457] : memref<5120xi32, #tpu.memory_space<vmem>> -> memref<128xi32, #tpu.memory_space<vmem>>
      %dma_start3A_1459 = arith.constant 0 : i32
      %dma_start3A_1460 = tpu.memref_slice %arg2[%dma_start3A_1459] : memref<16777216xi32, #tpu.memory_space<hbm>> -> memref<16777216xi32, #tpu.memory_space<hbm>>
      tpu.enqueue_indirect_dma source(%dma_start3A_1460 : memref<16777216xi32, #tpu.memory_space<hbm>>) target(%dma_start3A_1456 : memref<128xi32, #tpu.memory_space<vmem>>) offsets(%dma_start3A_1458 : memref<128xi32, #tpu.memory_space<vmem>>) semaphore(%arg21 : memref<!tpu.dma_semaphore, #tpu.memory_space<semaphore_mem>>)
    } else {
    }
    %ge3A_293 = arith.constant 1024 : i32
    %ge3A_294 = arith.cmpi sge, %reduce_max3A_43, %ge3A_293 : i32
    %convert_element_type3A_295 = arith.extui %ge3A_294 : i1 to i32
    %cond3A_296 = arith.constant 0 : i32
    %cond3A_297 = arith.cmpi ne, %convert_element_type3A_295, %cond3A_296 : i32
    scf.if %cond3A_297 {
      %dma_start3A_1455 = arith.constant 1152 : i32
      %dma_start3A_1456 = tpu.memref_slice %arg12[%dma_start3A_1455] : memref<5120xi32, #tpu.memory_space<vmem>> -> memref<128xi32, #tpu.memory_space<vmem>>
      %dma_start3A_1457 = arith.constant 1152 : i32
      %dma_start3A_1458 = tpu.memref_slice %arg11[%dma_start3A_1457] : memref<5120xi32, #tpu.memory_space<vmem>> -> memref<128xi32, #tpu.memory_space<vmem>>
      %dma_start3A_1459 = arith.constant 0 : i32
      %dma_start3A_1460 = tpu.memref_slice %arg3[%dma_start3A_1459] : memref<16777216xi32, #tpu.memory_space<hbm>> -> memref<16777216xi32, #tpu.memory_space<hbm>>
      tpu.enqueue_indirect_dma source(%dma_start3A_1460 : memref<16777216xi32, #tpu.memory_space<hbm>>) target(%dma_start3A_1456 : memref<128xi32, #tpu.memory_space<vmem>>) offsets(%dma_start3A_1458 : memref<128xi32, #tpu.memory_space<vmem>>) semaphore(%arg21 : memref<!tpu.dma_semaphore, #tpu.memory_space<semaphore_mem>>)
    } else {
    }
    %lt3A_298 = arith.constant 1024 : i32
    %lt3A_299 = arith.cmpi slt, %reduce_max3A_43, %lt3A_298 : i32
    %convert_element_type3A_300 = arith.extui %lt3A_299 : i1 to i32
    %cond3A_301 = arith.constant 0 : i32
    %cond3A_302 = arith.cmpi ne, %convert_element_type3A_300, %cond3A_301 : i32
    scf.if %cond3A_302 {
      %dma_start3A_1455 = arith.constant 1280 : i32
      %dma_start3A_1456 = tpu.memref_slice %arg12[%dma_start3A_1455] : memref<5120xi32, #tpu.memory_space<vmem>> -> memref<128xi32, #tpu.memory_space<vmem>>
      %dma_start3A_1457 = arith.constant 1280 : i32
      %dma_start3A_1458 = tpu.memref_slice %arg11[%dma_start3A_1457] : memref<5120xi32, #tpu.memory_space<vmem>> -> memref<128xi32, #tpu.memory_space<vmem>>
      %dma_start3A_1459 = arith.constant 0 : i32
      %dma_start3A_1460 = tpu.memref_slice %arg2[%dma_start3A_1459] : memref<16777216xi32, #tpu.memory_space<hbm>> -> memref<16777216xi32, #tpu.memory_space<hbm>>
      tpu.enqueue_indirect_dma source(%dma_start3A_1460 : memref<16777216xi32, #tpu.memory_space<hbm>>) target(%dma_start3A_1456 : memref<128xi32, #tpu.memory_space<vmem>>) offsets(%dma_start3A_1458 : memref<128xi32, #tpu.memory_space<vmem>>) semaphore(%arg21 : memref<!tpu.dma_semaphore, #tpu.memory_space<semaphore_mem>>)
    } else {
    }
    %ge3A_303 = arith.constant 1024 : i32
    %ge3A_304 = arith.cmpi sge, %reduce_max3A_43, %ge3A_303 : i32
    %convert_element_type3A_305 = arith.extui %ge3A_304 : i1 to i32
    %cond3A_306 = arith.constant 0 : i32
    %cond3A_307 = arith.cmpi ne, %convert_element_type3A_305, %cond3A_306 : i32
    scf.if %cond3A_307 {
      %dma_start3A_1455 = arith.constant 1280 : i32
      %dma_start3A_1456 = tpu.memref_slice %arg12[%dma_start3A_1455] : memref<5120xi32, #tpu.memory_space<vmem>> -> memref<128xi32, #tpu.memory_space<vmem>>
      %dma_start3A_1457 = arith.constant 1280 : i32
      %dma_start3A_1458 = tpu.memref_slice %arg11[%dma_start3A_1457] : memref<5120xi32, #tpu.memory_space<vmem>> -> memref<128xi32, #tpu.memory_space<vmem>>
      %dma_start3A_1459 = arith.constant 0 : i32
      %dma_start3A_1460 = tpu.memref_slice %arg3[%dma_start3A_1459] : memref<16777216xi32, #tpu.memory_space<hbm>> -> memref<16777216xi32, #tpu.memory_space<hbm>>
      tpu.enqueue_indirect_dma source(%dma_start3A_1460 : memref<16777216xi32, #tpu.memory_space<hbm>>) target(%dma_start3A_1456 : memref<128xi32, #tpu.memory_space<vmem>>) offsets(%dma_start3A_1458 : memref<128xi32, #tpu.memory_space<vmem>>) semaphore(%arg21 : memref<!tpu.dma_semaphore, #tpu.memory_space<semaphore_mem>>)
    } else {
    }
    %lt3A_308 = arith.constant 1024 : i32
    %lt3A_309 = arith.cmpi slt, %reduce_max3A_43, %lt3A_308 : i32
    %convert_element_type3A_310 = arith.extui %lt3A_309 : i1 to i32
    %cond3A_311 = arith.constant 0 : i32
    %cond3A_312 = arith.cmpi ne, %convert_element_type3A_310, %cond3A_311 : i32
    scf.if %cond3A_312 {
      %dma_start3A_1455 = arith.constant 1408 : i32
      %dma_start3A_1456 = tpu.memref_slice %arg12[%dma_start3A_1455] : memref<5120xi32, #tpu.memory_space<vmem>> -> memref<128xi32, #tpu.memory_space<vmem>>
      %dma_start3A_1457 = arith.constant 1408 : i32
      %dma_start3A_1458 = tpu.memref_slice %arg11[%dma_start3A_1457] : memref<5120xi32, #tpu.memory_space<vmem>> -> memref<128xi32, #tpu.memory_space<vmem>>
      %dma_start3A_1459 = arith.constant 0 : i32
      %dma_start3A_1460 = tpu.memref_slice %arg2[%dma_start3A_1459] : memref<16777216xi32, #tpu.memory_space<hbm>> -> memref<16777216xi32, #tpu.memory_space<hbm>>
      tpu.enqueue_indirect_dma source(%dma_start3A_1460 : memref<16777216xi32, #tpu.memory_space<hbm>>) target(%dma_start3A_1456 : memref<128xi32, #tpu.memory_space<vmem>>) offsets(%dma_start3A_1458 : memref<128xi32, #tpu.memory_space<vmem>>) semaphore(%arg21 : memref<!tpu.dma_semaphore, #tpu.memory_space<semaphore_mem>>)
    } else {
    }
    %ge3A_313 = arith.constant 1024 : i32
    %ge3A_314 = arith.cmpi sge, %reduce_max3A_43, %ge3A_313 : i32
    %convert_element_type3A_315 = arith.extui %ge3A_314 : i1 to i32
    %cond3A_316 = arith.constant 0 : i32
    %cond3A_317 = arith.cmpi ne, %convert_element_type3A_315, %cond3A_316 : i32
    scf.if %cond3A_317 {
      %dma_start3A_1455 = arith.constant 1408 : i32
      %dma_start3A_1456 = tpu.memref_slice %arg12[%dma_start3A_1455] : memref<5120xi32, #tpu.memory_space<vmem>> -> memref<128xi32, #tpu.memory_space<vmem>>
      %dma_start3A_1457 = arith.constant 1408 : i32
      %dma_start3A_1458 = tpu.memref_slice %arg11[%dma_start3A_1457] : memref<5120xi32, #tpu.memory_space<vmem>> -> memref<128xi32, #tpu.memory_space<vmem>>
      %dma_start3A_1459 = arith.constant 0 : i32
      %dma_start3A_1460 = tpu.memref_slice %arg3[%dma_start3A_1459] : memref<16777216xi32, #tpu.memory_space<hbm>> -> memref<16777216xi32, #tpu.memory_space<hbm>>
      tpu.enqueue_indirect_dma source(%dma_start3A_1460 : memref<16777216xi32, #tpu.memory_space<hbm>>) target(%dma_start3A_1456 : memref<128xi32, #tpu.memory_space<vmem>>) offsets(%dma_start3A_1458 : memref<128xi32, #tpu.memory_space<vmem>>) semaphore(%arg21 : memref<!tpu.dma_semaphore, #tpu.memory_space<semaphore_mem>>)
    } else {
    }
    %lt3A_318 = arith.constant 1024 : i32
    %lt3A_319 = arith.cmpi slt, %reduce_max3A_57, %lt3A_318 : i32
    %sub3A_320 = arith.constant 1024 : i32
    %sub3A_321 = arith.subi %reduce_max3A_57, %sub3A_320 : i32
    %select_n3A_322 = arith.select %lt3A_319, %reduce_max3A_57, %sub3A_321 : i32
    %shift_right_arithmetic3A_323 = arith.constant 7 : i32
    %shift_right_arithmetic3A_324 = arith.shrsi %select_n3A_322, %shift_right_arithmetic3A_323 : i32
    %mul3A_325 = arith.constant 1024 : i32
    %mul3A_326 = arith.muli %shift_right_arithmetic3A_324, %mul3A_325 : i32
    %and3A_327 = arith.constant 127 : i32
    %and3A_328 = arith.andi %select_n3A_322, %and3A_327 : i32
    %add3A_329 = arith.addi %mul3A_326, %and3A_328 : i32
    %scan3A_330 = arith.constant 0 : i32
    %scan3A_331 = arith.constant 0 : i32
    %scan3A_332 = arith.constant 8 : i32
    %scan3A_333 = arith.addi %scan3A_331, %scan3A_332 : i32
    %scan3A_334 = arith.constant 1 : i32
    %scan3A_335 = scf.for %scan3A_1455 = %scan3A_331 to %scan3A_333 step %scan3A_334 iter_args(%scan3A_1456 = %scan3A_330) -> (i32)  : i32 {
      %mul3A_1457 = arith.constant 64 : i32
      %mul3A_1458 = arith.muli %scan3A_1455, %mul3A_1457 : i32
      %add3A_1459 = arith.constant 0 : i32
      %add3A_1460 = arith.addi %mul3A_1458, %add3A_1459 : i32
      %get3A_1461 = arith.index_cast %add3A_1460 : i32 to index
      %get3A_1462 = tpu.vector_load %arg10[%get3A_1461] {strides = array<i32>} : memref<512xi32, #tpu.memory_space<vmem>>, vector<16xi32>,
      %add3A_1463 = vector.broadcast %add3A_329 : i32 to vector<16xi32>
      %add3A_1464 = arith.addi %get3A_1462, %add3A_1463 : vector<16xi32>
      %add3A_1465 = arith.constant 1536 : i32
      %add3A_1466 = arith.addi %add3A_1465, %add3A_1460 : i32
      %swap3A_1467 = arith.index_cast %add3A_1466 : i32 to index
      %swap3A_1468 = tpu.vector_load %arg11[%swap3A_1467] {strides = array<i32>} : memref<5120xi32, #tpu.memory_space<vmem>>, vector<16xi32>,
      tpu.vector_store %arg11[%swap3A_1467], %add3A_1464 {strides = array<i32>} : memref<5120xi32, #tpu.memory_space<vmem>>, vector<16xi32>,
      %mul3A_1469 = arith.constant 64 : i32
      %mul3A_1470 = arith.muli %scan3A_1455, %mul3A_1469 : i32
      %add3A_1471 = arith.constant 16 : i32
      %add3A_1472 = arith.addi %mul3A_1470, %add3A_1471 : i32
      %get3A_1473 = arith.index_cast %add3A_1472 : i32 to index
      %get3A_1474 = tpu.vector_load %arg10[%get3A_1473] {strides = array<i32>} : memref<512xi32, #tpu.memory_space<vmem>>, vector<16xi32>,
      %add3A_1475 = vector.broadcast %add3A_329 : i32 to vector<16xi32>
      %add3A_1476 = arith.addi %get3A_1474, %add3A_1475 : vector<16xi32>
      %add3A_1477 = arith.constant 1536 : i32
      %add3A_1478 = arith.addi %add3A_1477, %add3A_1472 : i32
      %swap3A_1479 = arith.index_cast %add3A_1478 : i32 to index
      %swap3A_1480 = tpu.vector_load %arg11[%swap3A_1479] {strides = array<i32>} : memref<5120xi32, #tpu.memory_space<vmem>>, vector<16xi32>,
      tpu.vector_store %arg11[%swap3A_1479], %add3A_1476 {strides = array<i32>} : memref<5120xi32, #tpu.memory_space<vmem>>, vector<16xi32>,
      %mul3A_1481 = arith.constant 64 : i32
      %mul3A_1482 = arith.muli %scan3A_1455, %mul3A_1481 : i32
      %add3A_1483 = arith.constant 32 : i32
      %add3A_1484 = arith.addi %mul3A_1482, %add3A_1483 : i32
      %get3A_1485 = arith.index_cast %add3A_1484 : i32 to index
      %get3A_1486 = tpu.vector_load %arg10[%get3A_1485] {strides = array<i32>} : memref<512xi32, #tpu.memory_space<vmem>>, vector<16xi32>,
      %add3A_1487 = vector.broadcast %add3A_329 : i32 to vector<16xi32>
      %add3A_1488 = arith.addi %get3A_1486, %add3A_1487 : vector<16xi32>
      %add3A_1489 = arith.constant 1536 : i32
      %add3A_1490 = arith.addi %add3A_1489, %add3A_1484 : i32
      %swap3A_1491 = arith.index_cast %add3A_1490 : i32 to index
      %swap3A_1492 = tpu.vector_load %arg11[%swap3A_1491] {strides = array<i32>} : memref<5120xi32, #tpu.memory_space<vmem>>, vector<16xi32>,
      tpu.vector_store %arg11[%swap3A_1491], %add3A_1488 {strides = array<i32>} : memref<5120xi32, #tpu.memory_space<vmem>>, vector<16xi32>,
      %mul3A_1493 = arith.constant 64 : i32
      %mul3A_1494 = arith.muli %scan3A_1455, %mul3A_1493 : i32
      %add3A_1495 = arith.constant 48 : i32
      %add3A_1496 = arith.addi %mul3A_1494, %add3A_1495 : i32
      %get3A_1497 = arith.index_cast %add3A_1496 : i32 to index
      %get3A_1498 = tpu.vector_load %arg10[%get3A_1497] {strides = array<i32>} : memref<512xi32, #tpu.memory_space<vmem>>, vector<16xi32>,
      %add3A_1499 = vector.broadcast %add3A_329 : i32 to vector<16xi32>
      %add3A_1500 = arith.addi %get3A_1498, %add3A_1499 : vector<16xi32>
      %add3A_1501 = arith.constant 1536 : i32
      %add3A_1502 = arith.addi %add3A_1501, %add3A_1496 : i32
      %swap3A_1503 = arith.index_cast %add3A_1502 : i32 to index
      %swap3A_1504 = tpu.vector_load %arg11[%swap3A_1503] {strides = array<i32>} : memref<5120xi32, #tpu.memory_space<vmem>>, vector<16xi32>,
      tpu.vector_store %arg11[%swap3A_1503], %add3A_1500 {strides = array<i32>} : memref<5120xi32, #tpu.memory_space<vmem>>, vector<16xi32>,
      %scan3A_1505 = arith.constant 0 : i32
      scf.yield %scan3A_1505 : i32
    }
    %scan3A_336 = arith.constant 8 : i32
    %lt3A_337 = arith.constant 1024 : i32
    %lt3A_338 = arith.cmpi slt, %reduce_max3A_57, %lt3A_337 : i32
    %convert_element_type3A_339 = arith.extui %lt3A_338 : i1 to i32
    %cond3A_340 = arith.constant 0 : i32
    %cond3A_341 = arith.cmpi ne, %convert_element_type3A_339, %cond3A_340 : i32
    scf.if %cond3A_341 {
      %dma_start3A_1455 = arith.constant 1536 : i32
      %dma_start3A_1456 = tpu.memref_slice %arg12[%dma_start3A_1455] : memref<5120xi32, #tpu.memory_space<vmem>> -> memref<128xi32, #tpu.memory_space<vmem>>
      %dma_start3A_1457 = arith.constant 1536 : i32
      %dma_start3A_1458 = tpu.memref_slice %arg11[%dma_start3A_1457] : memref<5120xi32, #tpu.memory_space<vmem>> -> memref<128xi32, #tpu.memory_space<vmem>>
      %dma_start3A_1459 = arith.constant 0 : i32
      %dma_start3A_1460 = tpu.memref_slice %arg2[%dma_start3A_1459] : memref<16777216xi32, #tpu.memory_space<hbm>> -> memref<16777216xi32, #tpu.memory_space<hbm>>
      tpu.enqueue_indirect_dma source(%dma_start3A_1460 : memref<16777216xi32, #tpu.memory_space<hbm>>) target(%dma_start3A_1456 : memref<128xi32, #tpu.memory_space<vmem>>) offsets(%dma_start3A_1458 : memref<128xi32, #tpu.memory_space<vmem>>) semaphore(%arg21 : memref<!tpu.dma_semaphore, #tpu.memory_space<semaphore_mem>>)
    } else {
    }
    %ge3A_342 = arith.constant 1024 : i32
    %ge3A_343 = arith.cmpi sge, %reduce_max3A_57, %ge3A_342 : i32
    %convert_element_type3A_344 = arith.extui %ge3A_343 : i1 to i32
    %cond3A_345 = arith.constant 0 : i32
    %cond3A_346 = arith.cmpi ne, %convert_element_type3A_344, %cond3A_345 : i32
    scf.if %cond3A_346 {
      %dma_start3A_1455 = arith.constant 1536 : i32
      %dma_start3A_1456 = tpu.memref_slice %arg12[%dma_start3A_1455] : memref<5120xi32, #tpu.memory_space<vmem>> -> memref<128xi32, #tpu.memory_space<vmem>>
      %dma_start3A_1457 = arith.constant 1536 : i32
      %dma_start3A_1458 = tpu.memref_slice %arg11[%dma_start3A_1457] : memref<5120xi32, #tpu.memory_space<vmem>> -> memref<128xi32, #tpu.memory_space<vmem>>
      %dma_start3A_1459 = arith.constant 0 : i32
      %dma_start3A_1460 = tpu.memref_slice %arg3[%dma_start3A_1459] : memref<16777216xi32, #tpu.memory_space<hbm>> -> memref<16777216xi32, #tpu.memory_space<hbm>>
      tpu.enqueue_indirect_dma source(%dma_start3A_1460 : memref<16777216xi32, #tpu.memory_space<hbm>>) target(%dma_start3A_1456 : memref<128xi32, #tpu.memory_space<vmem>>) offsets(%dma_start3A_1458 : memref<128xi32, #tpu.memory_space<vmem>>) semaphore(%arg21 : memref<!tpu.dma_semaphore, #tpu.memory_space<semaphore_mem>>)
    } else {
    }
    %lt3A_347 = arith.constant 1024 : i32
    %lt3A_348 = arith.cmpi slt, %reduce_max3A_57, %lt3A_347 : i32
    %convert_element_type3A_349 = arith.extui %lt3A_348 : i1 to i32
    %cond3A_350 = arith.constant 0 : i32
    %cond3A_351 = arith.cmpi ne, %convert_element_type3A_349, %cond3A_350 : i32
    scf.if %cond3A_351 {
      %dma_start3A_1455 = arith.constant 1664 : i32
      %dma_start3A_1456 = tpu.memref_slice %arg12[%dma_start3A_1455] : memref<5120xi32, #tpu.memory_space<vmem>> -> memref<128xi32, #tpu.memory_space<vmem>>
      %dma_start3A_1457 = arith.constant 1664 : i32
      %dma_start3A_1458 = tpu.memref_slice %arg11[%dma_start3A_1457] : memref<5120xi32, #tpu.memory_space<vmem>> -> memref<128xi32, #tpu.memory_space<vmem>>
      %dma_start3A_1459 = arith.constant 0 : i32
      %dma_start3A_1460 = tpu.memref_slice %arg2[%dma_start3A_1459] : memref<16777216xi32, #tpu.memory_space<hbm>> -> memref<16777216xi32, #tpu.memory_space<hbm>>
      tpu.enqueue_indirect_dma source(%dma_start3A_1460 : memref<16777216xi32, #tpu.memory_space<hbm>>) target(%dma_start3A_1456 : memref<128xi32, #tpu.memory_space<vmem>>) offsets(%dma_start3A_1458 : memref<128xi32, #tpu.memory_space<vmem>>) semaphore(%arg21 : memref<!tpu.dma_semaphore, #tpu.memory_space<semaphore_mem>>)
    } else {
    }
    %ge3A_352 = arith.constant 1024 : i32
    %ge3A_353 = arith.cmpi sge, %reduce_max3A_57, %ge3A_352 : i32
    %convert_element_type3A_354 = arith.extui %ge3A_353 : i1 to i32
    %cond3A_355 = arith.constant 0 : i32
    %cond3A_356 = arith.cmpi ne, %convert_element_type3A_354, %cond3A_355 : i32
    scf.if %cond3A_356 {
      %dma_start3A_1455 = arith.constant 1664 : i32
      %dma_start3A_1456 = tpu.memref_slice %arg12[%dma_start3A_1455] : memref<5120xi32, #tpu.memory_space<vmem>> -> memref<128xi32, #tpu.memory_space<vmem>>
      %dma_start3A_1457 = arith.constant 1664 : i32
      %dma_start3A_1458 = tpu.memref_slice %arg11[%dma_start3A_1457] : memref<5120xi32, #tpu.memory_space<vmem>> -> memref<128xi32, #tpu.memory_space<vmem>>
      %dma_start3A_1459 = arith.constant 0 : i32
      %dma_start3A_1460 = tpu.memref_slice %arg3[%dma_start3A_1459] : memref<16777216xi32, #tpu.memory_space<hbm>> -> memref<16777216xi32, #tpu.memory_space<hbm>>
      tpu.enqueue_indirect_dma source(%dma_start3A_1460 : memref<16777216xi32, #tpu.memory_space<hbm>>) target(%dma_start3A_1456 : memref<128xi32, #tpu.memory_space<vmem>>) offsets(%dma_start3A_1458 : memref<128xi32, #tpu.memory_space<vmem>>) semaphore(%arg21 : memref<!tpu.dma_semaphore, #tpu.memory_space<semaphore_mem>>)
    } else {
    }
    %lt3A_357 = arith.constant 1024 : i32
    %lt3A_358 = arith.cmpi slt, %reduce_max3A_57, %lt3A_357 : i32
    %convert_element_type3A_359 = arith.extui %lt3A_358 : i1 to i32
    %cond3A_360 = arith.constant 0 : i32
    %cond3A_361 = arith.cmpi ne, %convert_element_type3A_359, %cond3A_360 : i32
    scf.if %cond3A_361 {
      %dma_start3A_1455 = arith.constant 1792 : i32
      %dma_start3A_1456 = tpu.memref_slice %arg12[%dma_start3A_1455] : memref<5120xi32, #tpu.memory_space<vmem>> -> memref<128xi32, #tpu.memory_space<vmem>>
      %dma_start3A_1457 = arith.constant 1792 : i32
      %dma_start3A_1458 = tpu.memref_slice %arg11[%dma_start3A_1457] : memref<5120xi32, #tpu.memory_space<vmem>> -> memref<128xi32, #tpu.memory_space<vmem>>
      %dma_start3A_1459 = arith.constant 0 : i32
      %dma_start3A_1460 = tpu.memref_slice %arg2[%dma_start3A_1459] : memref<16777216xi32, #tpu.memory_space<hbm>> -> memref<16777216xi32, #tpu.memory_space<hbm>>
      tpu.enqueue_indirect_dma source(%dma_start3A_1460 : memref<16777216xi32, #tpu.memory_space<hbm>>) target(%dma_start3A_1456 : memref<128xi32, #tpu.memory_space<vmem>>) offsets(%dma_start3A_1458 : memref<128xi32, #tpu.memory_space<vmem>>) semaphore(%arg21 : memref<!tpu.dma_semaphore, #tpu.memory_space<semaphore_mem>>)
    } else {
    }
    %ge3A_362 = arith.constant 1024 : i32
    %ge3A_363 = arith.cmpi sge, %reduce_max3A_57, %ge3A_362 : i32
    %convert_element_type3A_364 = arith.extui %ge3A_363 : i1 to i32
    %cond3A_365 = arith.constant 0 : i32
    %cond3A_366 = arith.cmpi ne, %convert_element_type3A_364, %cond3A_365 : i32
    scf.if %cond3A_366 {
      %dma_start3A_1455 = arith.constant 1792 : i32
      %dma_start3A_1456 = tpu.memref_slice %arg12[%dma_start3A_1455] : memref<5120xi32, #tpu.memory_space<vmem>> -> memref<128xi32, #tpu.memory_space<vmem>>
      %dma_start3A_1457 = arith.constant 1792 : i32
      %dma_start3A_1458 = tpu.memref_slice %arg11[%dma_start3A_1457] : memref<5120xi32, #tpu.memory_space<vmem>> -> memref<128xi32, #tpu.memory_space<vmem>>
      %dma_start3A_1459 = arith.constant 0 : i32
      %dma_start3A_1460 = tpu.memref_slice %arg3[%dma_start3A_1459] : memref<16777216xi32, #tpu.memory_space<hbm>> -> memref<16777216xi32, #tpu.memory_space<hbm>>
      tpu.enqueue_indirect_dma source(%dma_start3A_1460 : memref<16777216xi32, #tpu.memory_space<hbm>>) target(%dma_start3A_1456 : memref<128xi32, #tpu.memory_space<vmem>>) offsets(%dma_start3A_1458 : memref<128xi32, #tpu.memory_space<vmem>>) semaphore(%arg21 : memref<!tpu.dma_semaphore, #tpu.memory_space<semaphore_mem>>)
    } else {
    }
    %lt3A_367 = arith.constant 1024 : i32
    %lt3A_368 = arith.cmpi slt, %reduce_max3A_57, %lt3A_367 : i32
    %convert_element_type3A_369 = arith.extui %lt3A_368 : i1 to i32
    %cond3A_370 = arith.constant 0 : i32
    %cond3A_371 = arith.cmpi ne, %convert_element_type3A_369, %cond3A_370 : i32
    scf.if %cond3A_371 {
      %dma_start3A_1455 = arith.constant 1920 : i32
      %dma_start3A_1456 = tpu.memref_slice %arg12[%dma_start3A_1455] : memref<5120xi32, #tpu.memory_space<vmem>> -> memref<128xi32, #tpu.memory_space<vmem>>
      %dma_start3A_1457 = arith.constant 1920 : i32
      %dma_start3A_1458 = tpu.memref_slice %arg11[%dma_start3A_1457] : memref<5120xi32, #tpu.memory_space<vmem>> -> memref<128xi32, #tpu.memory_space<vmem>>
      %dma_start3A_1459 = arith.constant 0 : i32
      %dma_start3A_1460 = tpu.memref_slice %arg2[%dma_start3A_1459] : memref<16777216xi32, #tpu.memory_space<hbm>> -> memref<16777216xi32, #tpu.memory_space<hbm>>
      tpu.enqueue_indirect_dma source(%dma_start3A_1460 : memref<16777216xi32, #tpu.memory_space<hbm>>) target(%dma_start3A_1456 : memref<128xi32, #tpu.memory_space<vmem>>) offsets(%dma_start3A_1458 : memref<128xi32, #tpu.memory_space<vmem>>) semaphore(%arg21 : memref<!tpu.dma_semaphore, #tpu.memory_space<semaphore_mem>>)
    } else {
    }
    %ge3A_372 = arith.constant 1024 : i32
    %ge3A_373 = arith.cmpi sge, %reduce_max3A_57, %ge3A_372 : i32
    %convert_element_type3A_374 = arith.extui %ge3A_373 : i1 to i32
    %cond3A_375 = arith.constant 0 : i32
    %cond3A_376 = arith.cmpi ne, %convert_element_type3A_374, %cond3A_375 : i32
    scf.if %cond3A_376 {
      %dma_start3A_1455 = arith.constant 1920 : i32
      %dma_start3A_1456 = tpu.memref_slice %arg12[%dma_start3A_1455] : memref<5120xi32, #tpu.memory_space<vmem>> -> memref<128xi32, #tpu.memory_space<vmem>>
      %dma_start3A_1457 = arith.constant 1920 : i32
      %dma_start3A_1458 = tpu.memref_slice %arg11[%dma_start3A_1457] : memref<5120xi32, #tpu.memory_space<vmem>> -> memref<128xi32, #tpu.memory_space<vmem>>
      %dma_start3A_1459 = arith.constant 0 : i32
      %dma_start3A_1460 = tpu.memref_slice %arg3[%dma_start3A_1459] : memref<16777216xi32, #tpu.memory_space<hbm>> -> memref<16777216xi32, #tpu.memory_space<hbm>>
      tpu.enqueue_indirect_dma source(%dma_start3A_1460 : memref<16777216xi32, #tpu.memory_space<hbm>>) target(%dma_start3A_1456 : memref<128xi32, #tpu.memory_space<vmem>>) offsets(%dma_start3A_1458 : memref<128xi32, #tpu.memory_space<vmem>>) semaphore(%arg21 : memref<!tpu.dma_semaphore, #tpu.memory_space<semaphore_mem>>)
    } else {
    }
    %lt3A_377 = arith.constant 1024 : i32
    %lt3A_378 = arith.cmpi slt, %reduce_max3A_71, %lt3A_377 : i32
    %sub3A_379 = arith.constant 1024 : i32
    %sub3A_380 = arith.subi %reduce_max3A_71, %sub3A_379 : i32
    %select_n3A_381 = arith.select %lt3A_378, %reduce_max3A_71, %sub3A_380 : i32
    %shift_right_arithmetic3A_382 = arith.constant 7 : i32
    %shift_right_arithmetic3A_383 = arith.shrsi %select_n3A_381, %shift_right_arithmetic3A_382 : i32
    %mul3A_384 = arith.constant 1024 : i32
    %mul3A_385 = arith.muli %shift_right_arithmetic3A_383, %mul3A_384 : i32
    %and3A_386 = arith.constant 127 : i32
    %and3A_387 = arith.andi %select_n3A_381, %and3A_386 : i32
    %add3A_388 = arith.addi %mul3A_385, %and3A_387 : i32
    %scan3A_389 = arith.constant 0 : i32
    %scan3A_390 = arith.constant 0 : i32
    %scan3A_391 = arith.constant 8 : i32
    %scan3A_392 = arith.addi %scan3A_390, %scan3A_391 : i32
    %scan3A_393 = arith.constant 1 : i32
    %scan3A_394 = scf.for %scan3A_1455 = %scan3A_390 to %scan3A_392 step %scan3A_393 iter_args(%scan3A_1456 = %scan3A_389) -> (i32)  : i32 {
      %mul3A_1457 = arith.constant 64 : i32
      %mul3A_1458 = arith.muli %scan3A_1455, %mul3A_1457 : i32
      %add3A_1459 = arith.constant 0 : i32
      %add3A_1460 = arith.addi %mul3A_1458, %add3A_1459 : i32
      %get3A_1461 = arith.index_cast %add3A_1460 : i32 to index
      %get3A_1462 = tpu.vector_load %arg10[%get3A_1461] {strides = array<i32>} : memref<512xi32, #tpu.memory_space<vmem>>, vector<16xi32>,
      %add3A_1463 = vector.broadcast %add3A_388 : i32 to vector<16xi32>
      %add3A_1464 = arith.addi %get3A_1462, %add3A_1463 : vector<16xi32>
      %add3A_1465 = arith.constant 2048 : i32
      %add3A_1466 = arith.addi %add3A_1465, %add3A_1460 : i32
      %swap3A_1467 = arith.index_cast %add3A_1466 : i32 to index
      %swap3A_1468 = tpu.vector_load %arg11[%swap3A_1467] {strides = array<i32>} : memref<5120xi32, #tpu.memory_space<vmem>>, vector<16xi32>,
      tpu.vector_store %arg11[%swap3A_1467], %add3A_1464 {strides = array<i32>} : memref<5120xi32, #tpu.memory_space<vmem>>, vector<16xi32>,
      %mul3A_1469 = arith.constant 64 : i32
      %mul3A_1470 = arith.muli %scan3A_1455, %mul3A_1469 : i32
      %add3A_1471 = arith.constant 16 : i32
      %add3A_1472 = arith.addi %mul3A_1470, %add3A_1471 : i32
      %get3A_1473 = arith.index_cast %add3A_1472 : i32 to index
      %get3A_1474 = tpu.vector_load %arg10[%get3A_1473] {strides = array<i32>} : memref<512xi32, #tpu.memory_space<vmem>>, vector<16xi32>,
      %add3A_1475 = vector.broadcast %add3A_388 : i32 to vector<16xi32>
      %add3A_1476 = arith.addi %get3A_1474, %add3A_1475 : vector<16xi32>
      %add3A_1477 = arith.constant 2048 : i32
      %add3A_1478 = arith.addi %add3A_1477, %add3A_1472 : i32
      %swap3A_1479 = arith.index_cast %add3A_1478 : i32 to index
      %swap3A_1480 = tpu.vector_load %arg11[%swap3A_1479] {strides = array<i32>} : memref<5120xi32, #tpu.memory_space<vmem>>, vector<16xi32>,
      tpu.vector_store %arg11[%swap3A_1479], %add3A_1476 {strides = array<i32>} : memref<5120xi32, #tpu.memory_space<vmem>>, vector<16xi32>,
      %mul3A_1481 = arith.constant 64 : i32
      %mul3A_1482 = arith.muli %scan3A_1455, %mul3A_1481 : i32
      %add3A_1483 = arith.constant 32 : i32
      %add3A_1484 = arith.addi %mul3A_1482, %add3A_1483 : i32
      %get3A_1485 = arith.index_cast %add3A_1484 : i32 to index
      %get3A_1486 = tpu.vector_load %arg10[%get3A_1485] {strides = array<i32>} : memref<512xi32, #tpu.memory_space<vmem>>, vector<16xi32>,
      %add3A_1487 = vector.broadcast %add3A_388 : i32 to vector<16xi32>
      %add3A_1488 = arith.addi %get3A_1486, %add3A_1487 : vector<16xi32>
      %add3A_1489 = arith.constant 2048 : i32
      %add3A_1490 = arith.addi %add3A_1489, %add3A_1484 : i32
      %swap3A_1491 = arith.index_cast %add3A_1490 : i32 to index
      %swap3A_1492 = tpu.vector_load %arg11[%swap3A_1491] {strides = array<i32>} : memref<5120xi32, #tpu.memory_space<vmem>>, vector<16xi32>,
      tpu.vector_store %arg11[%swap3A_1491], %add3A_1488 {strides = array<i32>} : memref<5120xi32, #tpu.memory_space<vmem>>, vector<16xi32>,
      %mul3A_1493 = arith.constant 64 : i32
      %mul3A_1494 = arith.muli %scan3A_1455, %mul3A_1493 : i32
      %add3A_1495 = arith.constant 48 : i32
      %add3A_1496 = arith.addi %mul3A_1494, %add3A_1495 : i32
      %get3A_1497 = arith.index_cast %add3A_1496 : i32 to index
      %get3A_1498 = tpu.vector_load %arg10[%get3A_1497] {strides = array<i32>} : memref<512xi32, #tpu.memory_space<vmem>>, vector<16xi32>,
      %add3A_1499 = vector.broadcast %add3A_388 : i32 to vector<16xi32>
      %add3A_1500 = arith.addi %get3A_1498, %add3A_1499 : vector<16xi32>
      %add3A_1501 = arith.constant 2048 : i32
      %add3A_1502 = arith.addi %add3A_1501, %add3A_1496 : i32
      %swap3A_1503 = arith.index_cast %add3A_1502 : i32 to index
      %swap3A_1504 = tpu.vector_load %arg11[%swap3A_1503] {strides = array<i32>} : memref<5120xi32, #tpu.memory_space<vmem>>, vector<16xi32>,
      tpu.vector_store %arg11[%swap3A_1503], %add3A_1500 {strides = array<i32>} : memref<5120xi32, #tpu.memory_space<vmem>>, vector<16xi32>,
      %scan3A_1505 = arith.constant 0 : i32
      scf.yield %scan3A_1505 : i32
    }
    %scan3A_395 = arith.constant 8 : i32
    %lt3A_396 = arith.constant 1024 : i32
    %lt3A_397 = arith.cmpi slt, %reduce_max3A_71, %lt3A_396 : i32
    %convert_element_type3A_398 = arith.extui %lt3A_397 : i1 to i32
    %cond3A_399 = arith.constant 0 : i32
    %cond3A_400 = arith.cmpi ne, %convert_element_type3A_398, %cond3A_399 : i32
    scf.if %cond3A_400 {
      %dma_start3A_1455 = arith.constant 2048 : i32
      %dma_start3A_1456 = tpu.memref_slice %arg12[%dma_start3A_1455] : memref<5120xi32, #tpu.memory_space<vmem>> -> memref<128xi32, #tpu.memory_space<vmem>>
      %dma_start3A_1457 = arith.constant 2048 : i32
      %dma_start3A_1458 = tpu.memref_slice %arg11[%dma_start3A_1457] : memref<5120xi32, #tpu.memory_space<vmem>> -> memref<128xi32, #tpu.memory_space<vmem>>
      %dma_start3A_1459 = arith.constant 0 : i32
      %dma_start3A_1460 = tpu.memref_slice %arg2[%dma_start3A_1459] : memref<16777216xi32, #tpu.memory_space<hbm>> -> memref<16777216xi32, #tpu.memory_space<hbm>>
      tpu.enqueue_indirect_dma source(%dma_start3A_1460 : memref<16777216xi32, #tpu.memory_space<hbm>>) target(%dma_start3A_1456 : memref<128xi32, #tpu.memory_space<vmem>>) offsets(%dma_start3A_1458 : memref<128xi32, #tpu.memory_space<vmem>>) semaphore(%arg21 : memref<!tpu.dma_semaphore, #tpu.memory_space<semaphore_mem>>)
    } else {
    }
    %ge3A_401 = arith.constant 1024 : i32
    %ge3A_402 = arith.cmpi sge, %reduce_max3A_71, %ge3A_401 : i32
    %convert_element_type3A_403 = arith.extui %ge3A_402 : i1 to i32
    %cond3A_404 = arith.constant 0 : i32
    %cond3A_405 = arith.cmpi ne, %convert_element_type3A_403, %cond3A_404 : i32
    scf.if %cond3A_405 {
      %dma_start3A_1455 = arith.constant 2048 : i32
      %dma_start3A_1456 = tpu.memref_slice %arg12[%dma_start3A_1455] : memref<5120xi32, #tpu.memory_space<vmem>> -> memref<128xi32, #tpu.memory_space<vmem>>
      %dma_start3A_1457 = arith.constant 2048 : i32
      %dma_start3A_1458 = tpu.memref_slice %arg11[%dma_start3A_1457] : memref<5120xi32, #tpu.memory_space<vmem>> -> memref<128xi32, #tpu.memory_space<vmem>>
      %dma_start3A_1459 = arith.constant 0 : i32
      %dma_start3A_1460 = tpu.memref_slice %arg3[%dma_start3A_1459] : memref<16777216xi32, #tpu.memory_space<hbm>> -> memref<16777216xi32, #tpu.memory_space<hbm>>
      tpu.enqueue_indirect_dma source(%dma_start3A_1460 : memref<16777216xi32, #tpu.memory_space<hbm>>) target(%dma_start3A_1456 : memref<128xi32, #tpu.memory_space<vmem>>) offsets(%dma_start3A_1458 : memref<128xi32, #tpu.memory_space<vmem>>) semaphore(%arg21 : memref<!tpu.dma_semaphore, #tpu.memory_space<semaphore_mem>>)
    } else {
    }
    %lt3A_406 = arith.constant 1024 : i32
    %lt3A_407 = arith.cmpi slt, %reduce_max3A_71, %lt3A_406 : i32
    %convert_element_type3A_408 = arith.extui %lt3A_407 : i1 to i32
    %cond3A_409 = arith.constant 0 : i32
    %cond3A_410 = arith.cmpi ne, %convert_element_type3A_408, %cond3A_409 : i32
    scf.if %cond3A_410 {
      %dma_start3A_1455 = arith.constant 2176 : i32
      %dma_start3A_1456 = tpu.memref_slice %arg12[%dma_start3A_1455] : memref<5120xi32, #tpu.memory_space<vmem>> -> memref<128xi32, #tpu.memory_space<vmem>>
      %dma_start3A_1457 = arith.constant 2176 : i32
      %dma_start3A_1458 = tpu.memref_slice %arg11[%dma_start3A_1457] : memref<5120xi32, #tpu.memory_space<vmem>> -> memref<128xi32, #tpu.memory_space<vmem>>
      %dma_start3A_1459 = arith.constant 0 : i32
      %dma_start3A_1460 = tpu.memref_slice %arg2[%dma_start3A_1459] : memref<16777216xi32, #tpu.memory_space<hbm>> -> memref<16777216xi32, #tpu.memory_space<hbm>>
      tpu.enqueue_indirect_dma source(%dma_start3A_1460 : memref<16777216xi32, #tpu.memory_space<hbm>>) target(%dma_start3A_1456 : memref<128xi32, #tpu.memory_space<vmem>>) offsets(%dma_start3A_1458 : memref<128xi32, #tpu.memory_space<vmem>>) semaphore(%arg21 : memref<!tpu.dma_semaphore, #tpu.memory_space<semaphore_mem>>)
    } else {
    }
    %ge3A_411 = arith.constant 1024 : i32
    %ge3A_412 = arith.cmpi sge, %reduce_max3A_71, %ge3A_411 : i32
    %convert_element_type3A_413 = arith.extui %ge3A_412 : i1 to i32
    %cond3A_414 = arith.constant 0 : i32
    %cond3A_415 = arith.cmpi ne, %convert_element_type3A_413, %cond3A_414 : i32
    scf.if %cond3A_415 {
      %dma_start3A_1455 = arith.constant 2176 : i32
      %dma_start3A_1456 = tpu.memref_slice %arg12[%dma_start3A_1455] : memref<5120xi32, #tpu.memory_space<vmem>> -> memref<128xi32, #tpu.memory_space<vmem>>
      %dma_start3A_1457 = arith.constant 2176 : i32
      %dma_start3A_1458 = tpu.memref_slice %arg11[%dma_start3A_1457] : memref<5120xi32, #tpu.memory_space<vmem>> -> memref<128xi32, #tpu.memory_space<vmem>>
      %dma_start3A_1459 = arith.constant 0 : i32
      %dma_start3A_1460 = tpu.memref_slice %arg3[%dma_start3A_1459] : memref<16777216xi32, #tpu.memory_space<hbm>> -> memref<16777216xi32, #tpu.memory_space<hbm>>
      tpu.enqueue_indirect_dma source(%dma_start3A_1460 : memref<16777216xi32, #tpu.memory_space<hbm>>) target(%dma_start3A_1456 : memref<128xi32, #tpu.memory_space<vmem>>) offsets(%dma_start3A_1458 : memref<128xi32, #tpu.memory_space<vmem>>) semaphore(%arg21 : memref<!tpu.dma_semaphore, #tpu.memory_space<semaphore_mem>>)
    } else {
    }
    %lt3A_416 = arith.constant 1024 : i32
    %lt3A_417 = arith.cmpi slt, %reduce_max3A_71, %lt3A_416 : i32
    %convert_element_type3A_418 = arith.extui %lt3A_417 : i1 to i32
    %cond3A_419 = arith.constant 0 : i32
    %cond3A_420 = arith.cmpi ne, %convert_element_type3A_418, %cond3A_419 : i32
    scf.if %cond3A_420 {
      %dma_start3A_1455 = arith.constant 2304 : i32
      %dma_start3A_1456 = tpu.memref_slice %arg12[%dma_start3A_1455] : memref<5120xi32, #tpu.memory_space<vmem>> -> memref<128xi32, #tpu.memory_space<vmem>>
      %dma_start3A_1457 = arith.constant 2304 : i32
      %dma_start3A_1458 = tpu.memref_slice %arg11[%dma_start3A_1457] : memref<5120xi32, #tpu.memory_space<vmem>> -> memref<128xi32, #tpu.memory_space<vmem>>
      %dma_start3A_1459 = arith.constant 0 : i32
      %dma_start3A_1460 = tpu.memref_slice %arg2[%dma_start3A_1459] : memref<16777216xi32, #tpu.memory_space<hbm>> -> memref<16777216xi32, #tpu.memory_space<hbm>>
      tpu.enqueue_indirect_dma source(%dma_start3A_1460 : memref<16777216xi32, #tpu.memory_space<hbm>>) target(%dma_start3A_1456 : memref<128xi32, #tpu.memory_space<vmem>>) offsets(%dma_start3A_1458 : memref<128xi32, #tpu.memory_space<vmem>>) semaphore(%arg21 : memref<!tpu.dma_semaphore, #tpu.memory_space<semaphore_mem>>)
    } else {
    }
    %ge3A_421 = arith.constant 1024 : i32
    %ge3A_422 = arith.cmpi sge, %reduce_max3A_71, %ge3A_421 : i32
    %convert_element_type3A_423 = arith.extui %ge3A_422 : i1 to i32
    %cond3A_424 = arith.constant 0 : i32
    %cond3A_425 = arith.cmpi ne, %convert_element_type3A_423, %cond3A_424 : i32
    scf.if %cond3A_425 {
      %dma_start3A_1455 = arith.constant 2304 : i32
      %dma_start3A_1456 = tpu.memref_slice %arg12[%dma_start3A_1455] : memref<5120xi32, #tpu.memory_space<vmem>> -> memref<128xi32, #tpu.memory_space<vmem>>
      %dma_start3A_1457 = arith.constant 2304 : i32
      %dma_start3A_1458 = tpu.memref_slice %arg11[%dma_start3A_1457] : memref<5120xi32, #tpu.memory_space<vmem>> -> memref<128xi32, #tpu.memory_space<vmem>>
      %dma_start3A_1459 = arith.constant 0 : i32
      %dma_start3A_1460 = tpu.memref_slice %arg3[%dma_start3A_1459] : memref<16777216xi32, #tpu.memory_space<hbm>> -> memref<16777216xi32, #tpu.memory_space<hbm>>
      tpu.enqueue_indirect_dma source(%dma_start3A_1460 : memref<16777216xi32, #tpu.memory_space<hbm>>) target(%dma_start3A_1456 : memref<128xi32, #tpu.memory_space<vmem>>) offsets(%dma_start3A_1458 : memref<128xi32, #tpu.memory_space<vmem>>) semaphore(%arg21 : memref<!tpu.dma_semaphore, #tpu.memory_space<semaphore_mem>>)
    } else {
    }
    %lt3A_426 = arith.constant 1024 : i32
    %lt3A_427 = arith.cmpi slt, %reduce_max3A_71, %lt3A_426 : i32
    %convert_element_type3A_428 = arith.extui %lt3A_427 : i1 to i32
    %cond3A_429 = arith.constant 0 : i32
    %cond3A_430 = arith.cmpi ne, %convert_element_type3A_428, %cond3A_429 : i32
    scf.if %cond3A_430 {
      %dma_start3A_1455 = arith.constant 2432 : i32
      %dma_start3A_1456 = tpu.memref_slice %arg12[%dma_start3A_1455] : memref<5120xi32, #tpu.memory_space<vmem>> -> memref<128xi32, #tpu.memory_space<vmem>>
      %dma_start3A_1457 = arith.constant 2432 : i32
      %dma_start3A_1458 = tpu.memref_slice %arg11[%dma_start3A_1457] : memref<5120xi32, #tpu.memory_space<vmem>> -> memref<128xi32, #tpu.memory_space<vmem>>
      %dma_start3A_1459 = arith.constant 0 : i32
      %dma_start3A_1460 = tpu.memref_slice %arg2[%dma_start3A_1459] : memref<16777216xi32, #tpu.memory_space<hbm>> -> memref<16777216xi32, #tpu.memory_space<hbm>>
      tpu.enqueue_indirect_dma source(%dma_start3A_1460 : memref<16777216xi32, #tpu.memory_space<hbm>>) target(%dma_start3A_1456 : memref<128xi32, #tpu.memory_space<vmem>>) offsets(%dma_start3A_1458 : memref<128xi32, #tpu.memory_space<vmem>>) semaphore(%arg21 : memref<!tpu.dma_semaphore, #tpu.memory_space<semaphore_mem>>)
    } else {
    }
    %ge3A_431 = arith.constant 1024 : i32
    %ge3A_432 = arith.cmpi sge, %reduce_max3A_71, %ge3A_431 : i32
    %convert_element_type3A_433 = arith.extui %ge3A_432 : i1 to i32
    %cond3A_434 = arith.constant 0 : i32
    %cond3A_435 = arith.cmpi ne, %convert_element_type3A_433, %cond3A_434 : i32
    scf.if %cond3A_435 {
      %dma_start3A_1455 = arith.constant 2432 : i32
      %dma_start3A_1456 = tpu.memref_slice %arg12[%dma_start3A_1455] : memref<5120xi32, #tpu.memory_space<vmem>> -> memref<128xi32, #tpu.memory_space<vmem>>
      %dma_start3A_1457 = arith.constant 2432 : i32
      %dma_start3A_1458 = tpu.memref_slice %arg11[%dma_start3A_1457] : memref<5120xi32, #tpu.memory_space<vmem>> -> memref<128xi32, #tpu.memory_space<vmem>>
      %dma_start3A_1459 = arith.constant 0 : i32
      %dma_start3A_1460 = tpu.memref_slice %arg3[%dma_start3A_1459] : memref<16777216xi32, #tpu.memory_space<hbm>> -> memref<16777216xi32, #tpu.memory_space<hbm>>
      tpu.enqueue_indirect_dma source(%dma_start3A_1460 : memref<16777216xi32, #tpu.memory_space<hbm>>) target(%dma_start3A_1456 : memref<128xi32, #tpu.memory_space<vmem>>) offsets(%dma_start3A_1458 : memref<128xi32, #tpu.memory_space<vmem>>) semaphore(%arg21 : memref<!tpu.dma_semaphore, #tpu.memory_space<semaphore_mem>>)
    } else {
    }
    %lt3A_436 = arith.constant 1024 : i32
    %lt3A_437 = arith.cmpi slt, %reduce_max3A_85, %lt3A_436 : i32
    %sub3A_438 = arith.constant 1024 : i32
    %sub3A_439 = arith.subi %reduce_max3A_85, %sub3A_438 : i32
    %select_n3A_440 = arith.select %lt3A_437, %reduce_max3A_85, %sub3A_439 : i32
    %shift_right_arithmetic3A_441 = arith.constant 7 : i32
    %shift_right_arithmetic3A_442 = arith.shrsi %select_n3A_440, %shift_right_arithmetic3A_441 : i32
    %mul3A_443 = arith.constant 1024 : i32
    %mul3A_444 = arith.muli %shift_right_arithmetic3A_442, %mul3A_443 : i32
    %and3A_445 = arith.constant 127 : i32
    %and3A_446 = arith.andi %select_n3A_440, %and3A_445 : i32
    %add3A_447 = arith.addi %mul3A_444, %and3A_446 : i32
    %scan3A_448 = arith.constant 0 : i32
    %scan3A_449 = arith.constant 0 : i32
    %scan3A_450 = arith.constant 8 : i32
    %scan3A_451 = arith.addi %scan3A_449, %scan3A_450 : i32
    %scan3A_452 = arith.constant 1 : i32
    %scan3A_453 = scf.for %scan3A_1455 = %scan3A_449 to %scan3A_451 step %scan3A_452 iter_args(%scan3A_1456 = %scan3A_448) -> (i32)  : i32 {
      %mul3A_1457 = arith.constant 64 : i32
      %mul3A_1458 = arith.muli %scan3A_1455, %mul3A_1457 : i32
      %add3A_1459 = arith.constant 0 : i32
      %add3A_1460 = arith.addi %mul3A_1458, %add3A_1459 : i32
      %get3A_1461 = arith.index_cast %add3A_1460 : i32 to index
      %get3A_1462 = tpu.vector_load %arg10[%get3A_1461] {strides = array<i32>} : memref<512xi32, #tpu.memory_space<vmem>>, vector<16xi32>,
      %add3A_1463 = vector.broadcast %add3A_447 : i32 to vector<16xi32>
      %add3A_1464 = arith.addi %get3A_1462, %add3A_1463 : vector<16xi32>
      %add3A_1465 = arith.constant 2560 : i32
      %add3A_1466 = arith.addi %add3A_1465, %add3A_1460 : i32
      %swap3A_1467 = arith.index_cast %add3A_1466 : i32 to index
      %swap3A_1468 = tpu.vector_load %arg11[%swap3A_1467] {strides = array<i32>} : memref<5120xi32, #tpu.memory_space<vmem>>, vector<16xi32>,
      tpu.vector_store %arg11[%swap3A_1467], %add3A_1464 {strides = array<i32>} : memref<5120xi32, #tpu.memory_space<vmem>>, vector<16xi32>,
      %mul3A_1469 = arith.constant 64 : i32
      %mul3A_1470 = arith.muli %scan3A_1455, %mul3A_1469 : i32
      %add3A_1471 = arith.constant 16 : i32
      %add3A_1472 = arith.addi %mul3A_1470, %add3A_1471 : i32
      %get3A_1473 = arith.index_cast %add3A_1472 : i32 to index
      %get3A_1474 = tpu.vector_load %arg10[%get3A_1473] {strides = array<i32>} : memref<512xi32, #tpu.memory_space<vmem>>, vector<16xi32>,
      %add3A_1475 = vector.broadcast %add3A_447 : i32 to vector<16xi32>
      %add3A_1476 = arith.addi %get3A_1474, %add3A_1475 : vector<16xi32>
      %add3A_1477 = arith.constant 2560 : i32
      %add3A_1478 = arith.addi %add3A_1477, %add3A_1472 : i32
      %swap3A_1479 = arith.index_cast %add3A_1478 : i32 to index
      %swap3A_1480 = tpu.vector_load %arg11[%swap3A_1479] {strides = array<i32>} : memref<5120xi32, #tpu.memory_space<vmem>>, vector<16xi32>,
      tpu.vector_store %arg11[%swap3A_1479], %add3A_1476 {strides = array<i32>} : memref<5120xi32, #tpu.memory_space<vmem>>, vector<16xi32>,
      %mul3A_1481 = arith.constant 64 : i32
      %mul3A_1482 = arith.muli %scan3A_1455, %mul3A_1481 : i32
      %add3A_1483 = arith.constant 32 : i32
      %add3A_1484 = arith.addi %mul3A_1482, %add3A_1483 : i32
      %get3A_1485 = arith.index_cast %add3A_1484 : i32 to index
      %get3A_1486 = tpu.vector_load %arg10[%get3A_1485] {strides = array<i32>} : memref<512xi32, #tpu.memory_space<vmem>>, vector<16xi32>,
      %add3A_1487 = vector.broadcast %add3A_447 : i32 to vector<16xi32>
      %add3A_1488 = arith.addi %get3A_1486, %add3A_1487 : vector<16xi32>
      %add3A_1489 = arith.constant 2560 : i32
      %add3A_1490 = arith.addi %add3A_1489, %add3A_1484 : i32
      %swap3A_1491 = arith.index_cast %add3A_1490 : i32 to index
      %swap3A_1492 = tpu.vector_load %arg11[%swap3A_1491] {strides = array<i32>} : memref<5120xi32, #tpu.memory_space<vmem>>, vector<16xi32>,
      tpu.vector_store %arg11[%swap3A_1491], %add3A_1488 {strides = array<i32>} : memref<5120xi32, #tpu.memory_space<vmem>>, vector<16xi32>,
      %mul3A_1493 = arith.constant 64 : i32
      %mul3A_1494 = arith.muli %scan3A_1455, %mul3A_1493 : i32
      %add3A_1495 = arith.constant 48 : i32
      %add3A_1496 = arith.addi %mul3A_1494, %add3A_1495 : i32
      %get3A_1497 = arith.index_cast %add3A_1496 : i32 to index
      %get3A_1498 = tpu.vector_load %arg10[%get3A_1497] {strides = array<i32>} : memref<512xi32, #tpu.memory_space<vmem>>, vector<16xi32>,
      %add3A_1499 = vector.broadcast %add3A_447 : i32 to vector<16xi32>
      %add3A_1500 = arith.addi %get3A_1498, %add3A_1499 : vector<16xi32>
      %add3A_1501 = arith.constant 2560 : i32
      %add3A_1502 = arith.addi %add3A_1501, %add3A_1496 : i32
      %swap3A_1503 = arith.index_cast %add3A_1502 : i32 to index
      %swap3A_1504 = tpu.vector_load %arg11[%swap3A_1503] {strides = array<i32>} : memref<5120xi32, #tpu.memory_space<vmem>>, vector<16xi32>,
      tpu.vector_store %arg11[%swap3A_1503], %add3A_1500 {strides = array<i32>} : memref<5120xi32, #tpu.memory_space<vmem>>, vector<16xi32>,
      %scan3A_1505 = arith.constant 0 : i32
      scf.yield %scan3A_1505 : i32
    }
    %scan3A_454 = arith.constant 8 : i32
    %lt3A_455 = arith.constant 1024 : i32
    %lt3A_456 = arith.cmpi slt, %reduce_max3A_85, %lt3A_455 : i32
    %convert_element_type3A_457 = arith.extui %lt3A_456 : i1 to i32
    %cond3A_458 = arith.constant 0 : i32
    %cond3A_459 = arith.cmpi ne, %convert_element_type3A_457, %cond3A_458 : i32
    scf.if %cond3A_459 {
      %dma_start3A_1455 = arith.constant 2560 : i32
      %dma_start3A_1456 = tpu.memref_slice %arg12[%dma_start3A_1455] : memref<5120xi32, #tpu.memory_space<vmem>> -> memref<128xi32, #tpu.memory_space<vmem>>
      %dma_start3A_1457 = arith.constant 2560 : i32
      %dma_start3A_1458 = tpu.memref_slice %arg11[%dma_start3A_1457] : memref<5120xi32, #tpu.memory_space<vmem>> -> memref<128xi32, #tpu.memory_space<vmem>>
      %dma_start3A_1459 = arith.constant 0 : i32
      %dma_start3A_1460 = tpu.memref_slice %arg2[%dma_start3A_1459] : memref<16777216xi32, #tpu.memory_space<hbm>> -> memref<16777216xi32, #tpu.memory_space<hbm>>
      tpu.enqueue_indirect_dma source(%dma_start3A_1460 : memref<16777216xi32, #tpu.memory_space<hbm>>) target(%dma_start3A_1456 : memref<128xi32, #tpu.memory_space<vmem>>) offsets(%dma_start3A_1458 : memref<128xi32, #tpu.memory_space<vmem>>) semaphore(%arg21 : memref<!tpu.dma_semaphore, #tpu.memory_space<semaphore_mem>>)
    } else {
    }
    %ge3A_460 = arith.constant 1024 : i32
    %ge3A_461 = arith.cmpi sge, %reduce_max3A_85, %ge3A_460 : i32
    %convert_element_type3A_462 = arith.extui %ge3A_461 : i1 to i32
    %cond3A_463 = arith.constant 0 : i32
    %cond3A_464 = arith.cmpi ne, %convert_element_type3A_462, %cond3A_463 : i32
    scf.if %cond3A_464 {
      %dma_start3A_1455 = arith.constant 2560 : i32
      %dma_start3A_1456 = tpu.memref_slice %arg12[%dma_start3A_1455] : memref<5120xi32, #tpu.memory_space<vmem>> -> memref<128xi32, #tpu.memory_space<vmem>>
      %dma_start3A_1457 = arith.constant 2560 : i32
      %dma_start3A_1458 = tpu.memref_slice %arg11[%dma_start3A_1457] : memref<5120xi32, #tpu.memory_space<vmem>> -> memref<128xi32, #tpu.memory_space<vmem>>
      %dma_start3A_1459 = arith.constant 0 : i32
      %dma_start3A_1460 = tpu.memref_slice %arg3[%dma_start3A_1459] : memref<16777216xi32, #tpu.memory_space<hbm>> -> memref<16777216xi32, #tpu.memory_space<hbm>>
      tpu.enqueue_indirect_dma source(%dma_start3A_1460 : memref<16777216xi32, #tpu.memory_space<hbm>>) target(%dma_start3A_1456 : memref<128xi32, #tpu.memory_space<vmem>>) offsets(%dma_start3A_1458 : memref<128xi32, #tpu.memory_space<vmem>>) semaphore(%arg21 : memref<!tpu.dma_semaphore, #tpu.memory_space<semaphore_mem>>)
    } else {
    }
    %lt3A_465 = arith.constant 1024 : i32
    %lt3A_466 = arith.cmpi slt, %reduce_max3A_85, %lt3A_465 : i32
    %convert_element_type3A_467 = arith.extui %lt3A_466 : i1 to i32
    %cond3A_468 = arith.constant 0 : i32
    %cond3A_469 = arith.cmpi ne, %convert_element_type3A_467, %cond3A_468 : i32
    scf.if %cond3A_469 {
      %dma_start3A_1455 = arith.constant 2688 : i32
      %dma_start3A_1456 = tpu.memref_slice %arg12[%dma_start3A_1455] : memref<5120xi32, #tpu.memory_space<vmem>> -> memref<128xi32, #tpu.memory_space<vmem>>
      %dma_start3A_1457 = arith.constant 2688 : i32
      %dma_start3A_1458 = tpu.memref_slice %arg11[%dma_start3A_1457] : memref<5120xi32, #tpu.memory_space<vmem>> -> memref<128xi32, #tpu.memory_space<vmem>>
      %dma_start3A_1459 = arith.constant 0 : i32
      %dma_start3A_1460 = tpu.memref_slice %arg2[%dma_start3A_1459] : memref<16777216xi32, #tpu.memory_space<hbm>> -> memref<16777216xi32, #tpu.memory_space<hbm>>
      tpu.enqueue_indirect_dma source(%dma_start3A_1460 : memref<16777216xi32, #tpu.memory_space<hbm>>) target(%dma_start3A_1456 : memref<128xi32, #tpu.memory_space<vmem>>) offsets(%dma_start3A_1458 : memref<128xi32, #tpu.memory_space<vmem>>) semaphore(%arg21 : memref<!tpu.dma_semaphore, #tpu.memory_space<semaphore_mem>>)
    } else {
    }
    %ge3A_470 = arith.constant 1024 : i32
    %ge3A_471 = arith.cmpi sge, %reduce_max3A_85, %ge3A_470 : i32
    %convert_element_type3A_472 = arith.extui %ge3A_471 : i1 to i32
    %cond3A_473 = arith.constant 0 : i32
    %cond3A_474 = arith.cmpi ne, %convert_element_type3A_472, %cond3A_473 : i32
    scf.if %cond3A_474 {
      %dma_start3A_1455 = arith.constant 2688 : i32
      %dma_start3A_1456 = tpu.memref_slice %arg12[%dma_start3A_1455] : memref<5120xi32, #tpu.memory_space<vmem>> -> memref<128xi32, #tpu.memory_space<vmem>>
      %dma_start3A_1457 = arith.constant 2688 : i32
      %dma_start3A_1458 = tpu.memref_slice %arg11[%dma_start3A_1457] : memref<5120xi32, #tpu.memory_space<vmem>> -> memref<128xi32, #tpu.memory_space<vmem>>
      %dma_start3A_1459 = arith.constant 0 : i32
      %dma_start3A_1460 = tpu.memref_slice %arg3[%dma_start3A_1459] : memref<16777216xi32, #tpu.memory_space<hbm>> -> memref<16777216xi32, #tpu.memory_space<hbm>>
      tpu.enqueue_indirect_dma source(%dma_start3A_1460 : memref<16777216xi32, #tpu.memory_space<hbm>>) target(%dma_start3A_1456 : memref<128xi32, #tpu.memory_space<vmem>>) offsets(%dma_start3A_1458 : memref<128xi32, #tpu.memory_space<vmem>>) semaphore(%arg21 : memref<!tpu.dma_semaphore, #tpu.memory_space<semaphore_mem>>)
    } else {
    }
    %lt3A_475 = arith.constant 1024 : i32
    %lt3A_476 = arith.cmpi slt, %reduce_max3A_85, %lt3A_475 : i32
    %convert_element_type3A_477 = arith.extui %lt3A_476 : i1 to i32
    %cond3A_478 = arith.constant 0 : i32
    %cond3A_479 = arith.cmpi ne, %convert_element_type3A_477, %cond3A_478 : i32
    scf.if %cond3A_479 {
      %dma_start3A_1455 = arith.constant 2816 : i32
      %dma_start3A_1456 = tpu.memref_slice %arg12[%dma_start3A_1455] : memref<5120xi32, #tpu.memory_space<vmem>> -> memref<128xi32, #tpu.memory_space<vmem>>
      %dma_start3A_1457 = arith.constant 2816 : i32
      %dma_start3A_1458 = tpu.memref_slice %arg11[%dma_start3A_1457] : memref<5120xi32, #tpu.memory_space<vmem>> -> memref<128xi32, #tpu.memory_space<vmem>>
      %dma_start3A_1459 = arith.constant 0 : i32
      %dma_start3A_1460 = tpu.memref_slice %arg2[%dma_start3A_1459] : memref<16777216xi32, #tpu.memory_space<hbm>> -> memref<16777216xi32, #tpu.memory_space<hbm>>
      tpu.enqueue_indirect_dma source(%dma_start3A_1460 : memref<16777216xi32, #tpu.memory_space<hbm>>) target(%dma_start3A_1456 : memref<128xi32, #tpu.memory_space<vmem>>) offsets(%dma_start3A_1458 : memref<128xi32, #tpu.memory_space<vmem>>) semaphore(%arg21 : memref<!tpu.dma_semaphore, #tpu.memory_space<semaphore_mem>>)
    } else {
    }
    %ge3A_480 = arith.constant 1024 : i32
    %ge3A_481 = arith.cmpi sge, %reduce_max3A_85, %ge3A_480 : i32
    %convert_element_type3A_482 = arith.extui %ge3A_481 : i1 to i32
    %cond3A_483 = arith.constant 0 : i32
    %cond3A_484 = arith.cmpi ne, %convert_element_type3A_482, %cond3A_483 : i32
    scf.if %cond3A_484 {
      %dma_start3A_1455 = arith.constant 2816 : i32
      %dma_start3A_1456 = tpu.memref_slice %arg12[%dma_start3A_1455] : memref<5120xi32, #tpu.memory_space<vmem>> -> memref<128xi32, #tpu.memory_space<vmem>>
      %dma_start3A_1457 = arith.constant 2816 : i32
      %dma_start3A_1458 = tpu.memref_slice %arg11[%dma_start3A_1457] : memref<5120xi32, #tpu.memory_space<vmem>> -> memref<128xi32, #tpu.memory_space<vmem>>
      %dma_start3A_1459 = arith.constant 0 : i32
      %dma_start3A_1460 = tpu.memref_slice %arg3[%dma_start3A_1459] : memref<16777216xi32, #tpu.memory_space<hbm>> -> memref<16777216xi32, #tpu.memory_space<hbm>>
      tpu.enqueue_indirect_dma source(%dma_start3A_1460 : memref<16777216xi32, #tpu.memory_space<hbm>>) target(%dma_start3A_1456 : memref<128xi32, #tpu.memory_space<vmem>>) offsets(%dma_start3A_1458 : memref<128xi32, #tpu.memory_space<vmem>>) semaphore(%arg21 : memref<!tpu.dma_semaphore, #tpu.memory_space<semaphore_mem>>)
    } else {
    }
    %lt3A_485 = arith.constant 1024 : i32
    %lt3A_486 = arith.cmpi slt, %reduce_max3A_85, %lt3A_485 : i32
    %convert_element_type3A_487 = arith.extui %lt3A_486 : i1 to i32
    %cond3A_488 = arith.constant 0 : i32
    %cond3A_489 = arith.cmpi ne, %convert_element_type3A_487, %cond3A_488 : i32
    scf.if %cond3A_489 {
      %dma_start3A_1455 = arith.constant 2944 : i32
      %dma_start3A_1456 = tpu.memref_slice %arg12[%dma_start3A_1455] : memref<5120xi32, #tpu.memory_space<vmem>> -> memref<128xi32, #tpu.memory_space<vmem>>
      %dma_start3A_1457 = arith.constant 2944 : i32
      %dma_start3A_1458 = tpu.memref_slice %arg11[%dma_start3A_1457] : memref<5120xi32, #tpu.memory_space<vmem>> -> memref<128xi32, #tpu.memory_space<vmem>>
      %dma_start3A_1459 = arith.constant 0 : i32
      %dma_start3A_1460 = tpu.memref_slice %arg2[%dma_start3A_1459] : memref<16777216xi32, #tpu.memory_space<hbm>> -> memref<16777216xi32, #tpu.memory_space<hbm>>
      tpu.enqueue_indirect_dma source(%dma_start3A_1460 : memref<16777216xi32, #tpu.memory_space<hbm>>) target(%dma_start3A_1456 : memref<128xi32, #tpu.memory_space<vmem>>) offsets(%dma_start3A_1458 : memref<128xi32, #tpu.memory_space<vmem>>) semaphore(%arg21 : memref<!tpu.dma_semaphore, #tpu.memory_space<semaphore_mem>>)
    } else {
    }
    %ge3A_490 = arith.constant 1024 : i32
    %ge3A_491 = arith.cmpi sge, %reduce_max3A_85, %ge3A_490 : i32
    %convert_element_type3A_492 = arith.extui %ge3A_491 : i1 to i32
    %cond3A_493 = arith.constant 0 : i32
    %cond3A_494 = arith.cmpi ne, %convert_element_type3A_492, %cond3A_493 : i32
    scf.if %cond3A_494 {
      %dma_start3A_1455 = arith.constant 2944 : i32
      %dma_start3A_1456 = tpu.memref_slice %arg12[%dma_start3A_1455] : memref<5120xi32, #tpu.memory_space<vmem>> -> memref<128xi32, #tpu.memory_space<vmem>>
      %dma_start3A_1457 = arith.constant 2944 : i32
      %dma_start3A_1458 = tpu.memref_slice %arg11[%dma_start3A_1457] : memref<5120xi32, #tpu.memory_space<vmem>> -> memref<128xi32, #tpu.memory_space<vmem>>
      %dma_start3A_1459 = arith.constant 0 : i32
      %dma_start3A_1460 = tpu.memref_slice %arg3[%dma_start3A_1459] : memref<16777216xi32, #tpu.memory_space<hbm>> -> memref<16777216xi32, #tpu.memory_space<hbm>>
      tpu.enqueue_indirect_dma source(%dma_start3A_1460 : memref<16777216xi32, #tpu.memory_space<hbm>>) target(%dma_start3A_1456 : memref<128xi32, #tpu.memory_space<vmem>>) offsets(%dma_start3A_1458 : memref<128xi32, #tpu.memory_space<vmem>>) semaphore(%arg21 : memref<!tpu.dma_semaphore, #tpu.memory_space<semaphore_mem>>)
    } else {
    }
    %lt3A_495 = arith.constant 1024 : i32
    %lt3A_496 = arith.cmpi slt, %reduce_max3A_99, %lt3A_495 : i32
    %sub3A_497 = arith.constant 1024 : i32
    %sub3A_498 = arith.subi %reduce_max3A_99, %sub3A_497 : i32
    %select_n3A_499 = arith.select %lt3A_496, %reduce_max3A_99, %sub3A_498 : i32
    %shift_right_arithmetic3A_500 = arith.constant 7 : i32
    %shift_right_arithmetic3A_501 = arith.shrsi %select_n3A_499, %shift_right_arithmetic3A_500 : i32
    %mul3A_502 = arith.constant 1024 : i32
    %mul3A_503 = arith.muli %shift_right_arithmetic3A_501, %mul3A_502 : i32
    %and3A_504 = arith.constant 127 : i32
    %and3A_505 = arith.andi %select_n3A_499, %and3A_504 : i32
    %add3A_506 = arith.addi %mul3A_503, %and3A_505 : i32
    %scan3A_507 = arith.constant 0 : i32
    %scan3A_508 = arith.constant 0 : i32
    %scan3A_509 = arith.constant 8 : i32
    %scan3A_510 = arith.addi %scan3A_508, %scan3A_509 : i32
    %scan3A_511 = arith.constant 1 : i32
    %scan3A_512 = scf.for %scan3A_1455 = %scan3A_508 to %scan3A_510 step %scan3A_511 iter_args(%scan3A_1456 = %scan3A_507) -> (i32)  : i32 {
      %mul3A_1457 = arith.constant 64 : i32
      %mul3A_1458 = arith.muli %scan3A_1455, %mul3A_1457 : i32
      %add3A_1459 = arith.constant 0 : i32
      %add3A_1460 = arith.addi %mul3A_1458, %add3A_1459 : i32
      %get3A_1461 = arith.index_cast %add3A_1460 : i32 to index
      %get3A_1462 = tpu.vector_load %arg10[%get3A_1461] {strides = array<i32>} : memref<512xi32, #tpu.memory_space<vmem>>, vector<16xi32>,
      %add3A_1463 = vector.broadcast %add3A_506 : i32 to vector<16xi32>
      %add3A_1464 = arith.addi %get3A_1462, %add3A_1463 : vector<16xi32>
      %add3A_1465 = arith.constant 3072 : i32
      %add3A_1466 = arith.addi %add3A_1465, %add3A_1460 : i32
      %swap3A_1467 = arith.index_cast %add3A_1466 : i32 to index
      %swap3A_1468 = tpu.vector_load %arg11[%swap3A_1467] {strides = array<i32>} : memref<5120xi32, #tpu.memory_space<vmem>>, vector<16xi32>,
      tpu.vector_store %arg11[%swap3A_1467], %add3A_1464 {strides = array<i32>} : memref<5120xi32, #tpu.memory_space<vmem>>, vector<16xi32>,
      %mul3A_1469 = arith.constant 64 : i32
      %mul3A_1470 = arith.muli %scan3A_1455, %mul3A_1469 : i32
      %add3A_1471 = arith.constant 16 : i32
      %add3A_1472 = arith.addi %mul3A_1470, %add3A_1471 : i32
      %get3A_1473 = arith.index_cast %add3A_1472 : i32 to index
      %get3A_1474 = tpu.vector_load %arg10[%get3A_1473] {strides = array<i32>} : memref<512xi32, #tpu.memory_space<vmem>>, vector<16xi32>,
      %add3A_1475 = vector.broadcast %add3A_506 : i32 to vector<16xi32>
      %add3A_1476 = arith.addi %get3A_1474, %add3A_1475 : vector<16xi32>
      %add3A_1477 = arith.constant 3072 : i32
      %add3A_1478 = arith.addi %add3A_1477, %add3A_1472 : i32
      %swap3A_1479 = arith.index_cast %add3A_1478 : i32 to index
      %swap3A_1480 = tpu.vector_load %arg11[%swap3A_1479] {strides = array<i32>} : memref<5120xi32, #tpu.memory_space<vmem>>, vector<16xi32>,
      tpu.vector_store %arg11[%swap3A_1479], %add3A_1476 {strides = array<i32>} : memref<5120xi32, #tpu.memory_space<vmem>>, vector<16xi32>,
      %mul3A_1481 = arith.constant 64 : i32
      %mul3A_1482 = arith.muli %scan3A_1455, %mul3A_1481 : i32
      %add3A_1483 = arith.constant 32 : i32
      %add3A_1484 = arith.addi %mul3A_1482, %add3A_1483 : i32
      %get3A_1485 = arith.index_cast %add3A_1484 : i32 to index
      %get3A_1486 = tpu.vector_load %arg10[%get3A_1485] {strides = array<i32>} : memref<512xi32, #tpu.memory_space<vmem>>, vector<16xi32>,
      %add3A_1487 = vector.broadcast %add3A_506 : i32 to vector<16xi32>
      %add3A_1488 = arith.addi %get3A_1486, %add3A_1487 : vector<16xi32>
      %add3A_1489 = arith.constant 3072 : i32
      %add3A_1490 = arith.addi %add3A_1489, %add3A_1484 : i32
      %swap3A_1491 = arith.index_cast %add3A_1490 : i32 to index
      %swap3A_1492 = tpu.vector_load %arg11[%swap3A_1491] {strides = array<i32>} : memref<5120xi32, #tpu.memory_space<vmem>>, vector<16xi32>,
      tpu.vector_store %arg11[%swap3A_1491], %add3A_1488 {strides = array<i32>} : memref<5120xi32, #tpu.memory_space<vmem>>, vector<16xi32>,
      %mul3A_1493 = arith.constant 64 : i32
      %mul3A_1494 = arith.muli %scan3A_1455, %mul3A_1493 : i32
      %add3A_1495 = arith.constant 48 : i32
      %add3A_1496 = arith.addi %mul3A_1494, %add3A_1495 : i32
      %get3A_1497 = arith.index_cast %add3A_1496 : i32 to index
      %get3A_1498 = tpu.vector_load %arg10[%get3A_1497] {strides = array<i32>} : memref<512xi32, #tpu.memory_space<vmem>>, vector<16xi32>,
      %add3A_1499 = vector.broadcast %add3A_506 : i32 to vector<16xi32>
      %add3A_1500 = arith.addi %get3A_1498, %add3A_1499 : vector<16xi32>
      %add3A_1501 = arith.constant 3072 : i32
      %add3A_1502 = arith.addi %add3A_1501, %add3A_1496 : i32
      %swap3A_1503 = arith.index_cast %add3A_1502 : i32 to index
      %swap3A_1504 = tpu.vector_load %arg11[%swap3A_1503] {strides = array<i32>} : memref<5120xi32, #tpu.memory_space<vmem>>, vector<16xi32>,
      tpu.vector_store %arg11[%swap3A_1503], %add3A_1500 {strides = array<i32>} : memref<5120xi32, #tpu.memory_space<vmem>>, vector<16xi32>,
      %scan3A_1505 = arith.constant 0 : i32
      scf.yield %scan3A_1505 : i32
    }
    %scan3A_513 = arith.constant 8 : i32
    %lt3A_514 = arith.constant 1024 : i32
    %lt3A_515 = arith.cmpi slt, %reduce_max3A_99, %lt3A_514 : i32
    %convert_element_type3A_516 = arith.extui %lt3A_515 : i1 to i32
    %cond3A_517 = arith.constant 0 : i32
    %cond3A_518 = arith.cmpi ne, %convert_element_type3A_516, %cond3A_517 : i32
    scf.if %cond3A_518 {
      %dma_start3A_1455 = arith.constant 3072 : i32
      %dma_start3A_1456 = tpu.memref_slice %arg12[%dma_start3A_1455] : memref<5120xi32, #tpu.memory_space<vmem>> -> memref<128xi32, #tpu.memory_space<vmem>>
      %dma_start3A_1457 = arith.constant 3072 : i32
      %dma_start3A_1458 = tpu.memref_slice %arg11[%dma_start3A_1457] : memref<5120xi32, #tpu.memory_space<vmem>> -> memref<128xi32, #tpu.memory_space<vmem>>
      %dma_start3A_1459 = arith.constant 0 : i32
      %dma_start3A_1460 = tpu.memref_slice %arg2[%dma_start3A_1459] : memref<16777216xi32, #tpu.memory_space<hbm>> -> memref<16777216xi32, #tpu.memory_space<hbm>>
      tpu.enqueue_indirect_dma source(%dma_start3A_1460 : memref<16777216xi32, #tpu.memory_space<hbm>>) target(%dma_start3A_1456 : memref<128xi32, #tpu.memory_space<vmem>>) offsets(%dma_start3A_1458 : memref<128xi32, #tpu.memory_space<vmem>>) semaphore(%arg21 : memref<!tpu.dma_semaphore, #tpu.memory_space<semaphore_mem>>)
    } else {
    }
    %ge3A_519 = arith.constant 1024 : i32
    %ge3A_520 = arith.cmpi sge, %reduce_max3A_99, %ge3A_519 : i32
    %convert_element_type3A_521 = arith.extui %ge3A_520 : i1 to i32
    %cond3A_522 = arith.constant 0 : i32
    %cond3A_523 = arith.cmpi ne, %convert_element_type3A_521, %cond3A_522 : i32
    scf.if %cond3A_523 {
      %dma_start3A_1455 = arith.constant 3072 : i32
      %dma_start3A_1456 = tpu.memref_slice %arg12[%dma_start3A_1455] : memref<5120xi32, #tpu.memory_space<vmem>> -> memref<128xi32, #tpu.memory_space<vmem>>
      %dma_start3A_1457 = arith.constant 3072 : i32
      %dma_start3A_1458 = tpu.memref_slice %arg11[%dma_start3A_1457] : memref<5120xi32, #tpu.memory_space<vmem>> -> memref<128xi32, #tpu.memory_space<vmem>>
      %dma_start3A_1459 = arith.constant 0 : i32
      %dma_start3A_1460 = tpu.memref_slice %arg3[%dma_start3A_1459] : memref<16777216xi32, #tpu.memory_space<hbm>> -> memref<16777216xi32, #tpu.memory_space<hbm>>
      tpu.enqueue_indirect_dma source(%dma_start3A_1460 : memref<16777216xi32, #tpu.memory_space<hbm>>) target(%dma_start3A_1456 : memref<128xi32, #tpu.memory_space<vmem>>) offsets(%dma_start3A_1458 : memref<128xi32, #tpu.memory_space<vmem>>) semaphore(%arg21 : memref<!tpu.dma_semaphore, #tpu.memory_space<semaphore_mem>>)
    } else {
    }
    %lt3A_524 = arith.constant 1024 : i32
    %lt3A_525 = arith.cmpi slt, %reduce_max3A_99, %lt3A_524 : i32
    %convert_element_type3A_526 = arith.extui %lt3A_525 : i1 to i32
    %cond3A_527 = arith.constant 0 : i32
    %cond3A_528 = arith.cmpi ne, %convert_element_type3A_526, %cond3A_527 : i32
    scf.if %cond3A_528 {
      %dma_start3A_1455 = arith.constant 3200 : i32
      %dma_start3A_1456 = tpu.memref_slice %arg12[%dma_start3A_1455] : memref<5120xi32, #tpu.memory_space<vmem>> -> memref<128xi32, #tpu.memory_space<vmem>>
      %dma_start3A_1457 = arith.constant 3200 : i32
      %dma_start3A_1458 = tpu.memref_slice %arg11[%dma_start3A_1457] : memref<5120xi32, #tpu.memory_space<vmem>> -> memref<128xi32, #tpu.memory_space<vmem>>
      %dma_start3A_1459 = arith.constant 0 : i32
      %dma_start3A_1460 = tpu.memref_slice %arg2[%dma_start3A_1459] : memref<16777216xi32, #tpu.memory_space<hbm>> -> memref<16777216xi32, #tpu.memory_space<hbm>>
      tpu.enqueue_indirect_dma source(%dma_start3A_1460 : memref<16777216xi32, #tpu.memory_space<hbm>>) target(%dma_start3A_1456 : memref<128xi32, #tpu.memory_space<vmem>>) offsets(%dma_start3A_1458 : memref<128xi32, #tpu.memory_space<vmem>>) semaphore(%arg21 : memref<!tpu.dma_semaphore, #tpu.memory_space<semaphore_mem>>)
    } else {
    }
    %ge3A_529 = arith.constant 1024 : i32
    %ge3A_530 = arith.cmpi sge, %reduce_max3A_99, %ge3A_529 : i32
    %convert_element_type3A_531 = arith.extui %ge3A_530 : i1 to i32
    %cond3A_532 = arith.constant 0 : i32
    %cond3A_533 = arith.cmpi ne, %convert_element_type3A_531, %cond3A_532 : i32
    scf.if %cond3A_533 {
      %dma_start3A_1455 = arith.constant 3200 : i32
      %dma_start3A_1456 = tpu.memref_slice %arg12[%dma_start3A_1455] : memref<5120xi32, #tpu.memory_space<vmem>> -> memref<128xi32, #tpu.memory_space<vmem>>
      %dma_start3A_1457 = arith.constant 3200 : i32
      %dma_start3A_1458 = tpu.memref_slice %arg11[%dma_start3A_1457] : memref<5120xi32, #tpu.memory_space<vmem>> -> memref<128xi32, #tpu.memory_space<vmem>>
      %dma_start3A_1459 = arith.constant 0 : i32
      %dma_start3A_1460 = tpu.memref_slice %arg3[%dma_start3A_1459] : memref<16777216xi32, #tpu.memory_space<hbm>> -> memref<16777216xi32, #tpu.memory_space<hbm>>
      tpu.enqueue_indirect_dma source(%dma_start3A_1460 : memref<16777216xi32, #tpu.memory_space<hbm>>) target(%dma_start3A_1456 : memref<128xi32, #tpu.memory_space<vmem>>) offsets(%dma_start3A_1458 : memref<128xi32, #tpu.memory_space<vmem>>) semaphore(%arg21 : memref<!tpu.dma_semaphore, #tpu.memory_space<semaphore_mem>>)
    } else {
    }
    %lt3A_534 = arith.constant 1024 : i32
    %lt3A_535 = arith.cmpi slt, %reduce_max3A_99, %lt3A_534 : i32
    %convert_element_type3A_536 = arith.extui %lt3A_535 : i1 to i32
    %cond3A_537 = arith.constant 0 : i32
    %cond3A_538 = arith.cmpi ne, %convert_element_type3A_536, %cond3A_537 : i32
    scf.if %cond3A_538 {
      %dma_start3A_1455 = arith.constant 3328 : i32
      %dma_start3A_1456 = tpu.memref_slice %arg12[%dma_start3A_1455] : memref<5120xi32, #tpu.memory_space<vmem>> -> memref<128xi32, #tpu.memory_space<vmem>>
      %dma_start3A_1457 = arith.constant 3328 : i32
      %dma_start3A_1458 = tpu.memref_slice %arg11[%dma_start3A_1457] : memref<5120xi32, #tpu.memory_space<vmem>> -> memref<128xi32, #tpu.memory_space<vmem>>
      %dma_start3A_1459 = arith.constant 0 : i32
      %dma_start3A_1460 = tpu.memref_slice %arg2[%dma_start3A_1459] : memref<16777216xi32, #tpu.memory_space<hbm>> -> memref<16777216xi32, #tpu.memory_space<hbm>>
      tpu.enqueue_indirect_dma source(%dma_start3A_1460 : memref<16777216xi32, #tpu.memory_space<hbm>>) target(%dma_start3A_1456 : memref<128xi32, #tpu.memory_space<vmem>>) offsets(%dma_start3A_1458 : memref<128xi32, #tpu.memory_space<vmem>>) semaphore(%arg21 : memref<!tpu.dma_semaphore, #tpu.memory_space<semaphore_mem>>)
    } else {
    }
    %ge3A_539 = arith.constant 1024 : i32
    %ge3A_540 = arith.cmpi sge, %reduce_max3A_99, %ge3A_539 : i32
    %convert_element_type3A_541 = arith.extui %ge3A_540 : i1 to i32
    %cond3A_542 = arith.constant 0 : i32
    %cond3A_543 = arith.cmpi ne, %convert_element_type3A_541, %cond3A_542 : i32
    scf.if %cond3A_543 {
      %dma_start3A_1455 = arith.constant 3328 : i32
      %dma_start3A_1456 = tpu.memref_slice %arg12[%dma_start3A_1455] : memref<5120xi32, #tpu.memory_space<vmem>> -> memref<128xi32, #tpu.memory_space<vmem>>
      %dma_start3A_1457 = arith.constant 3328 : i32
      %dma_start3A_1458 = tpu.memref_slice %arg11[%dma_start3A_1457] : memref<5120xi32, #tpu.memory_space<vmem>> -> memref<128xi32, #tpu.memory_space<vmem>>
      %dma_start3A_1459 = arith.constant 0 : i32
      %dma_start3A_1460 = tpu.memref_slice %arg3[%dma_start3A_1459] : memref<16777216xi32, #tpu.memory_space<hbm>> -> memref<16777216xi32, #tpu.memory_space<hbm>>
      tpu.enqueue_indirect_dma source(%dma_start3A_1460 : memref<16777216xi32, #tpu.memory_space<hbm>>) target(%dma_start3A_1456 : memref<128xi32, #tpu.memory_space<vmem>>) offsets(%dma_start3A_1458 : memref<128xi32, #tpu.memory_space<vmem>>) semaphore(%arg21 : memref<!tpu.dma_semaphore, #tpu.memory_space<semaphore_mem>>)
    } else {
    }
    %lt3A_544 = arith.constant 1024 : i32
    %lt3A_545 = arith.cmpi slt, %reduce_max3A_99, %lt3A_544 : i32
    %convert_element_type3A_546 = arith.extui %lt3A_545 : i1 to i32
    %cond3A_547 = arith.constant 0 : i32
    %cond3A_548 = arith.cmpi ne, %convert_element_type3A_546, %cond3A_547 : i32
    scf.if %cond3A_548 {
      %dma_start3A_1455 = arith.constant 3456 : i32
      %dma_start3A_1456 = tpu.memref_slice %arg12[%dma_start3A_1455] : memref<5120xi32, #tpu.memory_space<vmem>> -> memref<128xi32, #tpu.memory_space<vmem>>
      %dma_start3A_1457 = arith.constant 3456 : i32
      %dma_start3A_1458 = tpu.memref_slice %arg11[%dma_start3A_1457] : memref<5120xi32, #tpu.memory_space<vmem>> -> memref<128xi32, #tpu.memory_space<vmem>>
      %dma_start3A_1459 = arith.constant 0 : i32
      %dma_start3A_1460 = tpu.memref_slice %arg2[%dma_start3A_1459] : memref<16777216xi32, #tpu.memory_space<hbm>> -> memref<16777216xi32, #tpu.memory_space<hbm>>
      tpu.enqueue_indirect_dma source(%dma_start3A_1460 : memref<16777216xi32, #tpu.memory_space<hbm>>) target(%dma_start3A_1456 : memref<128xi32, #tpu.memory_space<vmem>>) offsets(%dma_start3A_1458 : memref<128xi32, #tpu.memory_space<vmem>>) semaphore(%arg21 : memref<!tpu.dma_semaphore, #tpu.memory_space<semaphore_mem>>)
    } else {
    }
    %ge3A_549 = arith.constant 1024 : i32
    %ge3A_550 = arith.cmpi sge, %reduce_max3A_99, %ge3A_549 : i32
    %convert_element_type3A_551 = arith.extui %ge3A_550 : i1 to i32
    %cond3A_552 = arith.constant 0 : i32
    %cond3A_553 = arith.cmpi ne, %convert_element_type3A_551, %cond3A_552 : i32
    scf.if %cond3A_553 {
      %dma_start3A_1455 = arith.constant 3456 : i32
      %dma_start3A_1456 = tpu.memref_slice %arg12[%dma_start3A_1455] : memref<5120xi32, #tpu.memory_space<vmem>> -> memref<128xi32, #tpu.memory_space<vmem>>
      %dma_start3A_1457 = arith.constant 3456 : i32
      %dma_start3A_1458 = tpu.memref_slice %arg11[%dma_start3A_1457] : memref<5120xi32, #tpu.memory_space<vmem>> -> memref<128xi32, #tpu.memory_space<vmem>>
      %dma_start3A_1459 = arith.constant 0 : i32
      %dma_start3A_1460 = tpu.memref_slice %arg3[%dma_start3A_1459] : memref<16777216xi32, #tpu.memory_space<hbm>> -> memref<16777216xi32, #tpu.memory_space<hbm>>
      tpu.enqueue_indirect_dma source(%dma_start3A_1460 : memref<16777216xi32, #tpu.memory_space<hbm>>) target(%dma_start3A_1456 : memref<128xi32, #tpu.memory_space<vmem>>) offsets(%dma_start3A_1458 : memref<128xi32, #tpu.memory_space<vmem>>) semaphore(%arg21 : memref<!tpu.dma_semaphore, #tpu.memory_space<semaphore_mem>>)
    } else {
    }
    %lt3A_554 = arith.constant 1024 : i32
    %lt3A_555 = arith.cmpi slt, %reduce_max3A_113, %lt3A_554 : i32
    %sub3A_556 = arith.constant 1024 : i32
    %sub3A_557 = arith.subi %reduce_max3A_113, %sub3A_556 : i32
    %select_n3A_558 = arith.select %lt3A_555, %reduce_max3A_113, %sub3A_557 : i32
    %shift_right_arithmetic3A_559 = arith.constant 7 : i32
    %shift_right_arithmetic3A_560 = arith.shrsi %select_n3A_558, %shift_right_arithmetic3A_559 : i32
    %mul3A_561 = arith.constant 1024 : i32
    %mul3A_562 = arith.muli %shift_right_arithmetic3A_560, %mul3A_561 : i32
    %and3A_563 = arith.constant 127 : i32
    %and3A_564 = arith.andi %select_n3A_558, %and3A_563 : i32
    %add3A_565 = arith.addi %mul3A_562, %and3A_564 : i32
    %scan3A_566 = arith.constant 0 : i32
    %scan3A_567 = arith.constant 0 : i32
    %scan3A_568 = arith.constant 8 : i32
    %scan3A_569 = arith.addi %scan3A_567, %scan3A_568 : i32
    %scan3A_570 = arith.constant 1 : i32
    %scan3A_571 = scf.for %scan3A_1455 = %scan3A_567 to %scan3A_569 step %scan3A_570 iter_args(%scan3A_1456 = %scan3A_566) -> (i32)  : i32 {
      %mul3A_1457 = arith.constant 64 : i32
      %mul3A_1458 = arith.muli %scan3A_1455, %mul3A_1457 : i32
      %add3A_1459 = arith.constant 0 : i32
      %add3A_1460 = arith.addi %mul3A_1458, %add3A_1459 : i32
      %get3A_1461 = arith.index_cast %add3A_1460 : i32 to index
      %get3A_1462 = tpu.vector_load %arg10[%get3A_1461] {strides = array<i32>} : memref<512xi32, #tpu.memory_space<vmem>>, vector<16xi32>,
      %add3A_1463 = vector.broadcast %add3A_565 : i32 to vector<16xi32>
      %add3A_1464 = arith.addi %get3A_1462, %add3A_1463 : vector<16xi32>
      %add3A_1465 = arith.constant 3584 : i32
      %add3A_1466 = arith.addi %add3A_1465, %add3A_1460 : i32
      %swap3A_1467 = arith.index_cast %add3A_1466 : i32 to index
      %swap3A_1468 = tpu.vector_load %arg11[%swap3A_1467] {strides = array<i32>} : memref<5120xi32, #tpu.memory_space<vmem>>, vector<16xi32>,
      tpu.vector_store %arg11[%swap3A_1467], %add3A_1464 {strides = array<i32>} : memref<5120xi32, #tpu.memory_space<vmem>>, vector<16xi32>,
      %mul3A_1469 = arith.constant 64 : i32
      %mul3A_1470 = arith.muli %scan3A_1455, %mul3A_1469 : i32
      %add3A_1471 = arith.constant 16 : i32
      %add3A_1472 = arith.addi %mul3A_1470, %add3A_1471 : i32
      %get3A_1473 = arith.index_cast %add3A_1472 : i32 to index
      %get3A_1474 = tpu.vector_load %arg10[%get3A_1473] {strides = array<i32>} : memref<512xi32, #tpu.memory_space<vmem>>, vector<16xi32>,
      %add3A_1475 = vector.broadcast %add3A_565 : i32 to vector<16xi32>
      %add3A_1476 = arith.addi %get3A_1474, %add3A_1475 : vector<16xi32>
      %add3A_1477 = arith.constant 3584 : i32
      %add3A_1478 = arith.addi %add3A_1477, %add3A_1472 : i32
      %swap3A_1479 = arith.index_cast %add3A_1478 : i32 to index
      %swap3A_1480 = tpu.vector_load %arg11[%swap3A_1479] {strides = array<i32>} : memref<5120xi32, #tpu.memory_space<vmem>>, vector<16xi32>,
      tpu.vector_store %arg11[%swap3A_1479], %add3A_1476 {strides = array<i32>} : memref<5120xi32, #tpu.memory_space<vmem>>, vector<16xi32>,
      %mul3A_1481 = arith.constant 64 : i32
      %mul3A_1482 = arith.muli %scan3A_1455, %mul3A_1481 : i32
      %add3A_1483 = arith.constant 32 : i32
      %add3A_1484 = arith.addi %mul3A_1482, %add3A_1483 : i32
      %get3A_1485 = arith.index_cast %add3A_1484 : i32 to index
      %get3A_1486 = tpu.vector_load %arg10[%get3A_1485] {strides = array<i32>} : memref<512xi32, #tpu.memory_space<vmem>>, vector<16xi32>,
      %add3A_1487 = vector.broadcast %add3A_565 : i32 to vector<16xi32>
      %add3A_1488 = arith.addi %get3A_1486, %add3A_1487 : vector<16xi32>
      %add3A_1489 = arith.constant 3584 : i32
      %add3A_1490 = arith.addi %add3A_1489, %add3A_1484 : i32
      %swap3A_1491 = arith.index_cast %add3A_1490 : i32 to index
      %swap3A_1492 = tpu.vector_load %arg11[%swap3A_1491] {strides = array<i32>} : memref<5120xi32, #tpu.memory_space<vmem>>, vector<16xi32>,
      tpu.vector_store %arg11[%swap3A_1491], %add3A_1488 {strides = array<i32>} : memref<5120xi32, #tpu.memory_space<vmem>>, vector<16xi32>,
      %mul3A_1493 = arith.constant 64 : i32
      %mul3A_1494 = arith.muli %scan3A_1455, %mul3A_1493 : i32
      %add3A_1495 = arith.constant 48 : i32
      %add3A_1496 = arith.addi %mul3A_1494, %add3A_1495 : i32
      %get3A_1497 = arith.index_cast %add3A_1496 : i32 to index
      %get3A_1498 = tpu.vector_load %arg10[%get3A_1497] {strides = array<i32>} : memref<512xi32, #tpu.memory_space<vmem>>, vector<16xi32>,
      %add3A_1499 = vector.broadcast %add3A_565 : i32 to vector<16xi32>
      %add3A_1500 = arith.addi %get3A_1498, %add3A_1499 : vector<16xi32>
      %add3A_1501 = arith.constant 3584 : i32
      %add3A_1502 = arith.addi %add3A_1501, %add3A_1496 : i32
      %swap3A_1503 = arith.index_cast %add3A_1502 : i32 to index
      %swap3A_1504 = tpu.vector_load %arg11[%swap3A_1503] {strides = array<i32>} : memref<5120xi32, #tpu.memory_space<vmem>>, vector<16xi32>,
      tpu.vector_store %arg11[%swap3A_1503], %add3A_1500 {strides = array<i32>} : memref<5120xi32, #tpu.memory_space<vmem>>, vector<16xi32>,
      %scan3A_1505 = arith.constant 0 : i32
      scf.yield %scan3A_1505 : i32
    }
    %scan3A_572 = arith.constant 8 : i32
    %lt3A_573 = arith.constant 1024 : i32
    %lt3A_574 = arith.cmpi slt, %reduce_max3A_113, %lt3A_573 : i32
    %convert_element_type3A_575 = arith.extui %lt3A_574 : i1 to i32
    %cond3A_576 = arith.constant 0 : i32
    %cond3A_577 = arith.cmpi ne, %convert_element_type3A_575, %cond3A_576 : i32
    scf.if %cond3A_577 {
      %dma_start3A_1455 = arith.constant 3584 : i32
      %dma_start3A_1456 = tpu.memref_slice %arg12[%dma_start3A_1455] : memref<5120xi32, #tpu.memory_space<vmem>> -> memref<128xi32, #tpu.memory_space<vmem>>
      %dma_start3A_1457 = arith.constant 3584 : i32
      %dma_start3A_1458 = tpu.memref_slice %arg11[%dma_start3A_1457] : memref<5120xi32, #tpu.memory_space<vmem>> -> memref<128xi32, #tpu.memory_space<vmem>>
      %dma_start3A_1459 = arith.constant 0 : i32
      %dma_start3A_1460 = tpu.memref_slice %arg2[%dma_start3A_1459] : memref<16777216xi32, #tpu.memory_space<hbm>> -> memref<16777216xi32, #tpu.memory_space<hbm>>
      tpu.enqueue_indirect_dma source(%dma_start3A_1460 : memref<16777216xi32, #tpu.memory_space<hbm>>) target(%dma_start3A_1456 : memref<128xi32, #tpu.memory_space<vmem>>) offsets(%dma_start3A_1458 : memref<128xi32, #tpu.memory_space<vmem>>) semaphore(%arg21 : memref<!tpu.dma_semaphore, #tpu.memory_space<semaphore_mem>>)
    } else {
    }
    %ge3A_578 = arith.constant 1024 : i32
    %ge3A_579 = arith.cmpi sge, %reduce_max3A_113, %ge3A_578 : i32
    %convert_element_type3A_580 = arith.extui %ge3A_579 : i1 to i32
    %cond3A_581 = arith.constant 0 : i32
    %cond3A_582 = arith.cmpi ne, %convert_element_type3A_580, %cond3A_581 : i32
    scf.if %cond3A_582 {
      %dma_start3A_1455 = arith.constant 3584 : i32
      %dma_start3A_1456 = tpu.memref_slice %arg12[%dma_start3A_1455] : memref<5120xi32, #tpu.memory_space<vmem>> -> memref<128xi32, #tpu.memory_space<vmem>>
      %dma_start3A_1457 = arith.constant 3584 : i32
      %dma_start3A_1458 = tpu.memref_slice %arg11[%dma_start3A_1457] : memref<5120xi32, #tpu.memory_space<vmem>> -> memref<128xi32, #tpu.memory_space<vmem>>
      %dma_start3A_1459 = arith.constant 0 : i32
      %dma_start3A_1460 = tpu.memref_slice %arg3[%dma_start3A_1459] : memref<16777216xi32, #tpu.memory_space<hbm>> -> memref<16777216xi32, #tpu.memory_space<hbm>>
      tpu.enqueue_indirect_dma source(%dma_start3A_1460 : memref<16777216xi32, #tpu.memory_space<hbm>>) target(%dma_start3A_1456 : memref<128xi32, #tpu.memory_space<vmem>>) offsets(%dma_start3A_1458 : memref<128xi32, #tpu.memory_space<vmem>>) semaphore(%arg21 : memref<!tpu.dma_semaphore, #tpu.memory_space<semaphore_mem>>)
    } else {
    }
    %lt3A_583 = arith.constant 1024 : i32
    %lt3A_584 = arith.cmpi slt, %reduce_max3A_113, %lt3A_583 : i32
    %convert_element_type3A_585 = arith.extui %lt3A_584 : i1 to i32
    %cond3A_586 = arith.constant 0 : i32
    %cond3A_587 = arith.cmpi ne, %convert_element_type3A_585, %cond3A_586 : i32
    scf.if %cond3A_587 {
      %dma_start3A_1455 = arith.constant 3712 : i32
      %dma_start3A_1456 = tpu.memref_slice %arg12[%dma_start3A_1455] : memref<5120xi32, #tpu.memory_space<vmem>> -> memref<128xi32, #tpu.memory_space<vmem>>
      %dma_start3A_1457 = arith.constant 3712 : i32
      %dma_start3A_1458 = tpu.memref_slice %arg11[%dma_start3A_1457] : memref<5120xi32, #tpu.memory_space<vmem>> -> memref<128xi32, #tpu.memory_space<vmem>>
      %dma_start3A_1459 = arith.constant 0 : i32
      %dma_start3A_1460 = tpu.memref_slice %arg2[%dma_start3A_1459] : memref<16777216xi32, #tpu.memory_space<hbm>> -> memref<16777216xi32, #tpu.memory_space<hbm>>
      tpu.enqueue_indirect_dma source(%dma_start3A_1460 : memref<16777216xi32, #tpu.memory_space<hbm>>) target(%dma_start3A_1456 : memref<128xi32, #tpu.memory_space<vmem>>) offsets(%dma_start3A_1458 : memref<128xi32, #tpu.memory_space<vmem>>) semaphore(%arg21 : memref<!tpu.dma_semaphore, #tpu.memory_space<semaphore_mem>>)
    } else {
    }
    %ge3A_588 = arith.constant 1024 : i32
    %ge3A_589 = arith.cmpi sge, %reduce_max3A_113, %ge3A_588 : i32
    %convert_element_type3A_590 = arith.extui %ge3A_589 : i1 to i32
    %cond3A_591 = arith.constant 0 : i32
    %cond3A_592 = arith.cmpi ne, %convert_element_type3A_590, %cond3A_591 : i32
    scf.if %cond3A_592 {
      %dma_start3A_1455 = arith.constant 3712 : i32
      %dma_start3A_1456 = tpu.memref_slice %arg12[%dma_start3A_1455] : memref<5120xi32, #tpu.memory_space<vmem>> -> memref<128xi32, #tpu.memory_space<vmem>>
      %dma_start3A_1457 = arith.constant 3712 : i32
      %dma_start3A_1458 = tpu.memref_slice %arg11[%dma_start3A_1457] : memref<5120xi32, #tpu.memory_space<vmem>> -> memref<128xi32, #tpu.memory_space<vmem>>
      %dma_start3A_1459 = arith.constant 0 : i32
      %dma_start3A_1460 = tpu.memref_slice %arg3[%dma_start3A_1459] : memref<16777216xi32, #tpu.memory_space<hbm>> -> memref<16777216xi32, #tpu.memory_space<hbm>>
      tpu.enqueue_indirect_dma source(%dma_start3A_1460 : memref<16777216xi32, #tpu.memory_space<hbm>>) target(%dma_start3A_1456 : memref<128xi32, #tpu.memory_space<vmem>>) offsets(%dma_start3A_1458 : memref<128xi32, #tpu.memory_space<vmem>>) semaphore(%arg21 : memref<!tpu.dma_semaphore, #tpu.memory_space<semaphore_mem>>)
    } else {
    }
    %lt3A_593 = arith.constant 1024 : i32
    %lt3A_594 = arith.cmpi slt, %reduce_max3A_113, %lt3A_593 : i32
    %convert_element_type3A_595 = arith.extui %lt3A_594 : i1 to i32
    %cond3A_596 = arith.constant 0 : i32
    %cond3A_597 = arith.cmpi ne, %convert_element_type3A_595, %cond3A_596 : i32
    scf.if %cond3A_597 {
      %dma_start3A_1455 = arith.constant 3840 : i32
      %dma_start3A_1456 = tpu.memref_slice %arg12[%dma_start3A_1455] : memref<5120xi32, #tpu.memory_space<vmem>> -> memref<128xi32, #tpu.memory_space<vmem>>
      %dma_start3A_1457 = arith.constant 3840 : i32
      %dma_start3A_1458 = tpu.memref_slice %arg11[%dma_start3A_1457] : memref<5120xi32, #tpu.memory_space<vmem>> -> memref<128xi32, #tpu.memory_space<vmem>>
      %dma_start3A_1459 = arith.constant 0 : i32
      %dma_start3A_1460 = tpu.memref_slice %arg2[%dma_start3A_1459] : memref<16777216xi32, #tpu.memory_space<hbm>> -> memref<16777216xi32, #tpu.memory_space<hbm>>
      tpu.enqueue_indirect_dma source(%dma_start3A_1460 : memref<16777216xi32, #tpu.memory_space<hbm>>) target(%dma_start3A_1456 : memref<128xi32, #tpu.memory_space<vmem>>) offsets(%dma_start3A_1458 : memref<128xi32, #tpu.memory_space<vmem>>) semaphore(%arg21 : memref<!tpu.dma_semaphore, #tpu.memory_space<semaphore_mem>>)
    } else {
    }
    %ge3A_598 = arith.constant 1024 : i32
    %ge3A_599 = arith.cmpi sge, %reduce_max3A_113, %ge3A_598 : i32
    %convert_element_type3A_600 = arith.extui %ge3A_599 : i1 to i32
    %cond3A_601 = arith.constant 0 : i32
    %cond3A_602 = arith.cmpi ne, %convert_element_type3A_600, %cond3A_601 : i32
    scf.if %cond3A_602 {
      %dma_start3A_1455 = arith.constant 3840 : i32
      %dma_start3A_1456 = tpu.memref_slice %arg12[%dma_start3A_1455] : memref<5120xi32, #tpu.memory_space<vmem>> -> memref<128xi32, #tpu.memory_space<vmem>>
      %dma_start3A_1457 = arith.constant 3840 : i32
      %dma_start3A_1458 = tpu.memref_slice %arg11[%dma_start3A_1457] : memref<5120xi32, #tpu.memory_space<vmem>> -> memref<128xi32, #tpu.memory_space<vmem>>
      %dma_start3A_1459 = arith.constant 0 : i32
      %dma_start3A_1460 = tpu.memref_slice %arg3[%dma_start3A_1459] : memref<16777216xi32, #tpu.memory_space<hbm>> -> memref<16777216xi32, #tpu.memory_space<hbm>>
      tpu.enqueue_indirect_dma source(%dma_start3A_1460 : memref<16777216xi32, #tpu.memory_space<hbm>>) target(%dma_start3A_1456 : memref<128xi32, #tpu.memory_space<vmem>>) offsets(%dma_start3A_1458 : memref<128xi32, #tpu.memory_space<vmem>>) semaphore(%arg21 : memref<!tpu.dma_semaphore, #tpu.memory_space<semaphore_mem>>)
    } else {
    }
    %lt3A_603 = arith.constant 1024 : i32
    %lt3A_604 = arith.cmpi slt, %reduce_max3A_113, %lt3A_603 : i32
    %convert_element_type3A_605 = arith.extui %lt3A_604 : i1 to i32
    %cond3A_606 = arith.constant 0 : i32
    %cond3A_607 = arith.cmpi ne, %convert_element_type3A_605, %cond3A_606 : i32
    scf.if %cond3A_607 {
      %dma_start3A_1455 = arith.constant 3968 : i32
      %dma_start3A_1456 = tpu.memref_slice %arg12[%dma_start3A_1455] : memref<5120xi32, #tpu.memory_space<vmem>> -> memref<128xi32, #tpu.memory_space<vmem>>
      %dma_start3A_1457 = arith.constant 3968 : i32
      %dma_start3A_1458 = tpu.memref_slice %arg11[%dma_start3A_1457] : memref<5120xi32, #tpu.memory_space<vmem>> -> memref<128xi32, #tpu.memory_space<vmem>>
      %dma_start3A_1459 = arith.constant 0 : i32
      %dma_start3A_1460 = tpu.memref_slice %arg2[%dma_start3A_1459] : memref<16777216xi32, #tpu.memory_space<hbm>> -> memref<16777216xi32, #tpu.memory_space<hbm>>
      tpu.enqueue_indirect_dma source(%dma_start3A_1460 : memref<16777216xi32, #tpu.memory_space<hbm>>) target(%dma_start3A_1456 : memref<128xi32, #tpu.memory_space<vmem>>) offsets(%dma_start3A_1458 : memref<128xi32, #tpu.memory_space<vmem>>) semaphore(%arg21 : memref<!tpu.dma_semaphore, #tpu.memory_space<semaphore_mem>>)
    } else {
    }
    %ge3A_608 = arith.constant 1024 : i32
    %ge3A_609 = arith.cmpi sge, %reduce_max3A_113, %ge3A_608 : i32
    %convert_element_type3A_610 = arith.extui %ge3A_609 : i1 to i32
    %cond3A_611 = arith.constant 0 : i32
    %cond3A_612 = arith.cmpi ne, %convert_element_type3A_610, %cond3A_611 : i32
    scf.if %cond3A_612 {
      %dma_start3A_1455 = arith.constant 3968 : i32
      %dma_start3A_1456 = tpu.memref_slice %arg12[%dma_start3A_1455] : memref<5120xi32, #tpu.memory_space<vmem>> -> memref<128xi32, #tpu.memory_space<vmem>>
      %dma_start3A_1457 = arith.constant 3968 : i32
      %dma_start3A_1458 = tpu.memref_slice %arg11[%dma_start3A_1457] : memref<5120xi32, #tpu.memory_space<vmem>> -> memref<128xi32, #tpu.memory_space<vmem>>
      %dma_start3A_1459 = arith.constant 0 : i32
      %dma_start3A_1460 = tpu.memref_slice %arg3[%dma_start3A_1459] : memref<16777216xi32, #tpu.memory_space<hbm>> -> memref<16777216xi32, #tpu.memory_space<hbm>>
      tpu.enqueue_indirect_dma source(%dma_start3A_1460 : memref<16777216xi32, #tpu.memory_space<hbm>>) target(%dma_start3A_1456 : memref<128xi32, #tpu.memory_space<vmem>>) offsets(%dma_start3A_1458 : memref<128xi32, #tpu.memory_space<vmem>>) semaphore(%arg21 : memref<!tpu.dma_semaphore, #tpu.memory_space<semaphore_mem>>)
    } else {
    }
    %lt3A_613 = arith.constant 1024 : i32
    %lt3A_614 = arith.cmpi slt, %reduce_max3A_127, %lt3A_613 : i32
    %sub3A_615 = arith.constant 1024 : i32
    %sub3A_616 = arith.subi %reduce_max3A_127, %sub3A_615 : i32
    %select_n3A_617 = arith.select %lt3A_614, %reduce_max3A_127, %sub3A_616 : i32
    %shift_right_arithmetic3A_618 = arith.constant 7 : i32
    %shift_right_arithmetic3A_619 = arith.shrsi %select_n3A_617, %shift_right_arithmetic3A_618 : i32
    %mul3A_620 = arith.constant 1024 : i32
    %mul3A_621 = arith.muli %shift_right_arithmetic3A_619, %mul3A_620 : i32
    %and3A_622 = arith.constant 127 : i32
    %and3A_623 = arith.andi %select_n3A_617, %and3A_622 : i32
    %add3A_624 = arith.addi %mul3A_621, %and3A_623 : i32
    %scan3A_625 = arith.constant 0 : i32
    %scan3A_626 = arith.constant 0 : i32
    %scan3A_627 = arith.constant 8 : i32
    %scan3A_628 = arith.addi %scan3A_626, %scan3A_627 : i32
    %scan3A_629 = arith.constant 1 : i32
    %scan3A_630 = scf.for %scan3A_1455 = %scan3A_626 to %scan3A_628 step %scan3A_629 iter_args(%scan3A_1456 = %scan3A_625) -> (i32)  : i32 {
      %mul3A_1457 = arith.constant 64 : i32
      %mul3A_1458 = arith.muli %scan3A_1455, %mul3A_1457 : i32
      %add3A_1459 = arith.constant 0 : i32
      %add3A_1460 = arith.addi %mul3A_1458, %add3A_1459 : i32
      %get3A_1461 = arith.index_cast %add3A_1460 : i32 to index
      %get3A_1462 = tpu.vector_load %arg10[%get3A_1461] {strides = array<i32>} : memref<512xi32, #tpu.memory_space<vmem>>, vector<16xi32>,
      %add3A_1463 = vector.broadcast %add3A_624 : i32 to vector<16xi32>
      %add3A_1464 = arith.addi %get3A_1462, %add3A_1463 : vector<16xi32>
      %add3A_1465 = arith.constant 4096 : i32
      %add3A_1466 = arith.addi %add3A_1465, %add3A_1460 : i32
      %swap3A_1467 = arith.index_cast %add3A_1466 : i32 to index
      %swap3A_1468 = tpu.vector_load %arg11[%swap3A_1467] {strides = array<i32>} : memref<5120xi32, #tpu.memory_space<vmem>>, vector<16xi32>,
      tpu.vector_store %arg11[%swap3A_1467], %add3A_1464 {strides = array<i32>} : memref<5120xi32, #tpu.memory_space<vmem>>, vector<16xi32>,
      %mul3A_1469 = arith.constant 64 : i32
      %mul3A_1470 = arith.muli %scan3A_1455, %mul3A_1469 : i32
      %add3A_1471 = arith.constant 16 : i32
      %add3A_1472 = arith.addi %mul3A_1470, %add3A_1471 : i32
      %get3A_1473 = arith.index_cast %add3A_1472 : i32 to index
      %get3A_1474 = tpu.vector_load %arg10[%get3A_1473] {strides = array<i32>} : memref<512xi32, #tpu.memory_space<vmem>>, vector<16xi32>,
      %add3A_1475 = vector.broadcast %add3A_624 : i32 to vector<16xi32>
      %add3A_1476 = arith.addi %get3A_1474, %add3A_1475 : vector<16xi32>
      %add3A_1477 = arith.constant 4096 : i32
      %add3A_1478 = arith.addi %add3A_1477, %add3A_1472 : i32
      %swap3A_1479 = arith.index_cast %add3A_1478 : i32 to index
      %swap3A_1480 = tpu.vector_load %arg11[%swap3A_1479] {strides = array<i32>} : memref<5120xi32, #tpu.memory_space<vmem>>, vector<16xi32>,
      tpu.vector_store %arg11[%swap3A_1479], %add3A_1476 {strides = array<i32>} : memref<5120xi32, #tpu.memory_space<vmem>>, vector<16xi32>,
      %mul3A_1481 = arith.constant 64 : i32
      %mul3A_1482 = arith.muli %scan3A_1455, %mul3A_1481 : i32
      %add3A_1483 = arith.constant 32 : i32
      %add3A_1484 = arith.addi %mul3A_1482, %add3A_1483 : i32
      %get3A_1485 = arith.index_cast %add3A_1484 : i32 to index
      %get3A_1486 = tpu.vector_load %arg10[%get3A_1485] {strides = array<i32>} : memref<512xi32, #tpu.memory_space<vmem>>, vector<16xi32>,
      %add3A_1487 = vector.broadcast %add3A_624 : i32 to vector<16xi32>
      %add3A_1488 = arith.addi %get3A_1486, %add3A_1487 : vector<16xi32>
      %add3A_1489 = arith.constant 4096 : i32
      %add3A_1490 = arith.addi %add3A_1489, %add3A_1484 : i32
      %swap3A_1491 = arith.index_cast %add3A_1490 : i32 to index
      %swap3A_1492 = tpu.vector_load %arg11[%swap3A_1491] {strides = array<i32>} : memref<5120xi32, #tpu.memory_space<vmem>>, vector<16xi32>,
      tpu.vector_store %arg11[%swap3A_1491], %add3A_1488 {strides = array<i32>} : memref<5120xi32, #tpu.memory_space<vmem>>, vector<16xi32>,
      %mul3A_1493 = arith.constant 64 : i32
      %mul3A_1494 = arith.muli %scan3A_1455, %mul3A_1493 : i32
      %add3A_1495 = arith.constant 48 : i32
      %add3A_1496 = arith.addi %mul3A_1494, %add3A_1495 : i32
      %get3A_1497 = arith.index_cast %add3A_1496 : i32 to index
      %get3A_1498 = tpu.vector_load %arg10[%get3A_1497] {strides = array<i32>} : memref<512xi32, #tpu.memory_space<vmem>>, vector<16xi32>,
      %add3A_1499 = vector.broadcast %add3A_624 : i32 to vector<16xi32>
      %add3A_1500 = arith.addi %get3A_1498, %add3A_1499 : vector<16xi32>
      %add3A_1501 = arith.constant 4096 : i32
      %add3A_1502 = arith.addi %add3A_1501, %add3A_1496 : i32
      %swap3A_1503 = arith.index_cast %add3A_1502 : i32 to index
      %swap3A_1504 = tpu.vector_load %arg11[%swap3A_1503] {strides = array<i32>} : memref<5120xi32, #tpu.memory_space<vmem>>, vector<16xi32>,
      tpu.vector_store %arg11[%swap3A_1503], %add3A_1500 {strides = array<i32>} : memref<5120xi32, #tpu.memory_space<vmem>>, vector<16xi32>,
      %scan3A_1505 = arith.constant 0 : i32
      scf.yield %scan3A_1505 : i32
    }
    %scan3A_631 = arith.constant 8 : i32
    %lt3A_632 = arith.constant 1024 : i32
    %lt3A_633 = arith.cmpi slt, %reduce_max3A_127, %lt3A_632 : i32
    %convert_element_type3A_634 = arith.extui %lt3A_633 : i1 to i32
    %cond3A_635 = arith.constant 0 : i32
    %cond3A_636 = arith.cmpi ne, %convert_element_type3A_634, %cond3A_635 : i32
    scf.if %cond3A_636 {
      %dma_start3A_1455 = arith.constant 4096 : i32
      %dma_start3A_1456 = tpu.memref_slice %arg12[%dma_start3A_1455] : memref<5120xi32, #tpu.memory_space<vmem>> -> memref<128xi32, #tpu.memory_space<vmem>>
      %dma_start3A_1457 = arith.constant 4096 : i32
      %dma_start3A_1458 = tpu.memref_slice %arg11[%dma_start3A_1457] : memref<5120xi32, #tpu.memory_space<vmem>> -> memref<128xi32, #tpu.memory_space<vmem>>
      %dma_start3A_1459 = arith.constant 0 : i32
      %dma_start3A_1460 = tpu.memref_slice %arg2[%dma_start3A_1459] : memref<16777216xi32, #tpu.memory_space<hbm>> -> memref<16777216xi32, #tpu.memory_space<hbm>>
      tpu.enqueue_indirect_dma source(%dma_start3A_1460 : memref<16777216xi32, #tpu.memory_space<hbm>>) target(%dma_start3A_1456 : memref<128xi32, #tpu.memory_space<vmem>>) offsets(%dma_start3A_1458 : memref<128xi32, #tpu.memory_space<vmem>>) semaphore(%arg21 : memref<!tpu.dma_semaphore, #tpu.memory_space<semaphore_mem>>)
    } else {
    }
    %ge3A_637 = arith.constant 1024 : i32
    %ge3A_638 = arith.cmpi sge, %reduce_max3A_127, %ge3A_637 : i32
    %convert_element_type3A_639 = arith.extui %ge3A_638 : i1 to i32
    %cond3A_640 = arith.constant 0 : i32
    %cond3A_641 = arith.cmpi ne, %convert_element_type3A_639, %cond3A_640 : i32
    scf.if %cond3A_641 {
      %dma_start3A_1455 = arith.constant 4096 : i32
      %dma_start3A_1456 = tpu.memref_slice %arg12[%dma_start3A_1455] : memref<5120xi32, #tpu.memory_space<vmem>> -> memref<128xi32, #tpu.memory_space<vmem>>
      %dma_start3A_1457 = arith.constant 4096 : i32
      %dma_start3A_1458 = tpu.memref_slice %arg11[%dma_start3A_1457] : memref<5120xi32, #tpu.memory_space<vmem>> -> memref<128xi32, #tpu.memory_space<vmem>>
      %dma_start3A_1459 = arith.constant 0 : i32
      %dma_start3A_1460 = tpu.memref_slice %arg3[%dma_start3A_1459] : memref<16777216xi32, #tpu.memory_space<hbm>> -> memref<16777216xi32, #tpu.memory_space<hbm>>
      tpu.enqueue_indirect_dma source(%dma_start3A_1460 : memref<16777216xi32, #tpu.memory_space<hbm>>) target(%dma_start3A_1456 : memref<128xi32, #tpu.memory_space<vmem>>) offsets(%dma_start3A_1458 : memref<128xi32, #tpu.memory_space<vmem>>) semaphore(%arg21 : memref<!tpu.dma_semaphore, #tpu.memory_space<semaphore_mem>>)
    } else {
    }
    %lt3A_642 = arith.constant 1024 : i32
    %lt3A_643 = arith.cmpi slt, %reduce_max3A_127, %lt3A_642 : i32
    %convert_element_type3A_644 = arith.extui %lt3A_643 : i1 to i32
    %cond3A_645 = arith.constant 0 : i32
    %cond3A_646 = arith.cmpi ne, %convert_element_type3A_644, %cond3A_645 : i32
    scf.if %cond3A_646 {
      %dma_start3A_1455 = arith.constant 4224 : i32
      %dma_start3A_1456 = tpu.memref_slice %arg12[%dma_start3A_1455] : memref<5120xi32, #tpu.memory_space<vmem>> -> memref<128xi32, #tpu.memory_space<vmem>>
      %dma_start3A_1457 = arith.constant 4224 : i32
      %dma_start3A_1458 = tpu.memref_slice %arg11[%dma_start3A_1457] : memref<5120xi32, #tpu.memory_space<vmem>> -> memref<128xi32, #tpu.memory_space<vmem>>
      %dma_start3A_1459 = arith.constant 0 : i32
      %dma_start3A_1460 = tpu.memref_slice %arg2[%dma_start3A_1459] : memref<16777216xi32, #tpu.memory_space<hbm>> -> memref<16777216xi32, #tpu.memory_space<hbm>>
      tpu.enqueue_indirect_dma source(%dma_start3A_1460 : memref<16777216xi32, #tpu.memory_space<hbm>>) target(%dma_start3A_1456 : memref<128xi32, #tpu.memory_space<vmem>>) offsets(%dma_start3A_1458 : memref<128xi32, #tpu.memory_space<vmem>>) semaphore(%arg21 : memref<!tpu.dma_semaphore, #tpu.memory_space<semaphore_mem>>)
    } else {
    }
    %ge3A_647 = arith.constant 1024 : i32
    %ge3A_648 = arith.cmpi sge, %reduce_max3A_127, %ge3A_647 : i32
    %convert_element_type3A_649 = arith.extui %ge3A_648 : i1 to i32
    %cond3A_650 = arith.constant 0 : i32
    %cond3A_651 = arith.cmpi ne, %convert_element_type3A_649, %cond3A_650 : i32
    scf.if %cond3A_651 {
      %dma_start3A_1455 = arith.constant 4224 : i32
      %dma_start3A_1456 = tpu.memref_slice %arg12[%dma_start3A_1455] : memref<5120xi32, #tpu.memory_space<vmem>> -> memref<128xi32, #tpu.memory_space<vmem>>
      %dma_start3A_1457 = arith.constant 4224 : i32
      %dma_start3A_1458 = tpu.memref_slice %arg11[%dma_start3A_1457] : memref<5120xi32, #tpu.memory_space<vmem>> -> memref<128xi32, #tpu.memory_space<vmem>>
      %dma_start3A_1459 = arith.constant 0 : i32
      %dma_start3A_1460 = tpu.memref_slice %arg3[%dma_start3A_1459] : memref<16777216xi32, #tpu.memory_space<hbm>> -> memref<16777216xi32, #tpu.memory_space<hbm>>
      tpu.enqueue_indirect_dma source(%dma_start3A_1460 : memref<16777216xi32, #tpu.memory_space<hbm>>) target(%dma_start3A_1456 : memref<128xi32, #tpu.memory_space<vmem>>) offsets(%dma_start3A_1458 : memref<128xi32, #tpu.memory_space<vmem>>) semaphore(%arg21 : memref<!tpu.dma_semaphore, #tpu.memory_space<semaphore_mem>>)
    } else {
    }
    %lt3A_652 = arith.constant 1024 : i32
    %lt3A_653 = arith.cmpi slt, %reduce_max3A_127, %lt3A_652 : i32
    %convert_element_type3A_654 = arith.extui %lt3A_653 : i1 to i32
    %cond3A_655 = arith.constant 0 : i32
    %cond3A_656 = arith.cmpi ne, %convert_element_type3A_654, %cond3A_655 : i32
    scf.if %cond3A_656 {
      %dma_start3A_1455 = arith.constant 4352 : i32
      %dma_start3A_1456 = tpu.memref_slice %arg12[%dma_start3A_1455] : memref<5120xi32, #tpu.memory_space<vmem>> -> memref<128xi32, #tpu.memory_space<vmem>>
      %dma_start3A_1457 = arith.constant 4352 : i32
      %dma_start3A_1458 = tpu.memref_slice %arg11[%dma_start3A_1457] : memref<5120xi32, #tpu.memory_space<vmem>> -> memref<128xi32, #tpu.memory_space<vmem>>
      %dma_start3A_1459 = arith.constant 0 : i32
      %dma_start3A_1460 = tpu.memref_slice %arg2[%dma_start3A_1459] : memref<16777216xi32, #tpu.memory_space<hbm>> -> memref<16777216xi32, #tpu.memory_space<hbm>>
      tpu.enqueue_indirect_dma source(%dma_start3A_1460 : memref<16777216xi32, #tpu.memory_space<hbm>>) target(%dma_start3A_1456 : memref<128xi32, #tpu.memory_space<vmem>>) offsets(%dma_start3A_1458 : memref<128xi32, #tpu.memory_space<vmem>>) semaphore(%arg21 : memref<!tpu.dma_semaphore, #tpu.memory_space<semaphore_mem>>)
    } else {
    }
    %ge3A_657 = arith.constant 1024 : i32
    %ge3A_658 = arith.cmpi sge, %reduce_max3A_127, %ge3A_657 : i32
    %convert_element_type3A_659 = arith.extui %ge3A_658 : i1 to i32
    %cond3A_660 = arith.constant 0 : i32
    %cond3A_661 = arith.cmpi ne, %convert_element_type3A_659, %cond3A_660 : i32
    scf.if %cond3A_661 {
      %dma_start3A_1455 = arith.constant 4352 : i32
      %dma_start3A_1456 = tpu.memref_slice %arg12[%dma_start3A_1455] : memref<5120xi32, #tpu.memory_space<vmem>> -> memref<128xi32, #tpu.memory_space<vmem>>
      %dma_start3A_1457 = arith.constant 4352 : i32
      %dma_start3A_1458 = tpu.memref_slice %arg11[%dma_start3A_1457] : memref<5120xi32, #tpu.memory_space<vmem>> -> memref<128xi32, #tpu.memory_space<vmem>>
      %dma_start3A_1459 = arith.constant 0 : i32
      %dma_start3A_1460 = tpu.memref_slice %arg3[%dma_start3A_1459] : memref<16777216xi32, #tpu.memory_space<hbm>> -> memref<16777216xi32, #tpu.memory_space<hbm>>
      tpu.enqueue_indirect_dma source(%dma_start3A_1460 : memref<16777216xi32, #tpu.memory_space<hbm>>) target(%dma_start3A_1456 : memref<128xi32, #tpu.memory_space<vmem>>) offsets(%dma_start3A_1458 : memref<128xi32, #tpu.memory_space<vmem>>) semaphore(%arg21 : memref<!tpu.dma_semaphore, #tpu.memory_space<semaphore_mem>>)
    } else {
    }
    %lt3A_662 = arith.constant 1024 : i32
    %lt3A_663 = arith.cmpi slt, %reduce_max3A_127, %lt3A_662 : i32
    %convert_element_type3A_664 = arith.extui %lt3A_663 : i1 to i32
    %cond3A_665 = arith.constant 0 : i32
    %cond3A_666 = arith.cmpi ne, %convert_element_type3A_664, %cond3A_665 : i32
    scf.if %cond3A_666 {
      %dma_start3A_1455 = arith.constant 4480 : i32
      %dma_start3A_1456 = tpu.memref_slice %arg12[%dma_start3A_1455] : memref<5120xi32, #tpu.memory_space<vmem>> -> memref<128xi32, #tpu.memory_space<vmem>>
      %dma_start3A_1457 = arith.constant 4480 : i32
      %dma_start3A_1458 = tpu.memref_slice %arg11[%dma_start3A_1457] : memref<5120xi32, #tpu.memory_space<vmem>> -> memref<128xi32, #tpu.memory_space<vmem>>
      %dma_start3A_1459 = arith.constant 0 : i32
      %dma_start3A_1460 = tpu.memref_slice %arg2[%dma_start3A_1459] : memref<16777216xi32, #tpu.memory_space<hbm>> -> memref<16777216xi32, #tpu.memory_space<hbm>>
      tpu.enqueue_indirect_dma source(%dma_start3A_1460 : memref<16777216xi32, #tpu.memory_space<hbm>>) target(%dma_start3A_1456 : memref<128xi32, #tpu.memory_space<vmem>>) offsets(%dma_start3A_1458 : memref<128xi32, #tpu.memory_space<vmem>>) semaphore(%arg21 : memref<!tpu.dma_semaphore, #tpu.memory_space<semaphore_mem>>)
    } else {
    }
    %ge3A_667 = arith.constant 1024 : i32
    %ge3A_668 = arith.cmpi sge, %reduce_max3A_127, %ge3A_667 : i32
    %convert_element_type3A_669 = arith.extui %ge3A_668 : i1 to i32
    %cond3A_670 = arith.constant 0 : i32
    %cond3A_671 = arith.cmpi ne, %convert_element_type3A_669, %cond3A_670 : i32
    scf.if %cond3A_671 {
      %dma_start3A_1455 = arith.constant 4480 : i32
      %dma_start3A_1456 = tpu.memref_slice %arg12[%dma_start3A_1455] : memref<5120xi32, #tpu.memory_space<vmem>> -> memref<128xi32, #tpu.memory_space<vmem>>
      %dma_start3A_1457 = arith.constant 4480 : i32
      %dma_start3A_1458 = tpu.memref_slice %arg11[%dma_start3A_1457] : memref<5120xi32, #tpu.memory_space<vmem>> -> memref<128xi32, #tpu.memory_space<vmem>>
      %dma_start3A_1459 = arith.constant 0 : i32
      %dma_start3A_1460 = tpu.memref_slice %arg3[%dma_start3A_1459] : memref<16777216xi32, #tpu.memory_space<hbm>> -> memref<16777216xi32, #tpu.memory_space<hbm>>
      tpu.enqueue_indirect_dma source(%dma_start3A_1460 : memref<16777216xi32, #tpu.memory_space<hbm>>) target(%dma_start3A_1456 : memref<128xi32, #tpu.memory_space<vmem>>) offsets(%dma_start3A_1458 : memref<128xi32, #tpu.memory_space<vmem>>) semaphore(%arg21 : memref<!tpu.dma_semaphore, #tpu.memory_space<semaphore_mem>>)
    } else {
    }
    %lt3A_672 = arith.constant 1024 : i32
    %lt3A_673 = arith.cmpi slt, %reduce_max3A_141, %lt3A_672 : i32
    %sub3A_674 = arith.constant 1024 : i32
    %sub3A_675 = arith.subi %reduce_max3A_141, %sub3A_674 : i32
    %select_n3A_676 = arith.select %lt3A_673, %reduce_max3A_141, %sub3A_675 : i32
    %shift_right_arithmetic3A_677 = arith.constant 7 : i32
    %shift_right_arithmetic3A_678 = arith.shrsi %select_n3A_676, %shift_right_arithmetic3A_677 : i32
    %mul3A_679 = arith.constant 1024 : i32
    %mul3A_680 = arith.muli %shift_right_arithmetic3A_678, %mul3A_679 : i32
    %and3A_681 = arith.constant 127 : i32
    %and3A_682 = arith.andi %select_n3A_676, %and3A_681 : i32
    %add3A_683 = arith.addi %mul3A_680, %and3A_682 : i32
    %scan3A_684 = arith.constant 0 : i32
    %scan3A_685 = arith.constant 0 : i32
    %scan3A_686 = arith.constant 8 : i32
    %scan3A_687 = arith.addi %scan3A_685, %scan3A_686 : i32
    %scan3A_688 = arith.constant 1 : i32
    %scan3A_689 = scf.for %scan3A_1455 = %scan3A_685 to %scan3A_687 step %scan3A_688 iter_args(%scan3A_1456 = %scan3A_684) -> (i32)  : i32 {
      %mul3A_1457 = arith.constant 64 : i32
      %mul3A_1458 = arith.muli %scan3A_1455, %mul3A_1457 : i32
      %add3A_1459 = arith.constant 0 : i32
      %add3A_1460 = arith.addi %mul3A_1458, %add3A_1459 : i32
      %get3A_1461 = arith.index_cast %add3A_1460 : i32 to index
      %get3A_1462 = tpu.vector_load %arg10[%get3A_1461] {strides = array<i32>} : memref<512xi32, #tpu.memory_space<vmem>>, vector<16xi32>,
      %add3A_1463 = vector.broadcast %add3A_683 : i32 to vector<16xi32>
      %add3A_1464 = arith.addi %get3A_1462, %add3A_1463 : vector<16xi32>
      %add3A_1465 = arith.constant 4608 : i32
      %add3A_1466 = arith.addi %add3A_1465, %add3A_1460 : i32
      %swap3A_1467 = arith.index_cast %add3A_1466 : i32 to index
      %swap3A_1468 = tpu.vector_load %arg11[%swap3A_1467] {strides = array<i32>} : memref<5120xi32, #tpu.memory_space<vmem>>, vector<16xi32>,
      tpu.vector_store %arg11[%swap3A_1467], %add3A_1464 {strides = array<i32>} : memref<5120xi32, #tpu.memory_space<vmem>>, vector<16xi32>,
      %mul3A_1469 = arith.constant 64 : i32
      %mul3A_1470 = arith.muli %scan3A_1455, %mul3A_1469 : i32
      %add3A_1471 = arith.constant 16 : i32
      %add3A_1472 = arith.addi %mul3A_1470, %add3A_1471 : i32
      %get3A_1473 = arith.index_cast %add3A_1472 : i32 to index
      %get3A_1474 = tpu.vector_load %arg10[%get3A_1473] {strides = array<i32>} : memref<512xi32, #tpu.memory_space<vmem>>, vector<16xi32>,
      %add3A_1475 = vector.broadcast %add3A_683 : i32 to vector<16xi32>
      %add3A_1476 = arith.addi %get3A_1474, %add3A_1475 : vector<16xi32>
      %add3A_1477 = arith.constant 4608 : i32
      %add3A_1478 = arith.addi %add3A_1477, %add3A_1472 : i32
      %swap3A_1479 = arith.index_cast %add3A_1478 : i32 to index
      %swap3A_1480 = tpu.vector_load %arg11[%swap3A_1479] {strides = array<i32>} : memref<5120xi32, #tpu.memory_space<vmem>>, vector<16xi32>,
      tpu.vector_store %arg11[%swap3A_1479], %add3A_1476 {strides = array<i32>} : memref<5120xi32, #tpu.memory_space<vmem>>, vector<16xi32>,
      %mul3A_1481 = arith.constant 64 : i32
      %mul3A_1482 = arith.muli %scan3A_1455, %mul3A_1481 : i32
      %add3A_1483 = arith.constant 32 : i32
      %add3A_1484 = arith.addi %mul3A_1482, %add3A_1483 : i32
      %get3A_1485 = arith.index_cast %add3A_1484 : i32 to index
      %get3A_1486 = tpu.vector_load %arg10[%get3A_1485] {strides = array<i32>} : memref<512xi32, #tpu.memory_space<vmem>>, vector<16xi32>,
      %add3A_1487 = vector.broadcast %add3A_683 : i32 to vector<16xi32>
      %add3A_1488 = arith.addi %get3A_1486, %add3A_1487 : vector<16xi32>
      %add3A_1489 = arith.constant 4608 : i32
      %add3A_1490 = arith.addi %add3A_1489, %add3A_1484 : i32
      %swap3A_1491 = arith.index_cast %add3A_1490 : i32 to index
      %swap3A_1492 = tpu.vector_load %arg11[%swap3A_1491] {strides = array<i32>} : memref<5120xi32, #tpu.memory_space<vmem>>, vector<16xi32>,
      tpu.vector_store %arg11[%swap3A_1491], %add3A_1488 {strides = array<i32>} : memref<5120xi32, #tpu.memory_space<vmem>>, vector<16xi32>,
      %mul3A_1493 = arith.constant 64 : i32
      %mul3A_1494 = arith.muli %scan3A_1455, %mul3A_1493 : i32
      %add3A_1495 = arith.constant 48 : i32
      %add3A_1496 = arith.addi %mul3A_1494, %add3A_1495 : i32
      %get3A_1497 = arith.index_cast %add3A_1496 : i32 to index
      %get3A_1498 = tpu.vector_load %arg10[%get3A_1497] {strides = array<i32>} : memref<512xi32, #tpu.memory_space<vmem>>, vector<16xi32>,
      %add3A_1499 = vector.broadcast %add3A_683 : i32 to vector<16xi32>
      %add3A_1500 = arith.addi %get3A_1498, %add3A_1499 : vector<16xi32>
      %add3A_1501 = arith.constant 4608 : i32
      %add3A_1502 = arith.addi %add3A_1501, %add3A_1496 : i32
      %swap3A_1503 = arith.index_cast %add3A_1502 : i32 to index
      %swap3A_1504 = tpu.vector_load %arg11[%swap3A_1503] {strides = array<i32>} : memref<5120xi32, #tpu.memory_space<vmem>>, vector<16xi32>,
      tpu.vector_store %arg11[%swap3A_1503], %add3A_1500 {strides = array<i32>} : memref<5120xi32, #tpu.memory_space<vmem>>, vector<16xi32>,
      %scan3A_1505 = arith.constant 0 : i32
      scf.yield %scan3A_1505 : i32
    }
    %scan3A_690 = arith.constant 8 : i32
    %lt3A_691 = arith.constant 1024 : i32
    %lt3A_692 = arith.cmpi slt, %reduce_max3A_141, %lt3A_691 : i32
    %convert_element_type3A_693 = arith.extui %lt3A_692 : i1 to i32
    %cond3A_694 = arith.constant 0 : i32
    %cond3A_695 = arith.cmpi ne, %convert_element_type3A_693, %cond3A_694 : i32
    scf.if %cond3A_695 {
      %dma_start3A_1455 = arith.constant 4608 : i32
      %dma_start3A_1456 = tpu.memref_slice %arg12[%dma_start3A_1455] : memref<5120xi32, #tpu.memory_space<vmem>> -> memref<128xi32, #tpu.memory_space<vmem>>
      %dma_start3A_1457 = arith.constant 4608 : i32
      %dma_start3A_1458 = tpu.memref_slice %arg11[%dma_start3A_1457] : memref<5120xi32, #tpu.memory_space<vmem>> -> memref<128xi32, #tpu.memory_space<vmem>>
      %dma_start3A_1459 = arith.constant 0 : i32
      %dma_start3A_1460 = tpu.memref_slice %arg2[%dma_start3A_1459] : memref<16777216xi32, #tpu.memory_space<hbm>> -> memref<16777216xi32, #tpu.memory_space<hbm>>
      tpu.enqueue_indirect_dma source(%dma_start3A_1460 : memref<16777216xi32, #tpu.memory_space<hbm>>) target(%dma_start3A_1456 : memref<128xi32, #tpu.memory_space<vmem>>) offsets(%dma_start3A_1458 : memref<128xi32, #tpu.memory_space<vmem>>) semaphore(%arg21 : memref<!tpu.dma_semaphore, #tpu.memory_space<semaphore_mem>>)
    } else {
    }
    %ge3A_696 = arith.constant 1024 : i32
    %ge3A_697 = arith.cmpi sge, %reduce_max3A_141, %ge3A_696 : i32
    %convert_element_type3A_698 = arith.extui %ge3A_697 : i1 to i32
    %cond3A_699 = arith.constant 0 : i32
    %cond3A_700 = arith.cmpi ne, %convert_element_type3A_698, %cond3A_699 : i32
    scf.if %cond3A_700 {
      %dma_start3A_1455 = arith.constant 4608 : i32
      %dma_start3A_1456 = tpu.memref_slice %arg12[%dma_start3A_1455] : memref<5120xi32, #tpu.memory_space<vmem>> -> memref<128xi32, #tpu.memory_space<vmem>>
      %dma_start3A_1457 = arith.constant 4608 : i32
      %dma_start3A_1458 = tpu.memref_slice %arg11[%dma_start3A_1457] : memref<5120xi32, #tpu.memory_space<vmem>> -> memref<128xi32, #tpu.memory_space<vmem>>
      %dma_start3A_1459 = arith.constant 0 : i32
      %dma_start3A_1460 = tpu.memref_slice %arg3[%dma_start3A_1459] : memref<16777216xi32, #tpu.memory_space<hbm>> -> memref<16777216xi32, #tpu.memory_space<hbm>>
      tpu.enqueue_indirect_dma source(%dma_start3A_1460 : memref<16777216xi32, #tpu.memory_space<hbm>>) target(%dma_start3A_1456 : memref<128xi32, #tpu.memory_space<vmem>>) offsets(%dma_start3A_1458 : memref<128xi32, #tpu.memory_space<vmem>>) semaphore(%arg21 : memref<!tpu.dma_semaphore, #tpu.memory_space<semaphore_mem>>)
    } else {
    }
    %lt3A_701 = arith.constant 1024 : i32
    %lt3A_702 = arith.cmpi slt, %reduce_max3A_141, %lt3A_701 : i32
    %convert_element_type3A_703 = arith.extui %lt3A_702 : i1 to i32
    %cond3A_704 = arith.constant 0 : i32
    %cond3A_705 = arith.cmpi ne, %convert_element_type3A_703, %cond3A_704 : i32
    scf.if %cond3A_705 {
      %dma_start3A_1455 = arith.constant 4736 : i32
      %dma_start3A_1456 = tpu.memref_slice %arg12[%dma_start3A_1455] : memref<5120xi32, #tpu.memory_space<vmem>> -> memref<128xi32, #tpu.memory_space<vmem>>
      %dma_start3A_1457 = arith.constant 4736 : i32
      %dma_start3A_1458 = tpu.memref_slice %arg11[%dma_start3A_1457] : memref<5120xi32, #tpu.memory_space<vmem>> -> memref<128xi32, #tpu.memory_space<vmem>>
      %dma_start3A_1459 = arith.constant 0 : i32
      %dma_start3A_1460 = tpu.memref_slice %arg2[%dma_start3A_1459] : memref<16777216xi32, #tpu.memory_space<hbm>> -> memref<16777216xi32, #tpu.memory_space<hbm>>
      tpu.enqueue_indirect_dma source(%dma_start3A_1460 : memref<16777216xi32, #tpu.memory_space<hbm>>) target(%dma_start3A_1456 : memref<128xi32, #tpu.memory_space<vmem>>) offsets(%dma_start3A_1458 : memref<128xi32, #tpu.memory_space<vmem>>) semaphore(%arg21 : memref<!tpu.dma_semaphore, #tpu.memory_space<semaphore_mem>>)
    } else {
    }
    %ge3A_706 = arith.constant 1024 : i32
    %ge3A_707 = arith.cmpi sge, %reduce_max3A_141, %ge3A_706 : i32
    %convert_element_type3A_708 = arith.extui %ge3A_707 : i1 to i32
    %cond3A_709 = arith.constant 0 : i32
    %cond3A_710 = arith.cmpi ne, %convert_element_type3A_708, %cond3A_709 : i32
    scf.if %cond3A_710 {
      %dma_start3A_1455 = arith.constant 4736 : i32
      %dma_start3A_1456 = tpu.memref_slice %arg12[%dma_start3A_1455] : memref<5120xi32, #tpu.memory_space<vmem>> -> memref<128xi32, #tpu.memory_space<vmem>>
      %dma_start3A_1457 = arith.constant 4736 : i32
      %dma_start3A_1458 = tpu.memref_slice %arg11[%dma_start3A_1457] : memref<5120xi32, #tpu.memory_space<vmem>> -> memref<128xi32, #tpu.memory_space<vmem>>
      %dma_start3A_1459 = arith.constant 0 : i32
      %dma_start3A_1460 = tpu.memref_slice %arg3[%dma_start3A_1459] : memref<16777216xi32, #tpu.memory_space<hbm>> -> memref<16777216xi32, #tpu.memory_space<hbm>>
      tpu.enqueue_indirect_dma source(%dma_start3A_1460 : memref<16777216xi32, #tpu.memory_space<hbm>>) target(%dma_start3A_1456 : memref<128xi32, #tpu.memory_space<vmem>>) offsets(%dma_start3A_1458 : memref<128xi32, #tpu.memory_space<vmem>>) semaphore(%arg21 : memref<!tpu.dma_semaphore, #tpu.memory_space<semaphore_mem>>)
    } else {
    }
    %lt3A_711 = arith.constant 1024 : i32
    %lt3A_712 = arith.cmpi slt, %reduce_max3A_141, %lt3A_711 : i32
    %convert_element_type3A_713 = arith.extui %lt3A_712 : i1 to i32
    %cond3A_714 = arith.constant 0 : i32
    %cond3A_715 = arith.cmpi ne, %convert_element_type3A_713, %cond3A_714 : i32
    scf.if %cond3A_715 {
      %dma_start3A_1455 = arith.constant 4864 : i32
      %dma_start3A_1456 = tpu.memref_slice %arg12[%dma_start3A_1455] : memref<5120xi32, #tpu.memory_space<vmem>> -> memref<128xi32, #tpu.memory_space<vmem>>
      %dma_start3A_1457 = arith.constant 4864 : i32
      %dma_start3A_1458 = tpu.memref_slice %arg11[%dma_start3A_1457] : memref<5120xi32, #tpu.memory_space<vmem>> -> memref<128xi32, #tpu.memory_space<vmem>>
      %dma_start3A_1459 = arith.constant 0 : i32
      %dma_start3A_1460 = tpu.memref_slice %arg2[%dma_start3A_1459] : memref<16777216xi32, #tpu.memory_space<hbm>> -> memref<16777216xi32, #tpu.memory_space<hbm>>
      tpu.enqueue_indirect_dma source(%dma_start3A_1460 : memref<16777216xi32, #tpu.memory_space<hbm>>) target(%dma_start3A_1456 : memref<128xi32, #tpu.memory_space<vmem>>) offsets(%dma_start3A_1458 : memref<128xi32, #tpu.memory_space<vmem>>) semaphore(%arg21 : memref<!tpu.dma_semaphore, #tpu.memory_space<semaphore_mem>>)
    } else {
    }
    %ge3A_716 = arith.constant 1024 : i32
    %ge3A_717 = arith.cmpi sge, %reduce_max3A_141, %ge3A_716 : i32
    %convert_element_type3A_718 = arith.extui %ge3A_717 : i1 to i32
    %cond3A_719 = arith.constant 0 : i32
    %cond3A_720 = arith.cmpi ne, %convert_element_type3A_718, %cond3A_719 : i32
    scf.if %cond3A_720 {
      %dma_start3A_1455 = arith.constant 4864 : i32
      %dma_start3A_1456 = tpu.memref_slice %arg12[%dma_start3A_1455] : memref<5120xi32, #tpu.memory_space<vmem>> -> memref<128xi32, #tpu.memory_space<vmem>>
      %dma_start3A_1457 = arith.constant 4864 : i32
      %dma_start3A_1458 = tpu.memref_slice %arg11[%dma_start3A_1457] : memref<5120xi32, #tpu.memory_space<vmem>> -> memref<128xi32, #tpu.memory_space<vmem>>
      %dma_start3A_1459 = arith.constant 0 : i32
      %dma_start3A_1460 = tpu.memref_slice %arg3[%dma_start3A_1459] : memref<16777216xi32, #tpu.memory_space<hbm>> -> memref<16777216xi32, #tpu.memory_space<hbm>>
      tpu.enqueue_indirect_dma source(%dma_start3A_1460 : memref<16777216xi32, #tpu.memory_space<hbm>>) target(%dma_start3A_1456 : memref<128xi32, #tpu.memory_space<vmem>>) offsets(%dma_start3A_1458 : memref<128xi32, #tpu.memory_space<vmem>>) semaphore(%arg21 : memref<!tpu.dma_semaphore, #tpu.memory_space<semaphore_mem>>)
    } else {
    }
    %lt3A_721 = arith.constant 1024 : i32
    %lt3A_722 = arith.cmpi slt, %reduce_max3A_141, %lt3A_721 : i32
    %convert_element_type3A_723 = arith.extui %lt3A_722 : i1 to i32
    %cond3A_724 = arith.constant 0 : i32
    %cond3A_725 = arith.cmpi ne, %convert_element_type3A_723, %cond3A_724 : i32
    scf.if %cond3A_725 {
      %dma_start3A_1455 = arith.constant 4992 : i32
      %dma_start3A_1456 = tpu.memref_slice %arg12[%dma_start3A_1455] : memref<5120xi32, #tpu.memory_space<vmem>> -> memref<128xi32, #tpu.memory_space<vmem>>
      %dma_start3A_1457 = arith.constant 4992 : i32
      %dma_start3A_1458 = tpu.memref_slice %arg11[%dma_start3A_1457] : memref<5120xi32, #tpu.memory_space<vmem>> -> memref<128xi32, #tpu.memory_space<vmem>>
      %dma_start3A_1459 = arith.constant 0 : i32
      %dma_start3A_1460 = tpu.memref_slice %arg2[%dma_start3A_1459] : memref<16777216xi32, #tpu.memory_space<hbm>> -> memref<16777216xi32, #tpu.memory_space<hbm>>
      tpu.enqueue_indirect_dma source(%dma_start3A_1460 : memref<16777216xi32, #tpu.memory_space<hbm>>) target(%dma_start3A_1456 : memref<128xi32, #tpu.memory_space<vmem>>) offsets(%dma_start3A_1458 : memref<128xi32, #tpu.memory_space<vmem>>) semaphore(%arg21 : memref<!tpu.dma_semaphore, #tpu.memory_space<semaphore_mem>>)
    } else {
    }
    %ge3A_726 = arith.constant 1024 : i32
    %ge3A_727 = arith.cmpi sge, %reduce_max3A_141, %ge3A_726 : i32
    %convert_element_type3A_728 = arith.extui %ge3A_727 : i1 to i32
    %cond3A_729 = arith.constant 0 : i32
    %cond3A_730 = arith.cmpi ne, %convert_element_type3A_728, %cond3A_729 : i32
    scf.if %cond3A_730 {
      %dma_start3A_1455 = arith.constant 4992 : i32
      %dma_start3A_1456 = tpu.memref_slice %arg12[%dma_start3A_1455] : memref<5120xi32, #tpu.memory_space<vmem>> -> memref<128xi32, #tpu.memory_space<vmem>>
      %dma_start3A_1457 = arith.constant 4992 : i32
      %dma_start3A_1458 = tpu.memref_slice %arg11[%dma_start3A_1457] : memref<5120xi32, #tpu.memory_space<vmem>> -> memref<128xi32, #tpu.memory_space<vmem>>
      %dma_start3A_1459 = arith.constant 0 : i32
      %dma_start3A_1460 = tpu.memref_slice %arg3[%dma_start3A_1459] : memref<16777216xi32, #tpu.memory_space<hbm>> -> memref<16777216xi32, #tpu.memory_space<hbm>>
      tpu.enqueue_indirect_dma source(%dma_start3A_1460 : memref<16777216xi32, #tpu.memory_space<hbm>>) target(%dma_start3A_1456 : memref<128xi32, #tpu.memory_space<vmem>>) offsets(%dma_start3A_1458 : memref<128xi32, #tpu.memory_space<vmem>>) semaphore(%arg21 : memref<!tpu.dma_semaphore, #tpu.memory_space<semaphore_mem>>)
    } else {
    }
    %broadcast_in_dim3A_731 = arith.constant -1 : i32
    %broadcast_in_dim3A_732 = vector.broadcast %broadcast_in_dim3A_731 : i32 to vector<16xi32>
    %scan3A_733 = arith.constant 0 : i32
    %scan3A_734 = arith.constant 0 : i32
    %scan3A_735 = arith.constant 64 : i32
    %scan3A_736 = arith.addi %scan3A_734, %scan3A_735 : i32
    %scan3A_737 = arith.constant 1 : i32
    %scan3A_738 = scf.for %scan3A_1455 = %scan3A_734 to %scan3A_736 step %scan3A_737 iter_args(%scan3A_1456 = %scan3A_733) -> (i32)  : i32 {
      %mul3A_1457 = arith.constant 128 : i32
      %mul3A_1458 = arith.muli %scan3A_1455, %mul3A_1457 : i32
      %add3A_1459 = arith.constant 0 : i32
      %add3A_1460 = arith.addi %mul3A_1458, %add3A_1459 : i32
      %swap3A_1461 = arith.index_cast %add3A_1460 : i32 to index
      %swap3A_1462 = tpu.vector_load %arg16[%swap3A_1461] {strides = array<i32>} : memref<8192xi32, #tpu.memory_space<vmem>>, vector<16xi32>,
      tpu.vector_store %arg16[%swap3A_1461], %broadcast_in_dim3A_732 {strides = array<i32>} : memref<8192xi32, #tpu.memory_space<vmem>>, vector<16xi32>,
      %mul3A_1463 = arith.constant 128 : i32
      %mul3A_1464 = arith.muli %scan3A_1455, %mul3A_1463 : i32
      %add3A_1465 = arith.constant 16 : i32
      %add3A_1466 = arith.addi %mul3A_1464, %add3A_1465 : i32
      %swap3A_1467 = arith.index_cast %add3A_1466 : i32 to index
      %swap3A_1468 = tpu.vector_load %arg16[%swap3A_1467] {strides = array<i32>} : memref<8192xi32, #tpu.memory_space<vmem>>, vector<16xi32>,
      tpu.vector_store %arg16[%swap3A_1467], %broadcast_in_dim3A_732 {strides = array<i32>} : memref<8192xi32, #tpu.memory_space<vmem>>, vector<16xi32>,
      %mul3A_1469 = arith.constant 128 : i32
      %mul3A_1470 = arith.muli %scan3A_1455, %mul3A_1469 : i32
      %add3A_1471 = arith.constant 32 : i32
      %add3A_1472 = arith.addi %mul3A_1470, %add3A_1471 : i32
      %swap3A_1473 = arith.index_cast %add3A_1472 : i32 to index
      %swap3A_1474 = tpu.vector_load %arg16[%swap3A_1473] {strides = array<i32>} : memref<8192xi32, #tpu.memory_space<vmem>>, vector<16xi32>,
      tpu.vector_store %arg16[%swap3A_1473], %broadcast_in_dim3A_732 {strides = array<i32>} : memref<8192xi32, #tpu.memory_space<vmem>>, vector<16xi32>,
      %mul3A_1475 = arith.constant 128 : i32
      %mul3A_1476 = arith.muli %scan3A_1455, %mul3A_1475 : i32
      %add3A_1477 = arith.constant 48 : i32
      %add3A_1478 = arith.addi %mul3A_1476, %add3A_1477 : i32
      %swap3A_1479 = arith.index_cast %add3A_1478 : i32 to index
      %swap3A_1480 = tpu.vector_load %arg16[%swap3A_1479] {strides = array<i32>} : memref<8192xi32, #tpu.memory_space<vmem>>, vector<16xi32>,
      tpu.vector_store %arg16[%swap3A_1479], %broadcast_in_dim3A_732 {strides = array<i32>} : memref<8192xi32, #tpu.memory_space<vmem>>, vector<16xi32>,
      %mul3A_1481 = arith.constant 128 : i32
      %mul3A_1482 = arith.muli %scan3A_1455, %mul3A_1481 : i32
      %add3A_1483 = arith.constant 64 : i32
      %add3A_1484 = arith.addi %mul3A_1482, %add3A_1483 : i32
      %swap3A_1485 = arith.index_cast %add3A_1484 : i32 to index
      %swap3A_1486 = tpu.vector_load %arg16[%swap3A_1485] {strides = array<i32>} : memref<8192xi32, #tpu.memory_space<vmem>>, vector<16xi32>,
      tpu.vector_store %arg16[%swap3A_1485], %broadcast_in_dim3A_732 {strides = array<i32>} : memref<8192xi32, #tpu.memory_space<vmem>>, vector<16xi32>,
      %mul3A_1487 = arith.constant 128 : i32
      %mul3A_1488 = arith.muli %scan3A_1455, %mul3A_1487 : i32
      %add3A_1489 = arith.constant 80 : i32
      %add3A_1490 = arith.addi %mul3A_1488, %add3A_1489 : i32
      %swap3A_1491 = arith.index_cast %add3A_1490 : i32 to index
      %swap3A_1492 = tpu.vector_load %arg16[%swap3A_1491] {strides = array<i32>} : memref<8192xi32, #tpu.memory_space<vmem>>, vector<16xi32>,
      tpu.vector_store %arg16[%swap3A_1491], %broadcast_in_dim3A_732 {strides = array<i32>} : memref<8192xi32, #tpu.memory_space<vmem>>, vector<16xi32>,
      %mul3A_1493 = arith.constant 128 : i32
      %mul3A_1494 = arith.muli %scan3A_1455, %mul3A_1493 : i32
      %add3A_1495 = arith.constant 96 : i32
      %add3A_1496 = arith.addi %mul3A_1494, %add3A_1495 : i32
      %swap3A_1497 = arith.index_cast %add3A_1496 : i32 to index
      %swap3A_1498 = tpu.vector_load %arg16[%swap3A_1497] {strides = array<i32>} : memref<8192xi32, #tpu.memory_space<vmem>>, vector<16xi32>,
      tpu.vector_store %arg16[%swap3A_1497], %broadcast_in_dim3A_732 {strides = array<i32>} : memref<8192xi32, #tpu.memory_space<vmem>>, vector<16xi32>,
      %mul3A_1499 = arith.constant 128 : i32
      %mul3A_1500 = arith.muli %scan3A_1455, %mul3A_1499 : i32
      %add3A_1501 = arith.constant 112 : i32
      %add3A_1502 = arith.addi %mul3A_1500, %add3A_1501 : i32
      %swap3A_1503 = arith.index_cast %add3A_1502 : i32 to index
      %swap3A_1504 = tpu.vector_load %arg16[%swap3A_1503] {strides = array<i32>} : memref<8192xi32, #tpu.memory_space<vmem>>, vector<16xi32>,
      tpu.vector_store %arg16[%swap3A_1503], %broadcast_in_dim3A_732 {strides = array<i32>} : memref<8192xi32, #tpu.memory_space<vmem>>, vector<16xi32>,
      %scan3A_1505 = arith.constant 0 : i32
      scf.yield %scan3A_1505 : i32
    }
    %scan3A_739 = arith.constant 64 : i32
    %dma_wait3A = arith.constant 0 : i32
    %dma_wait3A_740 = tpu.memref_slice %arg2[%dma_wait3A] : memref<16777216xi32, #tpu.memory_space<hbm>> -> memref<5120xi32, #tpu.memory_space<hbm>>
    %dma_wait3A_741 = arith.constant 0 : i32
    %dma_wait3A_742 = tpu.memref_slice %arg2[%dma_wait3A_741] : memref<16777216xi32, #tpu.memory_space<hbm>> -> memref<5120xi32, #tpu.memory_space<hbm>>
    tpu.wait_dma2 semaphore(%arg21 : memref<!tpu.dma_semaphore, #tpu.memory_space<semaphore_mem>>) src(%dma_wait3A_742 : memref<5120xi32, #tpu.memory_space<hbm>>) dst(%arg12 : memref<5120xi32, #tpu.memory_space<vmem>>)
    %dma_wait3A_743 = tpu.memref_slice %arg4[%mul3A_2] : memref<16384xi32, #tpu.memory_space<hbm>> -> memref<512xi32, #tpu.memory_space<hbm>>
    %dma_wait3A_744 = tpu.memref_slice %arg4[%mul3A_2] : memref<16384xi32, #tpu.memory_space<hbm>> -> memref<512xi32, #tpu.memory_space<hbm>>
    tpu.wait_dma2 semaphore(%arg22 : memref<!tpu.dma_semaphore, #tpu.memory_space<semaphore_mem>>) src(%dma_wait3A_744 : memref<512xi32, #tpu.memory_space<hbm>>) dst(%arg13 : memref<512xi32, #tpu.memory_space<vmem>>)
    %dma_wait3A_745 = tpu.memref_slice %arg5[%mul3A_2] : memref<16384xi32, #tpu.memory_space<hbm>> -> memref<512xi32, #tpu.memory_space<hbm>>
    %dma_wait3A_746 = tpu.memref_slice %arg5[%mul3A_2] : memref<16384xi32, #tpu.memory_space<hbm>> -> memref<512xi32, #tpu.memory_space<hbm>>
    tpu.wait_dma2 semaphore(%arg22 : memref<!tpu.dma_semaphore, #tpu.memory_space<semaphore_mem>>) src(%dma_wait3A_746 : memref<512xi32, #tpu.memory_space<hbm>>) dst(%arg14 : memref<512xi32, #tpu.memory_space<vmem>>)
    %sub3A_747 = arith.constant 15 : i32
    %sub3A_748 = vector.broadcast %sub3A_747 : i32 to vector<16xi32>
    %sub3A_749 = arith.subi %sub3A_748, %iota3A : vector<16xi32>
    %min3A = arith.minsi %iota3A, %sub3A_749 : vector<16xi32>
    %mul3A_750 = arith.constant 1024 : i32
    %mul3A_751 = vector.broadcast %mul3A_750 : i32 to vector<16xi32>
    %mul3A_752 = arith.muli %min3A, %mul3A_751 : vector<16xi32>
    %lt3A_753 = arith.constant 8 : i32
    %lt3A_754 = vector.broadcast %lt3A_753 : i32 to vector<16xi32>
    %lt3A_755 = arith.cmpi slt, %iota3A, %lt3A_754 : vector<16xi32>
    %scan3A_756 = arith.constant 0 : i32
    %scan3A_757 = arith.constant 0 : i32
    %scan3A_758 = arith.constant 32 : i32
    %scan3A_759 = arith.addi %scan3A_757, %scan3A_758 : i32
    %scan3A_760 = arith.constant 1 : i32
    %scan3A_761 = scf.for %scan3A_1455 = %scan3A_757 to %scan3A_759 step %scan3A_760 iter_args(%scan3A_1456 = %scan3A_756) -> (i32)  : i32 {
      %broadcast_in_dim3A_1457 = arith.constant 0 : i32
      %broadcast_in_dim3A_1458 = vector.broadcast %broadcast_in_dim3A_1457 : i32 to vector<16xi32>
      %mul3A_1459 = arith.constant 16 : i32
      %mul3A_1460 = arith.muli %scan3A_1455, %mul3A_1459 : i32
      %add3A_1461 = arith.constant 0 : i32
      %add3A_1462 = arith.addi %add3A_1461, %mul3A_1460 : i32
      %get3A_1463 = arith.index_cast %add3A_1462 : i32 to index
      %get3A_1464 = tpu.vector_load %arg12[%get3A_1463] {strides = array<i32>} : memref<5120xi32, #tpu.memory_space<vmem>>, vector<16xi32>,
      %mul3A_1465 = arith.constant 1 : i32
      %mul3A_1466 = vector.broadcast %mul3A_1465 : i32 to vector<16xi32>
      %mul3A_1467 = arith.muli %get3A_1464, %mul3A_1466 : vector<16xi32>
      %add3A_1468 = arith.addi %broadcast_in_dim3A_1458, %mul3A_1467 : vector<16xi32>
      %mul3A_1469 = arith.constant 16 : i32
      %mul3A_1470 = arith.muli %scan3A_1455, %mul3A_1469 : i32
      %add3A_1471 = arith.constant 512 : i32
      %add3A_1472 = arith.addi %add3A_1471, %mul3A_1470 : i32
      %get3A_1473 = arith.index_cast %add3A_1472 : i32 to index
      %get3A_1474 = tpu.vector_load %arg12[%get3A_1473] {strides = array<i32>} : memref<5120xi32, #tpu.memory_space<vmem>>, vector<16xi32>,
      %mul3A_1475 = arith.constant 2 : i32
      %mul3A_1476 = vector.broadcast %mul3A_1475 : i32 to vector<16xi32>
      %mul3A_1477 = arith.muli %get3A_1474, %mul3A_1476 : vector<16xi32>
      %add3A_1478 = arith.addi %add3A_1468, %mul3A_1477 : vector<16xi32>
      %mul3A_1479 = arith.constant 16 : i32
      %mul3A_1480 = arith.muli %scan3A_1455, %mul3A_1479 : i32
      %add3A_1481 = arith.constant 1024 : i32
      %add3A_1482 = arith.addi %add3A_1481, %mul3A_1480 : i32
      %get3A_1483 = arith.index_cast %add3A_1482 : i32 to index
      %get3A_1484 = tpu.vector_load %arg12[%get3A_1483] {strides = array<i32>} : memref<5120xi32, #tpu.memory_space<vmem>>, vector<16xi32>,
      %mul3A_1485 = arith.constant 4 : i32
      %mul3A_1486 = vector.broadcast %mul3A_1485 : i32 to vector<16xi32>
      %mul3A_1487 = arith.muli %get3A_1484, %mul3A_1486 : vector<16xi32>
      %add3A_1488 = arith.addi %add3A_1478, %mul3A_1487 : vector<16xi32>
      %mul3A_1489 = arith.constant 16 : i32
      %mul3A_1490 = arith.muli %scan3A_1455, %mul3A_1489 : i32
      %add3A_1491 = arith.constant 1536 : i32
      %add3A_1492 = arith.addi %add3A_1491, %mul3A_1490 : i32
      %get3A_1493 = arith.index_cast %add3A_1492 : i32 to index
      %get3A_1494 = tpu.vector_load %arg12[%get3A_1493] {strides = array<i32>} : memref<5120xi32, #tpu.memory_space<vmem>>, vector<16xi32>,
      %mul3A_1495 = arith.constant 8 : i32
      %mul3A_1496 = vector.broadcast %mul3A_1495 : i32 to vector<16xi32>
      %mul3A_1497 = arith.muli %get3A_1494, %mul3A_1496 : vector<16xi32>
      %add3A_1498 = arith.addi %add3A_1488, %mul3A_1497 : vector<16xi32>
      %mul3A_1499 = arith.constant 16 : i32
      %mul3A_1500 = arith.muli %scan3A_1455, %mul3A_1499 : i32
      %add3A_1501 = arith.constant 2048 : i32
      %add3A_1502 = arith.addi %add3A_1501, %mul3A_1500 : i32
      %get3A_1503 = arith.index_cast %add3A_1502 : i32 to index
      %get3A_1504 = tpu.vector_load %arg12[%get3A_1503] {strides = array<i32>} : memref<5120xi32, #tpu.memory_space<vmem>>, vector<16xi32>,
      %mul3A_1505 = arith.constant 16 : i32
      %mul3A_1506 = vector.broadcast %mul3A_1505 : i32 to vector<16xi32>
      %mul3A_1507 = arith.muli %get3A_1504, %mul3A_1506 : vector<16xi32>
      %add3A_1508 = arith.addi %add3A_1498, %mul3A_1507 : vector<16xi32>
      %mul3A_1509 = arith.constant 16 : i32
      %mul3A_1510 = arith.muli %scan3A_1455, %mul3A_1509 : i32
      %add3A_1511 = arith.constant 2560 : i32
      %add3A_1512 = arith.addi %add3A_1511, %mul3A_1510 : i32
      %get3A_1513 = arith.index_cast %add3A_1512 : i32 to index
      %get3A_1514 = tpu.vector_load %arg12[%get3A_1513] {strides = array<i32>} : memref<5120xi32, #tpu.memory_space<vmem>>, vector<16xi32>,
      %mul3A_1515 = arith.constant 32 : i32
      %mul3A_1516 = vector.broadcast %mul3A_1515 : i32 to vector<16xi32>
      %mul3A_1517 = arith.muli %get3A_1514, %mul3A_1516 : vector<16xi32>
      %add3A_1518 = arith.addi %add3A_1508, %mul3A_1517 : vector<16xi32>
      %mul3A_1519 = arith.constant 16 : i32
      %mul3A_1520 = arith.muli %scan3A_1455, %mul3A_1519 : i32
      %add3A_1521 = arith.constant 3072 : i32
      %add3A_1522 = arith.addi %add3A_1521, %mul3A_1520 : i32
      %get3A_1523 = arith.index_cast %add3A_1522 : i32 to index
      %get3A_1524 = tpu.vector_load %arg12[%get3A_1523] {strides = array<i32>} : memref<5120xi32, #tpu.memory_space<vmem>>, vector<16xi32>,
      %mul3A_1525 = arith.constant 64 : i32
      %mul3A_1526 = vector.broadcast %mul3A_1525 : i32 to vector<16xi32>
      %mul3A_1527 = arith.muli %get3A_1524, %mul3A_1526 : vector<16xi32>
      %add3A_1528 = arith.addi %add3A_1518, %mul3A_1527 : vector<16xi32>
      %mul3A_1529 = arith.constant 16 : i32
      %mul3A_1530 = arith.muli %scan3A_1455, %mul3A_1529 : i32
      %add3A_1531 = arith.constant 3584 : i32
      %add3A_1532 = arith.addi %add3A_1531, %mul3A_1530 : i32
      %get3A_1533 = arith.index_cast %add3A_1532 : i32 to index
      %get3A_1534 = tpu.vector_load %arg12[%get3A_1533] {strides = array<i32>} : memref<5120xi32, #tpu.memory_space<vmem>>, vector<16xi32>,
      %mul3A_1535 = arith.constant 128 : i32
      %mul3A_1536 = vector.broadcast %mul3A_1535 : i32 to vector<16xi32>
      %mul3A_1537 = arith.muli %get3A_1534, %mul3A_1536 : vector<16xi32>
      %add3A_1538 = arith.addi %add3A_1528, %mul3A_1537 : vector<16xi32>
      %mul3A_1539 = arith.constant 16 : i32
      %mul3A_1540 = arith.muli %scan3A_1455, %mul3A_1539 : i32
      %add3A_1541 = arith.constant 4096 : i32
      %add3A_1542 = arith.addi %add3A_1541, %mul3A_1540 : i32
      %get3A_1543 = arith.index_cast %add3A_1542 : i32 to index
      %get3A_1544 = tpu.vector_load %arg12[%get3A_1543] {strides = array<i32>} : memref<5120xi32, #tpu.memory_space<vmem>>, vector<16xi32>,
      %mul3A_1545 = arith.constant 256 : i32
      %mul3A_1546 = vector.broadcast %mul3A_1545 : i32 to vector<16xi32>
      %mul3A_1547 = arith.muli %get3A_1544, %mul3A_1546 : vector<16xi32>
      %add3A_1548 = arith.addi %add3A_1538, %mul3A_1547 : vector<16xi32>
      %mul3A_1549 = arith.constant 16 : i32
      %mul3A_1550 = arith.muli %scan3A_1455, %mul3A_1549 : i32
      %add3A_1551 = arith.constant 4608 : i32
      %add3A_1552 = arith.addi %add3A_1551, %mul3A_1550 : i32
      %get3A_1553 = arith.index_cast %add3A_1552 : i32 to index
      %get3A_1554 = tpu.vector_load %arg12[%get3A_1553] {strides = array<i32>} : memref<5120xi32, #tpu.memory_space<vmem>>, vector<16xi32>,
      %mul3A_1555 = arith.constant 512 : i32
      %mul3A_1556 = vector.broadcast %mul3A_1555 : i32 to vector<16xi32>
      %mul3A_1557 = arith.muli %get3A_1554, %mul3A_1556 : vector<16xi32>
      %add3A_1558 = arith.addi %add3A_1548, %mul3A_1557 : vector<16xi32>
      %mul3A_1559 = arith.constant 16 : i32
      %mul3A_1560 = arith.muli %scan3A_1455, %mul3A_1559 : i32
      %swap3A_1561 = arith.index_cast %mul3A_1560 : i32 to index
      %swap3A_1562 = tpu.vector_load %arg15[%swap3A_1561] {strides = array<i32>} : memref<512xi32, #tpu.memory_space<vmem>>, vector<16xi32>,
      tpu.vector_store %arg15[%swap3A_1561], %add3A_1558 {strides = array<i32>} : memref<512xi32, #tpu.memory_space<vmem>>, vector<16xi32>,
      %mul3A_1563 = arith.constant 16 : i32
      %mul3A_1564 = arith.muli %scan3A_1455, %mul3A_1563 : i32
      %get3A_1565 = arith.index_cast %mul3A_1564 : i32 to index
      %get3A_1566 = tpu.vector_load %arg13[%get3A_1565] {strides = array<i32>} : memref<512xi32, #tpu.memory_space<vmem>>, vector<16xi32>,
      %mul3A_1567 = arith.constant 16 : i32
      %mul3A_1568 = arith.muli %scan3A_1455, %mul3A_1567 : i32
      %get3A_1569 = arith.index_cast %mul3A_1568 : i32 to index
      %get3A_1570 = tpu.vector_load %arg14[%get3A_1569] {strides = array<i32>} : memref<512xi32, #tpu.memory_space<vmem>>, vector<16xi32>,
      %lt3A_1571 = arith.cmpi slt, %get3A_1566, %get3A_1570 : vector<16xi32>
      %jit3A_1572 = arith.constant 1 : i32
      %jit3A_1573 = arith.constant 0 : i32
      %broadcast_in_dim3A_1574 = vector.broadcast %jit3A_1572 : i32 to vector<16xi32>
      %broadcast_in_dim3A_1575 = vector.broadcast %jit3A_1573 : i32 to vector<16xi32>
      %select_n3A_1576 = arith.select %lt3A_1571, %broadcast_in_dim3A_1574, %broadcast_in_dim3A_1575 : vector<16xi1>, vector<16xi32>
      %mul3A_1577 = arith.constant 16 : i32
      %mul3A_1578 = arith.muli %scan3A_1455, %mul3A_1577 : i32
      %add3A_1579 = arith.addi %mul3A_2, %mul3A_1578 : i32
      %add3A_1580 = vector.broadcast %add3A_1579 : i32 to vector<16xi32>
      %add3A_1581 = arith.addi %add3A_1580, %iota3A : vector<16xi32>
      %mul3A_1582 = arith.constant 2 : i32
      %mul3A_1583 = vector.broadcast %mul3A_1582 : i32 to vector<16xi32>
      %mul3A_1584 = arith.muli %mul3A_1583, %add3A_1581 : vector<16xi32>
      %add3A_1585 = arith.addi %mul3A_1584, %select_n3A_1576 : vector<16xi32>
      %rev3A = arith.constant 15 : i32
      %rev3A_1586 = vector.broadcast %rev3A : i32 to vector<16xi32>
      %rev3A_1587 = tpu.iota {dimensions = array<i32: 0>} : vector<16xi32>
      %rev3A_1588 = arith.subi %rev3A_1586, %rev3A_1587 : vector<16xi32>
      %rev3A_1589 = tpu.dynamic_gather %add3A_1558[%rev3A_1588] in [0] : vector<16xi32>, vector<16xi32> -> vector<16xi32>
      %eq3A_1590 = arith.cmpi eq, %add3A_1558, %rev3A_1589 : vector<16xi32>
      %and3A_1591 = arith.andi %eq3A_1590, %lt3A_755 : vector<16xi1>
      %not3A = arith.constant dense<true> : vector<16xi1>
      %not3A_1592 = arith.xori %and3A_1591, %not3A : vector<16xi1>
      %add3A_1593 = arith.addi %mul3A_752, %add3A_1558 : vector<16xi32>
      tpu.vector_store_idx %arg16[%add3A_1593], %add3A_1585 masked %not3A_1592 : memref<8192xi32, #tpu.memory_space<vmem>>[vector<16xi32>], vector<16xi32>, vector<16xi1>
      %scan3A_1594 = arith.constant 0 : i32
      scf.yield %scan3A_1594 : i32
    }
    %scan3A_762 = arith.constant 32 : i32
    %dma_start3A_763 = tpu.memref_slice %arg8[%mul3A_2] : memref<16384xi32, #tpu.memory_space<hbm>> -> memref<512xi32, #tpu.memory_space<hbm>>
    %dma_start3A_764 = tpu.memref_slice %arg8[%mul3A_2] : memref<16384xi32, #tpu.memory_space<hbm>> -> memref<512xi32, #tpu.memory_space<hbm>>
    tpu.enqueue_dma source(%arg15 : memref<512xi32, #tpu.memory_space<vmem>>) target(%dma_start3A_764 : memref<512xi32, #tpu.memory_space<hbm>>) target_semaphore(%arg21 : memref<!tpu.dma_semaphore, #tpu.memory_space<semaphore_mem>>)
    %scan3A_765 = arith.constant 0 : i32
    %scan3A_766 = arith.constant 0 : i32
    %scan3A_767 = arith.constant 64 : i32
    %scan3A_768 = arith.addi %scan3A_766, %scan3A_767 : i32
    %scan3A_769 = arith.constant 1 : i32
    %scan3A_770 = scf.for %scan3A_1455 = %scan3A_766 to %scan3A_768 step %scan3A_769 iter_args(%scan3A_1456 = %scan3A_765) -> (i32)  : i32 {
      %mul3A_1457 = arith.constant 16 : i32
      %mul3A_1458 = arith.muli %scan3A_1455, %mul3A_1457 : i32
      %get3A_1459 = arith.index_cast %mul3A_1458 : i32 to index
      %get3A_1460 = tpu.vector_load %arg16[%get3A_1459] {strides = array<i32>} : memref<8192xi32, #tpu.memory_space<vmem>>, vector<16xi32>,
      %mul3A_1461 = arith.constant 16 : i32
      %mul3A_1462 = arith.muli %scan3A_1455, %mul3A_1461 : i32
      %add3A_1463 = arith.constant 1024 : i32
      %add3A_1464 = arith.addi %add3A_1463, %mul3A_1462 : i32
      %get3A_1465 = arith.index_cast %add3A_1464 : i32 to index
      %get3A_1466 = tpu.vector_load %arg16[%get3A_1465] {strides = array<i32>} : memref<8192xi32, #tpu.memory_space<vmem>>, vector<16xi32>,
      %max3A_1467 = arith.maxsi %get3A_1460, %get3A_1466 : vector<16xi32>
      %mul3A_1468 = arith.constant 16 : i32
      %mul3A_1469 = arith.muli %scan3A_1455, %mul3A_1468 : i32
      %add3A_1470 = arith.constant 2048 : i32
      %add3A_1471 = arith.addi %add3A_1470, %mul3A_1469 : i32
      %get3A_1472 = arith.index_cast %add3A_1471 : i32 to index
      %get3A_1473 = tpu.vector_load %arg16[%get3A_1472] {strides = array<i32>} : memref<8192xi32, #tpu.memory_space<vmem>>, vector<16xi32>,
      %max3A_1474 = arith.maxsi %max3A_1467, %get3A_1473 : vector<16xi32>
      %mul3A_1475 = arith.constant 16 : i32
      %mul3A_1476 = arith.muli %scan3A_1455, %mul3A_1475 : i32
      %add3A_1477 = arith.constant 3072 : i32
      %add3A_1478 = arith.addi %add3A_1477, %mul3A_1476 : i32
      %get3A_1479 = arith.index_cast %add3A_1478 : i32 to index
      %get3A_1480 = tpu.vector_load %arg16[%get3A_1479] {strides = array<i32>} : memref<8192xi32, #tpu.memory_space<vmem>>, vector<16xi32>,
      %max3A_1481 = arith.maxsi %max3A_1474, %get3A_1480 : vector<16xi32>
      %mul3A_1482 = arith.constant 16 : i32
      %mul3A_1483 = arith.muli %scan3A_1455, %mul3A_1482 : i32
      %add3A_1484 = arith.constant 4096 : i32
      %add3A_1485 = arith.addi %add3A_1484, %mul3A_1483 : i32
      %get3A_1486 = arith.index_cast %add3A_1485 : i32 to index
      %get3A_1487 = tpu.vector_load %arg16[%get3A_1486] {strides = array<i32>} : memref<8192xi32, #tpu.memory_space<vmem>>, vector<16xi32>,
      %max3A_1488 = arith.maxsi %max3A_1481, %get3A_1487 : vector<16xi32>
      %mul3A_1489 = arith.constant 16 : i32
      %mul3A_1490 = arith.muli %scan3A_1455, %mul3A_1489 : i32
      %add3A_1491 = arith.constant 5120 : i32
      %add3A_1492 = arith.addi %add3A_1491, %mul3A_1490 : i32
      %get3A_1493 = arith.index_cast %add3A_1492 : i32 to index
      %get3A_1494 = tpu.vector_load %arg16[%get3A_1493] {strides = array<i32>} : memref<8192xi32, #tpu.memory_space<vmem>>, vector<16xi32>,
      %max3A_1495 = arith.maxsi %max3A_1488, %get3A_1494 : vector<16xi32>
      %mul3A_1496 = arith.constant 16 : i32
      %mul3A_1497 = arith.muli %scan3A_1455, %mul3A_1496 : i32
      %add3A_1498 = arith.constant 6144 : i32
      %add3A_1499 = arith.addi %add3A_1498, %mul3A_1497 : i32
      %get3A_1500 = arith.index_cast %add3A_1499 : i32 to index
      %get3A_1501 = tpu.vector_load %arg16[%get3A_1500] {strides = array<i32>} : memref<8192xi32, #tpu.memory_space<vmem>>, vector<16xi32>,
      %max3A_1502 = arith.maxsi %max3A_1495, %get3A_1501 : vector<16xi32>
      %mul3A_1503 = arith.constant 16 : i32
      %mul3A_1504 = arith.muli %scan3A_1455, %mul3A_1503 : i32
      %add3A_1505 = arith.constant 7168 : i32
      %add3A_1506 = arith.addi %add3A_1505, %mul3A_1504 : i32
      %get3A_1507 = arith.index_cast %add3A_1506 : i32 to index
      %get3A_1508 = tpu.vector_load %arg16[%get3A_1507] {strides = array<i32>} : memref<8192xi32, #tpu.memory_space<vmem>>, vector<16xi32>,
      %max3A_1509 = arith.maxsi %max3A_1502, %get3A_1508 : vector<16xi32>
      %mul3A_1510 = arith.constant 16 : i32
      %mul3A_1511 = arith.muli %scan3A_1455, %mul3A_1510 : i32
      %swap3A_1512 = arith.index_cast %mul3A_1511 : i32 to index
      %swap3A_1513 = tpu.vector_load %arg17[%swap3A_1512] {strides = array<i32>} : memref<1024xi32, #tpu.memory_space<vmem>>, vector<16xi32>,
      tpu.vector_store %arg17[%swap3A_1512], %max3A_1509 {strides = array<i32>} : memref<1024xi32, #tpu.memory_space<vmem>>, vector<16xi32>,
      %scan3A_1514 = arith.constant 0 : i32
      scf.yield %scan3A_1514 : i32
    }
    %scan3A_771 = arith.constant 64 : i32
    %mul3A_772 = arith.constant 1024 : i32
    %mul3A_773 = arith.muli %arg1, %mul3A_772 : i32
    "tpu.region"() ({
      %run_scoped3A = tpu.sem_alloc : memref<!tpu.dma_semaphore, #tpu.memory_space<semaphore_mem>>
      %dma_start3A_1455 = tpu.memref_slice %arg20[%mul3A_773] : memref<16384xi32, #tpu.memory_space<vmem_shared>> -> memref<1024xi32, #tpu.memory_space<vmem_shared>>
      %dma_start3A_1456 = tpu.memref_slice %arg20[%mul3A_773] : memref<16384xi32, #tpu.memory_space<vmem_shared>> -> memref<1024xi32, #tpu.memory_space<vmem_shared>>
      tpu.enqueue_dma source(%arg17 : memref<1024xi32, #tpu.memory_space<vmem>>) target(%dma_start3A_1456 : memref<1024xi32, #tpu.memory_space<vmem_shared>>) target_semaphore(%run_scoped3A : memref<!tpu.dma_semaphore, #tpu.memory_space<semaphore_mem>>)
      %dma_wait3A_1457 = tpu.memref_slice %arg20[%mul3A_773] : memref<16384xi32, #tpu.memory_space<vmem_shared>> -> memref<1024xi32, #tpu.memory_space<vmem_shared>>
      %dma_wait3A_1458 = tpu.memref_slice %arg20[%mul3A_773] : memref<16384xi32, #tpu.memory_space<vmem_shared>> -> memref<1024xi32, #tpu.memory_space<vmem_shared>>
      tpu.wait_dma2 semaphore(%run_scoped3A : memref<!tpu.dma_semaphore, #tpu.memory_space<semaphore_mem>>) src(%arg17 : memref<1024xi32, #tpu.memory_space<vmem>>) dst(%dma_wait3A_1458 : memref<1024xi32, #tpu.memory_space<vmem_shared>>)
      tpu.yield
    }) : () -> ()
    %barrier3A = arith.constant 0 : index
    tpu.barrier barrier_id(%barrier3A)
    %mul3A_774 = arith.constant 64 : i32
    %mul3A_775 = arith.muli %arg1, %mul3A_774 : i32
    %add3A_776 = arith.constant 0 : i32
    %add3A_777 = arith.addi %add3A_776, %mul3A_775 : i32
    %dma_start3A_778 = arith.constant 0 : i32
    %dma_start3A_779 = arith.constant 0 : i32
    %dma_start3A_780 = tpu.memref_slice %arg18[%dma_start3A_778, %dma_start3A_779] : memref<16x64xi32, #tpu.memory_space<vmem>> -> memref<1x64xi32, #tpu.memory_space<vmem>>
    %dma_start3A_781 = tpu.memref_squeeze %dma_start3A_780 : memref<1x64xi32, #tpu.memory_space<vmem>> -> memref<64xi32, #tpu.memory_space<vmem>>
    %dma_start3A_782 = tpu.memref_slice %arg20[%add3A_777] : memref<16384xi32, #tpu.memory_space<vmem_shared>> -> memref<64xi32, #tpu.memory_space<vmem_shared>>
    %dma_start3A_783 = arith.constant 0 : i32
    %dma_start3A_784 = tpu.memref_slice %arg18[%dma_start3A_778, %dma_start3A_783] : memref<16x64xi32, #tpu.memory_space<vmem>> -> memref<1x64xi32, #tpu.memory_space<vmem>>
    %dma_start3A_785 = tpu.memref_squeeze %dma_start3A_784 : memref<1x64xi32, #tpu.memory_space<vmem>> -> memref<64xi32, #tpu.memory_space<vmem>>
    %dma_start3A_786 = tpu.memref_slice %arg20[%add3A_777] : memref<16384xi32, #tpu.memory_space<vmem_shared>> -> memref<64xi32, #tpu.memory_space<vmem_shared>>
    tpu.enqueue_dma source(%dma_start3A_786 : memref<64xi32, #tpu.memory_space<vmem_shared>>) target(%dma_start3A_785 : memref<64xi32, #tpu.memory_space<vmem>>) target_semaphore(%arg22 : memref<!tpu.dma_semaphore, #tpu.memory_space<semaphore_mem>>)
    %mul3A_787 = arith.constant 64 : i32
    %mul3A_788 = arith.muli %arg1, %mul3A_787 : i32
    %add3A_789 = arith.constant 1024 : i32
    %add3A_790 = arith.addi %add3A_789, %mul3A_788 : i32
    %dma_start3A_791 = arith.constant 1 : i32
    %dma_start3A_792 = arith.constant 0 : i32
    %dma_start3A_793 = tpu.memref_slice %arg18[%dma_start3A_791, %dma_start3A_792] : memref<16x64xi32, #tpu.memory_space<vmem>> -> memref<1x64xi32, #tpu.memory_space<vmem>>
    %dma_start3A_794 = tpu.memref_squeeze %dma_start3A_793 : memref<1x64xi32, #tpu.memory_space<vmem>> -> memref<64xi32, #tpu.memory_space<vmem>>
    %dma_start3A_795 = tpu.memref_slice %arg20[%add3A_790] : memref<16384xi32, #tpu.memory_space<vmem_shared>> -> memref<64xi32, #tpu.memory_space<vmem_shared>>
    %dma_start3A_796 = arith.constant 0 : i32
    %dma_start3A_797 = tpu.memref_slice %arg18[%dma_start3A_791, %dma_start3A_796] : memref<16x64xi32, #tpu.memory_space<vmem>> -> memref<1x64xi32, #tpu.memory_space<vmem>>
    %dma_start3A_798 = tpu.memref_squeeze %dma_start3A_797 : memref<1x64xi32, #tpu.memory_space<vmem>> -> memref<64xi32, #tpu.memory_space<vmem>>
    %dma_start3A_799 = tpu.memref_slice %arg20[%add3A_790] : memref<16384xi32, #tpu.memory_space<vmem_shared>> -> memref<64xi32, #tpu.memory_space<vmem_shared>>
    tpu.enqueue_dma source(%dma_start3A_799 : memref<64xi32, #tpu.memory_space<vmem_shared>>) target(%dma_start3A_798 : memref<64xi32, #tpu.memory_space<vmem>>) target_semaphore(%arg22 : memref<!tpu.dma_semaphore, #tpu.memory_space<semaphore_mem>>)
    %mul3A_800 = arith.constant 64 : i32
    %mul3A_801 = arith.muli %arg1, %mul3A_800 : i32
    %add3A_802 = arith.constant 2048 : i32
    %add3A_803 = arith.addi %add3A_802, %mul3A_801 : i32
    %dma_start3A_804 = arith.constant 2 : i32
    %dma_start3A_805 = arith.constant 0 : i32
    %dma_start3A_806 = tpu.memref_slice %arg18[%dma_start3A_804, %dma_start3A_805] : memref<16x64xi32, #tpu.memory_space<vmem>> -> memref<1x64xi32, #tpu.memory_space<vmem>>
    %dma_start3A_807 = tpu.memref_squeeze %dma_start3A_806 : memref<1x64xi32, #tpu.memory_space<vmem>> -> memref<64xi32, #tpu.memory_space<vmem>>
    %dma_start3A_808 = tpu.memref_slice %arg20[%add3A_803] : memref<16384xi32, #tpu.memory_space<vmem_shared>> -> memref<64xi32, #tpu.memory_space<vmem_shared>>
    %dma_start3A_809 = arith.constant 0 : i32
    %dma_start3A_810 = tpu.memref_slice %arg18[%dma_start3A_804, %dma_start3A_809] : memref<16x64xi32, #tpu.memory_space<vmem>> -> memref<1x64xi32, #tpu.memory_space<vmem>>
    %dma_start3A_811 = tpu.memref_squeeze %dma_start3A_810 : memref<1x64xi32, #tpu.memory_space<vmem>> -> memref<64xi32, #tpu.memory_space<vmem>>
    %dma_start3A_812 = tpu.memref_slice %arg20[%add3A_803] : memref<16384xi32, #tpu.memory_space<vmem_shared>> -> memref<64xi32, #tpu.memory_space<vmem_shared>>
    tpu.enqueue_dma source(%dma_start3A_812 : memref<64xi32, #tpu.memory_space<vmem_shared>>) target(%dma_start3A_811 : memref<64xi32, #tpu.memory_space<vmem>>) target_semaphore(%arg22 : memref<!tpu.dma_semaphore, #tpu.memory_space<semaphore_mem>>)
    %mul3A_813 = arith.constant 64 : i32
    %mul3A_814 = arith.muli %arg1, %mul3A_813 : i32
    %add3A_815 = arith.constant 3072 : i32
    %add3A_816 = arith.addi %add3A_815, %mul3A_814 : i32
    %dma_start3A_817 = arith.constant 3 : i32
    %dma_start3A_818 = arith.constant 0 : i32
    %dma_start3A_819 = tpu.memref_slice %arg18[%dma_start3A_817, %dma_start3A_818] : memref<16x64xi32, #tpu.memory_space<vmem>> -> memref<1x64xi32, #tpu.memory_space<vmem>>
    %dma_start3A_820 = tpu.memref_squeeze %dma_start3A_819 : memref<1x64xi32, #tpu.memory_space<vmem>> -> memref<64xi32, #tpu.memory_space<vmem>>
    %dma_start3A_821 = tpu.memref_slice %arg20[%add3A_816] : memref<16384xi32, #tpu.memory_space<vmem_shared>> -> memref<64xi32, #tpu.memory_space<vmem_shared>>
    %dma_start3A_822 = arith.constant 0 : i32
    %dma_start3A_823 = tpu.memref_slice %arg18[%dma_start3A_817, %dma_start3A_822] : memref<16x64xi32, #tpu.memory_space<vmem>> -> memref<1x64xi32, #tpu.memory_space<vmem>>
    %dma_start3A_824 = tpu.memref_squeeze %dma_start3A_823 : memref<1x64xi32, #tpu.memory_space<vmem>> -> memref<64xi32, #tpu.memory_space<vmem>>
    %dma_start3A_825 = tpu.memref_slice %arg20[%add3A_816] : memref<16384xi32, #tpu.memory_space<vmem_shared>> -> memref<64xi32, #tpu.memory_space<vmem_shared>>
    tpu.enqueue_dma source(%dma_start3A_825 : memref<64xi32, #tpu.memory_space<vmem_shared>>) target(%dma_start3A_824 : memref<64xi32, #tpu.memory_space<vmem>>) target_semaphore(%arg22 : memref<!tpu.dma_semaphore, #tpu.memory_space<semaphore_mem>>)
    %mul3A_826 = arith.constant 64 : i32
    %mul3A_827 = arith.muli %arg1, %mul3A_826 : i32
    %add3A_828 = arith.constant 4096 : i32
    %add3A_829 = arith.addi %add3A_828, %mul3A_827 : i32
    %dma_start3A_830 = arith.constant 4 : i32
    %dma_start3A_831 = arith.constant 0 : i32
    %dma_start3A_832 = tpu.memref_slice %arg18[%dma_start3A_830, %dma_start3A_831] : memref<16x64xi32, #tpu.memory_space<vmem>> -> memref<1x64xi32, #tpu.memory_space<vmem>>
    %dma_start3A_833 = tpu.memref_squeeze %dma_start3A_832 : memref<1x64xi32, #tpu.memory_space<vmem>> -> memref<64xi32, #tpu.memory_space<vmem>>
    %dma_start3A_834 = tpu.memref_slice %arg20[%add3A_829] : memref<16384xi32, #tpu.memory_space<vmem_shared>> -> memref<64xi32, #tpu.memory_space<vmem_shared>>
    %dma_start3A_835 = arith.constant 0 : i32
    %dma_start3A_836 = tpu.memref_slice %arg18[%dma_start3A_830, %dma_start3A_835] : memref<16x64xi32, #tpu.memory_space<vmem>> -> memref<1x64xi32, #tpu.memory_space<vmem>>
    %dma_start3A_837 = tpu.memref_squeeze %dma_start3A_836 : memref<1x64xi32, #tpu.memory_space<vmem>> -> memref<64xi32, #tpu.memory_space<vmem>>
    %dma_start3A_838 = tpu.memref_slice %arg20[%add3A_829] : memref<16384xi32, #tpu.memory_space<vmem_shared>> -> memref<64xi32, #tpu.memory_space<vmem_shared>>
    tpu.enqueue_dma source(%dma_start3A_838 : memref<64xi32, #tpu.memory_space<vmem_shared>>) target(%dma_start3A_837 : memref<64xi32, #tpu.memory_space<vmem>>) target_semaphore(%arg22 : memref<!tpu.dma_semaphore, #tpu.memory_space<semaphore_mem>>)
    %mul3A_839 = arith.constant 64 : i32
    %mul3A_840 = arith.muli %arg1, %mul3A_839 : i32
    %add3A_841 = arith.constant 5120 : i32
    %add3A_842 = arith.addi %add3A_841, %mul3A_840 : i32
    %dma_start3A_843 = arith.constant 5 : i32
    %dma_start3A_844 = arith.constant 0 : i32
    %dma_start3A_845 = tpu.memref_slice %arg18[%dma_start3A_843, %dma_start3A_844] : memref<16x64xi32, #tpu.memory_space<vmem>> -> memref<1x64xi32, #tpu.memory_space<vmem>>
    %dma_start3A_846 = tpu.memref_squeeze %dma_start3A_845 : memref<1x64xi32, #tpu.memory_space<vmem>> -> memref<64xi32, #tpu.memory_space<vmem>>
    %dma_start3A_847 = tpu.memref_slice %arg20[%add3A_842] : memref<16384xi32, #tpu.memory_space<vmem_shared>> -> memref<64xi32, #tpu.memory_space<vmem_shared>>
    %dma_start3A_848 = arith.constant 0 : i32
    %dma_start3A_849 = tpu.memref_slice %arg18[%dma_start3A_843, %dma_start3A_848] : memref<16x64xi32, #tpu.memory_space<vmem>> -> memref<1x64xi32, #tpu.memory_space<vmem>>
    %dma_start3A_850 = tpu.memref_squeeze %dma_start3A_849 : memref<1x64xi32, #tpu.memory_space<vmem>> -> memref<64xi32, #tpu.memory_space<vmem>>
    %dma_start3A_851 = tpu.memref_slice %arg20[%add3A_842] : memref<16384xi32, #tpu.memory_space<vmem_shared>> -> memref<64xi32, #tpu.memory_space<vmem_shared>>
    tpu.enqueue_dma source(%dma_start3A_851 : memref<64xi32, #tpu.memory_space<vmem_shared>>) target(%dma_start3A_850 : memref<64xi32, #tpu.memory_space<vmem>>) target_semaphore(%arg22 : memref<!tpu.dma_semaphore, #tpu.memory_space<semaphore_mem>>)
    %mul3A_852 = arith.constant 64 : i32
    %mul3A_853 = arith.muli %arg1, %mul3A_852 : i32
    %add3A_854 = arith.constant 6144 : i32
    %add3A_855 = arith.addi %add3A_854, %mul3A_853 : i32
    %dma_start3A_856 = arith.constant 6 : i32
    %dma_start3A_857 = arith.constant 0 : i32
    %dma_start3A_858 = tpu.memref_slice %arg18[%dma_start3A_856, %dma_start3A_857] : memref<16x64xi32, #tpu.memory_space<vmem>> -> memref<1x64xi32, #tpu.memory_space<vmem>>
    %dma_start3A_859 = tpu.memref_squeeze %dma_start3A_858 : memref<1x64xi32, #tpu.memory_space<vmem>> -> memref<64xi32, #tpu.memory_space<vmem>>
    %dma_start3A_860 = tpu.memref_slice %arg20[%add3A_855] : memref<16384xi32, #tpu.memory_space<vmem_shared>> -> memref<64xi32, #tpu.memory_space<vmem_shared>>
    %dma_start3A_861 = arith.constant 0 : i32
    %dma_start3A_862 = tpu.memref_slice %arg18[%dma_start3A_856, %dma_start3A_861] : memref<16x64xi32, #tpu.memory_space<vmem>> -> memref<1x64xi32, #tpu.memory_space<vmem>>
    %dma_start3A_863 = tpu.memref_squeeze %dma_start3A_862 : memref<1x64xi32, #tpu.memory_space<vmem>> -> memref<64xi32, #tpu.memory_space<vmem>>
    %dma_start3A_864 = tpu.memref_slice %arg20[%add3A_855] : memref<16384xi32, #tpu.memory_space<vmem_shared>> -> memref<64xi32, #tpu.memory_space<vmem_shared>>
    tpu.enqueue_dma source(%dma_start3A_864 : memref<64xi32, #tpu.memory_space<vmem_shared>>) target(%dma_start3A_863 : memref<64xi32, #tpu.memory_space<vmem>>) target_semaphore(%arg22 : memref<!tpu.dma_semaphore, #tpu.memory_space<semaphore_mem>>)
    %mul3A_865 = arith.constant 64 : i32
    %mul3A_866 = arith.muli %arg1, %mul3A_865 : i32
    %add3A_867 = arith.constant 7168 : i32
    %add3A_868 = arith.addi %add3A_867, %mul3A_866 : i32
    %dma_start3A_869 = arith.constant 7 : i32
    %dma_start3A_870 = arith.constant 0 : i32
    %dma_start3A_871 = tpu.memref_slice %arg18[%dma_start3A_869, %dma_start3A_870] : memref<16x64xi32, #tpu.memory_space<vmem>> -> memref<1x64xi32, #tpu.memory_space<vmem>>
    %dma_start3A_872 = tpu.memref_squeeze %dma_start3A_871 : memref<1x64xi32, #tpu.memory_space<vmem>> -> memref<64xi32, #tpu.memory_space<vmem>>
    %dma_start3A_873 = tpu.memref_slice %arg20[%add3A_868] : memref<16384xi32, #tpu.memory_space<vmem_shared>> -> memref<64xi32, #tpu.memory_space<vmem_shared>>
    %dma_start3A_874 = arith.constant 0 : i32
    %dma_start3A_875 = tpu.memref_slice %arg18[%dma_start3A_869, %dma_start3A_874] : memref<16x64xi32, #tpu.memory_space<vmem>> -> memref<1x64xi32, #tpu.memory_space<vmem>>
    %dma_start3A_876 = tpu.memref_squeeze %dma_start3A_875 : memref<1x64xi32, #tpu.memory_space<vmem>> -> memref<64xi32, #tpu.memory_space<vmem>>
    %dma_start3A_877 = tpu.memref_slice %arg20[%add3A_868] : memref<16384xi32, #tpu.memory_space<vmem_shared>> -> memref<64xi32, #tpu.memory_space<vmem_shared>>
    tpu.enqueue_dma source(%dma_start3A_877 : memref<64xi32, #tpu.memory_space<vmem_shared>>) target(%dma_start3A_876 : memref<64xi32, #tpu.memory_space<vmem>>) target_semaphore(%arg22 : memref<!tpu.dma_semaphore, #tpu.memory_space<semaphore_mem>>)
    %mul3A_878 = arith.constant 64 : i32
    %mul3A_879 = arith.muli %arg1, %mul3A_878 : i32
    %add3A_880 = arith.constant 8192 : i32
    %add3A_881 = arith.addi %add3A_880, %mul3A_879 : i32
    %dma_start3A_882 = arith.constant 8 : i32
    %dma_start3A_883 = arith.constant 0 : i32
    %dma_start3A_884 = tpu.memref_slice %arg18[%dma_start3A_882, %dma_start3A_883] : memref<16x64xi32, #tpu.memory_space<vmem>> -> memref<1x64xi32, #tpu.memory_space<vmem>>
    %dma_start3A_885 = tpu.memref_squeeze %dma_start3A_884 : memref<1x64xi32, #tpu.memory_space<vmem>> -> memref<64xi32, #tpu.memory_space<vmem>>
    %dma_start3A_886 = tpu.memref_slice %arg20[%add3A_881] : memref<16384xi32, #tpu.memory_space<vmem_shared>> -> memref<64xi32, #tpu.memory_space<vmem_shared>>
    %dma_start3A_887 = arith.constant 0 : i32
    %dma_start3A_888 = tpu.memref_slice %arg18[%dma_start3A_882, %dma_start3A_887] : memref<16x64xi32, #tpu.memory_space<vmem>> -> memref<1x64xi32, #tpu.memory_space<vmem>>
    %dma_start3A_889 = tpu.memref_squeeze %dma_start3A_888 : memref<1x64xi32, #tpu.memory_space<vmem>> -> memref<64xi32, #tpu.memory_space<vmem>>
    %dma_start3A_890 = tpu.memref_slice %arg20[%add3A_881] : memref<16384xi32, #tpu.memory_space<vmem_shared>> -> memref<64xi32, #tpu.memory_space<vmem_shared>>
    tpu.enqueue_dma source(%dma_start3A_890 : memref<64xi32, #tpu.memory_space<vmem_shared>>) target(%dma_start3A_889 : memref<64xi32, #tpu.memory_space<vmem>>) target_semaphore(%arg22 : memref<!tpu.dma_semaphore, #tpu.memory_space<semaphore_mem>>)
    %mul3A_891 = arith.constant 64 : i32
    %mul3A_892 = arith.muli %arg1, %mul3A_891 : i32
    %add3A_893 = arith.constant 9216 : i32
    %add3A_894 = arith.addi %add3A_893, %mul3A_892 : i32
    %dma_start3A_895 = arith.constant 9 : i32
    %dma_start3A_896 = arith.constant 0 : i32
    %dma_start3A_897 = tpu.memref_slice %arg18[%dma_start3A_895, %dma_start3A_896] : memref<16x64xi32, #tpu.memory_space<vmem>> -> memref<1x64xi32, #tpu.memory_space<vmem>>
    %dma_start3A_898 = tpu.memref_squeeze %dma_start3A_897 : memref<1x64xi32, #tpu.memory_space<vmem>> -> memref<64xi32, #tpu.memory_space<vmem>>
    %dma_start3A_899 = tpu.memref_slice %arg20[%add3A_894] : memref<16384xi32, #tpu.memory_space<vmem_shared>> -> memref<64xi32, #tpu.memory_space<vmem_shared>>
    %dma_start3A_900 = arith.constant 0 : i32
    %dma_start3A_901 = tpu.memref_slice %arg18[%dma_start3A_895, %dma_start3A_900] : memref<16x64xi32, #tpu.memory_space<vmem>> -> memref<1x64xi32, #tpu.memory_space<vmem>>
    %dma_start3A_902 = tpu.memref_squeeze %dma_start3A_901 : memref<1x64xi32, #tpu.memory_space<vmem>> -> memref<64xi32, #tpu.memory_space<vmem>>
    %dma_start3A_903 = tpu.memref_slice %arg20[%add3A_894] : memref<16384xi32, #tpu.memory_space<vmem_shared>> -> memref<64xi32, #tpu.memory_space<vmem_shared>>
    tpu.enqueue_dma source(%dma_start3A_903 : memref<64xi32, #tpu.memory_space<vmem_shared>>) target(%dma_start3A_902 : memref<64xi32, #tpu.memory_space<vmem>>) target_semaphore(%arg22 : memref<!tpu.dma_semaphore, #tpu.memory_space<semaphore_mem>>)
    %mul3A_904 = arith.constant 64 : i32
    %mul3A_905 = arith.muli %arg1, %mul3A_904 : i32
    %add3A_906 = arith.constant 10240 : i32
    %add3A_907 = arith.addi %add3A_906, %mul3A_905 : i32
    %dma_start3A_908 = arith.constant 10 : i32
    %dma_start3A_909 = arith.constant 0 : i32
    %dma_start3A_910 = tpu.memref_slice %arg18[%dma_start3A_908, %dma_start3A_909] : memref<16x64xi32, #tpu.memory_space<vmem>> -> memref<1x64xi32, #tpu.memory_space<vmem>>
    %dma_start3A_911 = tpu.memref_squeeze %dma_start3A_910 : memref<1x64xi32, #tpu.memory_space<vmem>> -> memref<64xi32, #tpu.memory_space<vmem>>
    %dma_start3A_912 = tpu.memref_slice %arg20[%add3A_907] : memref<16384xi32, #tpu.memory_space<vmem_shared>> -> memref<64xi32, #tpu.memory_space<vmem_shared>>
    %dma_start3A_913 = arith.constant 0 : i32
    %dma_start3A_914 = tpu.memref_slice %arg18[%dma_start3A_908, %dma_start3A_913] : memref<16x64xi32, #tpu.memory_space<vmem>> -> memref<1x64xi32, #tpu.memory_space<vmem>>
    %dma_start3A_915 = tpu.memref_squeeze %dma_start3A_914 : memref<1x64xi32, #tpu.memory_space<vmem>> -> memref<64xi32, #tpu.memory_space<vmem>>
    %dma_start3A_916 = tpu.memref_slice %arg20[%add3A_907] : memref<16384xi32, #tpu.memory_space<vmem_shared>> -> memref<64xi32, #tpu.memory_space<vmem_shared>>
    tpu.enqueue_dma source(%dma_start3A_916 : memref<64xi32, #tpu.memory_space<vmem_shared>>) target(%dma_start3A_915 : memref<64xi32, #tpu.memory_space<vmem>>) target_semaphore(%arg22 : memref<!tpu.dma_semaphore, #tpu.memory_space<semaphore_mem>>)
    %mul3A_917 = arith.constant 64 : i32
    %mul3A_918 = arith.muli %arg1, %mul3A_917 : i32
    %add3A_919 = arith.constant 11264 : i32
    %add3A_920 = arith.addi %add3A_919, %mul3A_918 : i32
    %dma_start3A_921 = arith.constant 11 : i32
    %dma_start3A_922 = arith.constant 0 : i32
    %dma_start3A_923 = tpu.memref_slice %arg18[%dma_start3A_921, %dma_start3A_922] : memref<16x64xi32, #tpu.memory_space<vmem>> -> memref<1x64xi32, #tpu.memory_space<vmem>>
    %dma_start3A_924 = tpu.memref_squeeze %dma_start3A_923 : memref<1x64xi32, #tpu.memory_space<vmem>> -> memref<64xi32, #tpu.memory_space<vmem>>
    %dma_start3A_925 = tpu.memref_slice %arg20[%add3A_920] : memref<16384xi32, #tpu.memory_space<vmem_shared>> -> memref<64xi32, #tpu.memory_space<vmem_shared>>
    %dma_start3A_926 = arith.constant 0 : i32
    %dma_start3A_927 = tpu.memref_slice %arg18[%dma_start3A_921, %dma_start3A_926] : memref<16x64xi32, #tpu.memory_space<vmem>> -> memref<1x64xi32, #tpu.memory_space<vmem>>
    %dma_start3A_928 = tpu.memref_squeeze %dma_start3A_927 : memref<1x64xi32, #tpu.memory_space<vmem>> -> memref<64xi32, #tpu.memory_space<vmem>>
    %dma_start3A_929 = tpu.memref_slice %arg20[%add3A_920] : memref<16384xi32, #tpu.memory_space<vmem_shared>> -> memref<64xi32, #tpu.memory_space<vmem_shared>>
    tpu.enqueue_dma source(%dma_start3A_929 : memref<64xi32, #tpu.memory_space<vmem_shared>>) target(%dma_start3A_928 : memref<64xi32, #tpu.memory_space<vmem>>) target_semaphore(%arg22 : memref<!tpu.dma_semaphore, #tpu.memory_space<semaphore_mem>>)
    %mul3A_930 = arith.constant 64 : i32
    %mul3A_931 = arith.muli %arg1, %mul3A_930 : i32
    %add3A_932 = arith.constant 12288 : i32
    %add3A_933 = arith.addi %add3A_932, %mul3A_931 : i32
    %dma_start3A_934 = arith.constant 12 : i32
    %dma_start3A_935 = arith.constant 0 : i32
    %dma_start3A_936 = tpu.memref_slice %arg18[%dma_start3A_934, %dma_start3A_935] : memref<16x64xi32, #tpu.memory_space<vmem>> -> memref<1x64xi32, #tpu.memory_space<vmem>>
    %dma_start3A_937 = tpu.memref_squeeze %dma_start3A_936 : memref<1x64xi32, #tpu.memory_space<vmem>> -> memref<64xi32, #tpu.memory_space<vmem>>
    %dma_start3A_938 = tpu.memref_slice %arg20[%add3A_933] : memref<16384xi32, #tpu.memory_space<vmem_shared>> -> memref<64xi32, #tpu.memory_space<vmem_shared>>
    %dma_start3A_939 = arith.constant 0 : i32
    %dma_start3A_940 = tpu.memref_slice %arg18[%dma_start3A_934, %dma_start3A_939] : memref<16x64xi32, #tpu.memory_space<vmem>> -> memref<1x64xi32, #tpu.memory_space<vmem>>
    %dma_start3A_941 = tpu.memref_squeeze %dma_start3A_940 : memref<1x64xi32, #tpu.memory_space<vmem>> -> memref<64xi32, #tpu.memory_space<vmem>>
    %dma_start3A_942 = tpu.memref_slice %arg20[%add3A_933] : memref<16384xi32, #tpu.memory_space<vmem_shared>> -> memref<64xi32, #tpu.memory_space<vmem_shared>>
    tpu.enqueue_dma source(%dma_start3A_942 : memref<64xi32, #tpu.memory_space<vmem_shared>>) target(%dma_start3A_941 : memref<64xi32, #tpu.memory_space<vmem>>) target_semaphore(%arg22 : memref<!tpu.dma_semaphore, #tpu.memory_space<semaphore_mem>>)
    %mul3A_943 = arith.constant 64 : i32
    %mul3A_944 = arith.muli %arg1, %mul3A_943 : i32
    %add3A_945 = arith.constant 13312 : i32
    %add3A_946 = arith.addi %add3A_945, %mul3A_944 : i32
    %dma_start3A_947 = arith.constant 13 : i32
    %dma_start3A_948 = arith.constant 0 : i32
    %dma_start3A_949 = tpu.memref_slice %arg18[%dma_start3A_947, %dma_start3A_948] : memref<16x64xi32, #tpu.memory_space<vmem>> -> memref<1x64xi32, #tpu.memory_space<vmem>>
    %dma_start3A_950 = tpu.memref_squeeze %dma_start3A_949 : memref<1x64xi32, #tpu.memory_space<vmem>> -> memref<64xi32, #tpu.memory_space<vmem>>
    %dma_start3A_951 = tpu.memref_slice %arg20[%add3A_946] : memref<16384xi32, #tpu.memory_space<vmem_shared>> -> memref<64xi32, #tpu.memory_space<vmem_shared>>
    %dma_start3A_952 = arith.constant 0 : i32
    %dma_start3A_953 = tpu.memref_slice %arg18[%dma_start3A_947, %dma_start3A_952] : memref<16x64xi32, #tpu.memory_space<vmem>> -> memref<1x64xi32, #tpu.memory_space<vmem>>
    %dma_start3A_954 = tpu.memref_squeeze %dma_start3A_953 : memref<1x64xi32, #tpu.memory_space<vmem>> -> memref<64xi32, #tpu.memory_space<vmem>>
    %dma_start3A_955 = tpu.memref_slice %arg20[%add3A_946] : memref<16384xi32, #tpu.memory_space<vmem_shared>> -> memref<64xi32, #tpu.memory_space<vmem_shared>>
    tpu.enqueue_dma source(%dma_start3A_955 : memref<64xi32, #tpu.memory_space<vmem_shared>>) target(%dma_start3A_954 : memref<64xi32, #tpu.memory_space<vmem>>) target_semaphore(%arg22 : memref<!tpu.dma_semaphore, #tpu.memory_space<semaphore_mem>>)
    %mul3A_956 = arith.constant 64 : i32
    %mul3A_957 = arith.muli %arg1, %mul3A_956 : i32
    %add3A_958 = arith.constant 14336 : i32
    %add3A_959 = arith.addi %add3A_958, %mul3A_957 : i32
    %dma_start3A_960 = arith.constant 14 : i32
    %dma_start3A_961 = arith.constant 0 : i32
    %dma_start3A_962 = tpu.memref_slice %arg18[%dma_start3A_960, %dma_start3A_961] : memref<16x64xi32, #tpu.memory_space<vmem>> -> memref<1x64xi32, #tpu.memory_space<vmem>>
    %dma_start3A_963 = tpu.memref_squeeze %dma_start3A_962 : memref<1x64xi32, #tpu.memory_space<vmem>> -> memref<64xi32, #tpu.memory_space<vmem>>
    %dma_start3A_964 = tpu.memref_slice %arg20[%add3A_959] : memref<16384xi32, #tpu.memory_space<vmem_shared>> -> memref<64xi32, #tpu.memory_space<vmem_shared>>
    %dma_start3A_965 = arith.constant 0 : i32
    %dma_start3A_966 = tpu.memref_slice %arg18[%dma_start3A_960, %dma_start3A_965] : memref<16x64xi32, #tpu.memory_space<vmem>> -> memref<1x64xi32, #tpu.memory_space<vmem>>
    %dma_start3A_967 = tpu.memref_squeeze %dma_start3A_966 : memref<1x64xi32, #tpu.memory_space<vmem>> -> memref<64xi32, #tpu.memory_space<vmem>>
    %dma_start3A_968 = tpu.memref_slice %arg20[%add3A_959] : memref<16384xi32, #tpu.memory_space<vmem_shared>> -> memref<64xi32, #tpu.memory_space<vmem_shared>>
    tpu.enqueue_dma source(%dma_start3A_968 : memref<64xi32, #tpu.memory_space<vmem_shared>>) target(%dma_start3A_967 : memref<64xi32, #tpu.memory_space<vmem>>) target_semaphore(%arg22 : memref<!tpu.dma_semaphore, #tpu.memory_space<semaphore_mem>>)
    %mul3A_969 = arith.constant 64 : i32
    %mul3A_970 = arith.muli %arg1, %mul3A_969 : i32
    %add3A_971 = arith.constant 15360 : i32
    %add3A_972 = arith.addi %add3A_971, %mul3A_970 : i32
    %dma_start3A_973 = arith.constant 15 : i32
    %dma_start3A_974 = arith.constant 0 : i32
    %dma_start3A_975 = tpu.memref_slice %arg18[%dma_start3A_973, %dma_start3A_974] : memref<16x64xi32, #tpu.memory_space<vmem>> -> memref<1x64xi32, #tpu.memory_space<vmem>>
    %dma_start3A_976 = tpu.memref_squeeze %dma_start3A_975 : memref<1x64xi32, #tpu.memory_space<vmem>> -> memref<64xi32, #tpu.memory_space<vmem>>
    %dma_start3A_977 = tpu.memref_slice %arg20[%add3A_972] : memref<16384xi32, #tpu.memory_space<vmem_shared>> -> memref<64xi32, #tpu.memory_space<vmem_shared>>
    %dma_start3A_978 = arith.constant 0 : i32
    %dma_start3A_979 = tpu.memref_slice %arg18[%dma_start3A_973, %dma_start3A_978] : memref<16x64xi32, #tpu.memory_space<vmem>> -> memref<1x64xi32, #tpu.memory_space<vmem>>
    %dma_start3A_980 = tpu.memref_squeeze %dma_start3A_979 : memref<1x64xi32, #tpu.memory_space<vmem>> -> memref<64xi32, #tpu.memory_space<vmem>>
    %dma_start3A_981 = tpu.memref_slice %arg20[%add3A_972] : memref<16384xi32, #tpu.memory_space<vmem_shared>> -> memref<64xi32, #tpu.memory_space<vmem_shared>>
    tpu.enqueue_dma source(%dma_start3A_981 : memref<64xi32, #tpu.memory_space<vmem_shared>>) target(%dma_start3A_980 : memref<64xi32, #tpu.memory_space<vmem>>) target_semaphore(%arg22 : memref<!tpu.dma_semaphore, #tpu.memory_space<semaphore_mem>>)
    %dma_wait3A_982 = arith.constant 0 : i32
    %dma_wait3A_983 = arith.constant 0 : i32
    %dma_wait3A_984 = tpu.memref_slice %arg18[%dma_wait3A_982, %dma_wait3A_983] : memref<16x64xi32, #tpu.memory_space<vmem>> -> memref<1x64xi32, #tpu.memory_space<vmem>>
    %dma_wait3A_985 = tpu.memref_squeeze %dma_wait3A_984 : memref<1x64xi32, #tpu.memory_space<vmem>> -> memref<64xi32, #tpu.memory_space<vmem>>
    %dma_wait3A_986 = tpu.memref_slice %arg20[%add3A_777] : memref<16384xi32, #tpu.memory_space<vmem_shared>> -> memref<64xi32, #tpu.memory_space<vmem_shared>>
    %dma_wait3A_987 = arith.constant 0 : i32
    %dma_wait3A_988 = tpu.memref_slice %arg18[%dma_wait3A_982, %dma_wait3A_987] : memref<16x64xi32, #tpu.memory_space<vmem>> -> memref<1x64xi32, #tpu.memory_space<vmem>>
    %dma_wait3A_989 = tpu.memref_squeeze %dma_wait3A_988 : memref<1x64xi32, #tpu.memory_space<vmem>> -> memref<64xi32, #tpu.memory_space<vmem>>
    %dma_wait3A_990 = tpu.memref_slice %arg20[%add3A_777] : memref<16384xi32, #tpu.memory_space<vmem_shared>> -> memref<64xi32, #tpu.memory_space<vmem_shared>>
    tpu.wait_dma2 semaphore(%arg22 : memref<!tpu.dma_semaphore, #tpu.memory_space<semaphore_mem>>) src(%dma_wait3A_990 : memref<64xi32, #tpu.memory_space<vmem_shared>>) dst(%dma_wait3A_989 : memref<64xi32, #tpu.memory_space<vmem>>)
    %dma_wait3A_991 = arith.constant 1 : i32
    %dma_wait3A_992 = arith.constant 0 : i32
    %dma_wait3A_993 = tpu.memref_slice %arg18[%dma_wait3A_991, %dma_wait3A_992] : memref<16x64xi32, #tpu.memory_space<vmem>> -> memref<1x64xi32, #tpu.memory_space<vmem>>
    %dma_wait3A_994 = tpu.memref_squeeze %dma_wait3A_993 : memref<1x64xi32, #tpu.memory_space<vmem>> -> memref<64xi32, #tpu.memory_space<vmem>>
    %dma_wait3A_995 = tpu.memref_slice %arg20[%add3A_790] : memref<16384xi32, #tpu.memory_space<vmem_shared>> -> memref<64xi32, #tpu.memory_space<vmem_shared>>
    %dma_wait3A_996 = arith.constant 0 : i32
    %dma_wait3A_997 = tpu.memref_slice %arg18[%dma_wait3A_991, %dma_wait3A_996] : memref<16x64xi32, #tpu.memory_space<vmem>> -> memref<1x64xi32, #tpu.memory_space<vmem>>
    %dma_wait3A_998 = tpu.memref_squeeze %dma_wait3A_997 : memref<1x64xi32, #tpu.memory_space<vmem>> -> memref<64xi32, #tpu.memory_space<vmem>>
    %dma_wait3A_999 = tpu.memref_slice %arg20[%add3A_790] : memref<16384xi32, #tpu.memory_space<vmem_shared>> -> memref<64xi32, #tpu.memory_space<vmem_shared>>
    tpu.wait_dma2 semaphore(%arg22 : memref<!tpu.dma_semaphore, #tpu.memory_space<semaphore_mem>>) src(%dma_wait3A_999 : memref<64xi32, #tpu.memory_space<vmem_shared>>) dst(%dma_wait3A_998 : memref<64xi32, #tpu.memory_space<vmem>>)
    %dma_wait3A_1000 = arith.constant 2 : i32
    %dma_wait3A_1001 = arith.constant 0 : i32
    %dma_wait3A_1002 = tpu.memref_slice %arg18[%dma_wait3A_1000, %dma_wait3A_1001] : memref<16x64xi32, #tpu.memory_space<vmem>> -> memref<1x64xi32, #tpu.memory_space<vmem>>
    %dma_wait3A_1003 = tpu.memref_squeeze %dma_wait3A_1002 : memref<1x64xi32, #tpu.memory_space<vmem>> -> memref<64xi32, #tpu.memory_space<vmem>>
    %dma_wait3A_1004 = tpu.memref_slice %arg20[%add3A_803] : memref<16384xi32, #tpu.memory_space<vmem_shared>> -> memref<64xi32, #tpu.memory_space<vmem_shared>>
    %dma_wait3A_1005 = arith.constant 0 : i32
    %dma_wait3A_1006 = tpu.memref_slice %arg18[%dma_wait3A_1000, %dma_wait3A_1005] : memref<16x64xi32, #tpu.memory_space<vmem>> -> memref<1x64xi32, #tpu.memory_space<vmem>>
    %dma_wait3A_1007 = tpu.memref_squeeze %dma_wait3A_1006 : memref<1x64xi32, #tpu.memory_space<vmem>> -> memref<64xi32, #tpu.memory_space<vmem>>
    %dma_wait3A_1008 = tpu.memref_slice %arg20[%add3A_803] : memref<16384xi32, #tpu.memory_space<vmem_shared>> -> memref<64xi32, #tpu.memory_space<vmem_shared>>
    tpu.wait_dma2 semaphore(%arg22 : memref<!tpu.dma_semaphore, #tpu.memory_space<semaphore_mem>>) src(%dma_wait3A_1008 : memref<64xi32, #tpu.memory_space<vmem_shared>>) dst(%dma_wait3A_1007 : memref<64xi32, #tpu.memory_space<vmem>>)
    %dma_wait3A_1009 = arith.constant 3 : i32
    %dma_wait3A_1010 = arith.constant 0 : i32
    %dma_wait3A_1011 = tpu.memref_slice %arg18[%dma_wait3A_1009, %dma_wait3A_1010] : memref<16x64xi32, #tpu.memory_space<vmem>> -> memref<1x64xi32, #tpu.memory_space<vmem>>
    %dma_wait3A_1012 = tpu.memref_squeeze %dma_wait3A_1011 : memref<1x64xi32, #tpu.memory_space<vmem>> -> memref<64xi32, #tpu.memory_space<vmem>>
    %dma_wait3A_1013 = tpu.memref_slice %arg20[%add3A_816] : memref<16384xi32, #tpu.memory_space<vmem_shared>> -> memref<64xi32, #tpu.memory_space<vmem_shared>>
    %dma_wait3A_1014 = arith.constant 0 : i32
    %dma_wait3A_1015 = tpu.memref_slice %arg18[%dma_wait3A_1009, %dma_wait3A_1014] : memref<16x64xi32, #tpu.memory_space<vmem>> -> memref<1x64xi32, #tpu.memory_space<vmem>>
    %dma_wait3A_1016 = tpu.memref_squeeze %dma_wait3A_1015 : memref<1x64xi32, #tpu.memory_space<vmem>> -> memref<64xi32, #tpu.memory_space<vmem>>
    %dma_wait3A_1017 = tpu.memref_slice %arg20[%add3A_816] : memref<16384xi32, #tpu.memory_space<vmem_shared>> -> memref<64xi32, #tpu.memory_space<vmem_shared>>
    tpu.wait_dma2 semaphore(%arg22 : memref<!tpu.dma_semaphore, #tpu.memory_space<semaphore_mem>>) src(%dma_wait3A_1017 : memref<64xi32, #tpu.memory_space<vmem_shared>>) dst(%dma_wait3A_1016 : memref<64xi32, #tpu.memory_space<vmem>>)
    %dma_wait3A_1018 = arith.constant 4 : i32
    %dma_wait3A_1019 = arith.constant 0 : i32
    %dma_wait3A_1020 = tpu.memref_slice %arg18[%dma_wait3A_1018, %dma_wait3A_1019] : memref<16x64xi32, #tpu.memory_space<vmem>> -> memref<1x64xi32, #tpu.memory_space<vmem>>
    %dma_wait3A_1021 = tpu.memref_squeeze %dma_wait3A_1020 : memref<1x64xi32, #tpu.memory_space<vmem>> -> memref<64xi32, #tpu.memory_space<vmem>>
    %dma_wait3A_1022 = tpu.memref_slice %arg20[%add3A_829] : memref<16384xi32, #tpu.memory_space<vmem_shared>> -> memref<64xi32, #tpu.memory_space<vmem_shared>>
    %dma_wait3A_1023 = arith.constant 0 : i32
    %dma_wait3A_1024 = tpu.memref_slice %arg18[%dma_wait3A_1018, %dma_wait3A_1023] : memref<16x64xi32, #tpu.memory_space<vmem>> -> memref<1x64xi32, #tpu.memory_space<vmem>>
    %dma_wait3A_1025 = tpu.memref_squeeze %dma_wait3A_1024 : memref<1x64xi32, #tpu.memory_space<vmem>> -> memref<64xi32, #tpu.memory_space<vmem>>
    %dma_wait3A_1026 = tpu.memref_slice %arg20[%add3A_829] : memref<16384xi32, #tpu.memory_space<vmem_shared>> -> memref<64xi32, #tpu.memory_space<vmem_shared>>
    tpu.wait_dma2 semaphore(%arg22 : memref<!tpu.dma_semaphore, #tpu.memory_space<semaphore_mem>>) src(%dma_wait3A_1026 : memref<64xi32, #tpu.memory_space<vmem_shared>>) dst(%dma_wait3A_1025 : memref<64xi32, #tpu.memory_space<vmem>>)
    %dma_wait3A_1027 = arith.constant 5 : i32
    %dma_wait3A_1028 = arith.constant 0 : i32
    %dma_wait3A_1029 = tpu.memref_slice %arg18[%dma_wait3A_1027, %dma_wait3A_1028] : memref<16x64xi32, #tpu.memory_space<vmem>> -> memref<1x64xi32, #tpu.memory_space<vmem>>
    %dma_wait3A_1030 = tpu.memref_squeeze %dma_wait3A_1029 : memref<1x64xi32, #tpu.memory_space<vmem>> -> memref<64xi32, #tpu.memory_space<vmem>>
    %dma_wait3A_1031 = tpu.memref_slice %arg20[%add3A_842] : memref<16384xi32, #tpu.memory_space<vmem_shared>> -> memref<64xi32, #tpu.memory_space<vmem_shared>>
    %dma_wait3A_1032 = arith.constant 0 : i32
    %dma_wait3A_1033 = tpu.memref_slice %arg18[%dma_wait3A_1027, %dma_wait3A_1032] : memref<16x64xi32, #tpu.memory_space<vmem>> -> memref<1x64xi32, #tpu.memory_space<vmem>>
    %dma_wait3A_1034 = tpu.memref_squeeze %dma_wait3A_1033 : memref<1x64xi32, #tpu.memory_space<vmem>> -> memref<64xi32, #tpu.memory_space<vmem>>
    %dma_wait3A_1035 = tpu.memref_slice %arg20[%add3A_842] : memref<16384xi32, #tpu.memory_space<vmem_shared>> -> memref<64xi32, #tpu.memory_space<vmem_shared>>
    tpu.wait_dma2 semaphore(%arg22 : memref<!tpu.dma_semaphore, #tpu.memory_space<semaphore_mem>>) src(%dma_wait3A_1035 : memref<64xi32, #tpu.memory_space<vmem_shared>>) dst(%dma_wait3A_1034 : memref<64xi32, #tpu.memory_space<vmem>>)
    %dma_wait3A_1036 = arith.constant 6 : i32
    %dma_wait3A_1037 = arith.constant 0 : i32
    %dma_wait3A_1038 = tpu.memref_slice %arg18[%dma_wait3A_1036, %dma_wait3A_1037] : memref<16x64xi32, #tpu.memory_space<vmem>> -> memref<1x64xi32, #tpu.memory_space<vmem>>
    %dma_wait3A_1039 = tpu.memref_squeeze %dma_wait3A_1038 : memref<1x64xi32, #tpu.memory_space<vmem>> -> memref<64xi32, #tpu.memory_space<vmem>>
    %dma_wait3A_1040 = tpu.memref_slice %arg20[%add3A_855] : memref<16384xi32, #tpu.memory_space<vmem_shared>> -> memref<64xi32, #tpu.memory_space<vmem_shared>>
    %dma_wait3A_1041 = arith.constant 0 : i32
    %dma_wait3A_1042 = tpu.memref_slice %arg18[%dma_wait3A_1036, %dma_wait3A_1041] : memref<16x64xi32, #tpu.memory_space<vmem>> -> memref<1x64xi32, #tpu.memory_space<vmem>>
    %dma_wait3A_1043 = tpu.memref_squeeze %dma_wait3A_1042 : memref<1x64xi32, #tpu.memory_space<vmem>> -> memref<64xi32, #tpu.memory_space<vmem>>
    %dma_wait3A_1044 = tpu.memref_slice %arg20[%add3A_855] : memref<16384xi32, #tpu.memory_space<vmem_shared>> -> memref<64xi32, #tpu.memory_space<vmem_shared>>
    tpu.wait_dma2 semaphore(%arg22 : memref<!tpu.dma_semaphore, #tpu.memory_space<semaphore_mem>>) src(%dma_wait3A_1044 : memref<64xi32, #tpu.memory_space<vmem_shared>>) dst(%dma_wait3A_1043 : memref<64xi32, #tpu.memory_space<vmem>>)
    %dma_wait3A_1045 = arith.constant 7 : i32
    %dma_wait3A_1046 = arith.constant 0 : i32
    %dma_wait3A_1047 = tpu.memref_slice %arg18[%dma_wait3A_1045, %dma_wait3A_1046] : memref<16x64xi32, #tpu.memory_space<vmem>> -> memref<1x64xi32, #tpu.memory_space<vmem>>
    %dma_wait3A_1048 = tpu.memref_squeeze %dma_wait3A_1047 : memref<1x64xi32, #tpu.memory_space<vmem>> -> memref<64xi32, #tpu.memory_space<vmem>>
    %dma_wait3A_1049 = tpu.memref_slice %arg20[%add3A_868] : memref<16384xi32, #tpu.memory_space<vmem_shared>> -> memref<64xi32, #tpu.memory_space<vmem_shared>>
    %dma_wait3A_1050 = arith.constant 0 : i32
    %dma_wait3A_1051 = tpu.memref_slice %arg18[%dma_wait3A_1045, %dma_wait3A_1050] : memref<16x64xi32, #tpu.memory_space<vmem>> -> memref<1x64xi32, #tpu.memory_space<vmem>>
    %dma_wait3A_1052 = tpu.memref_squeeze %dma_wait3A_1051 : memref<1x64xi32, #tpu.memory_space<vmem>> -> memref<64xi32, #tpu.memory_space<vmem>>
    %dma_wait3A_1053 = tpu.memref_slice %arg20[%add3A_868] : memref<16384xi32, #tpu.memory_space<vmem_shared>> -> memref<64xi32, #tpu.memory_space<vmem_shared>>
    tpu.wait_dma2 semaphore(%arg22 : memref<!tpu.dma_semaphore, #tpu.memory_space<semaphore_mem>>) src(%dma_wait3A_1053 : memref<64xi32, #tpu.memory_space<vmem_shared>>) dst(%dma_wait3A_1052 : memref<64xi32, #tpu.memory_space<vmem>>)
    %dma_wait3A_1054 = arith.constant 8 : i32
    %dma_wait3A_1055 = arith.constant 0 : i32
    %dma_wait3A_1056 = tpu.memref_slice %arg18[%dma_wait3A_1054, %dma_wait3A_1055] : memref<16x64xi32, #tpu.memory_space<vmem>> -> memref<1x64xi32, #tpu.memory_space<vmem>>
    %dma_wait3A_1057 = tpu.memref_squeeze %dma_wait3A_1056 : memref<1x64xi32, #tpu.memory_space<vmem>> -> memref<64xi32, #tpu.memory_space<vmem>>
    %dma_wait3A_1058 = tpu.memref_slice %arg20[%add3A_881] : memref<16384xi32, #tpu.memory_space<vmem_shared>> -> memref<64xi32, #tpu.memory_space<vmem_shared>>
    %dma_wait3A_1059 = arith.constant 0 : i32
    %dma_wait3A_1060 = tpu.memref_slice %arg18[%dma_wait3A_1054, %dma_wait3A_1059] : memref<16x64xi32, #tpu.memory_space<vmem>> -> memref<1x64xi32, #tpu.memory_space<vmem>>
    %dma_wait3A_1061 = tpu.memref_squeeze %dma_wait3A_1060 : memref<1x64xi32, #tpu.memory_space<vmem>> -> memref<64xi32, #tpu.memory_space<vmem>>
    %dma_wait3A_1062 = tpu.memref_slice %arg20[%add3A_881] : memref<16384xi32, #tpu.memory_space<vmem_shared>> -> memref<64xi32, #tpu.memory_space<vmem_shared>>
    tpu.wait_dma2 semaphore(%arg22 : memref<!tpu.dma_semaphore, #tpu.memory_space<semaphore_mem>>) src(%dma_wait3A_1062 : memref<64xi32, #tpu.memory_space<vmem_shared>>) dst(%dma_wait3A_1061 : memref<64xi32, #tpu.memory_space<vmem>>)
    %dma_wait3A_1063 = arith.constant 9 : i32
    %dma_wait3A_1064 = arith.constant 0 : i32
    %dma_wait3A_1065 = tpu.memref_slice %arg18[%dma_wait3A_1063, %dma_wait3A_1064] : memref<16x64xi32, #tpu.memory_space<vmem>> -> memref<1x64xi32, #tpu.memory_space<vmem>>
    %dma_wait3A_1066 = tpu.memref_squeeze %dma_wait3A_1065 : memref<1x64xi32, #tpu.memory_space<vmem>> -> memref<64xi32, #tpu.memory_space<vmem>>
    %dma_wait3A_1067 = tpu.memref_slice %arg20[%add3A_894] : memref<16384xi32, #tpu.memory_space<vmem_shared>> -> memref<64xi32, #tpu.memory_space<vmem_shared>>
    %dma_wait3A_1068 = arith.constant 0 : i32
    %dma_wait3A_1069 = tpu.memref_slice %arg18[%dma_wait3A_1063, %dma_wait3A_1068] : memref<16x64xi32, #tpu.memory_space<vmem>> -> memref<1x64xi32, #tpu.memory_space<vmem>>
    %dma_wait3A_1070 = tpu.memref_squeeze %dma_wait3A_1069 : memref<1x64xi32, #tpu.memory_space<vmem>> -> memref<64xi32, #tpu.memory_space<vmem>>
    %dma_wait3A_1071 = tpu.memref_slice %arg20[%add3A_894] : memref<16384xi32, #tpu.memory_space<vmem_shared>> -> memref<64xi32, #tpu.memory_space<vmem_shared>>
    tpu.wait_dma2 semaphore(%arg22 : memref<!tpu.dma_semaphore, #tpu.memory_space<semaphore_mem>>) src(%dma_wait3A_1071 : memref<64xi32, #tpu.memory_space<vmem_shared>>) dst(%dma_wait3A_1070 : memref<64xi32, #tpu.memory_space<vmem>>)
    %dma_wait3A_1072 = arith.constant 10 : i32
    %dma_wait3A_1073 = arith.constant 0 : i32
    %dma_wait3A_1074 = tpu.memref_slice %arg18[%dma_wait3A_1072, %dma_wait3A_1073] : memref<16x64xi32, #tpu.memory_space<vmem>> -> memref<1x64xi32, #tpu.memory_space<vmem>>
    %dma_wait3A_1075 = tpu.memref_squeeze %dma_wait3A_1074 : memref<1x64xi32, #tpu.memory_space<vmem>> -> memref<64xi32, #tpu.memory_space<vmem>>
    %dma_wait3A_1076 = tpu.memref_slice %arg20[%add3A_907] : memref<16384xi32, #tpu.memory_space<vmem_shared>> -> memref<64xi32, #tpu.memory_space<vmem_shared>>
    %dma_wait3A_1077 = arith.constant 0 : i32
    %dma_wait3A_1078 = tpu.memref_slice %arg18[%dma_wait3A_1072, %dma_wait3A_1077] : memref<16x64xi32, #tpu.memory_space<vmem>> -> memref<1x64xi32, #tpu.memory_space<vmem>>
    %dma_wait3A_1079 = tpu.memref_squeeze %dma_wait3A_1078 : memref<1x64xi32, #tpu.memory_space<vmem>> -> memref<64xi32, #tpu.memory_space<vmem>>
    %dma_wait3A_1080 = tpu.memref_slice %arg20[%add3A_907] : memref<16384xi32, #tpu.memory_space<vmem_shared>> -> memref<64xi32, #tpu.memory_space<vmem_shared>>
    tpu.wait_dma2 semaphore(%arg22 : memref<!tpu.dma_semaphore, #tpu.memory_space<semaphore_mem>>) src(%dma_wait3A_1080 : memref<64xi32, #tpu.memory_space<vmem_shared>>) dst(%dma_wait3A_1079 : memref<64xi32, #tpu.memory_space<vmem>>)
    %dma_wait3A_1081 = arith.constant 11 : i32
    %dma_wait3A_1082 = arith.constant 0 : i32
    %dma_wait3A_1083 = tpu.memref_slice %arg18[%dma_wait3A_1081, %dma_wait3A_1082] : memref<16x64xi32, #tpu.memory_space<vmem>> -> memref<1x64xi32, #tpu.memory_space<vmem>>
    %dma_wait3A_1084 = tpu.memref_squeeze %dma_wait3A_1083 : memref<1x64xi32, #tpu.memory_space<vmem>> -> memref<64xi32, #tpu.memory_space<vmem>>
    %dma_wait3A_1085 = tpu.memref_slice %arg20[%add3A_920] : memref<16384xi32, #tpu.memory_space<vmem_shared>> -> memref<64xi32, #tpu.memory_space<vmem_shared>>
    %dma_wait3A_1086 = arith.constant 0 : i32
    %dma_wait3A_1087 = tpu.memref_slice %arg18[%dma_wait3A_1081, %dma_wait3A_1086] : memref<16x64xi32, #tpu.memory_space<vmem>> -> memref<1x64xi32, #tpu.memory_space<vmem>>
    %dma_wait3A_1088 = tpu.memref_squeeze %dma_wait3A_1087 : memref<1x64xi32, #tpu.memory_space<vmem>> -> memref<64xi32, #tpu.memory_space<vmem>>
    %dma_wait3A_1089 = tpu.memref_slice %arg20[%add3A_920] : memref<16384xi32, #tpu.memory_space<vmem_shared>> -> memref<64xi32, #tpu.memory_space<vmem_shared>>
    tpu.wait_dma2 semaphore(%arg22 : memref<!tpu.dma_semaphore, #tpu.memory_space<semaphore_mem>>) src(%dma_wait3A_1089 : memref<64xi32, #tpu.memory_space<vmem_shared>>) dst(%dma_wait3A_1088 : memref<64xi32, #tpu.memory_space<vmem>>)
    %dma_wait3A_1090 = arith.constant 12 : i32
    %dma_wait3A_1091 = arith.constant 0 : i32
    %dma_wait3A_1092 = tpu.memref_slice %arg18[%dma_wait3A_1090, %dma_wait3A_1091] : memref<16x64xi32, #tpu.memory_space<vmem>> -> memref<1x64xi32, #tpu.memory_space<vmem>>
    %dma_wait3A_1093 = tpu.memref_squeeze %dma_wait3A_1092 : memref<1x64xi32, #tpu.memory_space<vmem>> -> memref<64xi32, #tpu.memory_space<vmem>>
    %dma_wait3A_1094 = tpu.memref_slice %arg20[%add3A_933] : memref<16384xi32, #tpu.memory_space<vmem_shared>> -> memref<64xi32, #tpu.memory_space<vmem_shared>>
    %dma_wait3A_1095 = arith.constant 0 : i32
    %dma_wait3A_1096 = tpu.memref_slice %arg18[%dma_wait3A_1090, %dma_wait3A_1095] : memref<16x64xi32, #tpu.memory_space<vmem>> -> memref<1x64xi32, #tpu.memory_space<vmem>>
    %dma_wait3A_1097 = tpu.memref_squeeze %dma_wait3A_1096 : memref<1x64xi32, #tpu.memory_space<vmem>> -> memref<64xi32, #tpu.memory_space<vmem>>
    %dma_wait3A_1098 = tpu.memref_slice %arg20[%add3A_933] : memref<16384xi32, #tpu.memory_space<vmem_shared>> -> memref<64xi32, #tpu.memory_space<vmem_shared>>
    tpu.wait_dma2 semaphore(%arg22 : memref<!tpu.dma_semaphore, #tpu.memory_space<semaphore_mem>>) src(%dma_wait3A_1098 : memref<64xi32, #tpu.memory_space<vmem_shared>>) dst(%dma_wait3A_1097 : memref<64xi32, #tpu.memory_space<vmem>>)
    %dma_wait3A_1099 = arith.constant 13 : i32
    %dma_wait3A_1100 = arith.constant 0 : i32
    %dma_wait3A_1101 = tpu.memref_slice %arg18[%dma_wait3A_1099, %dma_wait3A_1100] : memref<16x64xi32, #tpu.memory_space<vmem>> -> memref<1x64xi32, #tpu.memory_space<vmem>>
    %dma_wait3A_1102 = tpu.memref_squeeze %dma_wait3A_1101 : memref<1x64xi32, #tpu.memory_space<vmem>> -> memref<64xi32, #tpu.memory_space<vmem>>
    %dma_wait3A_1103 = tpu.memref_slice %arg20[%add3A_946] : memref<16384xi32, #tpu.memory_space<vmem_shared>> -> memref<64xi32, #tpu.memory_space<vmem_shared>>
    %dma_wait3A_1104 = arith.constant 0 : i32
    %dma_wait3A_1105 = tpu.memref_slice %arg18[%dma_wait3A_1099, %dma_wait3A_1104] : memref<16x64xi32, #tpu.memory_space<vmem>> -> memref<1x64xi32, #tpu.memory_space<vmem>>
    %dma_wait3A_1106 = tpu.memref_squeeze %dma_wait3A_1105 : memref<1x64xi32, #tpu.memory_space<vmem>> -> memref<64xi32, #tpu.memory_space<vmem>>
    %dma_wait3A_1107 = tpu.memref_slice %arg20[%add3A_946] : memref<16384xi32, #tpu.memory_space<vmem_shared>> -> memref<64xi32, #tpu.memory_space<vmem_shared>>
    tpu.wait_dma2 semaphore(%arg22 : memref<!tpu.dma_semaphore, #tpu.memory_space<semaphore_mem>>) src(%dma_wait3A_1107 : memref<64xi32, #tpu.memory_space<vmem_shared>>) dst(%dma_wait3A_1106 : memref<64xi32, #tpu.memory_space<vmem>>)
    %dma_wait3A_1108 = arith.constant 14 : i32
    %dma_wait3A_1109 = arith.constant 0 : i32
    %dma_wait3A_1110 = tpu.memref_slice %arg18[%dma_wait3A_1108, %dma_wait3A_1109] : memref<16x64xi32, #tpu.memory_space<vmem>> -> memref<1x64xi32, #tpu.memory_space<vmem>>
    %dma_wait3A_1111 = tpu.memref_squeeze %dma_wait3A_1110 : memref<1x64xi32, #tpu.memory_space<vmem>> -> memref<64xi32, #tpu.memory_space<vmem>>
    %dma_wait3A_1112 = tpu.memref_slice %arg20[%add3A_959] : memref<16384xi32, #tpu.memory_space<vmem_shared>> -> memref<64xi32, #tpu.memory_space<vmem_shared>>
    %dma_wait3A_1113 = arith.constant 0 : i32
    %dma_wait3A_1114 = tpu.memref_slice %arg18[%dma_wait3A_1108, %dma_wait3A_1113] : memref<16x64xi32, #tpu.memory_space<vmem>> -> memref<1x64xi32, #tpu.memory_space<vmem>>
    %dma_wait3A_1115 = tpu.memref_squeeze %dma_wait3A_1114 : memref<1x64xi32, #tpu.memory_space<vmem>> -> memref<64xi32, #tpu.memory_space<vmem>>
    %dma_wait3A_1116 = tpu.memref_slice %arg20[%add3A_959] : memref<16384xi32, #tpu.memory_space<vmem_shared>> -> memref<64xi32, #tpu.memory_space<vmem_shared>>
    tpu.wait_dma2 semaphore(%arg22 : memref<!tpu.dma_semaphore, #tpu.memory_space<semaphore_mem>>) src(%dma_wait3A_1116 : memref<64xi32, #tpu.memory_space<vmem_shared>>) dst(%dma_wait3A_1115 : memref<64xi32, #tpu.memory_space<vmem>>)
    %dma_wait3A_1117 = arith.constant 15 : i32
    %dma_wait3A_1118 = arith.constant 0 : i32
    %dma_wait3A_1119 = tpu.memref_slice %arg18[%dma_wait3A_1117, %dma_wait3A_1118] : memref<16x64xi32, #tpu.memory_space<vmem>> -> memref<1x64xi32, #tpu.memory_space<vmem>>
    %dma_wait3A_1120 = tpu.memref_squeeze %dma_wait3A_1119 : memref<1x64xi32, #tpu.memory_space<vmem>> -> memref<64xi32, #tpu.memory_space<vmem>>
    %dma_wait3A_1121 = tpu.memref_slice %arg20[%add3A_972] : memref<16384xi32, #tpu.memory_space<vmem_shared>> -> memref<64xi32, #tpu.memory_space<vmem_shared>>
    %dma_wait3A_1122 = arith.constant 0 : i32
    %dma_wait3A_1123 = tpu.memref_slice %arg18[%dma_wait3A_1117, %dma_wait3A_1122] : memref<16x64xi32, #tpu.memory_space<vmem>> -> memref<1x64xi32, #tpu.memory_space<vmem>>
    %dma_wait3A_1124 = tpu.memref_squeeze %dma_wait3A_1123 : memref<1x64xi32, #tpu.memory_space<vmem>> -> memref<64xi32, #tpu.memory_space<vmem>>
    %dma_wait3A_1125 = tpu.memref_slice %arg20[%add3A_972] : memref<16384xi32, #tpu.memory_space<vmem_shared>> -> memref<64xi32, #tpu.memory_space<vmem_shared>>
    tpu.wait_dma2 semaphore(%arg22 : memref<!tpu.dma_semaphore, #tpu.memory_space<semaphore_mem>>) src(%dma_wait3A_1125 : memref<64xi32, #tpu.memory_space<vmem_shared>>) dst(%dma_wait3A_1124 : memref<64xi32, #tpu.memory_space<vmem>>)
    %get3A_1126 = arith.constant 0 : i32
    %get3A_1127 = arith.index_cast %get3A_1126 : i32 to index
    %get3A_1128 = arith.constant 0 : index
    %get3A_1129 = tpu.vector_load %arg18[%get3A_1127, %get3A_1128] {strides = array<i32>} : memref<16x64xi32, #tpu.memory_space<vmem>>, vector<16xi32>,
    %get3A_1130 = arith.constant 1 : i32
    %get3A_1131 = arith.index_cast %get3A_1130 : i32 to index
    %get3A_1132 = arith.constant 0 : index
    %get3A_1133 = tpu.vector_load %arg18[%get3A_1131, %get3A_1132] {strides = array<i32>} : memref<16x64xi32, #tpu.memory_space<vmem>>, vector<16xi32>,
    %max3A = arith.maxsi %get3A_1129, %get3A_1133 : vector<16xi32>
    %get3A_1134 = arith.constant 2 : i32
    %get3A_1135 = arith.index_cast %get3A_1134 : i32 to index
    %get3A_1136 = arith.constant 0 : index
    %get3A_1137 = tpu.vector_load %arg18[%get3A_1135, %get3A_1136] {strides = array<i32>} : memref<16x64xi32, #tpu.memory_space<vmem>>, vector<16xi32>,
    %max3A_1138 = arith.maxsi %max3A, %get3A_1137 : vector<16xi32>
    %get3A_1139 = arith.constant 3 : i32
    %get3A_1140 = arith.index_cast %get3A_1139 : i32 to index
    %get3A_1141 = arith.constant 0 : index
    %get3A_1142 = tpu.vector_load %arg18[%get3A_1140, %get3A_1141] {strides = array<i32>} : memref<16x64xi32, #tpu.memory_space<vmem>>, vector<16xi32>,
    %max3A_1143 = arith.maxsi %max3A_1138, %get3A_1142 : vector<16xi32>
    %get3A_1144 = arith.constant 4 : i32
    %get3A_1145 = arith.index_cast %get3A_1144 : i32 to index
    %get3A_1146 = arith.constant 0 : index
    %get3A_1147 = tpu.vector_load %arg18[%get3A_1145, %get3A_1146] {strides = array<i32>} : memref<16x64xi32, #tpu.memory_space<vmem>>, vector<16xi32>,
    %max3A_1148 = arith.maxsi %max3A_1143, %get3A_1147 : vector<16xi32>
    %get3A_1149 = arith.constant 5 : i32
    %get3A_1150 = arith.index_cast %get3A_1149 : i32 to index
    %get3A_1151 = arith.constant 0 : index
    %get3A_1152 = tpu.vector_load %arg18[%get3A_1150, %get3A_1151] {strides = array<i32>} : memref<16x64xi32, #tpu.memory_space<vmem>>, vector<16xi32>,
    %max3A_1153 = arith.maxsi %max3A_1148, %get3A_1152 : vector<16xi32>
    %get3A_1154 = arith.constant 6 : i32
    %get3A_1155 = arith.index_cast %get3A_1154 : i32 to index
    %get3A_1156 = arith.constant 0 : index
    %get3A_1157 = tpu.vector_load %arg18[%get3A_1155, %get3A_1156] {strides = array<i32>} : memref<16x64xi32, #tpu.memory_space<vmem>>, vector<16xi32>,
    %max3A_1158 = arith.maxsi %max3A_1153, %get3A_1157 : vector<16xi32>
    %get3A_1159 = arith.constant 7 : i32
    %get3A_1160 = arith.index_cast %get3A_1159 : i32 to index
    %get3A_1161 = arith.constant 0 : index
    %get3A_1162 = tpu.vector_load %arg18[%get3A_1160, %get3A_1161] {strides = array<i32>} : memref<16x64xi32, #tpu.memory_space<vmem>>, vector<16xi32>,
    %max3A_1163 = arith.maxsi %max3A_1158, %get3A_1162 : vector<16xi32>
    %get3A_1164 = arith.constant 8 : i32
    %get3A_1165 = arith.index_cast %get3A_1164 : i32 to index
    %get3A_1166 = arith.constant 0 : index
    %get3A_1167 = tpu.vector_load %arg18[%get3A_1165, %get3A_1166] {strides = array<i32>} : memref<16x64xi32, #tpu.memory_space<vmem>>, vector<16xi32>,
    %max3A_1168 = arith.maxsi %max3A_1163, %get3A_1167 : vector<16xi32>
    %get3A_1169 = arith.constant 9 : i32
    %get3A_1170 = arith.index_cast %get3A_1169 : i32 to index
    %get3A_1171 = arith.constant 0 : index
    %get3A_1172 = tpu.vector_load %arg18[%get3A_1170, %get3A_1171] {strides = array<i32>} : memref<16x64xi32, #tpu.memory_space<vmem>>, vector<16xi32>,
    %max3A_1173 = arith.maxsi %max3A_1168, %get3A_1172 : vector<16xi32>
    %get3A_1174 = arith.constant 10 : i32
    %get3A_1175 = arith.index_cast %get3A_1174 : i32 to index
    %get3A_1176 = arith.constant 0 : index
    %get3A_1177 = tpu.vector_load %arg18[%get3A_1175, %get3A_1176] {strides = array<i32>} : memref<16x64xi32, #tpu.memory_space<vmem>>, vector<16xi32>,
    %max3A_1178 = arith.maxsi %max3A_1173, %get3A_1177 : vector<16xi32>
    %get3A_1179 = arith.constant 11 : i32
    %get3A_1180 = arith.index_cast %get3A_1179 : i32 to index
    %get3A_1181 = arith.constant 0 : index
    %get3A_1182 = tpu.vector_load %arg18[%get3A_1180, %get3A_1181] {strides = array<i32>} : memref<16x64xi32, #tpu.memory_space<vmem>>, vector<16xi32>,
    %max3A_1183 = arith.maxsi %max3A_1178, %get3A_1182 : vector<16xi32>
    %get3A_1184 = arith.constant 12 : i32
    %get3A_1185 = arith.index_cast %get3A_1184 : i32 to index
    %get3A_1186 = arith.constant 0 : index
    %get3A_1187 = tpu.vector_load %arg18[%get3A_1185, %get3A_1186] {strides = array<i32>} : memref<16x64xi32, #tpu.memory_space<vmem>>, vector<16xi32>,
    %max3A_1188 = arith.maxsi %max3A_1183, %get3A_1187 : vector<16xi32>
    %get3A_1189 = arith.constant 13 : i32
    %get3A_1190 = arith.index_cast %get3A_1189 : i32 to index
    %get3A_1191 = arith.constant 0 : index
    %get3A_1192 = tpu.vector_load %arg18[%get3A_1190, %get3A_1191] {strides = array<i32>} : memref<16x64xi32, #tpu.memory_space<vmem>>, vector<16xi32>,
    %max3A_1193 = arith.maxsi %max3A_1188, %get3A_1192 : vector<16xi32>
    %get3A_1194 = arith.constant 14 : i32
    %get3A_1195 = arith.index_cast %get3A_1194 : i32 to index
    %get3A_1196 = arith.constant 0 : index
    %get3A_1197 = tpu.vector_load %arg18[%get3A_1195, %get3A_1196] {strides = array<i32>} : memref<16x64xi32, #tpu.memory_space<vmem>>, vector<16xi32>,
    %max3A_1198 = arith.maxsi %max3A_1193, %get3A_1197 : vector<16xi32>
    %get3A_1199 = arith.constant 15 : i32
    %get3A_1200 = arith.index_cast %get3A_1199 : i32 to index
    %get3A_1201 = arith.constant 0 : index
    %get3A_1202 = tpu.vector_load %arg18[%get3A_1200, %get3A_1201] {strides = array<i32>} : memref<16x64xi32, #tpu.memory_space<vmem>>, vector<16xi32>,
    %max3A_1203 = arith.maxsi %max3A_1198, %get3A_1202 : vector<16xi32>
    %swap3A = arith.constant 0 : index
    %swap3A_1204 = tpu.vector_load %arg19[%swap3A] {strides = array<i32>} : memref<64xi32, #tpu.memory_space<vmem>>, vector<16xi32>,
    tpu.vector_store %arg19[%swap3A], %max3A_1203 {strides = array<i32>} : memref<64xi32, #tpu.memory_space<vmem>>, vector<16xi32>,
    %get3A_1205 = arith.constant 0 : i32
    %get3A_1206 = arith.index_cast %get3A_1205 : i32 to index
    %get3A_1207 = arith.constant 16 : index
    %get3A_1208 = tpu.vector_load %arg18[%get3A_1206, %get3A_1207] {strides = array<i32>} : memref<16x64xi32, #tpu.memory_space<vmem>>, vector<16xi32>,
    %get3A_1209 = arith.constant 1 : i32
    %get3A_1210 = arith.index_cast %get3A_1209 : i32 to index
    %get3A_1211 = arith.constant 16 : index
    %get3A_1212 = tpu.vector_load %arg18[%get3A_1210, %get3A_1211] {strides = array<i32>} : memref<16x64xi32, #tpu.memory_space<vmem>>, vector<16xi32>,
    %max3A_1213 = arith.maxsi %get3A_1208, %get3A_1212 : vector<16xi32>
    %get3A_1214 = arith.constant 2 : i32
    %get3A_1215 = arith.index_cast %get3A_1214 : i32 to index
    %get3A_1216 = arith.constant 16 : index
    %get3A_1217 = tpu.vector_load %arg18[%get3A_1215, %get3A_1216] {strides = array<i32>} : memref<16x64xi32, #tpu.memory_space<vmem>>, vector<16xi32>,
    %max3A_1218 = arith.maxsi %max3A_1213, %get3A_1217 : vector<16xi32>
    %get3A_1219 = arith.constant 3 : i32
    %get3A_1220 = arith.index_cast %get3A_1219 : i32 to index
    %get3A_1221 = arith.constant 16 : index
    %get3A_1222 = tpu.vector_load %arg18[%get3A_1220, %get3A_1221] {strides = array<i32>} : memref<16x64xi32, #tpu.memory_space<vmem>>, vector<16xi32>,
    %max3A_1223 = arith.maxsi %max3A_1218, %get3A_1222 : vector<16xi32>
    %get3A_1224 = arith.constant 4 : i32
    %get3A_1225 = arith.index_cast %get3A_1224 : i32 to index
    %get3A_1226 = arith.constant 16 : index
    %get3A_1227 = tpu.vector_load %arg18[%get3A_1225, %get3A_1226] {strides = array<i32>} : memref<16x64xi32, #tpu.memory_space<vmem>>, vector<16xi32>,
    %max3A_1228 = arith.maxsi %max3A_1223, %get3A_1227 : vector<16xi32>
    %get3A_1229 = arith.constant 5 : i32
    %get3A_1230 = arith.index_cast %get3A_1229 : i32 to index
    %get3A_1231 = arith.constant 16 : index
    %get3A_1232 = tpu.vector_load %arg18[%get3A_1230, %get3A_1231] {strides = array<i32>} : memref<16x64xi32, #tpu.memory_space<vmem>>, vector<16xi32>,
    %max3A_1233 = arith.maxsi %max3A_1228, %get3A_1232 : vector<16xi32>
    %get3A_1234 = arith.constant 6 : i32
    %get3A_1235 = arith.index_cast %get3A_1234 : i32 to index
    %get3A_1236 = arith.constant 16 : index
    %get3A_1237 = tpu.vector_load %arg18[%get3A_1235, %get3A_1236] {strides = array<i32>} : memref<16x64xi32, #tpu.memory_space<vmem>>, vector<16xi32>,
    %max3A_1238 = arith.maxsi %max3A_1233, %get3A_1237 : vector<16xi32>
    %get3A_1239 = arith.constant 7 : i32
    %get3A_1240 = arith.index_cast %get3A_1239 : i32 to index
    %get3A_1241 = arith.constant 16 : index
    %get3A_1242 = tpu.vector_load %arg18[%get3A_1240, %get3A_1241] {strides = array<i32>} : memref<16x64xi32, #tpu.memory_space<vmem>>, vector<16xi32>,
    %max3A_1243 = arith.maxsi %max3A_1238, %get3A_1242 : vector<16xi32>
    %get3A_1244 = arith.constant 8 : i32
    %get3A_1245 = arith.index_cast %get3A_1244 : i32 to index
    %get3A_1246 = arith.constant 16 : index
    %get3A_1247 = tpu.vector_load %arg18[%get3A_1245, %get3A_1246] {strides = array<i32>} : memref<16x64xi32, #tpu.memory_space<vmem>>, vector<16xi32>,
    %max3A_1248 = arith.maxsi %max3A_1243, %get3A_1247 : vector<16xi32>
    %get3A_1249 = arith.constant 9 : i32
    %get3A_1250 = arith.index_cast %get3A_1249 : i32 to index
    %get3A_1251 = arith.constant 16 : index
    %get3A_1252 = tpu.vector_load %arg18[%get3A_1250, %get3A_1251] {strides = array<i32>} : memref<16x64xi32, #tpu.memory_space<vmem>>, vector<16xi32>,
    %max3A_1253 = arith.maxsi %max3A_1248, %get3A_1252 : vector<16xi32>
    %get3A_1254 = arith.constant 10 : i32
    %get3A_1255 = arith.index_cast %get3A_1254 : i32 to index
    %get3A_1256 = arith.constant 16 : index
    %get3A_1257 = tpu.vector_load %arg18[%get3A_1255, %get3A_1256] {strides = array<i32>} : memref<16x64xi32, #tpu.memory_space<vmem>>, vector<16xi32>,
    %max3A_1258 = arith.maxsi %max3A_1253, %get3A_1257 : vector<16xi32>
    %get3A_1259 = arith.constant 11 : i32
    %get3A_1260 = arith.index_cast %get3A_1259 : i32 to index
    %get3A_1261 = arith.constant 16 : index
    %get3A_1262 = tpu.vector_load %arg18[%get3A_1260, %get3A_1261] {strides = array<i32>} : memref<16x64xi32, #tpu.memory_space<vmem>>, vector<16xi32>,
    %max3A_1263 = arith.maxsi %max3A_1258, %get3A_1262 : vector<16xi32>
    %get3A_1264 = arith.constant 12 : i32
    %get3A_1265 = arith.index_cast %get3A_1264 : i32 to index
    %get3A_1266 = arith.constant 16 : index
    %get3A_1267 = tpu.vector_load %arg18[%get3A_1265, %get3A_1266] {strides = array<i32>} : memref<16x64xi32, #tpu.memory_space<vmem>>, vector<16xi32>,
    %max3A_1268 = arith.maxsi %max3A_1263, %get3A_1267 : vector<16xi32>
    %get3A_1269 = arith.constant 13 : i32
    %get3A_1270 = arith.index_cast %get3A_1269 : i32 to index
    %get3A_1271 = arith.constant 16 : index
    %get3A_1272 = tpu.vector_load %arg18[%get3A_1270, %get3A_1271] {strides = array<i32>} : memref<16x64xi32, #tpu.memory_space<vmem>>, vector<16xi32>,
    %max3A_1273 = arith.maxsi %max3A_1268, %get3A_1272 : vector<16xi32>
    %get3A_1274 = arith.constant 14 : i32
    %get3A_1275 = arith.index_cast %get3A_1274 : i32 to index
    %get3A_1276 = arith.constant 16 : index
    %get3A_1277 = tpu.vector_load %arg18[%get3A_1275, %get3A_1276] {strides = array<i32>} : memref<16x64xi32, #tpu.memory_space<vmem>>, vector<16xi32>,
    %max3A_1278 = arith.maxsi %max3A_1273, %get3A_1277 : vector<16xi32>
    %get3A_1279 = arith.constant 15 : i32
    %get3A_1280 = arith.index_cast %get3A_1279 : i32 to index
    %get3A_1281 = arith.constant 16 : index
    %get3A_1282 = tpu.vector_load %arg18[%get3A_1280, %get3A_1281] {strides = array<i32>} : memref<16x64xi32, #tpu.memory_space<vmem>>, vector<16xi32>,
    %max3A_1283 = arith.maxsi %max3A_1278, %get3A_1282 : vector<16xi32>
    %swap3A_1284 = arith.constant 16 : index
    %swap3A_1285 = tpu.vector_load %arg19[%swap3A_1284] {strides = array<i32>} : memref<64xi32, #tpu.memory_space<vmem>>, vector<16xi32>,
    tpu.vector_store %arg19[%swap3A_1284], %max3A_1283 {strides = array<i32>} : memref<64xi32, #tpu.memory_space<vmem>>, vector<16xi32>,
    %get3A_1286 = arith.constant 0 : i32
    %get3A_1287 = arith.index_cast %get3A_1286 : i32 to index
    %get3A_1288 = arith.constant 32 : index
    %get3A_1289 = tpu.vector_load %arg18[%get3A_1287, %get3A_1288] {strides = array<i32>} : memref<16x64xi32, #tpu.memory_space<vmem>>, vector<16xi32>,
    %get3A_1290 = arith.constant 1 : i32
    %get3A_1291 = arith.index_cast %get3A_1290 : i32 to index
    %get3A_1292 = arith.constant 32 : index
    %get3A_1293 = tpu.vector_load %arg18[%get3A_1291, %get3A_1292] {strides = array<i32>} : memref<16x64xi32, #tpu.memory_space<vmem>>, vector<16xi32>,
    %max3A_1294 = arith.maxsi %get3A_1289, %get3A_1293 : vector<16xi32>
    %get3A_1295 = arith.constant 2 : i32
    %get3A_1296 = arith.index_cast %get3A_1295 : i32 to index
    %get3A_1297 = arith.constant 32 : index
    %get3A_1298 = tpu.vector_load %arg18[%get3A_1296, %get3A_1297] {strides = array<i32>} : memref<16x64xi32, #tpu.memory_space<vmem>>, vector<16xi32>,
    %max3A_1299 = arith.maxsi %max3A_1294, %get3A_1298 : vector<16xi32>
    %get3A_1300 = arith.constant 3 : i32
    %get3A_1301 = arith.index_cast %get3A_1300 : i32 to index
    %get3A_1302 = arith.constant 32 : index
    %get3A_1303 = tpu.vector_load %arg18[%get3A_1301, %get3A_1302] {strides = array<i32>} : memref<16x64xi32, #tpu.memory_space<vmem>>, vector<16xi32>,
    %max3A_1304 = arith.maxsi %max3A_1299, %get3A_1303 : vector<16xi32>
    %get3A_1305 = arith.constant 4 : i32
    %get3A_1306 = arith.index_cast %get3A_1305 : i32 to index
    %get3A_1307 = arith.constant 32 : index
    %get3A_1308 = tpu.vector_load %arg18[%get3A_1306, %get3A_1307] {strides = array<i32>} : memref<16x64xi32, #tpu.memory_space<vmem>>, vector<16xi32>,
    %max3A_1309 = arith.maxsi %max3A_1304, %get3A_1308 : vector<16xi32>
    %get3A_1310 = arith.constant 5 : i32
    %get3A_1311 = arith.index_cast %get3A_1310 : i32 to index
    %get3A_1312 = arith.constant 32 : index
    %get3A_1313 = tpu.vector_load %arg18[%get3A_1311, %get3A_1312] {strides = array<i32>} : memref<16x64xi32, #tpu.memory_space<vmem>>, vector<16xi32>,
    %max3A_1314 = arith.maxsi %max3A_1309, %get3A_1313 : vector<16xi32>
    %get3A_1315 = arith.constant 6 : i32
    %get3A_1316 = arith.index_cast %get3A_1315 : i32 to index
    %get3A_1317 = arith.constant 32 : index
    %get3A_1318 = tpu.vector_load %arg18[%get3A_1316, %get3A_1317] {strides = array<i32>} : memref<16x64xi32, #tpu.memory_space<vmem>>, vector<16xi32>,
    %max3A_1319 = arith.maxsi %max3A_1314, %get3A_1318 : vector<16xi32>
    %get3A_1320 = arith.constant 7 : i32
    %get3A_1321 = arith.index_cast %get3A_1320 : i32 to index
    %get3A_1322 = arith.constant 32 : index
    %get3A_1323 = tpu.vector_load %arg18[%get3A_1321, %get3A_1322] {strides = array<i32>} : memref<16x64xi32, #tpu.memory_space<vmem>>, vector<16xi32>,
    %max3A_1324 = arith.maxsi %max3A_1319, %get3A_1323 : vector<16xi32>
    %get3A_1325 = arith.constant 8 : i32
    %get3A_1326 = arith.index_cast %get3A_1325 : i32 to index
    %get3A_1327 = arith.constant 32 : index
    %get3A_1328 = tpu.vector_load %arg18[%get3A_1326, %get3A_1327] {strides = array<i32>} : memref<16x64xi32, #tpu.memory_space<vmem>>, vector<16xi32>,
    %max3A_1329 = arith.maxsi %max3A_1324, %get3A_1328 : vector<16xi32>
    %get3A_1330 = arith.constant 9 : i32
    %get3A_1331 = arith.index_cast %get3A_1330 : i32 to index
    %get3A_1332 = arith.constant 32 : index
    %get3A_1333 = tpu.vector_load %arg18[%get3A_1331, %get3A_1332] {strides = array<i32>} : memref<16x64xi32, #tpu.memory_space<vmem>>, vector<16xi32>,
    %max3A_1334 = arith.maxsi %max3A_1329, %get3A_1333 : vector<16xi32>
    %get3A_1335 = arith.constant 10 : i32
    %get3A_1336 = arith.index_cast %get3A_1335 : i32 to index
    %get3A_1337 = arith.constant 32 : index
    %get3A_1338 = tpu.vector_load %arg18[%get3A_1336, %get3A_1337] {strides = array<i32>} : memref<16x64xi32, #tpu.memory_space<vmem>>, vector<16xi32>,
    %max3A_1339 = arith.maxsi %max3A_1334, %get3A_1338 : vector<16xi32>
    %get3A_1340 = arith.constant 11 : i32
    %get3A_1341 = arith.index_cast %get3A_1340 : i32 to index
    %get3A_1342 = arith.constant 32 : index
    %get3A_1343 = tpu.vector_load %arg18[%get3A_1341, %get3A_1342] {strides = array<i32>} : memref<16x64xi32, #tpu.memory_space<vmem>>, vector<16xi32>,
    %max3A_1344 = arith.maxsi %max3A_1339, %get3A_1343 : vector<16xi32>
    %get3A_1345 = arith.constant 12 : i32
    %get3A_1346 = arith.index_cast %get3A_1345 : i32 to index
    %get3A_1347 = arith.constant 32 : index
    %get3A_1348 = tpu.vector_load %arg18[%get3A_1346, %get3A_1347] {strides = array<i32>} : memref<16x64xi32, #tpu.memory_space<vmem>>, vector<16xi32>,
    %max3A_1349 = arith.maxsi %max3A_1344, %get3A_1348 : vector<16xi32>
    %get3A_1350 = arith.constant 13 : i32
    %get3A_1351 = arith.index_cast %get3A_1350 : i32 to index
    %get3A_1352 = arith.constant 32 : index
    %get3A_1353 = tpu.vector_load %arg18[%get3A_1351, %get3A_1352] {strides = array<i32>} : memref<16x64xi32, #tpu.memory_space<vmem>>, vector<16xi32>,
    %max3A_1354 = arith.maxsi %max3A_1349, %get3A_1353 : vector<16xi32>
    %get3A_1355 = arith.constant 14 : i32
    %get3A_1356 = arith.index_cast %get3A_1355 : i32 to index
    %get3A_1357 = arith.constant 32 : index
    %get3A_1358 = tpu.vector_load %arg18[%get3A_1356, %get3A_1357] {strides = array<i32>} : memref<16x64xi32, #tpu.memory_space<vmem>>, vector<16xi32>,
    %max3A_1359 = arith.maxsi %max3A_1354, %get3A_1358 : vector<16xi32>
    %get3A_1360 = arith.constant 15 : i32
    %get3A_1361 = arith.index_cast %get3A_1360 : i32 to index
    %get3A_1362 = arith.constant 32 : index
    %get3A_1363 = tpu.vector_load %arg18[%get3A_1361, %get3A_1362] {strides = array<i32>} : memref<16x64xi32, #tpu.memory_space<vmem>>, vector<16xi32>,
    %max3A_1364 = arith.maxsi %max3A_1359, %get3A_1363 : vector<16xi32>
    %swap3A_1365 = arith.constant 32 : index
    %swap3A_1366 = tpu.vector_load %arg19[%swap3A_1365] {strides = array<i32>} : memref<64xi32, #tpu.memory_space<vmem>>, vector<16xi32>,
    tpu.vector_store %arg19[%swap3A_1365], %max3A_1364 {strides = array<i32>} : memref<64xi32, #tpu.memory_space<vmem>>, vector<16xi32>,
    %get3A_1367 = arith.constant 0 : i32
    %get3A_1368 = arith.index_cast %get3A_1367 : i32 to index
    %get3A_1369 = arith.constant 48 : index
    %get3A_1370 = tpu.vector_load %arg18[%get3A_1368, %get3A_1369] {strides = array<i32>} : memref<16x64xi32, #tpu.memory_space<vmem>>, vector<16xi32>,
    %get3A_1371 = arith.constant 1 : i32
    %get3A_1372 = arith.index_cast %get3A_1371 : i32 to index
    %get3A_1373 = arith.constant 48 : index
    %get3A_1374 = tpu.vector_load %arg18[%get3A_1372, %get3A_1373] {strides = array<i32>} : memref<16x64xi32, #tpu.memory_space<vmem>>, vector<16xi32>,
    %max3A_1375 = arith.maxsi %get3A_1370, %get3A_1374 : vector<16xi32>
    %get3A_1376 = arith.constant 2 : i32
    %get3A_1377 = arith.index_cast %get3A_1376 : i32 to index
    %get3A_1378 = arith.constant 48 : index
    %get3A_1379 = tpu.vector_load %arg18[%get3A_1377, %get3A_1378] {strides = array<i32>} : memref<16x64xi32, #tpu.memory_space<vmem>>, vector<16xi32>,
    %max3A_1380 = arith.maxsi %max3A_1375, %get3A_1379 : vector<16xi32>
    %get3A_1381 = arith.constant 3 : i32
    %get3A_1382 = arith.index_cast %get3A_1381 : i32 to index
    %get3A_1383 = arith.constant 48 : index
    %get3A_1384 = tpu.vector_load %arg18[%get3A_1382, %get3A_1383] {strides = array<i32>} : memref<16x64xi32, #tpu.memory_space<vmem>>, vector<16xi32>,
    %max3A_1385 = arith.maxsi %max3A_1380, %get3A_1384 : vector<16xi32>
    %get3A_1386 = arith.constant 4 : i32
    %get3A_1387 = arith.index_cast %get3A_1386 : i32 to index
    %get3A_1388 = arith.constant 48 : index
    %get3A_1389 = tpu.vector_load %arg18[%get3A_1387, %get3A_1388] {strides = array<i32>} : memref<16x64xi32, #tpu.memory_space<vmem>>, vector<16xi32>,
    %max3A_1390 = arith.maxsi %max3A_1385, %get3A_1389 : vector<16xi32>
    %get3A_1391 = arith.constant 5 : i32
    %get3A_1392 = arith.index_cast %get3A_1391 : i32 to index
    %get3A_1393 = arith.constant 48 : index
    %get3A_1394 = tpu.vector_load %arg18[%get3A_1392, %get3A_1393] {strides = array<i32>} : memref<16x64xi32, #tpu.memory_space<vmem>>, vector<16xi32>,
    %max3A_1395 = arith.maxsi %max3A_1390, %get3A_1394 : vector<16xi32>
    %get3A_1396 = arith.constant 6 : i32
    %get3A_1397 = arith.index_cast %get3A_1396 : i32 to index
    %get3A_1398 = arith.constant 48 : index
    %get3A_1399 = tpu.vector_load %arg18[%get3A_1397, %get3A_1398] {strides = array<i32>} : memref<16x64xi32, #tpu.memory_space<vmem>>, vector<16xi32>,
    %max3A_1400 = arith.maxsi %max3A_1395, %get3A_1399 : vector<16xi32>
    %get3A_1401 = arith.constant 7 : i32
    %get3A_1402 = arith.index_cast %get3A_1401 : i32 to index
    %get3A_1403 = arith.constant 48 : index
    %get3A_1404 = tpu.vector_load %arg18[%get3A_1402, %get3A_1403] {strides = array<i32>} : memref<16x64xi32, #tpu.memory_space<vmem>>, vector<16xi32>,
    %max3A_1405 = arith.maxsi %max3A_1400, %get3A_1404 : vector<16xi32>
    %get3A_1406 = arith.constant 8 : i32
    %get3A_1407 = arith.index_cast %get3A_1406 : i32 to index
    %get3A_1408 = arith.constant 48 : index
    %get3A_1409 = tpu.vector_load %arg18[%get3A_1407, %get3A_1408] {strides = array<i32>} : memref<16x64xi32, #tpu.memory_space<vmem>>, vector<16xi32>,
    %max3A_1410 = arith.maxsi %max3A_1405, %get3A_1409 : vector<16xi32>
    %get3A_1411 = arith.constant 9 : i32
    %get3A_1412 = arith.index_cast %get3A_1411 : i32 to index
    %get3A_1413 = arith.constant 48 : index
    %get3A_1414 = tpu.vector_load %arg18[%get3A_1412, %get3A_1413] {strides = array<i32>} : memref<16x64xi32, #tpu.memory_space<vmem>>, vector<16xi32>,
    %max3A_1415 = arith.maxsi %max3A_1410, %get3A_1414 : vector<16xi32>
    %get3A_1416 = arith.constant 10 : i32
    %get3A_1417 = arith.index_cast %get3A_1416 : i32 to index
    %get3A_1418 = arith.constant 48 : index
    %get3A_1419 = tpu.vector_load %arg18[%get3A_1417, %get3A_1418] {strides = array<i32>} : memref<16x64xi32, #tpu.memory_space<vmem>>, vector<16xi32>,
    %max3A_1420 = arith.maxsi %max3A_1415, %get3A_1419 : vector<16xi32>
    %get3A_1421 = arith.constant 11 : i32
    %get3A_1422 = arith.index_cast %get3A_1421 : i32 to index
    %get3A_1423 = arith.constant 48 : index
    %get3A_1424 = tpu.vector_load %arg18[%get3A_1422, %get3A_1423] {strides = array<i32>} : memref<16x64xi32, #tpu.memory_space<vmem>>, vector<16xi32>,
    %max3A_1425 = arith.maxsi %max3A_1420, %get3A_1424 : vector<16xi32>
    %get3A_1426 = arith.constant 12 : i32
    %get3A_1427 = arith.index_cast %get3A_1426 : i32 to index
    %get3A_1428 = arith.constant 48 : index
    %get3A_1429 = tpu.vector_load %arg18[%get3A_1427, %get3A_1428] {strides = array<i32>} : memref<16x64xi32, #tpu.memory_space<vmem>>, vector<16xi32>,
    %max3A_1430 = arith.maxsi %max3A_1425, %get3A_1429 : vector<16xi32>
    %get3A_1431 = arith.constant 13 : i32
    %get3A_1432 = arith.index_cast %get3A_1431 : i32 to index
    %get3A_1433 = arith.constant 48 : index
    %get3A_1434 = tpu.vector_load %arg18[%get3A_1432, %get3A_1433] {strides = array<i32>} : memref<16x64xi32, #tpu.memory_space<vmem>>, vector<16xi32>,
    %max3A_1435 = arith.maxsi %max3A_1430, %get3A_1434 : vector<16xi32>
    %get3A_1436 = arith.constant 14 : i32
    %get3A_1437 = arith.index_cast %get3A_1436 : i32 to index
    %get3A_1438 = arith.constant 48 : index
    %get3A_1439 = tpu.vector_load %arg18[%get3A_1437, %get3A_1438] {strides = array<i32>} : memref<16x64xi32, #tpu.memory_space<vmem>>, vector<16xi32>,
    %max3A_1440 = arith.maxsi %max3A_1435, %get3A_1439 : vector<16xi32>
    %get3A_1441 = arith.constant 15 : i32
    %get3A_1442 = arith.index_cast %get3A_1441 : i32 to index
    %get3A_1443 = arith.constant 48 : index
    %get3A_1444 = tpu.vector_load %arg18[%get3A_1442, %get3A_1443] {strides = array<i32>} : memref<16x64xi32, #tpu.memory_space<vmem>>, vector<16xi32>,
    %max3A_1445 = arith.maxsi %max3A_1440, %get3A_1444 : vector<16xi32>
    %swap3A_1446 = arith.constant 48 : index
    %swap3A_1447 = tpu.vector_load %arg19[%swap3A_1446] {strides = array<i32>} : memref<64xi32, #tpu.memory_space<vmem>>, vector<16xi32>,
    tpu.vector_store %arg19[%swap3A_1446], %max3A_1445 {strides = array<i32>} : memref<64xi32, #tpu.memory_space<vmem>>, vector<16xi32>,
    %mul3A_1448 = arith.constant 1024 : i32
    %mul3A_1449 = arith.muli %arg0, %mul3A_1448 : i32
    %mul3A_1450 = arith.constant 64 : i32
    %mul3A_1451 = arith.muli %arg1, %mul3A_1450 : i32
    %add3A_1452 = arith.addi %mul3A_1449, %mul3A_1451 : i32
    "tpu.region"() ({
      %run_scoped3A = tpu.sem_alloc : memref<!tpu.dma_semaphore, #tpu.memory_space<semaphore_mem>>
      %dma_start3A_1455 = tpu.memref_slice %arg7[%add3A_1452] : memref<2048xi32, #tpu.memory_space<hbm>> -> memref<64xi32, #tpu.memory_space<hbm>>
      %dma_start3A_1456 = tpu.memref_slice %arg7[%add3A_1452] : memref<2048xi32, #tpu.memory_space<hbm>> -> memref<64xi32, #tpu.memory_space<hbm>>
      tpu.enqueue_dma source(%arg19 : memref<64xi32, #tpu.memory_space<vmem>>) target(%dma_start3A_1456 : memref<64xi32, #tpu.memory_space<hbm>>) target_semaphore(%run_scoped3A : memref<!tpu.dma_semaphore, #tpu.memory_space<semaphore_mem>>)
      %dma_wait3A_1457 = tpu.memref_slice %arg7[%add3A_1452] : memref<2048xi32, #tpu.memory_space<hbm>> -> memref<64xi32, #tpu.memory_space<hbm>>
      %dma_wait3A_1458 = tpu.memref_slice %arg7[%add3A_1452] : memref<2048xi32, #tpu.memory_space<hbm>> -> memref<64xi32, #tpu.memory_space<hbm>>
      tpu.wait_dma2 semaphore(%run_scoped3A : memref<!tpu.dma_semaphore, #tpu.memory_space<semaphore_mem>>) src(%arg19 : memref<64xi32, #tpu.memory_space<vmem>>) dst(%dma_wait3A_1458 : memref<64xi32, #tpu.memory_space<hbm>>)
      tpu.yield
    }) : () -> ()
    %dma_wait3A_1453 = tpu.memref_slice %arg8[%mul3A_2] : memref<16384xi32, #tpu.memory_space<hbm>> -> memref<512xi32, #tpu.memory_space<hbm>>
    %dma_wait3A_1454 = tpu.memref_slice %arg8[%mul3A_2] : memref<16384xi32, #tpu.memory_space<hbm>> -> memref<512xi32, #tpu.memory_space<hbm>>
    tpu.wait_dma2 semaphore(%arg21 : memref<!tpu.dma_semaphore, #tpu.memory_space<semaphore_mem>>) src(%arg15 : memref<512xi32, #tpu.memory_space<vmem>>) dst(%dma_wait3A_1454 : memref<512xi32, #tpu.memory_space<hbm>>)
    return
  }
}

#map = affine_map<(d0, d1) -> (0)>
module attributes {stable_mosaic.version = 14 : i64} {
  func.func @_phase2(%arg0: i32, %arg1: i32, %arg2: memref<2048xi32, #tpu.memory_space<hbm>>, %arg3: memref<16384xi32, #tpu.memory_space<hbm>>, %arg4: memref<16384xf32, #tpu.memory_space<hbm>>, %arg5: memref<2048xi32, #tpu.memory_space<vmem>>, %arg6: memref<512xi32, #tpu.memory_space<vmem>>, %arg7: memref<512xf32, #tpu.memory_space<vmem>>, %arg8: memref<!tpu.dma_semaphore, #tpu.memory_space<semaphore_mem>>) attributes {dimension_semantics = [#tpu.dimension_semantics<core_parallel>, #tpu.dimension_semantics<subcore_parallel>], iteration_bounds = array<i64: 2, 16>, scalar_prefetch = 0 : i64, scratch_operands = 4 : i64, tpu.core_type = #tpu.core_type<sc_vector_subcore>, window_params = [{transform_indices = #map}, {transform_indices = #map}, {transform_indices = #map}]} {
    %mul3A = arith.constant 2 : i32
    %mul3A_0 = arith.muli %arg1, %mul3A : i32
    %add3A = arith.addi %mul3A_0, %arg0 : i32
    %mul3A_1 = arith.constant 512 : i32
    %mul3A_2 = arith.muli %add3A, %mul3A_1 : i32
    tpu.enqueue_dma source(%arg2 : memref<2048xi32, #tpu.memory_space<hbm>>) target(%arg5 : memref<2048xi32, #tpu.memory_space<vmem>>) target_semaphore(%arg8 : memref<!tpu.dma_semaphore, #tpu.memory_space<semaphore_mem>>)
    "tpu.region"() ({
      %run_scoped3A = tpu.sem_alloc : memref<!tpu.dma_semaphore, #tpu.memory_space<semaphore_mem>>
      %dma_start3A = tpu.memref_slice %arg3[%mul3A_2] : memref<16384xi32, #tpu.memory_space<hbm>> -> memref<512xi32, #tpu.memory_space<hbm>>
      %dma_start3A_9 = tpu.memref_slice %arg3[%mul3A_2] : memref<16384xi32, #tpu.memory_space<hbm>> -> memref<512xi32, #tpu.memory_space<hbm>>
      tpu.enqueue_dma source(%dma_start3A_9 : memref<512xi32, #tpu.memory_space<hbm>>) target(%arg6 : memref<512xi32, #tpu.memory_space<vmem>>) target_semaphore(%run_scoped3A : memref<!tpu.dma_semaphore, #tpu.memory_space<semaphore_mem>>)
      %dma_wait3A = tpu.memref_slice %arg3[%mul3A_2] : memref<16384xi32, #tpu.memory_space<hbm>> -> memref<512xi32, #tpu.memory_space<hbm>>
      %dma_wait3A_10 = tpu.memref_slice %arg3[%mul3A_2] : memref<16384xi32, #tpu.memory_space<hbm>> -> memref<512xi32, #tpu.memory_space<hbm>>
      tpu.wait_dma2 semaphore(%run_scoped3A : memref<!tpu.dma_semaphore, #tpu.memory_space<semaphore_mem>>) src(%dma_wait3A_10 : memref<512xi32, #tpu.memory_space<hbm>>) dst(%arg6 : memref<512xi32, #tpu.memory_space<vmem>>)
      tpu.yield
    }) : () -> ()
    tpu.wait_dma2 semaphore(%arg8 : memref<!tpu.dma_semaphore, #tpu.memory_space<semaphore_mem>>) src(%arg2 : memref<2048xi32, #tpu.memory_space<hbm>>) dst(%arg5 : memref<2048xi32, #tpu.memory_space<vmem>>)
    %scan3A = arith.constant 0 : i32
    %scan3A_3 = arith.constant 0 : i32
    %scan3A_4 = arith.constant 32 : i32
    %scan3A_5 = arith.addi %scan3A_3, %scan3A_4 : i32
    %scan3A_6 = arith.constant 1 : i32
    %scan3A_7 = scf.for %scan3A_9 = %scan3A_3 to %scan3A_5 step %scan3A_6 iter_args(%scan3A_10 = %scan3A) -> (i32)  : i32 {
      %mul3A_11 = arith.constant 16 : i32
      %mul3A_12 = arith.muli %scan3A_9, %mul3A_11 : i32
      %get3A = arith.index_cast %mul3A_12 : i32 to index
      %get3A_13 = tpu.vector_load %arg6[%get3A] {strides = array<i32>} : memref<512xi32, #tpu.memory_space<vmem>>, vector<16xi32>,
      %gather3A = tpu.vector_load_idx %arg5[%get3A_13] : memref<2048xi32, #tpu.memory_space<vmem>>[vector<16xi32>], vector<16xi32>,
      %add3A_14 = arith.constant 1024 : i32
      %add3A_15 = vector.broadcast %add3A_14 : i32 to vector<16xi32>
      %add3A_16 = arith.addi %add3A_15, %get3A_13 : vector<16xi32>
      %gather3A_17 = tpu.vector_load_idx %arg5[%add3A_16] : memref<2048xi32, #tpu.memory_space<vmem>>[vector<16xi32>], vector<16xi32>,
      %max3A = arith.maxsi %gather3A, %gather3A_17 : vector<16xi32>
      %and3A = arith.constant 1 : i32
      %and3A_18 = vector.broadcast %and3A : i32 to vector<16xi32>
      %and3A_19 = arith.andi %max3A, %and3A_18 : vector<16xi32>
      %convert_element_type3A = arith.sitofp %and3A_19 : vector<16xi32> to vector<16xf32>
      %mul3A_20 = arith.constant 16 : i32
      %mul3A_21 = arith.muli %scan3A_9, %mul3A_20 : i32
      %swap3A = arith.index_cast %mul3A_21 : i32 to index
      %swap3A_22 = tpu.vector_load %arg7[%swap3A] {strides = array<i32>} : memref<512xf32, #tpu.memory_space<vmem>>, vector<16xf32>,
      tpu.vector_store %arg7[%swap3A], %convert_element_type3A {strides = array<i32>} : memref<512xf32, #tpu.memory_space<vmem>>, vector<16xf32>,
      %scan3A_23 = arith.constant 0 : i32
      scf.yield %scan3A_23 : i32
    }
    %scan3A_8 = arith.constant 32 : i32
    "tpu.region"() ({
      %run_scoped3A = tpu.sem_alloc : memref<!tpu.dma_semaphore, #tpu.memory_space<semaphore_mem>>
      %dma_start3A = tpu.memref_slice %arg4[%mul3A_2] : memref<16384xf32, #tpu.memory_space<hbm>> -> memref<512xf32, #tpu.memory_space<hbm>>
      %dma_start3A_9 = tpu.memref_slice %arg4[%mul3A_2] : memref<16384xf32, #tpu.memory_space<hbm>> -> memref<512xf32, #tpu.memory_space<hbm>>
      tpu.enqueue_dma source(%arg7 : memref<512xf32, #tpu.memory_space<vmem>>) target(%dma_start3A_9 : memref<512xf32, #tpu.memory_space<hbm>>) target_semaphore(%run_scoped3A : memref<!tpu.dma_semaphore, #tpu.memory_space<semaphore_mem>>)
      %dma_wait3A = tpu.memref_slice %arg4[%mul3A_2] : memref<16384xf32, #tpu.memory_space<hbm>> -> memref<512xf32, #tpu.memory_space<hbm>>
      %dma_wait3A_10 = tpu.memref_slice %arg4[%mul3A_2] : memref<16384xf32, #tpu.memory_space<hbm>> -> memref<512xf32, #tpu.memory_space<hbm>>
      tpu.wait_dma2 semaphore(%run_scoped3A : memref<!tpu.dma_semaphore, #tpu.memory_space<semaphore_mem>>) src(%arg7 : memref<512xf32, #tpu.memory_space<vmem>>) dst(%dma_wait3A_10 : memref<512xf32, #tpu.memory_space<hbm>>)
      tpu.yield
    }) : () -> ()
    return
  }
}

</mosaic_0001>

<sc_bundles>
// kernel: kernel.4.cloned.1.call-start
scs
__scs_entry_jumppad:
0x0: {  	(pc) =	sbr.rel $0x88, $3  }
0x1: {  	(tag) =	ssettag $0x0;
	lr =	simm.s32 $0x1  }
0x2: {  	[smem:$0x3F9C] =	sst lr;
	_ =	strace $0xD0000000  }
0x3: {  	_ = 	snop  }
0x4: {  	_ = 	snop  }
0x5: {  	_ = 	snop  }
0x6: {  	_ = 	snop  }
0x7: {  	_ = 	snop  }
__scs_overlays_trampoline_lowered:
0x8: {  	[smem:$0x3FAB] =	sst s0  }
0x9: {  	[smem:$0x3FAC] =	sst s1  }
0xa: {  	[smem:$0x3FAD] =	sst s2  }
0xb: {  	[smem:$0x3FAE] =	sst s3  }
0xc: {  	[smem:$0x3FAF] =	sst s4  }
0xd: {  	[smem:$0x3FB0] =	sst s5  }
0xe: {  	[smem:$0x3FB1] =	sst s6  }
0xf: {  	[smem:$0x3FB2] =	sst s7  }
0x10: {  	[smem:$0x3FB3] =	sst s8  }
0x11: {  	[smem:$0x3FB4] =	sst s9;
	s0 =	simm.s32 @!p0 $0x0  }
0x12: {  	s1 =	sld [smem:$0x3F9A];
	s0 =	simm.s32 @p0 $0x1  }
0x13: {  	[smem:$0x3FB5] =	sst s0;
	s0 =	simm.s32 @!p1 $0x0  }
0x14: {  	s2 =	sld [smem:$0x3F99];
	s0 =	simm.s32 @p1 $0x1  }
0x15: {  	[smem:$0x3FB6] =	sst s0;
	s0 =	simm.s32 @!p2 $0x0  }
0x16: {  	s3 =	sld [smem:$0x3FDB];
	s0 =	simm.s32 @p2 $0x1  }
0x17: {  	s4 =	simm.s32 $0x1BF5;
	[smem:$0x3FB8] =	sst s0  }
0x18: {  	s0 =	sld [smem:$0x3F9B];
	_ =	swait.ge [sflag:s4], $0x0  }
0x19: {  	s7 =	sld [smem:$0x3F9C]  }
0x1a: {  	s8 =	sadd.s32 $0xFFFFE003, lr  }
0x1b: {  	s9 =	sadd.s32 $0xFFFFFEF7, lr;
	s5 =	simm.s32 $0xFFFFFFFF;
	p2 =	slt.u32 s8, $0xFFFFF086  }
0x1c: {  	p1 =	slt.u32 s9, $0xF7A;
	s5 =	simm.s32 @!p2 $0x0  }
0x1d: {  	s5 =	simm.s32 @p1 $0x1;
	p0 =	seq.s32 s7, s2  }
0x1e: {  	s7 =	smul.u32 @!p0 $0xF7A, s2;
	p2 =	seq.s32 @!p0 s5, $0x0  }
0x1f: {  	s9 =	smul.u32 $0xF7A, s1;
	s8 =	simm.s32 @!p0 $0x1BF5;
	p2 =	por !p2, p0  }
0x20: {  	[sflag:s8] =	ssyncset.s32 @!p0 $0xFFFFF086;
	s6 =	sadd.s32 @!p0 s3, s7;
	s7 =	simm.s32 @!p0 $0x108  }
0x21: {  	s3 =	sadd.s32 s3, s9;
	s6 =	sadd.s32 @!p0 $0x88, s6;
	s7 =	simm.s32 @p2 $0x1082  }
0x22: {  	[simem:s7], [sflag:s8] =	dma.local @!p0 [hbm:s6], $0xF7A  }
0x23: {  	s9 =	sor.u32 $0xD0000000, s2;
	s6 =	simm.s32 $0x108;
	_ =	swait.ge @!p0 [sflag:s8], $0x0  }
0x24: {  	s3 =	sadd.s32 $0x88, s3;
	s6 =	simm.s32 @!p1 $0x1082;
	[sflag:s4] =	ssyncset.s32 $0xFFFFF086  }
0x25: {  	[simem:s6], [sflag:s4] =	dma.local [hbm:s3], $0xF7A  }
0x26: {  	[smem:$0x3F9C] =	sst s1;
	(tag) =	ssettag s2;
	_ =	strace s9  }
0x27: {  	s1 =	sld [smem:$0x3FAC]  }
0x28: {  	s2 =	sld [smem:$0x3FAD]  }
0x29: {  	s4 =	sld [smem:$0x3FAF]  }
0x2a: {  	p0 =	seq.s32 s5, $0x0;
	s5 =	sld [smem:$0x3FB0]  }
0x2b: {  	s6 =	sld [smem:$0x3FB1]  }
0x2c: {  	s7 =	sld [smem:$0x3FB2]  }
0x2d: {  	s3 =	simm.s32 $0x108;
	s8 =	sld [smem:$0x3FB3]  }
0x2e: {  	s3 =	simm.s32 @!p0 $0x1082;
	s9 =	sld [smem:$0x3FB4]  }
0x2f: {  	lr =	sadd.s32 s0, s3;
	s0 =	sld [smem:$0x3FAB]  }
0x30: {  	s3 =	sld [smem:$0x3FAE]  }
0x31: {  	[smem:$0x3FB7] =	sst s10  }
0x32: {  	s10 =	sld [smem:$0x3FB5];
	_ =	sdelay $0x3  }
0x33: {  	p0 =	seq.s32 s10, $0x1;
	s10 =	sld [smem:$0x3FB7];
	_ =	sdelay $0x3  }
0x34: {  	[smem:$0x3FB7] =	sst s10  }
0x35: {  	s10 =	sld [smem:$0x3FB6];
	_ =	sdelay $0x3  }
0x36: {  	p1 =	seq.s32 s10, $0x1;
	s10 =	sld [smem:$0x3FB7];
	_ =	sdelay $0x3  }
0x37: {  	[smem:$0x3FB7] =	sst s10  }
0x38: {  	s10 =	sld [smem:$0x3FB8]  }
0x39: {  	_ = 	snop;
	(pc) =	sbr.ind lr, $3  }
0x3a: {  	_ = 	snop  }
0x3b: {  	_ = 	snop  }
0x3c: {  	p2 =	seq.s32 s10, $0x1;
	s10 =	sld [smem:$0x3FB7]  }
0x3d: {  	_ =	shalt  }
0x3e: {  	_ =	shalt  }
0x3f: {  	_ =	shalt  }
0x40: {  	_ =	shalt  }
0x41: {  	_ =	shalt  }
0x42: {  	_ =	shalt  }
0x43: {  	_ =	shalt  }
0x44: {  	_ =	shalt  }
0x45: {  	_ =	shalt  }
0x46: {  	_ =	shalt  }
0x47: {  	_ =	shalt  }
0x48: {  	_ =	shalt  }
0x49: {  	_ =	shalt  }
0x4a: {  	_ =	shalt  }
0x4b: {  	_ =	shalt  }
0x4c: {  	_ =	shalt  }
0x4d: {  	_ =	shalt  }
0x4e: {  	_ =	shalt  }
0x4f: {  	_ =	shalt  }
0x50: {  	_ =	shalt  }
0x51: {  	_ =	shalt  }
0x52: {  	_ =	shalt  }
0x53: {  	_ =	shalt  }
0x54: {  	_ =	shalt  }
0x55: {  	_ =	shalt  }
0x56: {  	_ =	shalt  }
0x57: {  	_ =	shalt  }
0x58: {  	_ =	shalt  }
0x59: {  	_ =	shalt  }
0x5a: {  	_ =	shalt  }
0x5b: {  	_ =	shalt  }
0x5c: {  	_ =	shalt  }
0x5d: {  	_ =	shalt  }
0x5e: {  	_ =	shalt  }
0x5f: {  	_ =	shalt  }
0x60: {  	_ =	shalt  }
0x61: {  	_ =	shalt  }
0x62: {  	_ =	shalt  }
0x63: {  	_ =	shalt  }
0x64: {  	_ =	shalt  }
0x65: {  	_ =	shalt  }
0x66: {  	_ =	shalt  }
0x67: {  	_ =	shalt  }
0x68: {  	_ =	shalt  }
0x69: {  	_ =	shalt  }
0x6a: {  	_ =	shalt  }
0x6b: {  	_ =	shalt  }
0x6c: {  	_ =	shalt  }
0x6d: {  	_ =	shalt  }
0x6e: {  	_ =	shalt  }
0x6f: {  	_ =	shalt  }
0x70: {  	_ =	shalt  }
0x71: {  	_ =	shalt  }
0x72: {  	_ =	shalt  }
0x73: {  	_ =	shalt  }
0x74: {  	_ =	shalt  }
0x75: {  	_ =	shalt  }
0x76: {  	_ =	shalt  }
0x77: {  	_ =	shalt  }
0x78: {  	_ =	shalt  }
0x79: {  	_ =	shalt  }
0x7a: {  	_ =	shalt  }
0x7b: {  	_ =	shalt  }
0x7c: {  	_ =	shalt  }
0x7d: {  	_ =	shalt  }
0x7e: {  	_ =	shalt  }
0x7f: {  	_ =	shalt  }
0x80: {  	_ =	shalt  }
0x81: {  	_ =	shalt  }
0x82: {  	_ =	shalt  }
0x83: {  	_ =	shalt  }
0x84: {  	_ =	shalt  }
0x85: {  	_ =	shalt  }
0x86: {  	_ =	shalt  }
0x87: {  	_ =	shalt  }
.Lfunc_end0:
.L_simem_size_0:
called_computation_lowered:
.L_overlay_start_0:
0x88: {  	s2 =	sld [smem:$0x3FD9]  }
0x89: {  	s3 =	sld [smem:$0x3FFE];
	_ =	sdelay $0x1  }
0x8a: {  	s1 =	srdreg.scid  }
0x8b: {  	s0 =	sand.u32 $0x1, s1  }
0x8c: {  	s17 =	sshll.u32 s0, $0xA;
	s2 =	sadd.s32 s3, s2  }
0x8d: {  	s2 =	sadd.s32 s2, s17  }
0x8e: {  	[smem:$0x3FC3] =	sst s2  }
0x8f: {  	_ = 	snop  }
0x90: {  	s2 =	sld [smem:$0x3FC9]  }
0x91: {  	s18 =	sld [smem:$0x3FC8]  }
0x92: {  	s4 =	sld [smem:$0x3FC7]  }
0x93: {  	s5 =	sld [smem:$0x3FC6]  }
0x94: {  	s6 =	sld [smem:$0x3FC5];
	(tm) =	ssettm $0x1  }
0x95: {  	s7 =	sld [smem:$0x3FFB];
	_ =	sdelay $0x3  }
0x96: {  	_ =	strace s7  }
0x97: {  	s7 =	sld [smem:$0x3FFC];
	_ =	sdelay $0x3  }
0x98: {  	_ =	strace s7  }
0x99: {  	s7 =	sld [smem:$0x3FFD];
	_ =	sdelay $0x3  }
0x9a: {  	_ =	strace s7  }
0x9b: {  	_ =	strace $0x8FFFFFFF  }
0x9c: {  	s19 =	sld [smem:$0x3FDB];
	_ =	sdelay $0x1  }
0x9d: {  	s8 =	simm.s32 $_scs_section_size  }
0x9e: {  	s9 =	simm.s32 $_size__tile_overlayer_lowered;
	s10 =	simm.s32 $_tile_overlayer_lowered  }
0x9f: {  	s22 =	simm.s32 $0x1BFF;
	s21 =	sshll.u32 s10, $0x1;
	s7 =	sadd.s32 s8, s19  }
0xa0: {  	s11 =	simm.s32 $0x0;
	s20 =	sshll.u32 s9, $0x1;
	s9 =	sadd.s32 s21, s7  }
0xa1: {  	[timem:s11], [sflag:s22] =	dma.local [hbm:s9], s20  }
0xa2: {  	_ =	swait.ge [sflag:s22], s20  }
0xa3: {  	s8 =	ssub.s32 $0x0, s20;
	[sflag:s22] =	ssyncset.done $0x0  }
0xa4: {  	[sflag:s22] =	ssyncadd.s32 s8;
	_ =	sdelay $0x1  }
0xa5: {  	s23 =	simm.s32 $0x1B8B  }
0xa6: {  	_ =	swait.ge [sflag:s23], $0x1  }
0xa7: {  	[sflag:s23] =	ssyncset.done $0x0  }
0xa8: {  	s25 =	simm.s32 $0x1B8E;
	s24 =	sld [smem:$0x3FFE];
	[sflag:s23] =	ssyncadd.s32 $0xFFFFFFFF  }
0xa9: {  	s26 =	simm.s32 $execute0_lowered;
	[smem:$0x3FD2] =	sst s25  }
0xaa: {  	s9 =	sshll.u32 s26, $0x1;
	_ =	strace $0x80000046;
	[dreg:$0x1] =	wrdreg $0xFFFFFFFF  }
0xab: {  	s28 =	simm.s32 $_size_execute0_lowered;
	s7 =	sadd.s32 s7, s9;
	[dreg:$0x0] =	wrdreg $0x0  }
0xac: {  	s9 =	sshll.u32 s28, $0x1;
	[dreg:$0x2] =	wrdreg s7  }
0xad: {  	[dreg:$0x3] =	wrdreg s9  }
0xae: {  	[dreg:$0x4] =	wrdreg $0xC0  }
0xaf: {  	_ =	task [dreg:s11], $0x5FFFF  }
0xb0: {  	[dreg:$0x1] =	wrdreg $0xFFFFFFFF  }
0xb1: {  	[dreg:$0x0] =	wrdreg $0x60  }
0xb2: {  	[dreg:$0x2] =	wrdreg s2  }
0xb3: {  	[dreg:$0x3] =	wrdreg s18  }
0xb4: {  	[dreg:$0x4] =	wrdreg s4  }
0xb5: {  	[dreg:$0x5] =	wrdreg s5  }
0xb6: {  	[dreg:$0x6] =	wrdreg s6  }
0xb7: {  	[dreg:$0x7] =	wrdreg s24  }
0xb8: {  	[dreg:$0x8] =	wrdreg $0x5D000  }
0xb9: {  	[dreg:$0x9] =	wrdreg $0x9  }
0xba: {  	_ =	task.clear_ibuf [dreg:s11], $0xAFFFF;
	_ =	strace $0x90000046  }
0xbb: {  	s29 =	simm.s32 $0x9;
	_ =	strace $0x80000048  }
0xbc: {  	_ =	swait.ge [sflag:s29], $0x1  }
0xbd: {  	[sflag:s29] =	ssyncadd.s32 $0xFFFFFFFF  }
0xbe: {  	_ =	strace $0x90000048  }
0xbf: {  	_ =	sfence  }
0xc0: {  	s30 =	sld [smem:$0x0];
	_ =	sdelay $0x2  }
0xc1: {  	s31 =	sshll.u32 s1, $0xD;
	s1 =	sshrl.u32 s1, $0x2  }
0xc2: {  	s3 =	sand.u32 $0x4000, s31;
	s1 =	sadd.s32 s1, s30  }
0xc3: {  	s0 =	sor.u32 s3, s0;
	s1 =	sshll.u32 s1, $0x11  }
0xc4: {  	s0 =	sor.u32 s1, s0  }
0xc5: {  	s0 =	sadd.s32 $0x8F2B, s0  }
0xc6: {  	[sflag:s0] =	ssyncadd.remote.s32 $0x1  }
0xc7: {  	_ =	sfence.sel $0xFFFF  }
0xc8: {  	[dreg:$0x0] =	wrdreg $0xFFFFFFFF;
	(pc) =	sbr.abs _section_cstart, $3  }
0xc9: {  	[dreg:$0x1] =	wrdreg $0xFFFFFFFF  }
0xca: {  	_ =	task.clear_ibuf [dreg:s11], $0x2FFFF;
	_ =	strace $0x9FFFFFFF  }
0xcb: {  	(tm) =	ssettm $0x7FFFFFFF  }
tec
execute0_lowered:
.L_overlay_start_1:
0x0: {  	(tag) =	ssettag $0x1  }
0x1: {  	s0 =	rddreg [dreg:$0x0]  }
0x2: {  	s2 =	rddreg [dreg:$0x1]  }
0x3: {  	s1 =	rddreg [dreg:$0x2]  }
0x4: {  	s3 =	rddreg [dreg:$0x3]  }
0x5: {  	s4 =	rddreg [dreg:$0x5]  }
0x6: {  	s7 =	rddreg [dreg:$0x6];
	s5 =	simm.s32 $0x0  }
0x7: {  	s6 =	srdreg.scid;
	s10 =	stileid.u32;
	s30 =	simm.s32 $0x3  }
0x8: {  	s31 =	simm.s32 $0x3080;
	[smem:$0x7FF] =	sst s5;
	s8 =	sand.u32 $0x1, s6  }
0x9: {  	s9 =	sshll.u32 s10, $0x6;
	s10 =	sshll.u32 s10, $0xA;
	_ =	strace $0x80000047  }
0xa: {  	v0 =	vlaneseq.u32;
	s6 =	sshll.u32 s8, $0xA;
	s11 =	sshll.u32 s8, $0x9;
	s8 =	ssub.s32 $0x2, s8  }
0xb: {  	vm0 =	vmmov $0x1;
	v3 =	vimm.s32 $0x0;
	vm2 =	vcmask $0x704;
	s19 =	sadd.s32 s10, s7;
	s12 =	sor.u32 s9, s6;
	s6 =	sor.u32 s11, s10  }
0xc: {  	vm1 =	vcmask $0x308;
	vm3 =	vcmask $0xB08;
	vm4 =	vcmask $0xF0C;
	s13 =	sshrl.u32 s8, $0x1;
	s9 =	sadd.s32 s9, s7;
	[dreg:$0xb] =	wrdreg s19  }
0xd: {  	vm5 =	vcmask $0x1310;
	vm6 =	vcmask $0x1714;
	v4 =	vsel vm2, $0x400, v3;
	s7 =	simm.s32 $0x0;
	s15 =	sshrl.u32 s12, $0x3;
	s16 =	sshrl.u32 s6, $0x3  }
0xe: {  	vm7 =	vcmask $0x1B18;
	vm8 =	vcmask $0x231C;
	v4 =	vsel vm3, $0x800, v4;
	s8 =	ssub.s32 s8, s13;
	s20 =	sadd.s32 $0x400, s9;
	s21 =	sadd.s32 $0x800, s9  }
0xf: {  	vm9 =	vcmask $0x2724;
	vm10 =	vcmask $0x2B28;
	v4 =	vsel vm4, $0xC00, v4;
	s22 =	sadd.s32 $0xC00, s9;
	s23 =	sadd.s32 $0x1000, s9;
	[dreg:$0xc] =	wrdreg s20  }
0x10: {  	vm11 =	vcmask $0x3B38;
	v2 =	vand.u32 $0x7, v0;
	s24 =	sadd.s32 $0x1400, s9;
	s25 =	sadd.s32 $0x1800, s9;
	v4 =	vsel vm5, $0x1000, v4;
	[dreg:$0xd] =	wrdreg s21  }
0x11: {  	v1 =	vmul.u32 $0x400, v0;
	vm2 =	vcmask $0x70C;
	s26 =	sadd.s32 $0x1C00, s9;
	s19 =	sadd.s32 $0x2000, s9;
	[dreg:$0xe] =	wrdreg s22;
	v4 =	vsel vm6, $0x1400, v4  }
0x12: {  	v6 =	vmul.u32 $0xFFFFFFFF, v0;
	v2 =	vmul.u32 $0x80, v2;
	s28 =	sadd.s32 $0x3800, s9;
	s29 =	sadd.s32 $0x3C00, s9;
	[dreg:$0xf] =	wrdreg s23;
	v4 =	vsel vm7, $0x1800, v4  }
0x13: {  	vm3 =	vcmask $0xB10;
	vm4 =	vcmask $0xF14;
	s11 =	sadd.s32 s15, s4;
	s4 =	sadd.s32 s16, s4;
	[dreg:$0x10] =	wrdreg s24;
	v4 =	vsel vm8, $0x1C00, v4  }
0x14: {  	v6 =	vadd.s32 $0xF, v6;
	vm5 =	vcmask $0x1318;
	s1 =	sadd.s32 s1, s16;
	s17 =	sadd.s32 s3, s16;
	[dreg:$0x11] =	wrdreg s25;
	v4 =	vsel vm9, $0x1800, v4  }
0x15: {  	[dreg:$0x12] =	wrdreg s26;
	s20 =	sadd.s32 $0x2400, s9;
	s21 =	sadd.s32 $0x2800, s9;
	vm6 =	vcmask $0x171C;
	v5 =	vsel vm10, $0x1400, v4;
	vm10 =	vcmask $0x2F2C  }
0x16: {  	s22 =	sadd.s32 $0x2C00, s9;
	s23 =	sadd.s32 $0x3000, s9;
	s25 =	smax.u32 s8, $0x1;
	vm7 =	vcmask $0x1B20;
	v5 =	vsel vm10, $0x1000, v5;
	vm10 =	vcmask $0x3330  }
0x17: {  	s26 =	sadd.s32 $0x3400, s9;
	s3 =	simm.s32 $0x2;
	[dreg:$0x8] =	wrdreg s1;
	vm8 =	vcmask $0x1F24;
	v7 =	vsel vm10, $0xC00, v5;
	vm10 =	vcmask $0x3734  }
0x18: {  	[dreg:$0x9] =	wrdreg s17;
	s18 =	sadd.s32 $0xE00, s4;
	s24 =	sadd.s32 $0xC00, s11;
	vm9 =	vcmask $0x2328;
	v4 =	vimm.s32 $0xFFFFFFFF;
	v7 =	vsel vm10, $0x800, v7  }
0x19: {  	s4 =	simm.s32 $0x80;
	s1 =	simm.s32 $0x1;
	[dreg:$0xa] =	wrdreg s18;
	v5 =	vmul.u32 $0x2, v0;
	vm10 =	vcmask $0x3F20;
	v7 =	vsel vm11, $0x400, v7  }
.LBB2_1:
0x1a: {  	s8 =	rddreg [dreg:$0x4];
	s14 =	sadd.s32 $0x0, s6  }
0x1b: {  	[tilespmem:s5], [sflag:$0x3] =	stream.linear.gather [hbm4b:s8+s5], $0xA, $0x38;
	[tilespmem:$0x6100] =	vst v63  }
0x1c: {  	v8 =	vmov s14;
	s10 =	sadd.s32 $0x10, s14;
	s11 =	sadd.s32 $0x30, s14  }
0x1d: {  	s8 =	sadd.s32 $0x20, s14;
	_ =	swait.ge [sflag:s30], $0xA;
	v8 =	vshll.u32 v8, $0xA;
	v9 =	vor.u32 s10, v0;
	v10 =	vor.u32 s11, v0  }
0x1e: {  	v11 =	vor.u32 s8, v0;
	[sflag:s30] =	ssyncset.done $0x0;
	v12 =	vshll.u32 v10, $0xA;
	v10 =	vshll.u32 v10, $0x7  }
0x1f: {  	s16 =	simm.s32 $0x2A80;
	s15 =	rddreg [dreg:$0x8];
	v8 =	vor.u32 v1, v8;
	v13 =	vshll.u32 v9, $0xA;
	v9 =	vshll.u32 v9, $0x7;
	[sflag:s30] =	ssyncadd.s32 $0xFFFFFFF6  }
0x20: {  	v15 =	vshll.u32 v11, $0x7;
	v12 =	vand.u32 $0xFFFFE000, v12;
	v10 =	vand.u32 $0x380, v10;
	[tilespmem:s16], [sflag:$0x2] =	stream.linear.gather [hbm4b:s15+s5], $0x200, $0x38;
	[tilespmem:$0x6100] =	vst v63  }
0x21: {  	s18 =	simm.s32 $0x2C80;
	s8 =	simm.s32 $0xA0;
	s17 =	rddreg [dreg:$0x9];
	v14 =	vand.u32 $0x7FFFE000, v8;
	v13 =	vand.u32 $0xFFFFE000, v13;
	v9 =	vand.u32 $0x380, v9  }
0x22: {  	v12 =	vor.u32 v10, v12;
	v10 =	vshll.u32 v11, $0xA;
	v11 =	vor.u32 v2, v14;
	[tilespmem:s18], [sflag:$0x2] =	stream.linear.gather [hbm4b:s17+s5], $0x200, $0x38;
	[tilespmem:$0x6100] =	vst v63  }
0x23: {  	s11 =	sadd.s32 $0x40, s6;
	s10 =	simm.s32 $0x80;
	v9 =	vor.u32 v9, v13;
	v10 =	vand.u32 $0xFFFFE000, v10;
	v8 =	vld [tilespmem:$0x0];
	[tilespmem:s8+$0x10] =	vst v12;
	v12 =	vand.u32 $0x380, v15  }
.LBB2_2:
0x24: {  	p0 =	sne.s32 s10, $0x1C0;
	v13 =	vmov s11;
	s12 =	sadd.s32 $0x10, s11;
	s13 =	sadd.s32 $0x30, s11;
	[tilespmem:s8+$0xFFFFFFE0] =	vst v11;
	v10 =	vor.u32 v12, v10  }
0x25: {  	s11 =	sadd.s32 $0x20, s11;
	v11 =	vshll.u32 v13, $0xA;
	v12 =	vor.u32 s12, v0;
	v13 =	vor.u32 s13, v0;
	[tilespmem:s8+$0xFFFFFFF0] =	vst v9  }
0x26: {  	v9 =	vor.u32 s11, v0;
	v14 =	vshll.u32 v13, $0xA;
	v13 =	vshll.u32 v13, $0x7;
	[tilespmem:s8+$0x0] =	vst v10  }
.Ltmp0:
0x27: {  	v10 =	vor.u32 v1, v11;
	v11 =	vand.u32 $0xFFFFE000, v14;
	v13 =	vand.u32 $0x380, v13;
	(pc) =	sbr.rel @p0 .LBB2_2-.Ltmp0, $4  }
0x28: {  	s8 =	sadd.s32 $0x40, s8;
	v14 =	vshll.u32 v12, $0xA;
	v12 =	vshll.u32 v12, $0x7;
	v11 =	vor.u32 v13, v11  }
0x29: {  	v15 =	vshll.u32 v9, $0x7;
	v13 =	vand.u32 $0x7FFFE000, v10;
	v10 =	vshll.u32 v9, $0xA;
	[tilespmem:s8+$0x10] =	vst v11  }
0x2a: {  	v9 =	vand.u32 $0xFFFFE000, v14;
	v12 =	vand.u32 $0x380, v12;
	v10 =	vand.u32 $0xFFFFE000, v10  }
0x2b: {  	s11 =	sadd.s32 s10, s6;
	s10 =	sadd.s32 $0x40, s10;
	v11 =	vor.u32 v2, v13;
	v9 =	vor.u32 v12, v9;
	v12 =	vand.u32 $0x380, v15  }
0x2c: {  	v13 =	vnsel vm0, $0xFFFFFFFF, v8  }
0x2d: {  	v13 =	vxor.u32 $0x80000000, v13  }
0x2e: {  	(xrf0) =	vmax.scan.msk.u32 $0xffff, v13;
	_ =	sdelay $0x5  }
0x2f: {  	v13, _, _ =	vpop (xrf0)  }
0x30: {  	(v2sf) =	vpush v13, $0xF;
	_ =	sdelay $0x6  }
0x31: {  	v43 =	vmov s11;
	s10 =	sadd.s32 $0x10, s11;
	s12 =	sadd.s32 $0x30, s11;
	v10 =	vor.u32 v12, v10  }
0x32: {  	s16 =	sadd.s32 $0x20, s11;
	v44 =	vshll.u32 v43, $0xA;
	v45 =	vor.u32 s10, v0;
	v14 =	vor.u32 s12, v0  }
0x33: {  	v15 =	vor.u32 s16, v0;
	v16 =	vshll.u32 v14, $0xA;
	v14 =	vshll.u32 v14, $0x7  }
0x34: {  	[tilespmem:s8+$0xFFFFFFE0] =	vst v11;
	v46 =	vor.u32 v1, v44;
	v48 =	vshll.u32 v45, $0xA;
	v50 =	vshll.u32 v15, $0xA  }
0x35: {  	[tilespmem:s8+$0xFFFFFFF0] =	vst v9;
	v51 =	vshll.u32 v15, $0x7;
	v47 =	vand.u32 $0xFFFFE000, v16;
	v14 =	vand.u32 $0x380, v14  }
0x36: {  	s17 =	sadd.s32 $0x40, s8;
	[tilespmem:s8+$0x0] =	vst v10;
	v49 =	vand.u32 $0x7FFFE000, v46;
	v11 =	vand.u32 $0xFFFFE000, v50;
	v12 =	vor.u32 v14, v47  }
0x37: {  	v53 =	vand.u32 $0x380, v51;
	v10 =	vor.u32 v2, v49;
	[tilespmem:s17+$0x10] =	vst v12;
	v13 =	vshll.u32 v45, $0x7  }
0x38: {  	v9 =	vand.u32 $0xFFFFE000, v48;
	v54 =	vor.u32 v53, v11;
	[tilespmem:s17+$0xFFFFFFE0] =	vst v10;
	v52 =	vand.u32 $0x380, v13  }
0x39: {  	[tilespmem:s17+$0x0] =	vst v54;
	v9 =	vor.u32 v52, v9;
	s18 =	spop (v2sf)  }
0x3a: {  	[tilespmem:s17+$0xFFFFFFF0] =	vst v9;
	s8 =	sxor.u32 $0x80000000, s18  }
0x3b: {  	v9 =	vld [tilespmem:$0x80];
	s10 =	sadd.s32 $0x7FFFFC00, s18;
	p0 =	slt.s32 s8, $0x400  }
0x3c: {  	v10 =	vld [tilespmem:$0x90];
	s10 =	smov.u32 @p0 s8  }
0x3d: {  	v55 =	vld [tilespmem:$0xA0];
	s8 =	sshll.u32 s10, $0x3  }
0x3e: {  	v56 =	vld [tilespmem:$0xB0];
	s10 =	sand.u32 $0x7F, s10;
	s8 =	sand.u32 $0xFFFFFC00, s8  }
0x3f: {  	v57 =	vld [tilespmem:$0xC0];
	s8 =	sor.u32 s10, s8  }
0x40: {  	v58 =	vld [tilespmem:$0xD0];
	v9 =	vadd.s32 s8, v9  }
0x41: {  	v60 =	vld [tilespmem:$0xE0];
	v59 =	vadd.s32 s8, v10;
	[tilespmem:$0x280] =	vst v9  }
0x42: {  	v62 =	vld [tilespmem:$0xF0];
	v61 =	vadd.s32 s8, v55;
	[tilespmem:$0x290] =	vst v59  }
0x43: {  	v16 =	vld [tilespmem:$0x100];
	v63 =	vadd.s32 s8, v56;
	[tilespmem:$0x2A0] =	vst v61  }
0x44: {  	v18 =	vld [tilespmem:$0x110];
	v17 =	vadd.s32 s8, v57;
	[tilespmem:$0x2B0] =	vst v63  }
0x45: {  	v20 =	vld [tilespmem:$0x120];
	v19 =	vadd.s32 s8, v58;
	[tilespmem:$0x2C0] =	vst v17  }
0x46: {  	v22 =	vld [tilespmem:$0x130];
	v21 =	vadd.s32 s8, v60;
	[tilespmem:$0x2D0] =	vst v19  }
0x47: {  	v24 =	vld [tilespmem:$0x140];
	v23 =	vadd.s32 s8, v62;
	[tilespmem:$0x2E0] =	vst v21  }
0x48: {  	v26 =	vld [tilespmem:$0x150];
	v25 =	vadd.s32 s8, v16;
	[tilespmem:$0x2F0] =	vst v23  }
0x49: {  	v28 =	vld [tilespmem:$0x160];
	v27 =	vadd.s32 s8, v18;
	[tilespmem:$0x300] =	vst v25  }
0x4a: {  	v30 =	vld [tilespmem:$0x170];
	v29 =	vadd.s32 s8, v20;
	[tilespmem:$0x310] =	vst v27  }
0x4b: {  	v32 =	vld [tilespmem:$0x180];
	v31 =	vadd.s32 s8, v22;
	[tilespmem:$0x320] =	vst v29  }
0x4c: {  	v35 =	vsel vm1, $0xFFFFFFFF, v8;
	v34 =	vld [tilespmem:$0x190];
	v33 =	vadd.s32 s8, v24;
	[tilespmem:$0x330] =	vst v31  }
0x4d: {  	v15 =	vxor.u32 $0x80000000, v35;
	v37 =	vld [tilespmem:$0x1A0];
	v36 =	vadd.s32 s8, v26;
	[tilespmem:$0x340] =	vst v33  }
0x4e: {  	(xrf0) =	vmax.scan.msk.u32 $0xffff, v15;
	v39 =	vld [tilespmem:$0x1B0];
	v38 =	vadd.s32 s8, v28;
	[tilespmem:$0x350] =	vst v36  }
0x4f: {  	v41 =	vld [tilespmem:$0x1C0];
	v40 =	vadd.s32 s8, v30;
	[tilespmem:$0x360] =	vst v38  }
0x50: {  	v43 =	vld [tilespmem:$0x1D0];
	v42 =	vadd.s32 s8, v32;
	[tilespmem:$0x370] =	vst v40  }
0x51: {  	v45 =	vld [tilespmem:$0x1E0];
	v44 =	vadd.s32 s8, v34;
	[tilespmem:$0x380] =	vst v42  }
0x52: {  	v47 =	vld [tilespmem:$0x1F0];
	v46 =	vadd.s32 s8, v37;
	[tilespmem:$0x390] =	vst v44  }
0x53: {  	v49 =	vld [tilespmem:$0x200];
	v48 =	vadd.s32 s8, v39;
	[tilespmem:$0x3A0] =	vst v46  }
0x54: {  	v15, _, _ =	vpop (xrf0);
	v51 =	vld [tilespmem:$0x210];
	v50 =	vadd.s32 s8, v41;
	[tilespmem:$0x3B0] =	vst v48  }
0x55: {  	(v2sf) =	vpush v15, $0xF;
	v53 =	vld [tilespmem:$0x220];
	v52 =	vadd.s32 s8, v43;
	[tilespmem:$0x3C0] =	vst v50  }
0x56: {  	v54 =	vadd.s32 s8, v45;
	v55 =	vld [tilespmem:$0x230];
	[tilespmem:$0x3D0] =	vst v52  }
0x57: {  	v56 =	vadd.s32 s8, v47;
	v57 =	vld [tilespmem:$0x240];
	[tilespmem:$0x3E0] =	vst v54  }
0x58: {  	v58 =	vadd.s32 s8, v49;
	[tilespmem:$0x3F0] =	vst v56;
	v59 =	vld [tilespmem:$0x250]  }
0x59: {  	v60 =	vadd.s32 s8, v51;
	[tilespmem:$0x400] =	vst v58;
	v61 =	vld [tilespmem:$0x260]  }
0x5a: {  	v62 =	vadd.s32 s8, v53;
	[tilespmem:$0x410] =	vst v60;
	v63 =	vld [tilespmem:$0x270]  }
0x5b: {  	[tilespmem:$0x420] =	vst v62;
	v15 =	vadd.s32 s8, v55  }
0x5c: {  	v16 =	vadd.s32 s8, v57;
	[tilespmem:$0x430] =	vst v15  }
0x5d: {  	[tilespmem:$0x440] =	vst v16;
	v17 =	vadd.s32 s8, v59  }
0x5e: {  	v18 =	vadd.s32 s8, v61;
	[tilespmem:$0x450] =	vst v17  }
0x5f: {  	v19 =	vadd.s32 s8, v63;
	s8 =	smov.u32 s2;
	[tilespmem:$0x460] =	vst v18  }
0x60: {  	s11 =	simm.s32 $0x280;
	s12 =	simm.s32 $0x1680;
	[tilespmem:$0x470] =	vst v19;
	s8 =	smov.u32 @p0 s0  }
0x61: {  	[tilespmem:s12], [sflag:$0x1] =	stream.indirect.gather [hbm4b:s8+s4], $0x1, s11, s4, $0xb8;
	[tilespmem:$0x6100] =	vst v63  }
0x62: {  	s13 =	simm.s32 $0x300;
	s14 =	simm.s32 $0x1700  }
0x63: {  	[tilespmem:s14], [sflag:$0x1] =	stream.indirect.gather [hbm4b:s8+s4], $0x1, s13, s4, $0xb8;
	[tilespmem:$0x6100] =	vst v63  }
0x64: {  	s16 =	simm.s32 $0x380;
	s17 =	simm.s32 $0x1780;
	s15 =	spop (v2sf)  }
0x65: {  	[tilespmem:s17], [sflag:$0x1] =	stream.indirect.gather [hbm4b:s8+s4], $0x1, s16, s4, $0xb8;
	[tilespmem:$0x6100] =	vst v63  }
0x66: {  	s18 =	simm.s32 $0x400;
	s11 =	sxor.u32 $0x80000000, s15;
	s13 =	simm.s32 $0x1800  }
0x67: {  	[tilespmem:s13], [sflag:$0x1] =	stream.indirect.gather [hbm4b:s8+s4], $0x1, s18, s4, $0xb8;
	[tilespmem:$0x6100] =	vst v63  }
0x68: {  	p0 =	slt.s32 s11, $0x400;
	s8 =	sadd.s32 $0x7FFFFC00, s15;
	v20 =	vld [tilespmem:$0x80]  }
0x69: {  	s8 =	smov.u32 @p0 s11;
	v21 =	vld [tilespmem:$0x90]  }
0x6a: {  	v22 =	vld [tilespmem:$0xA0];
	s13 =	sshll.u32 s8, $0x3  }
0x6b: {  	v23 =	vld [tilespmem:$0xB0];
	s8 =	sand.u32 $0x7F, s8;
	s10 =	sand.u32 $0xFFFFFC00, s13  }
0x6c: {  	v24 =	vld [tilespmem:$0xC0];
	s8 =	sor.u32 s8, s10  }
0x6d: {  	v25 =	vld [tilespmem:$0xD0];
	v9 =	vadd.s32 s8, v20  }
0x6e: {  	v27 =	vld [tilespmem:$0xE0];
	v26 =	vadd.s32 s8, v21;
	[tilespmem:$0x480] =	vst v9  }
0x6f: {  	v29 =	vld [tilespmem:$0xF0];
	v28 =	vadd.s32 s8, v22;
	[tilespmem:$0x490] =	vst v26  }
0x70: {  	v31 =	vld [tilespmem:$0x100];
	v30 =	vadd.s32 s8, v23;
	[tilespmem:$0x4A0] =	vst v28  }
0x71: {  	v33 =	vld [tilespmem:$0x110];
	v32 =	vadd.s32 s8, v24;
	[tilespmem:$0x4B0] =	vst v30  }
0x72: {  	v35 =	vld [tilespmem:$0x120];
	v34 =	vadd.s32 s8, v25;
	[tilespmem:$0x4C0] =	vst v32  }
0x73: {  	v37 =	vld [tilespmem:$0x130];
	v36 =	vadd.s32 s8, v27;
	[tilespmem:$0x4D0] =	vst v34  }
0x74: {  	v39 =	vld [tilespmem:$0x140];
	v38 =	vadd.s32 s8, v29;
	[tilespmem:$0x4E0] =	vst v36  }
0x75: {  	v41 =	vld [tilespmem:$0x150];
	v40 =	vadd.s32 s8, v31;
	[tilespmem:$0x4F0] =	vst v38  }
0x76: {  	v43 =	vld [tilespmem:$0x160];
	v42 =	vadd.s32 s8, v33;
	[tilespmem:$0x500] =	vst v40  }
0x77: {  	v45 =	vld [tilespmem:$0x170];
	v44 =	vadd.s32 s8, v35;
	[tilespmem:$0x510] =	vst v42  }
0x78: {  	v47 =	vld [tilespmem:$0x180];
	v46 =	vadd.s32 s8, v37;
	[tilespmem:$0x520] =	vst v44  }
0x79: {  	v48 =	vsel vm2, $0xFFFFFFFF, v8;
	v50 =	vld [tilespmem:$0x190];
	v49 =	vadd.s32 s8, v39;
	[tilespmem:$0x530] =	vst v46  }
0x7a: {  	v15 =	vxor.u32 $0x80000000, v48;
	v52 =	vld [tilespmem:$0x1A0];
	v51 =	vadd.s32 s8, v41;
	[tilespmem:$0x540] =	vst v49  }
0x7b: {  	(xrf0) =	vmax.scan.msk.u32 $0xffff, v15;
	v54 =	vld [tilespmem:$0x1B0];
	v53 =	vadd.s32 s8, v43;
	[tilespmem:$0x550] =	vst v51  }
0x7c: {  	v56 =	vld [tilespmem:$0x1C0];
	v55 =	vadd.s32 s8, v45;
	[tilespmem:$0x560] =	vst v53  }
0x7d: {  	v58 =	vld [tilespmem:$0x1D0];
	v57 =	vadd.s32 s8, v47;
	[tilespmem:$0x570] =	vst v55  }
0x7e: {  	v60 =	vld [tilespmem:$0x1E0];
	v59 =	vadd.s32 s8, v50;
	[tilespmem:$0x580] =	vst v57  }
0x7f: {  	v62 =	vld [tilespmem:$0x1F0];
	v61 =	vadd.s32 s8, v52;
	[tilespmem:$0x590] =	vst v59  }
0x80: {  	v18 =	vld [tilespmem:$0x200];
	v63 =	vadd.s32 s8, v54;
	[tilespmem:$0x5A0] =	vst v61  }
0x81: {  	v15, _, _ =	vpop (xrf0);
	v19 =	vadd.s32 s8, v56;
	v20 =	vld [tilespmem:$0x210];
	[tilespmem:$0x5B0] =	vst v63  }
0x82: {  	(v2sf) =	vpush v15, $0xF;
	v21 =	vadd.s32 s8, v58;
	v22 =	vld [tilespmem:$0x220];
	[tilespmem:$0x5C0] =	vst v19  }
0x83: {  	v23 =	vadd.s32 s8, v60;
	v24 =	vld [tilespmem:$0x230];
	[tilespmem:$0x5D0] =	vst v21  }
0x84: {  	v25 =	vadd.s32 s8, v62;
	[tilespmem:$0x5E0] =	vst v23;
	v26 =	vld [tilespmem:$0x240]  }
0x85: {  	v27 =	vadd.s32 s8, v18;
	[tilespmem:$0x5F0] =	vst v25;
	v28 =	vld [tilespmem:$0x250]  }
0x86: {  	[tilespmem:$0x600] =	vst v27;
	v30 =	vld [tilespmem:$0x260];
	v29 =	vadd.s32 s8, v20  }
0x87: {  	v32 =	vld [tilespmem:$0x270];
	v31 =	vadd.s32 s8, v22;
	[tilespmem:$0x610] =	vst v29  }
0x88: {  	v33 =	vadd.s32 s8, v24;
	[tilespmem:$0x620] =	vst v31  }
0x89: {  	[tilespmem:$0x630] =	vst v33;
	v34 =	vadd.s32 s8, v26  }
0x8a: {  	v35 =	vadd.s32 s8, v28;
	[tilespmem:$0x640] =	vst v34  }
0x8b: {  	v36 =	vadd.s32 s8, v30;
	[tilespmem:$0x650] =	vst v35  }
0x8c: {  	v37 =	vadd.s32 s8, v32;
	s8 =	smov.u32 s2;
	[tilespmem:$0x660] =	vst v36  }
0x8d: {  	s14 =	simm.s32 $0x480;
	s15 =	simm.s32 $0x1880;
	[tilespmem:$0x670] =	vst v37;
	s8 =	smov.u32 @p0 s0  }
0x8e: {  	[tilespmem:s15], [sflag:$0x1] =	stream.indirect.gather [hbm4b:s8+s4], $0x1, s14, s4, $0xb8;
	[tilespmem:$0x6100] =	vst v63  }
0x8f: {  	s16 =	simm.s32 $0x500;
	s17 =	simm.s32 $0x1900  }
0x90: {  	[tilespmem:s17], [sflag:$0x1] =	stream.indirect.gather [hbm4b:s8+s4], $0x1, s16, s4, $0xb8;
	[tilespmem:$0x6100] =	vst v63  }
0x91: {  	s12 =	simm.s32 $0x580;
	s13 =	simm.s32 $0x1980;
	v38 =	vsel vm3, $0xFFFFFFFF, v8;
	s18 =	spop (v2sf)  }
0x92: {  	v9 =	vxor.u32 $0x80000000, v38;
	[tilespmem:s13], [sflag:$0x1] =	stream.indirect.gather [hbm4b:s8+s4], $0x1, s12, s4, $0xb8;
	[tilespmem:$0x6100] =	vst v63  }
0x93: {  	v39 =	vsel vm4, $0xFFFFFFFF, v8;
	(xrf0) =	vmax.scan.msk.u32 $0xffff, v9;
	s14 =	simm.s32 $0x600;
	s15 =	simm.s32 $0x1A00;
	s11 =	sxor.u32 $0x80000000, s18  }
0x94: {  	v40 =	vsel vm5, $0xFFFFFFFF, v8;
	v9 =	vxor.u32 $0x80000000, v39;
	[tilespmem:s15], [sflag:$0x1] =	stream.indirect.gather [hbm4b:s8+s4], $0x1, s14, s4, $0xb8;
	[tilespmem:$0x6100] =	vst v63  }
0x95: {  	v42 =	vsel vm6, $0xFFFFFFFF, v8;
	v41 =	vxor.u32 $0x80000000, v40;
	(xrf0) =	vmax.scan.msk.u32 $0xffff, v9;
	p0 =	slt.s32 s11, $0x400;
	s8 =	sadd.s32 $0x7FFFFC00, s18;
	v43 =	vld [tilespmem:$0x80]  }
0x96: {  	v45 =	vsel vm7, $0xFFFFFFFF, v8;
	v44 =	vxor.u32 $0x80000000, v42;
	(xrf0) =	vmax.scan.msk.u32 $0xffff, v41;
	s8 =	smov.u32 @p0 s11;
	v46 =	vld [tilespmem:$0x90]  }
0x97: {  	v48 =	vsel vm8, $0xFFFFFFFF, v8;
	v47 =	vxor.u32 $0x80000000, v45;
	(xrf0) =	vmax.scan.msk.u32 $0xffff, v44;
	v49 =	vld [tilespmem:$0xA0];
	s16 =	sshll.u32 s8, $0x3  }
0x98: {  	v50 =	vxor.u32 $0x80000000, v48;
	v8 =	vsel vm9, $0xFFFFFFFF, v8;
	(xrf0) =	vmax.scan.msk.u32 $0xffff, v47;
	v51 =	vld [tilespmem:$0xB0];
	s8 =	sand.u32 $0x7F, s8;
	s10 =	sand.u32 $0xFFFFFC00, s16  }
0x99: {  	v8 =	vxor.u32 $0x80000000, v8;
	(xrf0) =	vmax.scan.msk.u32 $0xffff, v50;
	v52 =	vld [tilespmem:$0xC0];
	s15 =	sor.u32 s8, s10  }
0x9a: {  	v53, _, _ =	vpop (xrf0);
	(xrf0) =	vmax.scan.msk.u32 $0xffff, v8;
	v54 =	vld [tilespmem:$0xD0];
	v8 =	vadd.s32 s15, v43  }
0x9b: {  	v55, _, _ =	vpop (xrf0);
	(v2sf) =	vpush v53, $0xF;
	v56 =	vld [tilespmem:$0xE0];
	[tilespmem:$0x680] =	vst v8;
	v8 =	vadd.s32 s15, v46  }
0x9c: {  	v57, _, _ =	vpop (xrf0);
	(v2sf) =	vpush v55, $0xF;
	v58 =	vld [tilespmem:$0xF0];
	[tilespmem:$0x690] =	vst v8;
	v8 =	vadd.s32 s15, v49  }
0x9d: {  	v59, _, _ =	vpop (xrf0);
	(v2sf) =	vpush v57, $0xF;
	v60 =	vld [tilespmem:$0x100];
	[tilespmem:$0x6A0] =	vst v8;
	v8 =	vadd.s32 s15, v51  }
0x9e: {  	v61, _, _ =	vpop (xrf0);
	(v2sf) =	vpush v59, $0xF;
	v62 =	vld [tilespmem:$0x110];
	[tilespmem:$0x6B0] =	vst v8;
	v8 =	vadd.s32 s15, v52  }
0x9f: {  	v63, _, _ =	vpop (xrf0);
	(v2sf) =	vpush v61, $0xF;
	v17 =	vld [tilespmem:$0x120];
	[tilespmem:$0x6C0] =	vst v8;
	v8 =	vadd.s32 s15, v54  }
0xa0: {  	(v2sf) =	vpush v63, $0xF;
	v18, _, _ =	vpop (xrf0);
	v19 =	vld [tilespmem:$0x130];
	[tilespmem:$0x6D0] =	vst v8;
	v8 =	vadd.s32 s15, v56  }
0xa1: {  	v20 =	vld [tilespmem:$0x140];
	(v2sf) =	vpush v18, $0xF;
	[tilespmem:$0x6E0] =	vst v8;
	v8 =	vadd.s32 s15, v58  }
0xa2: {  	v21 =	vld [tilespmem:$0x150];
	[tilespmem:$0x6F0] =	vst v8;
	v8 =	vadd.s32 s15, v60  }
0xa3: {  	v22 =	vld [tilespmem:$0x160];
	[tilespmem:$0x700] =	vst v8;
	v8 =	vadd.s32 s15, v62  }
0xa4: {  	v23 =	vld [tilespmem:$0x170];
	[tilespmem:$0x710] =	vst v8;
	v8 =	vadd.s32 s15, v17  }
0xa5: {  	v24 =	vld [tilespmem:$0x180];
	[tilespmem:$0x720] =	vst v8;
	v8 =	vadd.s32 s15, v19  }
0xa6: {  	v25 =	vld [tilespmem:$0x190];
	[tilespmem:$0x730] =	vst v8;
	v8 =	vadd.s32 s15, v20  }
0xa7: {  	v26 =	vld [tilespmem:$0x1A0];
	[tilespmem:$0x740] =	vst v8;
	v8 =	vadd.s32 s15, v21  }
0xa8: {  	v27 =	vld [tilespmem:$0x1B0];
	[tilespmem:$0x750] =	vst v8;
	v8 =	vadd.s32 s15, v22  }
0xa9: {  	v28 =	vld [tilespmem:$0x1C0];
	[tilespmem:$0x760] =	vst v8;
	v8 =	vadd.s32 s15, v23  }
0xaa: {  	v29 =	vld [tilespmem:$0x1D0];
	s16 =	spop (v2sf);
	[tilespmem:$0x770] =	vst v8;
	v8 =	vadd.s32 s15, v24  }
0xab: {  	s14 =	spop (v2sf);
	[tilespmem:$0x780] =	vst v8;
	v8 =	vadd.s32 s15, v25  }
0xac: {  	s13 =	spop (v2sf);
	[tilespmem:$0x790] =	vst v8;
	v8 =	vadd.s32 s15, v26  }
0xad: {  	s12 =	spop (v2sf);
	[tilespmem:$0x7A0] =	vst v8;
	v8 =	vadd.s32 s15, v27  }
0xae: {  	s11 =	spop (v2sf);
	[tilespmem:$0x7B0] =	vst v8;
	v8 =	vadd.s32 s15, v28  }
0xaf: {  	s10 =	spop (v2sf);
	[tilespmem:$0x7C0] =	vst v8;
	v8 =	vadd.s32 s15, v29  }
0xb0: {  	s8 =	spop (v2sf);
	[tilespmem:$0x7D0] =	vst v8  }
0xb1: {  	v8 =	vld [tilespmem:$0x1E0]  }
0xb2: {  	v30 =	vld [tilespmem:$0x1F0]  }
0xb3: {  	v31 =	vld [tilespmem:$0x200]  }
0xb4: {  	v32 =	vld [tilespmem:$0x210]  }
0xb5: {  	v33 =	vld [tilespmem:$0x220]  }
0xb6: {  	v34 =	vld [tilespmem:$0x230];
	v8 =	vadd.s32 s15, v8  }
0xb7: {  	v35 =	vld [tilespmem:$0x240];
	[tilespmem:$0x7E0] =	vst v8;
	v8 =	vadd.s32 s15, v30  }
0xb8: {  	v36 =	vld [tilespmem:$0x250];
	[tilespmem:$0x7F0] =	vst v8;
	v8 =	vadd.s32 s15, v31  }
0xb9: {  	v37 =	vld [tilespmem:$0x260];
	[tilespmem:$0x800] =	vst v8;
	v8 =	vadd.s32 s15, v32  }
0xba: {  	v38 =	vld [tilespmem:$0x270];
	[tilespmem:$0x810] =	vst v8;
	v8 =	vadd.s32 s15, v33  }
0xbb: {  	[tilespmem:$0x820] =	vst v8;
	v8 =	vadd.s32 s15, v34  }
0xbc: {  	[tilespmem:$0x830] =	vst v8;
	v8 =	vadd.s32 s15, v35  }
0xbd: {  	[tilespmem:$0x840] =	vst v8;
	v8 =	vadd.s32 s15, v36  }
0xbe: {  	[tilespmem:$0x850] =	vst v8;
	v8 =	vadd.s32 s15, v37  }
0xbf: {  	[tilespmem:$0x860] =	vst v8;
	v8 =	vadd.s32 s15, v38;
	s15 =	smov.u32 s2  }
0xc0: {  	s17 =	simm.s32 $0x680;
	s18 =	simm.s32 $0x1A80;
	[tilespmem:$0x870] =	vst v8;
	s15 =	smov.u32 @p0 s0  }
0xc1: {  	[tilespmem:s18], [sflag:$0x1] =	stream.indirect.gather [hbm4b:s15+s4], $0x1, s17, s4, $0xb8;
	[tilespmem:$0x6100] =	vst v63  }
0xc2: {  	s17 =	simm.s32 $0x700;
	s18 =	simm.s32 $0x1B00  }
0xc3: {  	[tilespmem:s18], [sflag:$0x1] =	stream.indirect.gather [hbm4b:s15+s4], $0x1, s17, s4, $0xb8;
	[tilespmem:$0x6100] =	vst v63  }
0xc4: {  	s17 =	simm.s32 $0x780;
	s18 =	simm.s32 $0x1B80  }
0xc5: {  	[tilespmem:s18], [sflag:$0x1] =	stream.indirect.gather [hbm4b:s15+s4], $0x1, s17, s4, $0xb8;
	[tilespmem:$0x6100] =	vst v63  }
0xc6: {  	s17 =	simm.s32 $0x800;
	s18 =	simm.s32 $0x1C00  }
0xc7: {  	[tilespmem:s18], [sflag:$0x1] =	stream.indirect.gather [hbm4b:s15+s4], $0x1, s17, s4, $0xb8;
	[tilespmem:$0x6100] =	vst v63  }
0xc8: {  	s15 =	sxor.u32 $0x80000000, s16  }
0xc9: {  	s16 =	sadd.s32 $0x7FFFFC00, s16;
	p0 =	slt.s32 s15, $0x400;
	v8 =	vld [tilespmem:$0x80]  }
0xca: {  	v39 =	vld [tilespmem:$0x90];
	s16 =	smov.u32 @p0 s15  }
0xcb: {  	v40 =	vld [tilespmem:$0xA0];
	s15 =	sshll.u32 s16, $0x3  }
0xcc: {  	v41 =	vld [tilespmem:$0xB0];
	s16 =	sand.u32 $0x7F, s16;
	s15 =	sand.u32 $0xFFFFFC00, s15  }
0xcd: {  	v42 =	vld [tilespmem:$0xC0];
	s15 =	sor.u32 s16, s15  }
0xce: {  	v43 =	vld [tilespmem:$0xD0];
	v8 =	vadd.s32 s15, v8  }
0xcf: {  	v44 =	vld [tilespmem:$0xE0];
	[tilespmem:$0x880] =	vst v8;
	v8 =	vadd.s32 s15, v39  }
0xd0: {  	v45 =	vld [tilespmem:$0xF0];
	[tilespmem:$0x890] =	vst v8;
	v8 =	vadd.s32 s15, v40  }
0xd1: {  	v46 =	vld [tilespmem:$0x100];
	[tilespmem:$0x8A0] =	vst v8;
	v8 =	vadd.s32 s15, v41  }
0xd2: {  	v47 =	vld [tilespmem:$0x110];
	[tilespmem:$0x8B0] =	vst v8;
	v8 =	vadd.s32 s15, v42  }
0xd3: {  	v48 =	vld [tilespmem:$0x120];
	[tilespmem:$0x8C0] =	vst v8;
	v8 =	vadd.s32 s15, v43  }
0xd4: {  	v49 =	vld [tilespmem:$0x130];
	[tilespmem:$0x8D0] =	vst v8;
	v8 =	vadd.s32 s15, v44  }
0xd5: {  	v50 =	vld [tilespmem:$0x140];
	[tilespmem:$0x8E0] =	vst v8;
	v8 =	vadd.s32 s15, v45  }
0xd6: {  	v51 =	vld [tilespmem:$0x150];
	[tilespmem:$0x8F0] =	vst v8;
	v8 =	vadd.s32 s15, v46  }
0xd7: {  	v52 =	vld [tilespmem:$0x160];
	[tilespmem:$0x900] =	vst v8;
	v8 =	vadd.s32 s15, v47  }
0xd8: {  	v53 =	vld [tilespmem:$0x170];
	[tilespmem:$0x910] =	vst v8;
	v8 =	vadd.s32 s15, v48  }
0xd9: {  	v54 =	vld [tilespmem:$0x180];
	[tilespmem:$0x920] =	vst v8;
	v8 =	vadd.s32 s15, v49  }
0xda: {  	v55 =	vld [tilespmem:$0x190];
	[tilespmem:$0x930] =	vst v8;
	v8 =	vadd.s32 s15, v50  }
0xdb: {  	v56 =	vld [tilespmem:$0x1A0];
	[tilespmem:$0x940] =	vst v8;
	v8 =	vadd.s32 s15, v51  }
0xdc: {  	v57 =	vld [tilespmem:$0x1B0];
	[tilespmem:$0x950] =	vst v8;
	v8 =	vadd.s32 s15, v52  }
0xdd: {  	v58 =	vld [tilespmem:$0x1C0];
	[tilespmem:$0x960] =	vst v8;
	v8 =	vadd.s32 s15, v53  }
0xde: {  	v59 =	vld [tilespmem:$0x1D0];
	[tilespmem:$0x970] =	vst v8;
	v8 =	vadd.s32 s15, v54  }
0xdf: {  	v60 =	vld [tilespmem:$0x1E0];
	[tilespmem:$0x980] =	vst v8;
	v8 =	vadd.s32 s15, v55  }
0xe0: {  	v61 =	vld [tilespmem:$0x1F0];
	[tilespmem:$0x990] =	vst v8;
	v8 =	vadd.s32 s15, v56  }
0xe1: {  	v62 =	vld [tilespmem:$0x200];
	[tilespmem:$0x9A0] =	vst v8;
	v8 =	vadd.s32 s15, v57  }
0xe2: {  	v63 =	vld [tilespmem:$0x210];
	[tilespmem:$0x9B0] =	vst v8;
	v8 =	vadd.s32 s15, v58  }
0xe3: {  	v16 =	vld [tilespmem:$0x220];
	[tilespmem:$0x9C0] =	vst v8;
	v8 =	vadd.s32 s15, v59  }
0xe4: {  	v17 =	vld [tilespmem:$0x230];
	[tilespmem:$0x9D0] =	vst v8;
	v8 =	vadd.s32 s15, v60  }
0xe5: {  	v18 =	vld [tilespmem:$0x240];
	[tilespmem:$0x9E0] =	vst v8;
	v8 =	vadd.s32 s15, v61  }
0xe6: {  	v19 =	vld [tilespmem:$0x250];
	[tilespmem:$0x9F0] =	vst v8;
	v8 =	vadd.s32 s15, v62  }
0xe7: {  	v20 =	vld [tilespmem:$0x260];
	[tilespmem:$0xA00] =	vst v8;
	v8 =	vadd.s32 s15, v63  }
0xe8: {  	v21 =	vld [tilespmem:$0x270];
	[tilespmem:$0xA10] =	vst v8;
	v8 =	vadd.s32 s15, v16  }
0xe9: {  	[tilespmem:$0xA20] =	vst v8;
	v8 =	vadd.s32 s15, v17  }
0xea: {  	[tilespmem:$0xA30] =	vst v8;
	v8 =	vadd.s32 s15, v18  }
0xeb: {  	[tilespmem:$0xA40] =	vst v8;
	v8 =	vadd.s32 s15, v19  }
0xec: {  	[tilespmem:$0xA50] =	vst v8;
	v8 =	vadd.s32 s15, v20  }
0xed: {  	[tilespmem:$0xA60] =	vst v8;
	v8 =	vadd.s32 s15, v21;
	s15 =	smov.u32 s2  }
0xee: {  	s17 =	simm.s32 $0x880;
	s18 =	simm.s32 $0x1C80;
	[tilespmem:$0xA70] =	vst v8;
	s15 =	smov.u32 @p0 s0  }
0xef: {  	[tilespmem:s18], [sflag:$0x1] =	stream.indirect.gather [hbm4b:s15+s4], $0x1, s17, s4, $0xb8;
	[tilespmem:$0x6100] =	vst v63  }
0xf0: {  	s17 =	simm.s32 $0x900;
	s18 =	simm.s32 $0x1D00  }
0xf1: {  	[tilespmem:s18], [sflag:$0x1] =	stream.indirect.gather [hbm4b:s15+s4], $0x1, s17, s4, $0xb8;
	[tilespmem:$0x6100] =	vst v63  }
0xf2: {  	s17 =	simm.s32 $0x980;
	s18 =	simm.s32 $0x1D80  }
0xf3: {  	[tilespmem:s18], [sflag:$0x1] =	stream.indirect.gather [hbm4b:s15+s4], $0x1, s17, s4, $0xb8;
	[tilespmem:$0x6100] =	vst v63  }
0xf4: {  	s17 =	simm.s32 $0xA00;
	s18 =	simm.s32 $0x1E00  }
0xf5: {  	[tilespmem:s18], [sflag:$0x1] =	stream.indirect.gather [hbm4b:s15+s4], $0x1, s17, s4, $0xb8;
	[tilespmem:$0x6100] =	vst v63  }
0xf6: {  	s15 =	sxor.u32 $0x80000000, s14  }
0xf7: {  	s14 =	sadd.s32 $0x7FFFFC00, s14;
	p0 =	slt.s32 s15, $0x400;
	v8 =	vld [tilespmem:$0x80]  }
0xf8: {  	v22 =	vld [tilespmem:$0x90];
	s14 =	smov.u32 @p0 s15  }
0xf9: {  	v23 =	vld [tilespmem:$0xA0];
	s15 =	sshll.u32 s14, $0x3  }
0xfa: {  	v24 =	vld [tilespmem:$0xB0];
	s14 =	sand.u32 $0x7F, s14;
	s15 =	sand.u32 $0xFFFFFC00, s15  }
0xfb: {  	v25 =	vld [tilespmem:$0xC0];
	s14 =	sor.u32 s14, s15  }
0xfc: {  	v26 =	vld [tilespmem:$0xD0];
	v8 =	vadd.s32 s14, v8  }
0xfd: {  	v27 =	vld [tilespmem:$0xE0];
	[tilespmem:$0xA80] =	vst v8;
	v8 =	vadd.s32 s14, v22  }
0xfe: {  	v28 =	vld [tilespmem:$0xF0];
	[tilespmem:$0xA90] =	vst v8;
	v8 =	vadd.s32 s14, v23  }
0xff: {  	v29 =	vld [tilespmem:$0x100];
	[tilespmem:$0xAA0] =	vst v8;
	v8 =	vadd.s32 s14, v24  }
0x100: {  	v30 =	vld [tilespmem:$0x110];
	[tilespmem:$0xAB0] =	vst v8;
	v8 =	vadd.s32 s14, v25  }
0x101: {  	v31 =	vld [tilespmem:$0x120];
	[tilespmem:$0xAC0] =	vst v8;
	v8 =	vadd.s32 s14, v26  }
0x102: {  	v32 =	vld [tilespmem:$0x130];
	[tilespmem:$0xAD0] =	vst v8;
	v8 =	vadd.s32 s14, v27  }
0x103: {  	v33 =	vld [tilespmem:$0x140];
	[tilespmem:$0xAE0] =	vst v8;
	v8 =	vadd.s32 s14, v28  }
0x104: {  	v34 =	vld [tilespmem:$0x150];
	[tilespmem:$0xAF0] =	vst v8;
	v8 =	vadd.s32 s14, v29  }
0x105: {  	v35 =	vld [tilespmem:$0x160];
	[tilespmem:$0xB00] =	vst v8;
	v8 =	vadd.s32 s14, v30  }
0x106: {  	v36 =	vld [tilespmem:$0x170];
	[tilespmem:$0xB10] =	vst v8;
	v8 =	vadd.s32 s14, v31  }
0x107: {  	v37 =	vld [tilespmem:$0x180];
	[tilespmem:$0xB20] =	vst v8;
	v8 =	vadd.s32 s14, v32  }
0x108: {  	v38 =	vld [tilespmem:$0x190];
	[tilespmem:$0xB30] =	vst v8;
	v8 =	vadd.s32 s14, v33  }
0x109: {  	v39 =	vld [tilespmem:$0x1A0];
	[tilespmem:$0xB40] =	vst v8;
	v8 =	vadd.s32 s14, v34  }
0x10a: {  	v40 =	vld [tilespmem:$0x1B0];
	[tilespmem:$0xB50] =	vst v8;
	v8 =	vadd.s32 s14, v35  }
0x10b: {  	v41 =	vld [tilespmem:$0x1C0];
	[tilespmem:$0xB60] =	vst v8;
	v8 =	vadd.s32 s14, v36  }
0x10c: {  	v42 =	vld [tilespmem:$0x1D0];
	[tilespmem:$0xB70] =	vst v8;
	v8 =	vadd.s32 s14, v37  }
0x10d: {  	v43 =	vld [tilespmem:$0x1E0];
	[tilespmem:$0xB80] =	vst v8;
	v8 =	vadd.s32 s14, v38  }
0x10e: {  	v44 =	vld [tilespmem:$0x1F0];
	[tilespmem:$0xB90] =	vst v8;
	v8 =	vadd.s32 s14, v39  }
0x10f: {  	v45 =	vld [tilespmem:$0x200];
	[tilespmem:$0xBA0] =	vst v8;
	v8 =	vadd.s32 s14, v40  }
0x110: {  	v46 =	vld [tilespmem:$0x210];
	[tilespmem:$0xBB0] =	vst v8;
	v8 =	vadd.s32 s14, v41  }
0x111: {  	v47 =	vld [tilespmem:$0x220];
	[tilespmem:$0xBC0] =	vst v8;
	v8 =	vadd.s32 s14, v42  }
0x112: {  	v48 =	vld [tilespmem:$0x230];
	[tilespmem:$0xBD0] =	vst v8;
	v8 =	vadd.s32 s14, v43  }
0x113: {  	v49 =	vld [tilespmem:$0x240];
	[tilespmem:$0xBE0] =	vst v8;
	v8 =	vadd.s32 s14, v44  }
0x114: {  	v50 =	vld [tilespmem:$0x250];
	[tilespmem:$0xBF0] =	vst v8;
	v8 =	vadd.s32 s14, v45  }
0x115: {  	v51 =	vld [tilespmem:$0x260];
	[tilespmem:$0xC00] =	vst v8;
	v8 =	vadd.s32 s14, v46  }
0x116: {  	v52 =	vld [tilespmem:$0x270];
	[tilespmem:$0xC10] =	vst v8;
	v8 =	vadd.s32 s14, v47  }
0x117: {  	[tilespmem:$0xC20] =	vst v8;
	v8 =	vadd.s32 s14, v48  }
0x118: {  	[tilespmem:$0xC30] =	vst v8;
	v8 =	vadd.s32 s14, v49  }
0x119: {  	[tilespmem:$0xC40] =	vst v8;
	v8 =	vadd.s32 s14, v50  }
0x11a: {  	[tilespmem:$0xC50] =	vst v8;
	v8 =	vadd.s32 s14, v51  }
0x11b: {  	[tilespmem:$0xC60] =	vst v8;
	v8 =	vadd.s32 s14, v52;
	s14 =	smov.u32 s2  }
0x11c: {  	s17 =	simm.s32 $0xA80;
	s18 =	simm.s32 $0x1E80;
	[tilespmem:$0xC70] =	vst v8;
	s14 =	smov.u32 @p0 s0  }
0x11d: {  	[tilespmem:s18], [sflag:$0x1] =	stream.indirect.gather [hbm4b:s14+s4], $0x1, s17, s4, $0xb8;
	[tilespmem:$0x6100] =	vst v63  }
0x11e: {  	s17 =	simm.s32 $0xB00;
	s18 =	simm.s32 $0x1F00  }
0x11f: {  	[tilespmem:s18], [sflag:$0x1] =	stream.indirect.gather [hbm4b:s14+s4], $0x1, s17, s4, $0xb8;
	[tilespmem:$0x6100] =	vst v63  }
0x120: {  	s17 =	simm.s32 $0xB80;
	s18 =	simm.s32 $0x1F80  }
0x121: {  	[tilespmem:s18], [sflag:$0x1] =	stream.indirect.gather [hbm4b:s14+s4], $0x1, s17, s4, $0xb8;
	[tilespmem:$0x6100] =	vst v63  }
0x122: {  	s17 =	simm.s32 $0xC00;
	s18 =	simm.s32 $0x2000  }
0x123: {  	[tilespmem:s18], [sflag:$0x1] =	stream.indirect.gather [hbm4b:s14+s4], $0x1, s17, s4, $0xb8;
	[tilespmem:$0x6100] =	vst v63  }
0x124: {  	s14 =	sxor.u32 $0x80000000, s13  }
0x125: {  	s13 =	sadd.s32 $0x7FFFFC00, s13;
	p0 =	slt.s32 s14, $0x400;
	v8 =	vld [tilespmem:$0x80]  }
0x126: {  	v53 =	vld [tilespmem:$0x90];
	s13 =	smov.u32 @p0 s14  }
0x127: {  	v54 =	vld [tilespmem:$0xA0];
	s14 =	sshll.u32 s13, $0x3  }
0x128: {  	v55 =	vld [tilespmem:$0xB0];
	s13 =	sand.u32 $0x7F, s13;
	s14 =	sand.u32 $0xFFFFFC00, s14  }
0x129: {  	v56 =	vld [tilespmem:$0xC0];
	s13 =	sor.u32 s13, s14  }
0x12a: {  	v57 =	vld [tilespmem:$0xD0];
	v8 =	vadd.s32 s13, v8  }
0x12b: {  	v58 =	vld [tilespmem:$0xE0];
	[tilespmem:$0xC80] =	vst v8;
	v8 =	vadd.s32 s13, v53  }
0x12c: {  	v59 =	vld [tilespmem:$0xF0];
	[tilespmem:$0xC90] =	vst v8;
	v8 =	vadd.s32 s13, v54  }
0x12d: {  	v60 =	vld [tilespmem:$0x100];
	[tilespmem:$0xCA0] =	vst v8;
	v8 =	vadd.s32 s13, v55  }
0x12e: {  	v61 =	vld [tilespmem:$0x110];
	[tilespmem:$0xCB0] =	vst v8;
	v8 =	vadd.s32 s13, v56  }
0x12f: {  	v62 =	vld [tilespmem:$0x120];
	[tilespmem:$0xCC0] =	vst v8;
	v8 =	vadd.s32 s13, v57  }
0x130: {  	v63 =	vld [tilespmem:$0x130];
	[tilespmem:$0xCD0] =	vst v8;
	v8 =	vadd.s32 s13, v58  }
0x131: {  	v16 =	vld [tilespmem:$0x140];
	[tilespmem:$0xCE0] =	vst v8;
	v8 =	vadd.s32 s13, v59  }
0x132: {  	v17 =	vld [tilespmem:$0x150];
	[tilespmem:$0xCF0] =	vst v8;
	v8 =	vadd.s32 s13, v60  }
0x133: {  	v18 =	vld [tilespmem:$0x160];
	[tilespmem:$0xD00] =	vst v8;
	v8 =	vadd.s32 s13, v61  }
0x134: {  	v19 =	vld [tilespmem:$0x170];
	[tilespmem:$0xD10] =	vst v8;
	v8 =	vadd.s32 s13, v62  }
0x135: {  	v20 =	vld [tilespmem:$0x180];
	[tilespmem:$0xD20] =	vst v8;
	v8 =	vadd.s32 s13, v63  }
0x136: {  	v21 =	vld [tilespmem:$0x190];
	[tilespmem:$0xD30] =	vst v8;
	v8 =	vadd.s32 s13, v16  }
0x137: {  	v22 =	vld [tilespmem:$0x1A0];
	[tilespmem:$0xD40] =	vst v8;
	v8 =	vadd.s32 s13, v17  }
0x138: {  	v23 =	vld [tilespmem:$0x1B0];
	[tilespmem:$0xD50] =	vst v8;
	v8 =	vadd.s32 s13, v18  }
0x139: {  	v24 =	vld [tilespmem:$0x1C0];
	[tilespmem:$0xD60] =	vst v8;
	v8 =	vadd.s32 s13, v19  }
0x13a: {  	v25 =	vld [tilespmem:$0x1D0];
	[tilespmem:$0xD70] =	vst v8;
	v8 =	vadd.s32 s13, v20  }
0x13b: {  	v26 =	vld [tilespmem:$0x1E0];
	[tilespmem:$0xD80] =	vst v8;
	v8 =	vadd.s32 s13, v21  }
0x13c: {  	v27 =	vld [tilespmem:$0x1F0];
	[tilespmem:$0xD90] =	vst v8;
	v8 =	vadd.s32 s13, v22  }
0x13d: {  	v28 =	vld [tilespmem:$0x200];
	[tilespmem:$0xDA0] =	vst v8;
	v8 =	vadd.s32 s13, v23  }
0x13e: {  	v29 =	vld [tilespmem:$0x210];
	[tilespmem:$0xDB0] =	vst v8;
	v8 =	vadd.s32 s13, v24  }
0x13f: {  	v30 =	vld [tilespmem:$0x220];
	[tilespmem:$0xDC0] =	vst v8;
	v8 =	vadd.s32 s13, v25  }
0x140: {  	v31 =	vld [tilespmem:$0x230];
	[tilespmem:$0xDD0] =	vst v8;
	v8 =	vadd.s32 s13, v26  }
0x141: {  	v32 =	vld [tilespmem:$0x240];
	[tilespmem:$0xDE0] =	vst v8;
	v8 =	vadd.s32 s13, v27  }
0x142: {  	v33 =	vld [tilespmem:$0x250];
	[tilespmem:$0xDF0] =	vst v8;
	v8 =	vadd.s32 s13, v28  }
0x143: {  	v34 =	vld [tilespmem:$0x260];
	[tilespmem:$0xE00] =	vst v8;
	v8 =	vadd.s32 s13, v29  }
0x144: {  	v35 =	vld [tilespmem:$0x270];
	[tilespmem:$0xE10] =	vst v8;
	v8 =	vadd.s32 s13, v30  }
0x145: {  	[tilespmem:$0xE20] =	vst v8;
	v8 =	vadd.s32 s13, v31  }
0x146: {  	[tilespmem:$0xE30] =	vst v8;
	v8 =	vadd.s32 s13, v32  }
0x147: {  	[tilespmem:$0xE40] =	vst v8;
	v8 =	vadd.s32 s13, v33  }
0x148: {  	[tilespmem:$0xE50] =	vst v8;
	v8 =	vadd.s32 s13, v34  }
0x149: {  	[tilespmem:$0xE60] =	vst v8;
	v8 =	vadd.s32 s13, v35;
	s13 =	smov.u32 s2  }
0x14a: {  	s16 =	simm.s32 $0x2080;
	s15 =	simm.s32 $0xC80;
	[tilespmem:$0xE70] =	vst v8;
	s13 =	smov.u32 @p0 s0  }
0x14b: {  	[tilespmem:s16], [sflag:$0x1] =	stream.indirect.gather [hbm4b:s13+s4], $0x1, s15, s4, $0xb8;
	[tilespmem:$0x6100] =	vst v63  }
0x14c: {  	s17 =	simm.s32 $0xD00;
	s18 =	simm.s32 $0x2100  }
0x14d: {  	[tilespmem:s18], [sflag:$0x1] =	stream.indirect.gather [hbm4b:s13+s4], $0x1, s17, s4, $0xb8;
	[tilespmem:$0x6100] =	vst v63  }
0x14e: {  	s15 =	simm.s32 $0xD80;
	s16 =	simm.s32 $0x2180  }
0x14f: {  	[tilespmem:s16], [sflag:$0x1] =	stream.indirect.gather [hbm4b:s13+s4], $0x1, s15, s4, $0xb8;
	[tilespmem:$0x6100] =	vst v63  }
0x150: {  	s17 =	simm.s32 $0xE00;
	s18 =	simm.s32 $0x2200  }
0x151: {  	[tilespmem:s18], [sflag:$0x1] =	stream.indirect.gather [hbm4b:s13+s4], $0x1, s17, s4, $0xb8;
	[tilespmem:$0x6100] =	vst v63  }
0x152: {  	s13 =	sxor.u32 $0x80000000, s12  }
0x153: {  	s12 =	sadd.s32 $0x7FFFFC00, s12;
	p0 =	slt.s32 s13, $0x400;
	v8 =	vld [tilespmem:$0x80]  }
0x154: {  	v36 =	vld [tilespmem:$0x90];
	s12 =	smov.u32 @p0 s13  }
0x155: {  	v37 =	vld [tilespmem:$0xA0];
	s13 =	sshll.u32 s12, $0x3  }
0x156: {  	v38 =	vld [tilespmem:$0xB0];
	s12 =	sand.u32 $0x7F, s12;
	s13 =	sand.u32 $0xFFFFFC00, s13  }
0x157: {  	v39 =	vld [tilespmem:$0xC0];
	s12 =	sor.u32 s12, s13  }
0x158: {  	v40 =	vld [tilespmem:$0xD0];
	v8 =	vadd.s32 s12, v8  }
0x159: {  	v41 =	vld [tilespmem:$0xE0];
	[tilespmem:$0xE80] =	vst v8;
	v8 =	vadd.s32 s12, v36  }
0x15a: {  	v42 =	vld [tilespmem:$0xF0];
	[tilespmem:$0xE90] =	vst v8;
	v8 =	vadd.s32 s12, v37  }
0x15b: {  	v43 =	vld [tilespmem:$0x100];
	[tilespmem:$0xEA0] =	vst v8;
	v8 =	vadd.s32 s12, v38  }
0x15c: {  	v44 =	vld [tilespmem:$0x110];
	[tilespmem:$0xEB0] =	vst v8;
	v8 =	vadd.s32 s12, v39  }
0x15d: {  	v45 =	vld [tilespmem:$0x120];
	[tilespmem:$0xEC0] =	vst v8;
	v8 =	vadd.s32 s12, v40  }
0x15e: {  	v46 =	vld [tilespmem:$0x130];
	[tilespmem:$0xED0] =	vst v8;
	v8 =	vadd.s32 s12, v41  }
0x15f: {  	v47 =	vld [tilespmem:$0x140];
	[tilespmem:$0xEE0] =	vst v8;
	v8 =	vadd.s32 s12, v42  }
0x160: {  	v48 =	vld [tilespmem:$0x150];
	[tilespmem:$0xEF0] =	vst v8;
	v8 =	vadd.s32 s12, v43  }
0x161: {  	v49 =	vld [tilespmem:$0x160];
	[tilespmem:$0xF00] =	vst v8;
	v8 =	vadd.s32 s12, v44  }
0x162: {  	v50 =	vld [tilespmem:$0x170];
	[tilespmem:$0xF10] =	vst v8;
	v8 =	vadd.s32 s12, v45  }
0x163: {  	v51 =	vld [tilespmem:$0x180];
	[tilespmem:$0xF20] =	vst v8;
	v8 =	vadd.s32 s12, v46  }
0x164: {  	v52 =	vld [tilespmem:$0x190];
	[tilespmem:$0xF30] =	vst v8;
	v8 =	vadd.s32 s12, v47  }
0x165: {  	v53 =	vld [tilespmem:$0x1A0];
	[tilespmem:$0xF40] =	vst v8;
	v8 =	vadd.s32 s12, v48  }
0x166: {  	v54 =	vld [tilespmem:$0x1B0];
	[tilespmem:$0xF50] =	vst v8;
	v8 =	vadd.s32 s12, v49  }
0x167: {  	v55 =	vld [tilespmem:$0x1C0];
	[tilespmem:$0xF60] =	vst v8;
	v8 =	vadd.s32 s12, v50  }
0x168: {  	v56 =	vld [tilespmem:$0x1D0];
	[tilespmem:$0xF70] =	vst v8;
	v8 =	vadd.s32 s12, v51  }
0x169: {  	v57 =	vld [tilespmem:$0x1E0];
	[tilespmem:$0xF80] =	vst v8;
	v8 =	vadd.s32 s12, v52  }
0x16a: {  	v58 =	vld [tilespmem:$0x1F0];
	[tilespmem:$0xF90] =	vst v8;
	v8 =	vadd.s32 s12, v53  }
0x16b: {  	v59 =	vld [tilespmem:$0x200];
	[tilespmem:$0xFA0] =	vst v8;
	v8 =	vadd.s32 s12, v54  }
0x16c: {  	v60 =	vld [tilespmem:$0x210];
	[tilespmem:$0xFB0] =	vst v8;
	v8 =	vadd.s32 s12, v55  }
0x16d: {  	v61 =	vld [tilespmem:$0x220];
	[tilespmem:$0xFC0] =	vst v8;
	v8 =	vadd.s32 s12, v56  }
0x16e: {  	v62 =	vld [tilespmem:$0x230];
	[tilespmem:$0xFD0] =	vst v8;
	v8 =	vadd.s32 s12, v57  }
0x16f: {  	v63 =	vld [tilespmem:$0x240];
	[tilespmem:$0xFE0] =	vst v8;
	v8 =	vadd.s32 s12, v58  }
0x170: {  	v16 =	vld [tilespmem:$0x250];
	[tilespmem:$0xFF0] =	vst v8;
	v8 =	vadd.s32 s12, v59  }
0x171: {  	v17 =	vld [tilespmem:$0x260];
	[tilespmem:$0x1000] =	vst v8;
	v8 =	vadd.s32 s12, v60  }
0x172: {  	v18 =	vld [tilespmem:$0x270];
	[tilespmem:$0x1010] =	vst v8;
	v8 =	vadd.s32 s12, v61  }
0x173: {  	[tilespmem:$0x1020] =	vst v8;
	v8 =	vadd.s32 s12, v62  }
0x174: {  	[tilespmem:$0x1030] =	vst v8;
	v8 =	vadd.s32 s12, v63  }
0x175: {  	[tilespmem:$0x1040] =	vst v8;
	v8 =	vadd.s32 s12, v16  }
0x176: {  	[tilespmem:$0x1050] =	vst v8;
	v8 =	vadd.s32 s12, v17  }
0x177: {  	[tilespmem:$0x1060] =	vst v8;
	v8 =	vadd.s32 s12, v18;
	s12 =	smov.u32 s2  }
0x178: {  	s15 =	simm.s32 $0xE80;
	s16 =	simm.s32 $0x2280;
	[tilespmem:$0x1070] =	vst v8;
	s12 =	smov.u32 @p0 s0  }
0x179: {  	[tilespmem:s16], [sflag:$0x1] =	stream.indirect.gather [hbm4b:s12+s4], $0x1, s15, s4, $0xb8;
	[tilespmem:$0x6100] =	vst v63  }
0x17a: {  	s17 =	simm.s32 $0xF00;
	s18 =	simm.s32 $0x2300  }
0x17b: {  	[tilespmem:s18], [sflag:$0x1] =	stream.indirect.gather [hbm4b:s12+s4], $0x1, s17, s4, $0xb8;
	[tilespmem:$0x6100] =	vst v63  }
0x17c: {  	s15 =	simm.s32 $0xF80;
	s16 =	simm.s32 $0x2380  }
0x17d: {  	[tilespmem:s16], [sflag:$0x1] =	stream.indirect.gather [hbm4b:s12+s4], $0x1, s15, s4, $0xb8;
	[tilespmem:$0x6100] =	vst v63  }
0x17e: {  	s17 =	simm.s32 $0x1000;
	s18 =	simm.s32 $0x2400  }
0x17f: {  	[tilespmem:s18], [sflag:$0x1] =	stream.indirect.gather [hbm4b:s12+s4], $0x1, s17, s4, $0xb8;
	[tilespmem:$0x6100] =	vst v63  }
0x180: {  	s12 =	sxor.u32 $0x80000000, s11  }
0x181: {  	s11 =	sadd.s32 $0x7FFFFC00, s11;
	p0 =	slt.s32 s12, $0x400;
	v8 =	vld [tilespmem:$0x80]  }
0x182: {  	v19 =	vld [tilespmem:$0x90];
	s11 =	smov.u32 @p0 s12  }
0x183: {  	v20 =	vld [tilespmem:$0xA0];
	s12 =	sshll.u32 s11, $0x3  }
0x184: {  	v21 =	vld [tilespmem:$0xB0];
	s11 =	sand.u32 $0x7F, s11;
	s12 =	sand.u32 $0xFFFFFC00, s12  }
0x185: {  	v22 =	vld [tilespmem:$0xC0];
	s11 =	sor.u32 s11, s12  }
0x186: {  	v23 =	vld [tilespmem:$0xD0];
	v8 =	vadd.s32 s11, v8  }
0x187: {  	v24 =	vld [tilespmem:$0xE0];
	[tilespmem:$0x1080] =	vst v8;
	v8 =	vadd.s32 s11, v19  }
0x188: {  	v25 =	vld [tilespmem:$0xF0];
	[tilespmem:$0x1090] =	vst v8;
	v8 =	vadd.s32 s11, v20  }
0x189: {  	v26 =	vld [tilespmem:$0x100];
	[tilespmem:$0x10A0] =	vst v8;
	v8 =	vadd.s32 s11, v21  }
0x18a: {  	v27 =	vld [tilespmem:$0x110];
	[tilespmem:$0x10B0] =	vst v8;
	v8 =	vadd.s32 s11, v22  }
0x18b: {  	v28 =	vld [tilespmem:$0x120];
	[tilespmem:$0x10C0] =	vst v8;
	v8 =	vadd.s32 s11, v23  }
0x18c: {  	v29 =	vld [tilespmem:$0x130];
	[tilespmem:$0x10D0] =	vst v8;
	v8 =	vadd.s32 s11, v24  }
0x18d: {  	v30 =	vld [tilespmem:$0x140];
	[tilespmem:$0x10E0] =	vst v8;
	v8 =	vadd.s32 s11, v25  }
0x18e: {  	v31 =	vld [tilespmem:$0x150];
	[tilespmem:$0x10F0] =	vst v8;
	v8 =	vadd.s32 s11, v26  }
0x18f: {  	v32 =	vld [tilespmem:$0x160];
	[tilespmem:$0x1100] =	vst v8;
	v8 =	vadd.s32 s11, v27  }
0x190: {  	v33 =	vld [tilespmem:$0x170];
	[tilespmem:$0x1110] =	vst v8;
	v8 =	vadd.s32 s11, v28  }
0x191: {  	v34 =	vld [tilespmem:$0x180];
	[tilespmem:$0x1120] =	vst v8;
	v8 =	vadd.s32 s11, v29  }
0x192: {  	v35 =	vld [tilespmem:$0x190];
	[tilespmem:$0x1130] =	vst v8;
	v8 =	vadd.s32 s11, v30  }
0x193: {  	v36 =	vld [tilespmem:$0x1A0];
	[tilespmem:$0x1140] =	vst v8;
	v8 =	vadd.s32 s11, v31  }
0x194: {  	v37 =	vld [tilespmem:$0x1B0];
	[tilespmem:$0x1150] =	vst v8;
	v8 =	vadd.s32 s11, v32  }
0x195: {  	v38 =	vld [tilespmem:$0x1C0];
	[tilespmem:$0x1160] =	vst v8;
	v8 =	vadd.s32 s11, v33  }
0x196: {  	v39 =	vld [tilespmem:$0x1D0];
	[tilespmem:$0x1170] =	vst v8;
	v8 =	vadd.s32 s11, v34  }
0x197: {  	v40 =	vld [tilespmem:$0x1E0];
	[tilespmem:$0x1180] =	vst v8;
	v8 =	vadd.s32 s11, v35  }
0x198: {  	v41 =	vld [tilespmem:$0x1F0];
	[tilespmem:$0x1190] =	vst v8;
	v8 =	vadd.s32 s11, v36  }
0x199: {  	v42 =	vld [tilespmem:$0x200];
	[tilespmem:$0x11A0] =	vst v8;
	v8 =	vadd.s32 s11, v37  }
0x19a: {  	v43 =	vld [tilespmem:$0x210];
	[tilespmem:$0x11B0] =	vst v8;
	v8 =	vadd.s32 s11, v38  }
0x19b: {  	v44 =	vld [tilespmem:$0x220];
	[tilespmem:$0x11C0] =	vst v8;
	v8 =	vadd.s32 s11, v39  }
0x19c: {  	v45 =	vld [tilespmem:$0x230];
	[tilespmem:$0x11D0] =	vst v8;
	v8 =	vadd.s32 s11, v40  }
0x19d: {  	v46 =	vld [tilespmem:$0x240];
	[tilespmem:$0x11E0] =	vst v8;
	v8 =	vadd.s32 s11, v41  }
0x19e: {  	v47 =	vld [tilespmem:$0x250];
	[tilespmem:$0x11F0] =	vst v8;
	v8 =	vadd.s32 s11, v42  }
0x19f: {  	v48 =	vld [tilespmem:$0x260];
	[tilespmem:$0x1200] =	vst v8;
	v8 =	vadd.s32 s11, v43  }
0x1a0: {  	v49 =	vld [tilespmem:$0x270];
	[tilespmem:$0x1210] =	vst v8;
	v8 =	vadd.s32 s11, v44  }
0x1a1: {  	[tilespmem:$0x1220] =	vst v8;
	v8 =	vadd.s32 s11, v45  }
0x1a2: {  	[tilespmem:$0x1230] =	vst v8;
	v8 =	vadd.s32 s11, v46  }
0x1a3: {  	[tilespmem:$0x1240] =	vst v8;
	v8 =	vadd.s32 s11, v47  }
0x1a4: {  	[tilespmem:$0x1250] =	vst v8;
	v8 =	vadd.s32 s11, v48  }
0x1a5: {  	[tilespmem:$0x1260] =	vst v8;
	v8 =	vadd.s32 s11, v49;
	s11 =	smov.u32 s2  }
0x1a6: {  	s15 =	simm.s32 $0x1080;
	s16 =	simm.s32 $0x2480;
	[tilespmem:$0x1270] =	vst v8;
	s11 =	smov.u32 @p0 s0  }
0x1a7: {  	[tilespmem:s16], [sflag:$0x1] =	stream.indirect.gather [hbm4b:s11+s4], $0x1, s15, s4, $0xb8;
	[tilespmem:$0x6100] =	vst v63  }
0x1a8: {  	s17 =	simm.s32 $0x1100;
	s18 =	simm.s32 $0x2500  }
0x1a9: {  	[tilespmem:s18], [sflag:$0x1] =	stream.indirect.gather [hbm4b:s11+s4], $0x1, s17, s4, $0xb8;
	[tilespmem:$0x6100] =	vst v63  }
0x1aa: {  	s14 =	simm.s32 $0x2580;
	s13 =	simm.s32 $0x1180  }
0x1ab: {  	[tilespmem:s14], [sflag:$0x1] =	stream.indirect.gather [hbm4b:s11+s4], $0x1, s13, s4, $0xb8;
	[tilespmem:$0x6100] =	vst v63  }
0x1ac: {  	s15 =	simm.s32 $0x1200;
	s16 =	simm.s32 $0x2600  }
0x1ad: {  	[tilespmem:s16], [sflag:$0x1] =	stream.indirect.gather [hbm4b:s11+s4], $0x1, s15, s4, $0xb8;
	[tilespmem:$0x6100] =	vst v63  }
0x1ae: {  	s11 =	sxor.u32 $0x80000000, s10  }
0x1af: {  	s10 =	sadd.s32 $0x7FFFFC00, s10;
	p0 =	slt.s32 s11, $0x400;
	v8 =	vld [tilespmem:$0x80]  }
0x1b0: {  	v50 =	vld [tilespmem:$0x90];
	s10 =	smov.u32 @p0 s11  }
0x1b1: {  	v51 =	vld [tilespmem:$0xA0];
	s11 =	sshll.u32 s10, $0x3  }
0x1b2: {  	v52 =	vld [tilespmem:$0xB0];
	s10 =	sand.u32 $0x7F, s10;
	s11 =	sand.u32 $0xFFFFFC00, s11  }
0x1b3: {  	v53 =	vld [tilespmem:$0xC0];
	s10 =	sor.u32 s10, s11  }
0x1b4: {  	v54 =	vld [tilespmem:$0xD0];
	v8 =	vadd.s32 s10, v8  }
0x1b5: {  	v55 =	vld [tilespmem:$0xE0];
	[tilespmem:$0x1280] =	vst v8;
	v8 =	vadd.s32 s10, v50  }
0x1b6: {  	v56 =	vld [tilespmem:$0xF0];
	[tilespmem:$0x1290] =	vst v8;
	v8 =	vadd.s32 s10, v51  }
0x1b7: {  	v57 =	vld [tilespmem:$0x100];
	[tilespmem:$0x12A0] =	vst v8;
	v8 =	vadd.s32 s10, v52  }
0x1b8: {  	v58 =	vld [tilespmem:$0x110];
	[tilespmem:$0x12B0] =	vst v8;
	v8 =	vadd.s32 s10, v53  }
0x1b9: {  	v59 =	vld [tilespmem:$0x120];
	[tilespmem:$0x12C0] =	vst v8;
	v8 =	vadd.s32 s10, v54  }
0x1ba: {  	v60 =	vld [tilespmem:$0x130];
	[tilespmem:$0x12D0] =	vst v8;
	v8 =	vadd.s32 s10, v55  }
0x1bb: {  	v61 =	vld [tilespmem:$0x140];
	[tilespmem:$0x12E0] =	vst v8;
	v8 =	vadd.s32 s10, v56  }
0x1bc: {  	v62 =	vld [tilespmem:$0x150];
	[tilespmem:$0x12F0] =	vst v8;
	v8 =	vadd.s32 s10, v57  }
0x1bd: {  	v63 =	vld [tilespmem:$0x160];
	[tilespmem:$0x1300] =	vst v8;
	v8 =	vadd.s32 s10, v58  }
0x1be: {  	v16 =	vld [tilespmem:$0x170];
	[tilespmem:$0x1310] =	vst v8;
	v8 =	vadd.s32 s10, v59  }
0x1bf: {  	v17 =	vld [tilespmem:$0x180];
	[tilespmem:$0x1320] =	vst v8;
	v8 =	vadd.s32 s10, v60  }
0x1c0: {  	v18 =	vld [tilespmem:$0x190];
	[tilespmem:$0x1330] =	vst v8;
	v8 =	vadd.s32 s10, v61  }
0x1c1: {  	v19 =	vld [tilespmem:$0x1A0];
	[tilespmem:$0x1340] =	vst v8;
	v8 =	vadd.s32 s10, v62  }
0x1c2: {  	v20 =	vld [tilespmem:$0x1B0];
	[tilespmem:$0x1350] =	vst v8;
	v8 =	vadd.s32 s10, v63  }
0x1c3: {  	v21 =	vld [tilespmem:$0x1C0];
	[tilespmem:$0x1360] =	vst v8;
	v8 =	vadd.s32 s10, v16  }
0x1c4: {  	v22 =	vld [tilespmem:$0x1D0];
	[tilespmem:$0x1370] =	vst v8;
	v8 =	vadd.s32 s10, v17  }
0x1c5: {  	v23 =	vld [tilespmem:$0x1E0];
	[tilespmem:$0x1380] =	vst v8;
	v8 =	vadd.s32 s10, v18  }
0x1c6: {  	v24 =	vld [tilespmem:$0x1F0];
	[tilespmem:$0x1390] =	vst v8;
	v8 =	vadd.s32 s10, v19  }
0x1c7: {  	v25 =	vld [tilespmem:$0x200];
	[tilespmem:$0x13A0] =	vst v8;
	v8 =	vadd.s32 s10, v20  }
0x1c8: {  	v26 =	vld [tilespmem:$0x210];
	[tilespmem:$0x13B0] =	vst v8;
	v8 =	vadd.s32 s10, v21  }
0x1c9: {  	v27 =	vld [tilespmem:$0x220];
	[tilespmem:$0x13C0] =	vst v8;
	v8 =	vadd.s32 s10, v22  }
0x1ca: {  	v28 =	vld [tilespmem:$0x230];
	[tilespmem:$0x13D0] =	vst v8;
	v8 =	vadd.s32 s10, v23  }
0x1cb: {  	v29 =	vld [tilespmem:$0x240];
	[tilespmem:$0x13E0] =	vst v8;
	v8 =	vadd.s32 s10, v24  }
0x1cc: {  	v30 =	vld [tilespmem:$0x250];
	[tilespmem:$0x13F0] =	vst v8;
	v8 =	vadd.s32 s10, v25  }
0x1cd: {  	v31 =	vld [tilespmem:$0x260];
	[tilespmem:$0x1400] =	vst v8;
	v8 =	vadd.s32 s10, v26  }
0x1ce: {  	v32 =	vld [tilespmem:$0x270];
	[tilespmem:$0x1410] =	vst v8;
	v8 =	vadd.s32 s10, v27  }
0x1cf: {  	[tilespmem:$0x1420] =	vst v8;
	v8 =	vadd.s32 s10, v28  }
0x1d0: {  	[tilespmem:$0x1430] =	vst v8;
	v8 =	vadd.s32 s10, v29  }
0x1d1: {  	[tilespmem:$0x1440] =	vst v8;
	v8 =	vadd.s32 s10, v30  }
0x1d2: {  	[tilespmem:$0x1450] =	vst v8;
	v8 =	vadd.s32 s10, v31  }
0x1d3: {  	[tilespmem:$0x1460] =	vst v8;
	v8 =	vadd.s32 s10, v32;
	s10 =	smov.u32 s2  }
0x1d4: {  	s17 =	simm.s32 $0x1280;
	s18 =	simm.s32 $0x2680;
	[tilespmem:$0x1470] =	vst v8;
	s10 =	smov.u32 @p0 s0  }
0x1d5: {  	[tilespmem:s18], [sflag:$0x1] =	stream.indirect.gather [hbm4b:s10+s4], $0x1, s17, s4, $0xb8;
	[tilespmem:$0x6100] =	vst v63  }
0x1d6: {  	s13 =	simm.s32 $0x1300;
	s14 =	simm.s32 $0x2700  }
0x1d7: {  	[tilespmem:s14], [sflag:$0x1] =	stream.indirect.gather [hbm4b:s10+s4], $0x1, s13, s4, $0xb8;
	[tilespmem:$0x6100] =	vst v63  }
0x1d8: {  	s15 =	simm.s32 $0x1380;
	s16 =	simm.s32 $0x2780  }
0x1d9: {  	[tilespmem:s16], [sflag:$0x1] =	stream.indirect.gather [hbm4b:s10+s4], $0x1, s15, s4, $0xb8;
	[tilespmem:$0x6100] =	vst v63  }
0x1da: {  	s17 =	simm.s32 $0x1400;
	s18 =	simm.s32 $0x2800  }
0x1db: {  	[tilespmem:s18], [sflag:$0x1] =	stream.indirect.gather [hbm4b:s10+s4], $0x1, s17, s4, $0xb8;
	[tilespmem:$0x6100] =	vst v63  }
0x1dc: {  	s10 =	sxor.u32 $0x80000000, s8  }
0x1dd: {  	s8 =	sadd.s32 $0x7FFFFC00, s8;
	p0 =	slt.s32 s10, $0x400;
	v8 =	vld [tilespmem:$0x80]  }
0x1de: {  	v33 =	vld [tilespmem:$0x90];
	s8 =	smov.u32 @p0 s10  }
0x1df: {  	v34 =	vld [tilespmem:$0xA0];
	s10 =	sshll.u32 s8, $0x3  }
0x1e0: {  	v35 =	vld [tilespmem:$0xB0];
	s8 =	sand.u32 $0x7F, s8;
	s10 =	sand.u32 $0xFFFFFC00, s10  }
0x1e1: {  	v36 =	vld [tilespmem:$0xC0];
	s8 =	sor.u32 s8, s10  }
0x1e2: {  	v37 =	vld [tilespmem:$0xD0];
	v8 =	vadd.s32 s8, v8  }
0x1e3: {  	v38 =	vld [tilespmem:$0xE0];
	[tilespmem:$0x1480] =	vst v8;
	v8 =	vadd.s32 s8, v33  }
0x1e4: {  	v39 =	vld [tilespmem:$0xF0];
	[tilespmem:$0x1490] =	vst v8;
	v8 =	vadd.s32 s8, v34  }
0x1e5: {  	v40 =	vld [tilespmem:$0x100];
	[tilespmem:$0x14A0] =	vst v8;
	v8 =	vadd.s32 s8, v35  }
0x1e6: {  	v41 =	vld [tilespmem:$0x110];
	[tilespmem:$0x14B0] =	vst v8;
	v8 =	vadd.s32 s8, v36  }
0x1e7: {  	v42 =	vld [tilespmem:$0x120];
	[tilespmem:$0x14C0] =	vst v8;
	v8 =	vadd.s32 s8, v37  }
0x1e8: {  	v43 =	vld [tilespmem:$0x130];
	[tilespmem:$0x14D0] =	vst v8;
	v8 =	vadd.s32 s8, v38  }
0x1e9: {  	v44 =	vld [tilespmem:$0x140];
	[tilespmem:$0x14E0] =	vst v8;
	v8 =	vadd.s32 s8, v39  }
0x1ea: {  	v45 =	vld [tilespmem:$0x150];
	[tilespmem:$0x14F0] =	vst v8;
	v8 =	vadd.s32 s8, v40  }
0x1eb: {  	v46 =	vld [tilespmem:$0x160];
	[tilespmem:$0x1500] =	vst v8;
	v8 =	vadd.s32 s8, v41  }
0x1ec: {  	v47 =	vld [tilespmem:$0x170];
	[tilespmem:$0x1510] =	vst v8;
	v8 =	vadd.s32 s8, v42  }
0x1ed: {  	v48 =	vld [tilespmem:$0x180];
	[tilespmem:$0x1520] =	vst v8;
	v8 =	vadd.s32 s8, v43  }
0x1ee: {  	v49 =	vld [tilespmem:$0x190];
	[tilespmem:$0x1530] =	vst v8;
	v8 =	vadd.s32 s8, v44  }
0x1ef: {  	v50 =	vld [tilespmem:$0x1A0];
	[tilespmem:$0x1540] =	vst v8;
	v8 =	vadd.s32 s8, v45  }
0x1f0: {  	v51 =	vld [tilespmem:$0x1B0];
	[tilespmem:$0x1550] =	vst v8;
	v8 =	vadd.s32 s8, v46  }
0x1f1: {  	v52 =	vld [tilespmem:$0x1C0];
	[tilespmem:$0x1560] =	vst v8;
	v8 =	vadd.s32 s8, v47  }
0x1f2: {  	v53 =	vld [tilespmem:$0x1D0];
	[tilespmem:$0x1570] =	vst v8;
	v8 =	vadd.s32 s8, v48  }
0x1f3: {  	v54 =	vld [tilespmem:$0x1E0];
	[tilespmem:$0x1580] =	vst v8;
	v8 =	vadd.s32 s8, v49  }
0x1f4: {  	v55 =	vld [tilespmem:$0x1F0];
	[tilespmem:$0x1590] =	vst v8;
	v8 =	vadd.s32 s8, v50  }
0x1f5: {  	v56 =	vld [tilespmem:$0x200];
	[tilespmem:$0x15A0] =	vst v8;
	v8 =	vadd.s32 s8, v51  }
0x1f6: {  	v57 =	vld [tilespmem:$0x210];
	[tilespmem:$0x15B0] =	vst v8;
	v8 =	vadd.s32 s8, v52  }
0x1f7: {  	v58 =	vld [tilespmem:$0x220];
	[tilespmem:$0x15C0] =	vst v8;
	v8 =	vadd.s32 s8, v53  }
0x1f8: {  	v59 =	vld [tilespmem:$0x230];
	[tilespmem:$0x15D0] =	vst v8;
	v8 =	vadd.s32 s8, v54  }
0x1f9: {  	v60 =	vld [tilespmem:$0x240];
	[tilespmem:$0x15E0] =	vst v8;
	v8 =	vadd.s32 s8, v55  }
0x1fa: {  	v61 =	vld [tilespmem:$0x250];
	[tilespmem:$0x15F0] =	vst v8;
	v8 =	vadd.s32 s8, v56  }
0x1fb: {  	v62 =	vld [tilespmem:$0x260];
	[tilespmem:$0x1600] =	vst v8;
	v8 =	vadd.s32 s8, v57  }
0x1fc: {  	v63 =	vld [tilespmem:$0x270];
	[tilespmem:$0x1610] =	vst v8;
	v8 =	vadd.s32 s8, v58  }
0x1fd: {  	[tilespmem:$0x1620] =	vst v8;
	v8 =	vadd.s32 s8, v59  }
0x1fe: {  	[tilespmem:$0x1630] =	vst v8;
	v8 =	vadd.s32 s8, v60  }
0x1ff: {  	[tilespmem:$0x1640] =	vst v8;
	v8 =	vadd.s32 s8, v61  }
0x200: {  	[tilespmem:$0x1650] =	vst v8;
	v8 =	vadd.s32 s8, v62  }
0x201: {  	[tilespmem:$0x1660] =	vst v8;
	v8 =	vadd.s32 s8, v63;
	s8 =	smov.u32 s2  }
0x202: {  	s12 =	simm.s32 $0x2880;
	s11 =	simm.s32 $0x1480;
	[tilespmem:$0x1670] =	vst v8;
	s8 =	smov.u32 @p0 s0  }
0x203: {  	[tilespmem:s12], [sflag:$0x1] =	stream.indirect.gather [hbm4b:s8+s4], $0x1, s11, s4, $0xb8;
	[tilespmem:$0x6100] =	vst v63  }
0x204: {  	s13 =	simm.s32 $0x1500;
	s14 =	simm.s32 $0x2900  }
0x205: {  	[tilespmem:s14], [sflag:$0x1] =	stream.indirect.gather [hbm4b:s8+s4], $0x1, s13, s4, $0xb8;
	[tilespmem:$0x6100] =	vst v63  }
0x206: {  	s15 =	simm.s32 $0x1580;
	s16 =	simm.s32 $0x2980  }
0x207: {  	[tilespmem:s16], [sflag:$0x1] =	stream.indirect.gather [hbm4b:s8+s4], $0x1, s15, s4, $0xb8;
	[tilespmem:$0x6100] =	vst v63  }
0x208: {  	s17 =	simm.s32 $0x1600;
	s18 =	simm.s32 $0x2A00  }
0x209: {  	[tilespmem:s18], [sflag:$0x1] =	stream.indirect.gather [hbm4b:s8+s4], $0x1, s17, s4, $0xb8;
	[tilespmem:$0x6100] =	vst v63  }
0x20a: {  	s10 =	simm.s32 $0x200;
	s8 =	simm.s32 $0x0  }
.LBB2_4:
0x20b: {  	p0 =	sne.s32 s10, $0x7E00;
	[tilespmem:s8+$0x30F0] =	vst v4  }
0x20c: {  	[tilespmem:s8+$0x3080] =	vst v4  }
0x20d: {  	[tilespmem:s8+$0x3090] =	vst v4  }
.Ltmp1:
0x20e: {  	[tilespmem:s8+$0x30A0] =	vst v4;
	(pc) =	sbr.rel @p0 .LBB2_4-.Ltmp1, $4  }
0x20f: {  	[tilespmem:s8+$0x30B0] =	vst v4  }
0x210: {  	[tilespmem:s8+$0x30C0] =	vst v4  }
0x211: {  	[tilespmem:s8+$0x30D0] =	vst v4  }
0x212: {  	[tilespmem:s8+$0x30E0] =	vst v4;
	s8 =	sshra.s32 s10, $0x2;
	s10 =	sadd.s32 $0x200, s10  }
0x213: {  	[tilespmem:s8+$0x30F0] =	vst v4  }
0x214: {  	[tilespmem:s8+$0x3080] =	vst v4  }
0x215: {  	[tilespmem:s8+$0x3090] =	vst v4  }
0x216: {  	[tilespmem:s8+$0x30A0] =	vst v4  }
0x217: {  	[tilespmem:s8+$0x30B0] =	vst v4  }
0x218: {  	[tilespmem:s8+$0x30C0] =	vst v4  }
0x219: {  	[tilespmem:s8+$0x30D0] =	vst v4  }
0x21a: {  	[tilespmem:s8+$0x30E0] =	vst v4  }
0x21b: {  	_ =	swait.ge [sflag:s1], $0x1400  }
0x21c: {  	[sflag:s1] =	ssyncset.done $0x0  }
0x21d: {  	[sflag:s1] =	ssyncadd.s32 $0xFFFFEC00  }
0x21e: {  	_ =	swait.ge [sflag:s3], $0x200  }
0x21f: {  	[sflag:s3] =	ssyncset.done $0x0  }
0x220: {  	[sflag:s3] =	ssyncadd.s32 $0xFFFFFE00  }
0x221: {  	_ =	swait.ge [sflag:s3], $0x200  }
0x222: {  	[sflag:s3] =	ssyncset.done $0x0  }
0x223: {  	s10 =	simm.s32 $0x0;
	s8 =	simm.s32 $0x1680;
	[sflag:s3] =	ssyncadd.s32 $0xFFFFFE00  }
0x224: {  	s10 =	sand.u32 $0x1F0, s10;
	v8 =	vld [tilespmem:s8+$0x0]  }
0x225: {  	v9 =	vld [tilespmem:s10+$0x1880]  }
0x226: {  	v10 =	vld [tilespmem:s10+$0x1A80]  }
0x227: {  	v11 =	vld [tilespmem:s10+$0x1C80]  }
0x228: {  	v12 =	vld [tilespmem:s10+$0x1E80]  }
0x229: {  	v13 =	vld [tilespmem:s10+$0x2080]  }
0x22a: {  	v14 =	vld [tilespmem:s10+$0x2280];
	v9 =	vshll.u32 v9, $0x1  }
0x22b: {  	v8 =	vadd.s32 v8, v9;
	v9 =	vshll.u32 v10, $0x2;
	v10 =	vld [tilespmem:s10+$0x2480]  }
0x22c: {  	v8 =	vadd.s32 v9, v8;
	v9 =	vshll.u32 v11, $0x3;
	v11 =	vld [tilespmem:s10+$0x2680]  }
0x22d: {  	v60 =	vld [tilespmem:s10+$0x2880];
	v8 =	vadd.s32 v9, v8;
	v9 =	vshll.u32 v12, $0x4  }
0x22e: {  	v8 =	vadd.s32 v9, v8;
	v9 =	vshll.u32 v13, $0x5  }
0x22f: {  	v8 =	vadd.s32 v9, v8;
	v9 =	vshll.u32 v14, $0x6  }
0x230: {  	v8 =	vadd.s32 v9, v8;
	v9 =	vshll.u32 v10, $0x7  }
0x231: {  	v9 =	vadd.s32 v9, v8;
	v10 =	vshll.u32 v11, $0x8  }
0x232: {  	v9 =	vadd.s32 v10, v9;
	v10 =	vshll.u32 v60, $0x9  }
0x233: {  	s10 =	simm.s32 $0x2E80;
	v9 =	vadd.s32 v10, v9  }
0x234: {  	s11 =	simm.s32 $0x2A80;
	[tilespmem:s10+$0x0] =	vst v9  }
0x235: {  	s12 =	simm.s32 $0x2C80;
	v61 =	vperm.xlane v9, v6;
	v10 =	vld [tilespmem:s11+$0x0]  }
0x236: {  	v11 =	vld [tilespmem:s12+$0x0]  }
0x237: {  	v62 =	vadd.s32 v7, v9;
	vm11 =	vne.s32 v9, v61  }
0x238: {  	v8 =	vand.u32 $0x7F, v8;
	v9 =	vand.u32 $0xFFFFFF80, v62;
	vm11 =	vmor vm11, vm10  }
0x239: {  	s18 =	sadd.s32 $0x0, s6;
	v8 =	vor.u32 v8, v9  }
0x23a: {  	v63 =	vmov s18  }
0x23b: {  	v12 =	vshll.u32 v63, $0x1;
	vm12 =	vlt.s32 v10, v11  }
0x23c: {  	s13 =	simm.s32 $0x2C90;
	s12 =	simm.s32 $0x10;
	v9 =	vor.u32 v5, v12;
	v10 =	vsel vm12, $0x1, v3  }
.LBB2_6:
0x23d: {  	v9 =	vor.u32 v10, v9;
	s8 =	sadd.s32 $0x10, s8;
	s10 =	sadd.s32 $0x10, s10;
	s11 =	sadd.s32 $0x10, s11  }
0x23e: {  	p0 =	sne.s32 s12, $0x1F0;
	s14 =	smov.u32 s12;
	s12 =	sadd.s32 $0x10, s12;
	[tilespmem:v8+s31+$0x0] =	vst.idx.msk vm11, v9  }
0x23f: {  	s15 =	sand.u32 $0x1F0, s14;
	v8 =	vld [tilespmem:s8+$0x0]  }
0x240: {  	v9 =	vld [tilespmem:s15+$0x1880]  }
0x241: {  	v10 =	vld [tilespmem:s15+$0x1A80]  }
0x242: {  	v11 =	vld [tilespmem:s15+$0x1C80]  }
0x243: {  	v12 =	vld [tilespmem:s15+$0x1E80]  }
0x244: {  	v13 =	vld [tilespmem:s15+$0x2080]  }
0x245: {  	v9 =	vshll.u32 v9, $0x1;
	v14 =	vld [tilespmem:s15+$0x2280]  }
0x246: {  	v8 =	vadd.s32 v8, v9;
	v9 =	vshll.u32 v10, $0x2;
	v10 =	vld [tilespmem:s15+$0x2480]  }
0x247: {  	v8 =	vadd.s32 v9, v8;
	v9 =	vshll.u32 v11, $0x3;
	v11 =	vld [tilespmem:s15+$0x2680]  }
0x248: {  	v8 =	vadd.s32 v9, v8;
	v9 =	vshll.u32 v12, $0x4;
	v12 =	vld [tilespmem:s15+$0x2880]  }
0x249: {  	v8 =	vadd.s32 v9, v8;
	v9 =	vshll.u32 v13, $0x5  }
0x24a: {  	v8 =	vadd.s32 v9, v8;
	v9 =	vshll.u32 v14, $0x6  }
0x24b: {  	v8 =	vadd.s32 v9, v8;
	v9 =	vshll.u32 v10, $0x7  }
0x24c: {  	v9 =	vadd.s32 v9, v8;
	v10 =	vshll.u32 v11, $0x8  }
0x24d: {  	v9 =	vadd.s32 v10, v9;
	v10 =	vshll.u32 v12, $0x9  }
0x24e: {  	v9 =	vadd.s32 v10, v9  }
0x24f: {  	[tilespmem:s10+$0x0] =	vst v9;
	v10 =	vperm.xlane v9, v6;
	v11 =	vadd.s32 v7, v9  }
0x250: {  	v12 =	vld [tilespmem:s11+$0x0];
	v11 =	vand.u32 $0xFFFFFF80, v11  }
0x251: {  	v13 =	vld [tilespmem:s13+$0x0];
	vm11 =	vne.s32 v9, v10  }
0x252: {  	v8 =	vand.u32 $0x7F, v8;
	vm11 =	vmor vm11, vm10  }
.Ltmp2:
0x253: {  	s14 =	sadd.s32 s14, s6;
	v8 =	vor.u32 v8, v11;
	(pc) =	sbr.rel @p0 .LBB2_6-.Ltmp2, $4  }
0x254: {  	v9 =	vmov s14  }
0x255: {  	v9 =	vshll.u32 v9, $0x1  }
0x256: {  	v9 =	vor.u32 v5, v9;
	vm12 =	vlt.s32 v12, v13  }
0x257: {  	s13 =	sadd.s32 $0x10, s13;
	v10 =	vsel vm12, $0x1, v3  }
0x258: {  	_ =	sdelay $0x3  }
0x259: {  	v9 =	vor.u32 v10, v9  }
0x25a: {  	s8 =	simm.s32 $0x0;
	s10 =	rddreg [dreg:$0xa];
	s11 =	simm.s32 $0x2E80;
	[tilespmem:v8+s31+$0x0] =	vst.idx.msk vm11, v9  }
0x25b: {  	[hbm4b:s10+s8] =	stream.linear.scatter [tilespmem:s11], [sflag:$0x1], $0x200, $0x38;
	[tilespmem:$0x6100] =	vst v63  }
0x25c: {  	s8 =	sand.u32 $0x3F0, s8  }
0x25d: {  	s17 =	simm.s32 $0x3080;
	v8 =	vld [tilespmem:s8+$0x3480]  }
0x25e: {  	v9 =	vld [tilespmem:s17+$0x0];
	_ =	sdelay $0x1  }
0x25f: {  	v10 =	vld [tilespmem:s8+$0x3880];
	_ =	sdelay $0x1  }
0x260: {  	v11 =	vld [tilespmem:s8+$0x3C80]  }
0x261: {  	vm11 =	vgt.s32 v9, v8  }
0x262: {  	v8 =	vsel vm11, v9, v8;
	v9 =	vld [tilespmem:s8+$0x4080]  }
0x263: {  	vm11 =	vgt.s32 v8, v10  }
0x264: {  	v8 =	vsel vm11, v8, v10;
	v10 =	vld [tilespmem:s8+$0x4480]  }
0x265: {  	vm11 =	vgt.s32 v8, v11  }
0x266: {  	v8 =	vsel vm11, v8, v11;
	v11 =	vld [tilespmem:s8+$0x4880]  }
0x267: {  	vm11 =	vgt.s32 v8, v9  }
0x268: {  	v8 =	vsel vm11, v8, v9;
	v9 =	vld [tilespmem:s8+$0x4C80]  }
0x269: {  	vm11 =	vgt.s32 v8, v10  }
0x26a: {  	v8 =	vsel vm11, v8, v10  }
0x26b: {  	vm11 =	vgt.s32 v8, v11  }
0x26c: {  	v8 =	vsel vm11, v8, v11  }
0x26d: {  	vm11 =	vgt.s32 v8, v9  }
0x26e: {  	s18 =	simm.s32 $0x10;
	s8 =	simm.s32 $0x5080;
	v8 =	vsel vm11, v8, v9  }
0x26f: {  	s10 =	sand.u32 $0x3F0, s18;
	[tilespmem:s8+$0x0] =	vst v8  }
0x270: {  	s12 =	simm.s32 $0x20;
	s11 =	simm.s32 $0x3090;
	v8 =	vld [tilespmem:s10+$0x3480]  }
.LBB2_8:
0x271: {  	p0 =	sne.s32 s12, $0x3F0;
	v9 =	vld [tilespmem:s11+$0x0];
	_ =	sdelay $0x1  }
0x272: {  	v10 =	vld [tilespmem:s10+$0x3880];
	_ =	sdelay $0x1  }
0x273: {  	v11 =	vld [tilespmem:s10+$0x3C80]  }
0x274: {  	vm11 =	vgt.s32 v9, v8  }
0x275: {  	v8 =	vsel vm11, v9, v8;
	v9 =	vld [tilespmem:s10+$0x4080]  }
0x276: {  	vm11 =	vgt.s32 v8, v10  }
0x277: {  	v8 =	vsel vm11, v8, v10;
	v10 =	vld [tilespmem:s10+$0x4480]  }
0x278: {  	vm11 =	vgt.s32 v8, v11  }
0x279: {  	v8 =	vsel vm11, v8, v11;
	v11 =	vld [tilespmem:s10+$0x4880]  }
0x27a: {  	vm11 =	vgt.s32 v8, v9  }
0x27b: {  	v8 =	vsel vm11, v8, v9;
	v9 =	vld [tilespmem:s10+$0x4C80]  }
0x27c: {  	vm11 =	vgt.s32 v8, v10  }
0x27d: {  	v8 =	vsel vm11, v8, v10  }
0x27e: {  	vm11 =	vgt.s32 v8, v11  }
.Ltmp3:
0x27f: {  	v8 =	vsel vm11, v8, v11;
	(pc) =	sbr.rel @p0 .LBB2_8-.Ltmp3, $4  }
0x280: {  	vm11 =	vgt.s32 v8, v9  }
0x281: {  	s8 =	sadd.s32 $0x10, s8;
	v8 =	vsel vm11, v8, v9  }
0x282: {  	s10 =	sand.u32 $0x3F0, s12;
	[tilespmem:s8+$0x0] =	vst v8  }
0x283: {  	s11 =	sadd.s32 $0x10, s11;
	s12 =	sadd.s32 $0x10, s12;
	v8 =	vld [tilespmem:s10+$0x3480]  }
0x284: {  	v9 =	vld [tilespmem:s11+$0x0];
	_ =	sdelay $0x1  }
0x285: {  	v10 =	vld [tilespmem:s10+$0x3880];
	_ =	sdelay $0x1  }
0x286: {  	v11 =	vld [tilespmem:s10+$0x3C80]  }
0x287: {  	vm11 =	vgt.s32 v9, v8  }
0x288: {  	v45 =	vld [tilespmem:s10+$0x4080];
	v8 =	vsel vm11, v9, v8  }
0x289: {  	vm11 =	vgt.s32 v8, v10  }
0x28a: {  	v46 =	vld [tilespmem:s10+$0x4480];
	v8 =	vsel vm11, v8, v10  }
0x28b: {  	vm11 =	vgt.s32 v8, v11  }
0x28c: {  	v47 =	vld [tilespmem:s10+$0x4880];
	v8 =	vsel vm11, v8, v11  }
0x28d: {  	vm11 =	vgt.s32 v8, v45  }
0x28e: {  	v12 =	vld [tilespmem:s10+$0x4C80];
	v8 =	vsel vm11, v8, v45  }
0x28f: {  	vm11 =	vgt.s32 v8, v46  }
0x290: {  	v8 =	vsel vm11, v8, v46  }
0x291: {  	vm11 =	vgt.s32 v8, v47  }
0x292: {  	v8 =	vsel vm11, v8, v47  }
0x293: {  	vm11 =	vgt.s32 v8, v12  }
0x294: {  	s8 =	sadd.s32 $0x10, s8;
	v8 =	vsel vm11, v8, v12  }
0x295: {  	s10 =	rddreg [dreg:$0xb];
	s11 =	simm.s32 $0x5080;
	[tilespmem:s8+$0x0] =	vst v8  }
0x296: {  	[spmem:s10] =	stream.linear.scatter [tilespmem:s11], [sflag:$0x3], $0x400, $0x38;
	[tilespmem:$0x6100] =	vst v63  }
0x297: {  	_ =	swait.ge [sflag:s30], $0x400  }
0x298: {  	[sflag:s30] =	ssyncset.done $0x0  }
0x299: {  	[sflag:s30] =	ssyncadd.s32 $0xFFFFFC00  }
0x29a: {  	s12 =	simm.s32 $0x5480;
	[bflag:$0x0] =	sbarrier.arrive $0xFFFF  }
0x29b: {  	[tilespmem:s12], [sflag:$0x2] =	stream.linear.gather [spmem:s9], $0x40, $0x38;
	[tilespmem:$0x6100] =	vst v63  }
0x29c: {  	s14 =	simm.s32 $0x5500;
	s13 =	rddreg [dreg:$0xc]  }
0x29d: {  	[tilespmem:s14], [sflag:$0x2] =	stream.linear.gather [spmem:s13], $0x40, $0x38;
	[tilespmem:$0x6100] =	vst v63  }
0x29e: {  	s16 =	simm.s32 $0x5580;
	s15 =	rddreg [dreg:$0xd]  }
0x29f: {  	[tilespmem:s16], [sflag:$0x2] =	stream.linear.gather [spmem:s15], $0x40, $0x38;
	[tilespmem:$0x6100] =	vst v63  }
0x2a0: {  	s18 =	simm.s32 $0x5600;
	s17 =	rddreg [dreg:$0xe]  }
0x2a1: {  	[tilespmem:s18], [sflag:$0x2] =	stream.linear.gather [spmem:s17], $0x40, $0x38;
	[tilespmem:$0x6100] =	vst v63  }
0x2a2: {  	s11 =	rddreg [dreg:$0xf];
	s12 =	simm.s32 $0x5680  }
0x2a3: {  	[tilespmem:s12], [sflag:$0x2] =	stream.linear.gather [spmem:s11], $0x40, $0x38;
	[tilespmem:$0x6100] =	vst v63  }
0x2a4: {  	s13 =	rddreg [dreg:$0x10];
	s14 =	simm.s32 $0x5700  }
0x2a5: {  	[tilespmem:s14], [sflag:$0x2] =	stream.linear.gather [spmem:s13], $0x40, $0x38;
	[tilespmem:$0x6100] =	vst v63  }
0x2a6: {  	s15 =	rddreg [dreg:$0x11];
	s16 =	simm.s32 $0x5780  }
0x2a7: {  	[tilespmem:s16], [sflag:$0x2] =	stream.linear.gather [spmem:s15], $0x40, $0x38;
	[tilespmem:$0x6100] =	vst v63  }
0x2a8: {  	s17 =	rddreg [dreg:$0x12];
	s18 =	simm.s32 $0x5800  }
0x2a9: {  	[tilespmem:s18], [sflag:$0x2] =	stream.linear.gather [spmem:s17], $0x40, $0x38;
	[tilespmem:$0x6100] =	vst v63  }
0x2aa: {  	s10 =	simm.s32 $0x5880  }
0x2ab: {  	[tilespmem:s10], [sflag:$0x2] =	stream.linear.gather [spmem:s19], $0x40, $0x38;
	[tilespmem:$0x6100] =	vst v63  }
0x2ac: {  	s11 =	simm.s32 $0x5900  }
0x2ad: {  	[tilespmem:s11], [sflag:$0x2] =	stream.linear.gather [spmem:s20], $0x40, $0x38;
	[tilespmem:$0x6100] =	vst v63  }
0x2ae: {  	s12 =	simm.s32 $0x5980  }
0x2af: {  	[tilespmem:s12], [sflag:$0x2] =	stream.linear.gather [spmem:s21], $0x40, $0x38;
	[tilespmem:$0x6100] =	vst v63  }
0x2b0: {  	s13 =	simm.s32 $0x5A00  }
0x2b1: {  	[tilespmem:s13], [sflag:$0x2] =	stream.linear.gather [spmem:s22], $0x40, $0x38;
	[tilespmem:$0x6100] =	vst v63  }
0x2b2: {  	s14 =	simm.s32 $0x5A80  }
0x2b3: {  	[tilespmem:s14], [sflag:$0x2] =	stream.linear.gather [spmem:s23], $0x40, $0x38;
	[tilespmem:$0x6100] =	vst v63  }
0x2b4: {  	s15 =	simm.s32 $0x5B00  }
0x2b5: {  	[tilespmem:s15], [sflag:$0x2] =	stream.linear.gather [spmem:s26], $0x40, $0x38;
	[tilespmem:$0x6100] =	vst v63  }
0x2b6: {  	s16 =	simm.s32 $0x5B80  }
0x2b7: {  	[tilespmem:s16], [sflag:$0x2] =	stream.linear.gather [spmem:s28], $0x40, $0x38;
	[tilespmem:$0x6100] =	vst v63  }
0x2b8: {  	s17 =	simm.s32 $0x5C00  }
0x2b9: {  	[tilespmem:s17], [sflag:$0x2] =	stream.linear.gather [spmem:s29], $0x40, $0x38;
	[tilespmem:$0x6100] =	vst v63  }
0x2ba: {  	_ =	swait.ge [sflag:s3], $0x40  }
0x2bb: {  	[sflag:s3] =	ssyncset.done $0x0  }
0x2bc: {  	[sflag:s3] =	ssyncadd.s32 $0xFFFFFFC0  }
0x2bd: {  	_ =	swait.ge [sflag:s3], $0x40  }
0x2be: {  	[sflag:s3] =	ssyncset.done $0x0  }
0x2bf: {  	[sflag:s3] =	ssyncadd.s32 $0xFFFFFFC0  }
0x2c0: {  	_ =	swait.ge [sflag:s3], $0x40  }
0x2c1: {  	[sflag:s3] =	ssyncset.done $0x0  }
0x2c2: {  	[sflag:s3] =	ssyncadd.s32 $0xFFFFFFC0  }
0x2c3: {  	_ =	swait.ge [sflag:s3], $0x40  }
0x2c4: {  	[sflag:s3] =	ssyncset.done $0x0  }
0x2c5: {  	[sflag:s3] =	ssyncadd.s32 $0xFFFFFFC0  }
0x2c6: {  	_ =	swait.ge [sflag:s3], $0x40  }
0x2c7: {  	[sflag:s3] =	ssyncset.done $0x0  }
0x2c8: {  	[sflag:s3] =	ssyncadd.s32 $0xFFFFFFC0  }
0x2c9: {  	_ =	swait.ge [sflag:s3], $0x40  }
0x2ca: {  	[sflag:s3] =	ssyncset.done $0x0  }
0x2cb: {  	[sflag:s3] =	ssyncadd.s32 $0xFFFFFFC0  }
0x2cc: {  	_ =	swait.ge [sflag:s3], $0x40  }
0x2cd: {  	[sflag:s3] =	ssyncset.done $0x0  }
0x2ce: {  	[sflag:s3] =	ssyncadd.s32 $0xFFFFFFC0  }
0x2cf: {  	_ =	swait.ge [sflag:s3], $0x40  }
0x2d0: {  	[sflag:s3] =	ssyncset.done $0x0  }
0x2d1: {  	[sflag:s3] =	ssyncadd.s32 $0xFFFFFFC0  }
0x2d2: {  	_ =	swait.ge [sflag:s3], $0x40  }
0x2d3: {  	[sflag:s3] =	ssyncset.done $0x0  }
0x2d4: {  	[sflag:s3] =	ssyncadd.s32 $0xFFFFFFC0  }
0x2d5: {  	_ =	swait.ge [sflag:s3], $0x40  }
0x2d6: {  	[sflag:s3] =	ssyncset.done $0x0  }
0x2d7: {  	[sflag:s3] =	ssyncadd.s32 $0xFFFFFFC0  }
0x2d8: {  	_ =	swait.ge [sflag:s3], $0x40  }
0x2d9: {  	[sflag:s3] =	ssyncset.done $0x0  }
0x2da: {  	[sflag:s3] =	ssyncadd.s32 $0xFFFFFFC0  }
0x2db: {  	_ =	swait.ge [sflag:s3], $0x40  }
0x2dc: {  	[sflag:s3] =	ssyncset.done $0x0  }
0x2dd: {  	[sflag:s3] =	ssyncadd.s32 $0xFFFFFFC0  }
0x2de: {  	_ =	swait.ge [sflag:s3], $0x40  }
0x2df: {  	[sflag:s3] =	ssyncset.done $0x0  }
0x2e0: {  	[sflag:s3] =	ssyncadd.s32 $0xFFFFFFC0  }
0x2e1: {  	_ =	swait.ge [sflag:s3], $0x40  }
0x2e2: {  	[sflag:s3] =	ssyncset.done $0x0  }
0x2e3: {  	[sflag:s3] =	ssyncadd.s32 $0xFFFFFFC0  }
0x2e4: {  	_ =	swait.ge [sflag:s3], $0x40  }
0x2e5: {  	[sflag:s3] =	ssyncset.done $0x0  }
0x2e6: {  	[sflag:s3] =	ssyncadd.s32 $0xFFFFFFC0  }
0x2e7: {  	_ =	swait.ge [sflag:s3], $0x40  }
0x2e8: {  	[sflag:s3] =	ssyncset.done $0x0  }
0x2e9: {  	[sflag:s3] =	ssyncadd.s32 $0xFFFFFFC0  }
0x2ea: {  	v8 =	vld [tilespmem:$0x5480]  }
0x2eb: {  	v48 =	vld [tilespmem:$0x5500]  }
0x2ec: {  	v49 =	vld [tilespmem:$0x5580]  }
0x2ed: {  	v50 =	vld [tilespmem:$0x5600]  }
0x2ee: {  	v51 =	vld [tilespmem:$0x5680]  }
0x2ef: {  	v13 =	vld [tilespmem:$0x5700]  }
0x2f0: {  	v14 =	vld [tilespmem:$0x5780]  }
0x2f1: {  	v15 =	vld [tilespmem:$0x5800]  }
0x2f2: {  	v16 =	vld [tilespmem:$0x5880]  }
0x2f3: {  	v17 =	vld [tilespmem:$0x5900]  }
0x2f4: {  	v18 =	vld [tilespmem:$0x5980];
	vm11 =	vgt.s32 v8, v48  }
0x2f5: {  	v52 =	vld [tilespmem:$0x5A00];
	v8 =	vsel vm11, v8, v48  }
0x2f6: {  	v19 =	vld [tilespmem:$0x5A80];
	vm11 =	vgt.s32 v8, v49  }
0x2f7: {  	v53 =	vld [tilespmem:$0x5B00];
	v8 =	vsel vm11, v8, v49  }
0x2f8: {  	v20 =	vld [tilespmem:$0x5B80];
	vm11 =	vgt.s32 v8, v50  }
0x2f9: {  	v54 =	vld [tilespmem:$0x5C00];
	v8 =	vsel vm11, v8, v50  }
0x2fa: {  	v21 =	vld [tilespmem:$0x5490];
	vm11 =	vgt.s32 v8, v51  }
0x2fb: {  	v55 =	vld [tilespmem:$0x5510];
	v8 =	vsel vm11, v8, v51  }
0x2fc: {  	v22 =	vld [tilespmem:$0x5590];
	vm11 =	vgt.s32 v8, v13  }
0x2fd: {  	v56 =	vld [tilespmem:$0x5610];
	v8 =	vsel vm11, v8, v13  }
0x2fe: {  	v23 =	vld [tilespmem:$0x5690];
	vm11 =	vgt.s32 v8, v14  }
0x2ff: {  	v57 =	vld [tilespmem:$0x5710];
	v8 =	vsel vm11, v8, v14  }
0x300: {  	v24 =	vld [tilespmem:$0x5790];
	vm11 =	vgt.s32 v8, v15  }
0x301: {  	v58 =	vld [tilespmem:$0x5810];
	v8 =	vsel vm11, v8, v15  }
0x302: {  	v25 =	vld [tilespmem:$0x5890];
	vm11 =	vgt.s32 v8, v16  }
0x303: {  	v59 =	vld [tilespmem:$0x5910];
	v8 =	vsel vm11, v8, v16  }
0x304: {  	v26 =	vld [tilespmem:$0x5990];
	vm11 =	vgt.s32 v8, v17  }
0x305: {  	v60 =	vld [tilespmem:$0x5A10];
	v8 =	vsel vm11, v8, v17  }
0x306: {  	v27 =	vld [tilespmem:$0x5A90];
	vm11 =	vgt.s32 v8, v18  }
0x307: {  	v28 =	vld [tilespmem:$0x5B90];
	v8 =	vsel vm11, v8, v18  }
0x308: {  	v9 =	vld [tilespmem:$0x5C10];
	vm11 =	vgt.s32 v8, v52  }
0x309: {  	v29 =	vld [tilespmem:$0x54A0];
	v8 =	vsel vm11, v8, v52  }
0x30a: {  	v61 =	vld [tilespmem:$0x5520];
	vm11 =	vgt.s32 v8, v19  }
0x30b: {  	v30 =	vld [tilespmem:$0x54B0];
	v8 =	vsel vm11, v8, v19  }
0x30c: {  	v62 =	vld [tilespmem:$0x5530];
	vm11 =	vgt.s32 v8, v53  }
0x30d: {  	v31 =	vld [tilespmem:$0x55A0];
	v8 =	vsel vm11, v8, v53  }
0x30e: {  	v63 =	vld [tilespmem:$0x55B0];
	vm11 =	vgt.s32 v8, v20  }
0x30f: {  	v32 =	vld [tilespmem:$0x5620];
	v8 =	vsel vm11, v8, v20  }
0x310: {  	v36 =	vld [tilespmem:$0x5630];
	vm12 =	vgt.s32 v21, v55;
	vm11 =	vgt.s32 v8, v54  }
0x311: {  	v37 =	vld [tilespmem:$0x56A0];
	v35 =	vsel vm12, v21, v55;
	v8 =	vsel vm11, v8, v54;
	vm11 =	vgt.s32 v29, v61  }
0x312: {  	v38 =	vld [tilespmem:$0x56B0];
	vm12 =	vgt.s32 v35, v22;
	v19 =	vsel vm11, v29, v61;
	vm11 =	vgt.s32 v30, v62  }
0x313: {  	v39 =	vld [tilespmem:$0x5720];
	v11 =	vsel vm12, v35, v22;
	vm12 =	vgt.s32 v19, v31;
	v10 =	vsel vm11, v30, v62  }
0x314: {  	v40 =	vld [tilespmem:$0x5730];
	vm11 =	vgt.s32 v11, v56;
	v19 =	vsel vm12, v19, v31;
	vm12 =	vgt.s32 v10, v63  }
0x315: {  	v41 =	vld [tilespmem:$0x57A0];
	v11 =	vsel vm11, v11, v56;
	vm11 =	vgt.s32 v19, v32;
	v10 =	vsel vm12, v10, v63  }
0x316: {  	v42 =	vld [tilespmem:$0x57B0];
	vm12 =	vgt.s32 v11, v23;
	v19 =	vsel vm11, v19, v32;
	vm11 =	vgt.s32 v10, v36  }
0x317: {  	v43 =	vld [tilespmem:$0x5820];
	v11 =	vsel vm12, v11, v23;
	vm12 =	vgt.s32 v19, v37;
	v10 =	vsel vm11, v10, v36  }
0x318: {  	v44 =	vld [tilespmem:$0x5830];
	vm11 =	vgt.s32 v11, v57;
	v19 =	vsel vm12, v19, v37;
	vm12 =	vgt.s32 v10, v38  }
0x319: {  	v45 =	vld [tilespmem:$0x58A0];
	v11 =	vsel vm11, v11, v57;
	vm11 =	vgt.s32 v19, v39;
	v10 =	vsel vm12, v10, v38  }
0x31a: {  	v46 =	vld [tilespmem:$0x58B0];
	vm12 =	vgt.s32 v11, v24;
	v19 =	vsel vm11, v19, v39;
	vm11 =	vgt.s32 v10, v40  }
0x31b: {  	v47 =	vld [tilespmem:$0x5920];
	v11 =	vsel vm12, v11, v24;
	vm12 =	vgt.s32 v19, v41;
	v10 =	vsel vm11, v10, v40  }
0x31c: {  	v48 =	vld [tilespmem:$0x5930];
	vm11 =	vgt.s32 v11, v58;
	v19 =	vsel vm12, v19, v41;
	vm12 =	vgt.s32 v10, v42  }
0x31d: {  	v55 =	vld [tilespmem:$0x5AB0];
	v11 =	vsel vm11, v11, v58;
	vm11 =	vgt.s32 v19, v43;
	v10 =	vsel vm12, v10, v42  }
0x31e: {  	v50 =	vld [tilespmem:$0x59A0];
	vm12 =	vgt.s32 v11, v25;
	v49 =	vsel vm11, v19, v43;
	vm11 =	vgt.s32 v10, v44  }
0x31f: {  	v51 =	vld [tilespmem:$0x59B0];
	v11 =	vsel vm12, v11, v25;
	vm12 =	vgt.s32 v49, v45;
	v10 =	vsel vm11, v10, v44  }
0x320: {  	v52 =	vld [tilespmem:$0x5A20];
	vm11 =	vgt.s32 v11, v59;
	v15 =	vsel vm12, v49, v45;
	vm12 =	vgt.s32 v10, v46  }
0x321: {  	v53 =	vld [tilespmem:$0x5A30];
	v11 =	vsel vm11, v11, v59;
	vm11 =	vgt.s32 v15, v47;
	v10 =	vsel vm12, v10, v46  }
0x322: {  	v54 =	vld [tilespmem:$0x5AA0];
	vm12 =	vgt.s32 v11, v26;
	v15 =	vsel vm11, v15, v47;
	vm11 =	vgt.s32 v10, v48  }
0x323: {  	v18 =	vld [tilespmem:$0x5B10];
	v11 =	vsel vm12, v11, v26;
	vm12 =	vgt.s32 v15, v50;
	v10 =	vsel vm11, v10, v48  }
0x324: {  	v56 =	vld [tilespmem:$0x5B20];
	vm11 =	vgt.s32 v11, v60;
	v15 =	vsel vm12, v15, v50;
	vm12 =	vgt.s32 v10, v51  }
0x325: {  	v57 =	vld [tilespmem:$0x5B30];
	v11 =	vsel vm11, v11, v60;
	vm11 =	vgt.s32 v15, v52;
	v10 =	vsel vm12, v10, v51  }
0x326: {  	v58 =	vld [tilespmem:$0x5BA0];
	vm12 =	vgt.s32 v11, v27;
	v15 =	vsel vm11, v15, v52;
	vm11 =	vgt.s32 v10, v53  }
0x327: {  	v59 =	vld [tilespmem:$0x5BB0];
	v11 =	vsel vm12, v11, v27;
	vm12 =	vgt.s32 v15, v54;
	v10 =	vsel vm11, v10, v53  }
0x328: {  	v60 =	vld [tilespmem:$0x5C20];
	vm11 =	vgt.s32 v11, v18;
	v15 =	vsel vm12, v15, v54;
	vm12 =	vgt.s32 v10, v55  }
0x329: {  	v61 =	vld [tilespmem:$0x5C30];
	v11 =	vsel vm11, v11, v18;
	v10 =	vsel vm12, v10, v55;
	vm11 =	vgt.s32 v15, v56  }
0x32a: {  	v15 =	vsel vm11, v15, v56;
	vm11 =	vgt.s32 v11, v28;
	vm12 =	vgt.s32 v10, v57  }
0x32b: {  	v11 =	vsel vm11, v11, v28;
	v10 =	vsel vm12, v10, v57;
	vm11 =	vgt.s32 v15, v58  }
0x32c: {  	v62 =	vsel vm11, v15, v58;
	vm11 =	vgt.s32 v11, v9;
	vm12 =	vgt.s32 v10, v59  }
0x32d: {  	[tilespmem:$0x5C80] =	vst v8;
	v9 =	vsel vm11, v11, v9;
	v8 =	vsel vm12, v10, v59;
	vm11 =	vgt.s32 v62, v60  }
0x32e: {  	[tilespmem:$0x5C90] =	vst v9;
	v63 =	vsel vm11, v62, v60;
	vm11 =	vgt.s32 v8, v61  }
0x32f: {  	[tilespmem:$0x5CA0] =	vst v63;
	v8 =	vsel vm11, v8, v61  }
0x330: {  	s7 =	sadd.s32 $0x1, s7;
	s18 =	simm.s32 $0x5C80;
	[tilespmem:$0x5CB0] =	vst v8  }
0x331: {  	[hbm4b:s24+s5] =	stream.linear.scatter [tilespmem:s18], [sflag:$0x3], $0x40, $0x38;
	[tilespmem:$0x6100] =	vst v63  }
0x332: {  	p0 =	sne.s32 s7, s25;
	_ =	swait.ge [sflag:s30], $0x40  }
.Ltmp4:
0x333: {  	[sflag:s30] =	ssyncset.done $0x0;
	(pc) =	sbr.rel @p0 .LBB2_1-.Ltmp4, $4  }
0x334: {  	[sflag:s30] =	ssyncadd.s32 $0xFFFFFFC0  }
0x335: {  	_ =	swait.ge [sflag:s1], $0x200  }
0x336: {  	[sflag:s1] =	ssyncset.done $0x0  }
0x337: {  	[sflag:s1] =	ssyncadd.s32 $0xFFFFFE00  }
0x338: {  	_ =	sfence.sel $0x180000  }
0x339: {  	[bflag:$0x0] =	sbarrier.arrive $0xFFFF  }
0x33a: {  	_ =	strace $0x90000047  }
0x33b: {  	s0 =	stileid.u32;
	[bflag:$0x2] =	sbarrier.arrive $0xFFFF  }
0x33c: {  	p0 =	sne.s32 s0, $0x0;
	s0 =	rddreg [dreg:$0x7]  }
0x33d: {  	s0 =	sadd.s32 @!p0 $0x100000, s0  }
0x33e: {  	[sflag:s0] =	ssyncadd.tile.s32 @!p0 $0x1;
	_ =	shalt  }
.Lfunc_end2:
_tile_overlayer_lowered:
.L_overlay_start_2:
0x33f: {  	(tag) =	ssettag $0x2  }
0x340: {  	s0 =	rddreg [dreg:$0x0];
	s2 =	stileid.u32  }
0x341: {  	s1 =	rddreg [dreg:$0x1];
	p0 =	sne.s32 s2, $0x0  }
0x342: {  	s3 =	rddreg [dreg:$0x2];
	[bflag:$0x3] =	sbarrier.arrive $0xFFFF;
	s2 =	simm.s32 @!p0 $0x1C03  }
0x343: {  	[timem:s3], [sflag:s2] =	dma.local @!p0 [hbm:s0], s1  }
0x344: {  	s0 =	simm.s32 @!p0 $0x3  }
0x345: {  	_ =	swait.ge @!p0 [sflag:s0], s1  }
0x346: {  	s1 =	ssub.s32 @!p0 $0x0, s1;
	[sflag:s0] =	ssyncset.done @!p0 $0x0  }
0x347: {  	[sflag:s0] =	ssyncadd.s32 @!p0 s1  }
0x348: {  	[bflag:$0x3] =	sbarrier.arrive $0xFFFF  }
0x349: {  	_ =	shalt  }

// kernel: kernel.7.cloned.1.call-start
scs
__scs_entry_jumppad:
0x0: {  	(pc) =	sbr.rel $0x88, $3  }
0x1: {  	(tag) =	ssettag $0x0;
	lr =	simm.s32 $0x1  }
0x2: {  	[smem:$0x3F9C] =	sst lr;
	_ =	strace $0xD0000000  }
0x3: {  	_ = 	snop  }
0x4: {  	_ = 	snop  }
0x5: {  	_ = 	snop  }
0x6: {  	_ = 	snop  }
0x7: {  	_ = 	snop  }
__scs_overlays_trampoline_lowered:
0x8: {  	[smem:$0x3FAB] =	sst s0  }
0x9: {  	[smem:$0x3FAC] =	sst s1  }
0xa: {  	[smem:$0x3FAD] =	sst s2  }
0xb: {  	[smem:$0x3FAE] =	sst s3  }
0xc: {  	[smem:$0x3FAF] =	sst s4  }
0xd: {  	[smem:$0x3FB0] =	sst s5  }
0xe: {  	[smem:$0x3FB1] =	sst s6  }
0xf: {  	[smem:$0x3FB2] =	sst s7  }
0x10: {  	[smem:$0x3FB3] =	sst s8  }
0x11: {  	[smem:$0x3FB4] =	sst s9;
	s0 =	simm.s32 @!p0 $0x0  }
0x12: {  	s1 =	sld [smem:$0x3F9A];
	s0 =	simm.s32 @p0 $0x1  }
0x13: {  	[smem:$0x3FB5] =	sst s0;
	s0 =	simm.s32 @!p1 $0x0  }
0x14: {  	s2 =	sld [smem:$0x3F99];
	s0 =	simm.s32 @p1 $0x1  }
0x15: {  	[smem:$0x3FB6] =	sst s0;
	s0 =	simm.s32 @!p2 $0x0  }
0x16: {  	s3 =	sld [smem:$0x3FDB];
	s0 =	simm.s32 @p2 $0x1  }
0x17: {  	s4 =	simm.s32 $0x1BF5;
	[smem:$0x3FB8] =	sst s0  }
0x18: {  	s0 =	sld [smem:$0x3F9B];
	_ =	swait.ge [sflag:s4], $0x0  }
0x19: {  	s7 =	sld [smem:$0x3F9C]  }
0x1a: {  	s8 =	sadd.s32 $0xFFFFE003, lr  }
0x1b: {  	s9 =	sadd.s32 $0xFFFFFEF7, lr;
	s5 =	simm.s32 $0xFFFFFFFF;
	p2 =	slt.u32 s8, $0xFFFFF086  }
0x1c: {  	p1 =	slt.u32 s9, $0xF7A;
	s5 =	simm.s32 @!p2 $0x0  }
0x1d: {  	s5 =	simm.s32 @p1 $0x1;
	p0 =	seq.s32 s7, s2  }
0x1e: {  	s7 =	smul.u32 @!p0 $0xF7A, s2;
	p2 =	seq.s32 @!p0 s5, $0x0  }
0x1f: {  	s9 =	smul.u32 $0xF7A, s1;
	s8 =	simm.s32 @!p0 $0x1BF5;
	p2 =	por !p2, p0  }
0x20: {  	[sflag:s8] =	ssyncset.s32 @!p0 $0xFFFFF086;
	s6 =	sadd.s32 @!p0 s3, s7;
	s7 =	simm.s32 @!p0 $0x108  }
0x21: {  	s3 =	sadd.s32 s3, s9;
	s6 =	sadd.s32 @!p0 $0x88, s6;
	s7 =	simm.s32 @p2 $0x1082  }
0x22: {  	[simem:s7], [sflag:s8] =	dma.local @!p0 [hbm:s6], $0xF7A  }
0x23: {  	s9 =	sor.u32 $0xD0000000, s2;
	s6 =	simm.s32 $0x108;
	_ =	swait.ge @!p0 [sflag:s8], $0x0  }
0x24: {  	s3 =	sadd.s32 $0x88, s3;
	s6 =	simm.s32 @!p1 $0x1082;
	[sflag:s4] =	ssyncset.s32 $0xFFFFF086  }
0x25: {  	[simem:s6], [sflag:s4] =	dma.local [hbm:s3], $0xF7A  }
0x26: {  	[smem:$0x3F9C] =	sst s1;
	(tag) =	ssettag s2;
	_ =	strace s9  }
0x27: {  	s1 =	sld [smem:$0x3FAC]  }
0x28: {  	s2 =	sld [smem:$0x3FAD]  }
0x29: {  	s4 =	sld [smem:$0x3FAF]  }
0x2a: {  	p0 =	seq.s32 s5, $0x0;
	s5 =	sld [smem:$0x3FB0]  }
0x2b: {  	s6 =	sld [smem:$0x3FB1]  }
0x2c: {  	s7 =	sld [smem:$0x3FB2]  }
0x2d: {  	s3 =	simm.s32 $0x108;
	s8 =	sld [smem:$0x3FB3]  }
0x2e: {  	s3 =	simm.s32 @!p0 $0x1082;
	s9 =	sld [smem:$0x3FB4]  }
0x2f: {  	lr =	sadd.s32 s0, s3;
	s0 =	sld [smem:$0x3FAB]  }
0x30: {  	s3 =	sld [smem:$0x3FAE]  }
0x31: {  	[smem:$0x3FB7] =	sst s10  }
0x32: {  	s10 =	sld [smem:$0x3FB5];
	_ =	sdelay $0x3  }
0x33: {  	p0 =	seq.s32 s10, $0x1;
	s10 =	sld [smem:$0x3FB7];
	_ =	sdelay $0x3  }
0x34: {  	[smem:$0x3FB7] =	sst s10  }
0x35: {  	s10 =	sld [smem:$0x3FB6];
	_ =	sdelay $0x3  }
0x36: {  	p1 =	seq.s32 s10, $0x1;
	s10 =	sld [smem:$0x3FB7];
	_ =	sdelay $0x3  }
0x37: {  	[smem:$0x3FB7] =	sst s10  }
0x38: {  	s10 =	sld [smem:$0x3FB8]  }
0x39: {  	_ = 	snop;
	(pc) =	sbr.ind lr, $3  }
0x3a: {  	_ = 	snop  }
0x3b: {  	_ = 	snop  }
0x3c: {  	p2 =	seq.s32 s10, $0x1;
	s10 =	sld [smem:$0x3FB7]  }
0x3d: {  	_ =	shalt  }
0x3e: {  	_ =	shalt  }
0x3f: {  	_ =	shalt  }
0x40: {  	_ =	shalt  }
0x41: {  	_ =	shalt  }
0x42: {  	_ =	shalt  }
0x43: {  	_ =	shalt  }
0x44: {  	_ =	shalt  }
0x45: {  	_ =	shalt  }
0x46: {  	_ =	shalt  }
0x47: {  	_ =	shalt  }
0x48: {  	_ =	shalt  }
0x49: {  	_ =	shalt  }
0x4a: {  	_ =	shalt  }
0x4b: {  	_ =	shalt  }
0x4c: {  	_ =	shalt  }
0x4d: {  	_ =	shalt  }
0x4e: {  	_ =	shalt  }
0x4f: {  	_ =	shalt  }
0x50: {  	_ =	shalt  }
0x51: {  	_ =	shalt  }
0x52: {  	_ =	shalt  }
0x53: {  	_ =	shalt  }
0x54: {  	_ =	shalt  }
0x55: {  	_ =	shalt  }
0x56: {  	_ =	shalt  }
0x57: {  	_ =	shalt  }
0x58: {  	_ =	shalt  }
0x59: {  	_ =	shalt  }
0x5a: {  	_ =	shalt  }
0x5b: {  	_ =	shalt  }
0x5c: {  	_ =	shalt  }
0x5d: {  	_ =	shalt  }
0x5e: {  	_ =	shalt  }
0x5f: {  	_ =	shalt  }
0x60: {  	_ =	shalt  }
0x61: {  	_ =	shalt  }
0x62: {  	_ =	shalt  }
0x63: {  	_ =	shalt  }
0x64: {  	_ =	shalt  }
0x65: {  	_ =	shalt  }
0x66: {  	_ =	shalt  }
0x67: {  	_ =	shalt  }
0x68: {  	_ =	shalt  }
0x69: {  	_ =	shalt  }
0x6a: {  	_ =	shalt  }
0x6b: {  	_ =	shalt  }
0x6c: {  	_ =	shalt  }
0x6d: {  	_ =	shalt  }
0x6e: {  	_ =	shalt  }
0x6f: {  	_ =	shalt  }
0x70: {  	_ =	shalt  }
0x71: {  	_ =	shalt  }
0x72: {  	_ =	shalt  }
0x73: {  	_ =	shalt  }
0x74: {  	_ =	shalt  }
0x75: {  	_ =	shalt  }
0x76: {  	_ =	shalt  }
0x77: {  	_ =	shalt  }
0x78: {  	_ =	shalt  }
0x79: {  	_ =	shalt  }
0x7a: {  	_ =	shalt  }
0x7b: {  	_ =	shalt  }
0x7c: {  	_ =	shalt  }
0x7d: {  	_ =	shalt  }
0x7e: {  	_ =	shalt  }
0x7f: {  	_ =	shalt  }
0x80: {  	_ =	shalt  }
0x81: {  	_ =	shalt  }
0x82: {  	_ =	shalt  }
0x83: {  	_ =	shalt  }
0x84: {  	_ =	shalt  }
0x85: {  	_ =	shalt  }
0x86: {  	_ =	shalt  }
0x87: {  	_ =	shalt  }
.Lfunc_end0:
.L_simem_size_0:
called_computation.1_lowered:
.L_overlay_start_0:
0x88: {  	s2 =	sld [smem:$0x3FD9]  }
0x89: {  	s3 =	sld [smem:$0x3FFE];
	_ =	sdelay $0x1  }
0x8a: {  	s1 =	srdreg.scid  }
0x8b: {  	s0 =	sand.u32 $0x1, s1  }
0x8c: {  	s17 =	sshll.u32 s0, $0xA;
	s2 =	sadd.s32 s3, s2  }
0x8d: {  	s2 =	sadd.s32 s2, s17  }
0x8e: {  	[smem:$0x3FC3] =	sst s2  }
0x8f: {  	_ = 	snop  }
0x90: {  	s2 =	sld [smem:$0x3FD0];
	(tm) =	ssettm $0x1  }
0x91: {  	s18 =	sld [smem:$0x3FFB];
	_ =	sdelay $0x3  }
0x92: {  	_ =	strace s18  }
0x93: {  	s3 =	sld [smem:$0x3FFC];
	_ =	sdelay $0x3  }
0x94: {  	_ =	strace s3  }
0x95: {  	s3 =	sld [smem:$0x3FFD];
	_ =	sdelay $0x3  }
0x96: {  	_ =	strace s3  }
0x97: {  	_ =	strace $0x8FFFFFFF  }
0x98: {  	s19 =	sld [smem:$0x3FDB];
	_ =	sdelay $0x1  }
0x99: {  	s4 =	simm.s32 $_scs_section_size  }
0x9a: {  	s5 =	simm.s32 $_size__tile_overlayer_lowered;
	s6 =	simm.s32 $_tile_overlayer_lowered  }
0x9b: {  	s22 =	simm.s32 $0x1BFF;
	s21 =	sshll.u32 s6, $0x1;
	s3 =	sadd.s32 s4, s19  }
0x9c: {  	s7 =	simm.s32 $0x0;
	s20 =	sshll.u32 s5, $0x1;
	s5 =	sadd.s32 s21, s3  }
0x9d: {  	[timem:s7], [sflag:s22] =	dma.local [hbm:s5], s20  }
0x9e: {  	_ =	swait.ge [sflag:s22], s20  }
0x9f: {  	s4 =	ssub.s32 $0x0, s20;
	[sflag:s22] =	ssyncset.done $0x0  }
0xa0: {  	[sflag:s22] =	ssyncadd.s32 s4;
	_ =	sdelay $0x1  }
0xa1: {  	s23 =	simm.s32 $0x1B8B  }
0xa2: {  	_ =	swait.ge [sflag:s23], $0x1  }
0xa3: {  	[sflag:s23] =	ssyncset.done $0x0  }
0xa4: {  	s25 =	simm.s32 $0x1B8E;
	s24 =	sld [smem:$0x3FFE];
	[sflag:s23] =	ssyncadd.s32 $0xFFFFFFFF  }
0xa5: {  	s26 =	simm.s32 $execute0_lowered;
	[smem:$0x3FD2] =	sst s25  }
0xa6: {  	s5 =	sshll.u32 s26, $0x1;
	_ =	strace $0x80000049;
	[dreg:$0x1] =	wrdreg $0xFFFFFFFF  }
0xa7: {  	s28 =	simm.s32 $_size_execute0_lowered;
	s3 =	sadd.s32 s3, s5;
	[dreg:$0x0] =	wrdreg $0x0  }
0xa8: {  	s5 =	sshll.u32 s28, $0x1;
	[dreg:$0x2] =	wrdreg s3  }
0xa9: {  	[dreg:$0x3] =	wrdreg s5  }
0xaa: {  	[dreg:$0x4] =	wrdreg $0xC0  }
0xab: {  	_ =	task [dreg:s7], $0x5FFFF  }
0xac: {  	[dreg:$0x1] =	wrdreg $0xFFFFFFFF  }
0xad: {  	[dreg:$0x0] =	wrdreg $0x60  }
0xae: {  	[dreg:$0x2] =	wrdreg s24  }
0xaf: {  	[dreg:$0x3] =	wrdreg s2  }
0xb0: {  	[dreg:$0x4] =	wrdreg $0x9  }
0xb1: {  	_ =	task.clear_ibuf [dreg:s7], $0x5FFFF;
	_ =	strace $0x90000049  }
0xb2: {  	s29 =	simm.s32 $0x9;
	_ =	strace $0x8000004B  }
0xb3: {  	_ =	swait.ge [sflag:s29], $0x1  }
0xb4: {  	[sflag:s29] =	ssyncadd.s32 $0xFFFFFFFF  }
0xb5: {  	_ =	strace $0x9000004B  }
0xb6: {  	_ =	sfence  }
0xb7: {  	s30 =	sld [smem:$0x0];
	_ =	sdelay $0x2  }
0xb8: {  	s31 =	sshll.u32 s1, $0xD;
	s1 =	sshrl.u32 s1, $0x2  }
0xb9: {  	s3 =	sand.u32 $0x4000, s31;
	s1 =	sadd.s32 s1, s30  }
0xba: {  	s0 =	sor.u32 s3, s0;
	s1 =	sshll.u32 s1, $0x11  }
0xbb: {  	s0 =	sor.u32 s1, s0  }
0xbc: {  	s0 =	sadd.s32 $0x8F2B, s0  }
0xbd: {  	[sflag:s0] =	ssyncadd.remote.s32 $0x1  }
0xbe: {  	_ =	sfence.sel $0xFFFF  }
0xbf: {  	[dreg:$0x0] =	wrdreg $0xFFFFFFFF;
	(pc) =	sbr.abs _section_cstart, $3  }
0xc0: {  	[dreg:$0x1] =	wrdreg $0xFFFFFFFF  }
0xc1: {  	_ =	task.clear_ibuf [dreg:s7], $0x2FFFF;
	_ =	strace $0x9FFFFFFF  }
0xc2: {  	(tm) =	ssettm $0x7FFFFFFF  }
0xc3: {  	_ =	shalt  }
tec
execute0_lowered:
.L_overlay_start_1:
0x0: {  	(tag) =	ssettag $0x1  }
0x1: {  	s4 =	rddreg [dreg:$0x0]  }
0x2: {  	s5 =	rddreg [dreg:$0x1]  }
0x3: {  	s0 =	rddreg [dreg:$0x2];
	s3 =	srdreg.scid  }
0x4: {  	s2 =	simm.s32 $0x0;
	s1 =	stileid.u32;
	s9 =	simm.s32 $0x1  }
0x5: {  	s10 =	simm.s32 $0xA00;
	s11 =	simm.s32 $0x0;
	s3 =	sand.u32 $0x1, s3  }
0x6: {  	[smem:$0x7FF] =	sst s2;
	s6 =	sshll.u32 s1, $0x7;
	s7 =	sshll.u32 s3, $0x6  }
0x7: {  	_ =	strace $0x8000004A;
	s31 =	ssub.s32 $0x2, s3;
	s6 =	sor.u32 s7, s6  }
0x8: {  	s3 =	sadd.s32 $0xC00, s4;
	s8 =	sshrl.u32 s31, $0x1;
	s4 =	sadd.s32 s6, s4  }
0x9: {  	s7 =	ssub.s32 s31, s8;
	s5 =	sadd.s32 s5, s6;
	s8 =	simm.s32 $0x2  }
0xa: {  	s4 =	sadd.s32 $0xE00, s4;
	s6 =	smax.u32 s7, $0x1;
	s7 =	simm.s32 $0x800  }
.LBB2_1:
0xb: {  	[tilespmem:s2], [sflag:$0x1] =	stream.linear.gather [hbm4b:s3+s2], $0x800, $0x38;
	[tilespmem:$0xC00] =	vst v63  }
0xc: {  	_ = 	snop  }
0xd: {  	[tilespmem:s7], [sflag:$0x2] =	stream.linear.gather [hbm4b:s4+s2], $0x200, $0x38;
	[tilespmem:$0xC00] =	vst v63  }
0xe: {  	_ =	swait.ge [sflag:s8], $0x200  }
0xf: {  	[sflag:s8] =	ssyncset.done $0x0  }
0x10: {  	[sflag:s8] =	ssyncadd.s32 $0xFFFFFE00  }
0x11: {  	_ =	swait.ge [sflag:s9], $0x800  }
0x12: {  	[sflag:s9] =	ssyncset.done $0x0  }
0x13: {  	s12 =	simm.s32 $0x0;
	[sflag:s9] =	ssyncadd.s32 $0xFFFFF800  }
0x14: {  	v0 =	vld [tilespmem:s12+$0x800];
	_ =	sdelay $0x4  }
0x15: {  	v1 =	vadd.s32 $0x400, v0;
	_ =	sdelay $0x3  }
0x16: {  	v2 =	vld.idx.msk [tilespmem:v0+s2+$0x0], $0xffff  }
0x17: {  	s13 =	simm.s32 $0x10;
	v1 =	vld.idx.msk [tilespmem:v1+s2+$0x0], $0xffff  }
0x18: {  	s14 =	simm.s32 $0x80;
	v0 =	vld [tilespmem:s13+$0x800]  }
.LBB2_2:
0x19: {  	p0 =	sne.s32 s14, $0x7C0;
	_ =	sdelay $0x2  }
0x1a: {  	vm0 =	vgt.s32 v2, v1  }
0x1b: {  	v1 =	vsel vm0, v2, v1;
	v3 =	vadd.s32 $0x400, v0  }
0x1c: {  	v1 =	vand.u32 $0x1, v1  }
0x1d: {  	v1 =	vcvt.s32.f32 v1;
	_ =	sdelay $0x1  }
.Ltmp0:
0x1e: {  	[tilespmem:s12+$0xA00] =	vst v1;
	s12 =	smov.u32 s13;
	(pc) =	sbr.rel @p0 .LBB2_2-.Ltmp0, $4  }
0x1f: {  	v1 =	vld.idx.msk [tilespmem:v3+s2+$0x0], $0xffff  }
0x20: {  	v2 =	vld.idx.msk [tilespmem:v0+s2+$0x0], $0xffff  }
0x21: {  	s13 =	sshra.s32 s14, $0x2  }
0x22: {  	s14 =	sadd.s32 $0x40, s14;
	v0 =	vld [tilespmem:s13+$0x800]  }
0x23: {  	_ =	sdelay $0x1  }
0x24: {  	vm0 =	vgt.s32 v2, v1  }
0x25: {  	v1 =	vsel vm0, v2, v1  }
0x26: {  	v3 =	vadd.s32 $0x400, v0;
	v1 =	vand.u32 $0x1, v1  }
0x27: {  	v1 =	vcvt.s32.f32 v1;
	_ =	sdelay $0x1  }
0x28: {  	[tilespmem:s12+$0xA00] =	vst v1  }
0x29: {  	v63 =	vld.idx.msk [tilespmem:v0+s2+$0x0], $0xffff  }
0x2a: {  	v1 =	vld.idx.msk [tilespmem:v3+s2+$0x0], $0xffff;
	_ =	sdelay $0x4  }
0x2b: {  	vm15 =	vgt.s32 v63, v1  }
0x2c: {  	v0 =	vsel vm15, v63, v1  }
0x2d: {  	v0 =	vand.u32 $0x1, v0  }
0x2e: {  	s11 =	sadd.s32 $0x1, s11;
	v0 =	vcvt.s32.f32 v0  }
0x2f: {  	p0 =	sne.s32 s11, s6  }
.Ltmp1:
0x30: {  	[tilespmem:s13+$0xA00] =	vst v0;
	(pc) =	sbr.rel @p0 .LBB2_1-.Ltmp1, $4  }
0x31: {  	[hbm4b:s5+s2] =	stream.linear.scatter [tilespmem:s10], [sflag:$0x2], $0x200, $0x38;
	[tilespmem:$0xC00] =	vst v63  }
0x32: {  	_ =	swait.ge [sflag:s8], $0x200  }
0x33: {  	[sflag:s8] =	ssyncset.done $0x0  }
0x34: {  	[sflag:s8] =	ssyncadd.s32 $0xFFFFFE00  }
0x35: {  	_ =	sfence.sel $0x180000  }
0x36: {  	[bflag:$0x0] =	sbarrier.arrive $0xFFFF  }
0x37: {  	p0 =	sne.s32 s1, $0x0;
	_ =	strace $0x9000004A  }
0x38: {  	s0 =	sadd.s32 @!p0 $0x100000, s0;
	[bflag:$0x2] =	sbarrier.arrive $0xFFFF  }
0x39: {  	[sflag:s0] =	ssyncadd.tile.s32 @!p0 $0x1;
	_ =	shalt  }
.Lfunc_end2:
_tile_overlayer_lowered:
.L_overlay_start_2:
0x3a: {  	(tag) =	ssettag $0x2  }
0x3b: {  	s0 =	rddreg [dreg:$0x0];
	s2 =	stileid.u32  }
0x3c: {  	s1 =	rddreg [dreg:$0x1];
	p0 =	sne.s32 s2, $0x0  }
0x3d: {  	s3 =	rddreg [dreg:$0x2];
	[bflag:$0x3] =	sbarrier.arrive $0xFFFF;
	s2 =	simm.s32 @!p0 $0x1C02  }
0x3e: {  	[timem:s3], [sflag:s2] =	dma.local @!p0 [hbm:s0], s1  }
0x3f: {  	s0 =	simm.s32 @!p0 $0x2  }
0x40: {  	_ =	swait.ge @!p0 [sflag:s0], s1  }
0x41: {  	s1 =	ssub.s32 @!p0 $0x0, s1;
	[sflag:s0] =	ssyncset.done @!p0 $0x0  }
0x42: {  	[sflag:s0] =	ssyncadd.s32 @!p0 s1  }
0x43: {  	[bflag:$0x3] =	sbarrier.arrive $0xFFFF  }
0x44: {  	_ =	shalt  }

</sc_bundles>
